<compile_context>
chip_gen: v7x
topology: tpu7x:2x2x1
jax: 0.10.2.dev20260603
libtpu: 0.0.44.dev20260713+nightly
codegen_flags: <defaults>
</compile_context>

<pallas_src>
import functools

import jax
import jax.numpy as jnp
from jax import lax
from jax.experimental import pallas as pl
from jax.experimental.pallas import tpu as pltpu
import jax.experimental.pallas.tpu_sc as plsc

F32 = jnp.float32
HID = 128
H2 = HID // 2
NW = 32
CHUNK = 128
BLK_E = 2048
BLK_N = 1024


def _cdiv(a, b):
  return (a + b - 1) // b


def _rup(a, b):
  return _cdiv(a, b) * b


def _silu(h):
  return h * jax.nn.sigmoid(h)


def _ln(h, g, b):
  mu = jnp.mean(h, axis=-1, keepdims=True)
  d = h - mu
  var = jnp.mean(d * d, axis=-1, keepdims=True)
  return d * lax.rsqrt(var + 1e-5) * g + b


def _dot(a, b):
  return jnp.dot(a, b, preferred_element_type=F32)


def _rows(body, row_ins, w_ins, out_dims, blk):
  nrows = row_ins[0].shape[0]
  grid = (nrows // blk,)
  in_specs = (
      [pl.BlockSpec((blk, a.shape[1]), lambda i: (i, 0)) for a in row_ins]
      + [pl.BlockSpec(w.shape, lambda i, nd=w.ndim: (0,) * nd) for w in w_ins]
  )
  out_specs = [pl.BlockSpec((blk, d), lambda i: (i, 0)) for d in out_dims]
  out_shape = [jax.ShapeDtypeStruct((nrows, d), F32) for d in out_dims]
  outs = pl.pallas_call(
      body, grid=grid, in_specs=in_specs, out_specs=out_specs,
      out_shape=out_shape)(*row_ins, *w_ins)
  return outs


def _enc_body(x_ref, w0, b0, w1, b1, w2, b2, g, b, out_ref):
  h = _silu(_dot(x_ref[...], w0[...]) + b0[...])
  h = _silu(_dot(h, w1[...]) + b1[...])
  h = _dot(h, w2[...]) + b2[...]
  out_ref[...] = _ln(h, g[...], b[...])


def _make_cb_body(skip):
  def body(*refs):
    xh_ref, a0_ref, a1_ref = refs[:3]
    rest = refs[3:]
    if skip:
      x0_ref, rest = rest[0], rest[1:]
    w0x, w0a, b0, w1, b1, w2, b2, g, b, w0s, w0d = rest[:11]
    xh_out, gs_out, gd_out = rest[11:]
    xh = xh_ref[...]
    agg = a0_ref[...] + a1_ref[...]
    aggf = 0.5 * (agg[:, :H2] + agg[:, H2:])
    h = _silu(_dot(xh, w0x[...]) + _dot(aggf, w0a[...]) + b0[...])
    h = _silu(_dot(h, w1[...]) + b1[...])
    h = _dot(h, w2[...]) + b2[...]
    xn = _ln(h, g[...], b[...])
    out = xh + xn
    if skip:
      out = out + x0_ref[...]
    xh_out[...] = out
    gs_out[...] = _dot(xn, w0s[...])
    gd_out[...] = _dot(xn, w0d[...])
  return body


def _make_edge_body(skip, decode):
  def body(*refs):
    eh_ref, gs_ref, gd_ref = refs[:3]
    rest = refs[3:]
    if skip:
      e0_ref, rest = rest[0], rest[1:]
    w0e, b0, w1, b1, w2, b2, g, b = rest[:8]
    rest = rest[8:]
    eh = eh_ref[...]
    h = _silu(gs_ref[...] + gd_ref[...] + _dot(eh, w0e[...]) + b0[...])
    h = _silu(_dot(h, w1[...]) + b1[...])
    h = _dot(h, w2[...]) + b2[...]
    en = _ln(h, g[...], b[...])
    out = eh + en
    if skip:
      out = out + e0_ref[...]
    if decode:
      dw0, db0, dw1, db1, dw2, db2, out_ref = rest
      h = _silu(_dot(out, dw0[...]) + db0[...])
      h = _silu(_dot(h, dw1[...]) + db1[...])
      out_ref[...] = _dot(h, dw2[...]) + db2[...]
    else:
      rest[0][...] = out
  return body


def _sc_gather(gs, gd, srci, dsti, e_pad):
  ch = e_pad // (NW * CHUNK)
  per_w = ch * CHUNK
  mesh = plsc.VectorSubcoreMesh(core_axis_name="c", subcore_axis_name="s")

  @functools.partial(
      pl.kernel,
      out_type=[jax.ShapeDtypeStruct((e_pad, HID), F32)] * 2,
      mesh=mesh,
      scratch_types=[
          pltpu.VMEM((ch, CHUNK), jnp.int32),
          pltpu.VMEM((ch, CHUNK), jnp.int32),
          pltpu.VMEM((CHUNK, HID), F32),
          pltpu.VMEM((CHUNK, HID), F32),
          pltpu.SemaphoreType.DMA,
          pltpu.SemaphoreType.DMA,
      ])
  def k(gs_hbm, gd_hbm, si_hbm, di_hbm, os_hbm, od_hbm,
        si_v, di_v, as_v, ad_v, sem_a, sem_b):
    cid = lax.axis_index("c")
    sid = lax.axis_index("s")
    wid = sid * 2 + cid
    pltpu.sync_copy(si_hbm.at[wid], si_v)
    pltpu.sync_copy(di_hbm.at[wid], di_v)
    base = wid * per_w

    def step(j, carry):
      cs = pltpu.async_copy(gs_hbm.at[si_v.at[j]], as_v, sem_a)
      cd = pltpu.async_copy(gd_hbm.at[di_v.at[j]], ad_v, sem_b)
      cs.wait()
      cd.wait()
      ws = pltpu.make_async_copy(
          as_v, os_hbm.at[pl.ds(base + j * CHUNK, CHUNK)], sem_a)
      wd = pltpu.make_async_copy(
          ad_v, od_hbm.at[pl.ds(base + j * CHUNK, CHUNK)], sem_b)
      ws.start()
      wd.start()
      ws.wait()
      wd.wait()
      return carry

    lax.fori_loop(0, ch, step, 0)

  return k(gs, gd, srci, dsti)


def _sc_scatter(rows, dsti, zeros_n, n_pad, e_pad):
  ch = e_pad // (NW * CHUNK)
  per_w = ch * CHUNK
  mesh = plsc.VectorSubcoreMesh(core_axis_name="c", subcore_axis_name="s")

  @functools.partial(
      pl.kernel,
      out_type=jax.ShapeDtypeStruct((2, n_pad, HID), F32),
      mesh=mesh,
      scratch_types=[
          pltpu.VMEM((CHUNK,), jnp.int32),
          pltpu.VMEM((CHUNK, HID), F32),
          pltpu.VMEM_SHARED((n_pad, HID), F32),
          pltpu.SemaphoreType.DMA,
          pltpu.SemaphoreType.DMA,
      ])
  def k(r_hbm, di_hbm, z_hbm, out_hbm, di_v, fb_v, acc_sh, sem_a, sem_b):
    cid = lax.axis_index("c")
    sid = lax.axis_index("s")
    wid = sid * 2 + cid

    @pl.when(sid == 0)
    def _():
      pltpu.sync_copy(z_hbm, acc_sh)

    plsc.subcore_barrier()
    base = wid * per_w

    def step(j, carry):
      ra = pltpu.async_copy(r_hbm.at[pl.ds(base + j * CHUNK, CHUNK)], fb_v,
                            sem_a)
      ri = pltpu.async_copy(di_hbm.at[wid, j], di_v, sem_b)
      ra.wait()
      ri.wait()
      pltpu.sync_copy(fb_v, acc_sh.at[di_v], add=True)
      return carry

    lax.fori_loop(0, ch, step, 0)
    plsc.subcore_barrier()

    @pl.when(sid == 0)
    def _():
      pltpu.sync_copy(acc_sh, out_hbm.at[cid])

  return k(rows, dsti, zeros_n)


def kernel(x, edge_attr, edge_index, params):
  n = x.shape[0]
  e = edge_attr.shape[0]
  n_pad = _rup(n, BLK_N)
  e_pad = _rup(e, NW * CHUNK)
  pad_node = n_pad - 1

  src = edge_index[0].astype(jnp.int32)
  dst = edge_index[1].astype(jnp.int32)
  srci = jnp.full((e_pad,), pad_node, jnp.int32).at[:e].set(src)
  dsti = jnp.full((e_pad,), pad_node, jnp.int32).at[:e].set(dst)
  srci = srci.reshape(NW, -1, CHUNK)
  dsti = dsti.reshape(NW, -1, CHUNK)
  zeros_n = jnp.zeros((n_pad, HID), F32)

  x_p = jnp.zeros((n_pad, 8), F32).at[:n, :2].set(x)
  ea_p = jnp.zeros((e_pad, 8), F32).at[:e, :3].set(edge_attr)

  def prep(p, in_pad=None):
    w0 = p['w0']
    if in_pad is not None:
      w0 = jnp.zeros((in_pad, w0.shape[1]), F32).at[:w0.shape[0]].set(w0)
    out = [w0, p['b0'].reshape(1, -1), p['w1'], p['b1'].reshape(1, -1),
           p['w2'], p['b2'].reshape(1, -1)]
    if 'ln_g' in p:
      out += [p['ln_g'].reshape(1, -1), p['ln_b'].reshape(1, -1)]
    return out

  xh, = _rows(_enc_body, [x_p], prep(params['enc_cb'], 8), [HID], BLK_N)
  eh, = _rows(_enc_body, [ea_p], prep(params['enc_eb'], 8), [HID], BLK_E)
  x0, e0 = xh, eh

  mp = len(params['blocks'])
  for i, blk in enumerate(params['blocks']):
    skip = (i == mp - mp // 2)
    cbw = prep(blk['cb'])
    ebw = prep(blk['eb'])
    w0x, w0a = cbw[0][:HID], cbw[0][HID:]
    w0s, w0d, w0e = ebw[0][:HID], ebw[0][HID:2 * HID], ebw[0][2 * HID:]

    agg = _sc_scatter(eh, dsti, zeros_n, n_pad, e_pad)
    row_ins = [xh, agg[0], agg[1]] + ([x0] if skip else [])
    xh, gs, gd = _rows(
        _make_cb_body(skip), row_ins,
        [w0x, w0a] + cbw[1:] + [w0s, w0d], [HID, HID, HID], BLK_N)

    gth_s, gth_d = _sc_gather(gs, gd, srci, dsti, e_pad)

    row_ins = [eh, gth_s, gth_d] + ([e0] if skip else [])
    last = (i == mp - 1)
    if not last:
      eh, = _rows(_make_edge_body(skip, False), row_ins, [w0e] + ebw[1:],
                  [HID], BLK_E)
    else:
      dw = prep(params['dec'])
      odim = dw[4].shape[1]
      opad = _rup(odim, 8)
      dw[4] = jnp.zeros((HID, opad), F32).at[:, :odim].set(dw[4])
      dw[5] = jnp.zeros((1, opad), F32).at[:, :odim].set(dw[5])
      out_p, = _rows(_make_edge_body(skip, True), row_ins,
                     [w0e] + ebw[1:] + dw, [opad], BLK_E)
  return out_p[:e, :odim]

# --- scband reference (transcript-rebuilt; emitter-appended) ---
"""Pipeline reference for scband-encoder-processer-decoder-5952824672850 (READ-ONLY COPY).

The authoritative reference and input builder live on the scoring server;
editing this copy changes nothing except your own understanding.
"""

import jax, jax.numpy as jnp
import numpy as np

HID = 128
MP = 4
N_NODES = 10000
N_EDGES = 320000


def _mlp_params(key, sizes, ln):
    ks = jax.random.split(key, len(sizes))
    p = {}
    for i, (a, b) in enumerate(zip(sizes[:-1], sizes[1:])):
        p['w%d' % i] = jax.random.normal(ks[i], (a, b), dtype=jnp.float32) * (1.0 / np.sqrt(a))
        p['b%d' % i] = jnp.zeros((b,), dtype=jnp.float32)
    if ln:
        p['ln_g'] = jnp.ones((sizes[-1],), dtype=jnp.float32)
        p['ln_b'] = jnp.zeros((sizes[-1],), dtype=jnp.float32)
    return p


def _mlp_apply(p, x):
    # build_mlp(..., drop_out=False): Linear -> SiLU -> Linear -> SiLU -> Linear [-> LayerNorm]
    h = jnp.dot(x, p['w0']) + p['b0']
    h = jax.nn.silu(h)
    h = jnp.dot(h, p['w1']) + p['b1']
    h = jax.nn.silu(h)
    h = jnp.dot(h, p['w2']) + p['b2']
    if 'ln_g' in p:
        mu = jnp.mean(h, axis=-1, keepdims=True)
        var = jnp.var(h, axis=-1, keepdims=True)
        h = (h - mu) / jnp.sqrt(var + 1e-5) * p['ln_g'] + p['ln_b']
    return h


def setup_inputs(seed: int = 0):
    key = jax.random.key(seed)
    k1, k2, k3, kp = jax.random.split(key, 4)
    x = jax.random.normal(k1, (N_NODES, 2), dtype=jnp.float32)
    edge_attr = jax.random.normal(k2, (N_EDGES, 3), dtype=jnp.float32)
    edge_index = jax.random.randint(k3, (2, N_EDGES), 0, N_NODES, dtype=jnp.int64)

    pk = jax.random.split(kp, 3 + 2 * MP)
    params = {
        'enc_cb': _mlp_params(pk[0], [2, HID, HID, HID], ln=True),
        'enc_eb': _mlp_params(pk[1], [3, HID, HID, HID], ln=True),
        'dec': _mlp_params(pk[2], [HID, HID, HID, 7], ln=False),
        'blocks': [
            {
                'cb': _mlp_params(pk[3 + 2 * i], [HID + HID // 2, HID, HID, HID], ln=True),
                'eb': _mlp_params(pk[4 + 2 * i], [3 * HID, HID, HID, HID], ln=True),
            }
            for i in range(MP)
        ],
    }
    return {'x': x, 'edge_attr': edge_attr, 'edge_index': edge_index, 'params': params}


def reference(x, edge_attr, edge_index, params):
    src = edge_index[0]
    dst = edge_index[1]

    # Encoder
    xh = _mlp_apply(params['enc_cb'], x)
    eh = _mlp_apply(params['enc_eb'], edge_attr)

    # global skip copy (graph_last after encoder)
    x0 = xh
    e0 = eh

    count = MP
    for blk in params['blocks']:
        last_x = xh
        last_e = eh
        # CellBlock: aggregate incoming edge messages per node, fold two feature
        # halves together (cb_input_dim = hidden + hidden/2)
        agg = jax.ops.segment_sum(eh, dst, num_segments=x.shape[0])
        a1, a2 = jnp.split(agg, 2, axis=-1)
        cb_in = jnp.concatenate([xh, 0.5 * (a1 + a2)], axis=-1)
        x_new = _mlp_apply(blk['cb'], cb_in)
        # EdgeBlock: gather sender/receiver node features (eb_input_dim = 3*hidden)
        eb_in = jnp.concatenate([x_new[src], x_new[dst], eh], axis=-1)
        e_new = _mlp_apply(blk['eb'], eb_in)
        # residual inside GnBlock
        xh = last_x + x_new
        eh = last_e + e_new
        # mid-network skip connection
        if count == MP // 2:
            xh = xh + x0
            eh = eh + e0
        count -= 1

    # Decoder (dual_edge=False): decode edge attributes only
    edge_decoded_attr = _mlp_apply(params['dec'], eh)
    return edge_decoded_attr

if __name__ == "__main__":
    import jax
    _d = setup_inputs()
    print(jax.jit(kernel)(*tuple(_d.values())))

</pallas_src>

<mosaic_0001>
#map = affine_map<(d0, d1) -> (0, 0)>
#map1 = affine_map<(d0, d1) -> (0, 0, 0)>
module attributes {stable_mosaic.version = 14 : i64} {
  func.func @k(%arg0: i32, %arg1: i32, %arg2: memref<10240x128xf32, #tpu.memory_space<hbm>>, %arg3: memref<10240x128xf32, #tpu.memory_space<hbm>>, %arg4: memref<32x79x128xi32, #tpu.memory_space<hbm>>, %arg5: memref<32x79x128xi32, #tpu.memory_space<hbm>>, %arg6: memref<323584x128xf32, #tpu.memory_space<hbm>>, %arg7: memref<323584x128xf32, #tpu.memory_space<hbm>>, %arg8: memref<79x128xi32, #tpu.memory_space<vmem>>, %arg9: memref<79x128xi32, #tpu.memory_space<vmem>>, %arg10: memref<128x128xf32, #tpu.memory_space<vmem>>, %arg11: memref<128x128xf32, #tpu.memory_space<vmem>>, %arg12: memref<!tpu.dma_semaphore, #tpu.memory_space<semaphore_mem>>, %arg13: memref<!tpu.dma_semaphore, #tpu.memory_space<semaphore_mem>>) attributes {dimension_semantics = [#tpu.dimension_semantics<core_parallel>, #tpu.dimension_semantics<subcore_parallel>], iteration_bounds = array<i64: 2, 16>, scalar_prefetch = 0 : i64, scratch_operands = 6 : i64, tpu.core_type = #tpu.core_type<sc_vector_subcore>, window_params = [{transform_indices = #map}, {transform_indices = #map}, {transform_indices = #map1}, {transform_indices = #map1}, {transform_indices = #map}, {transform_indices = #map}]} {
    %mul3A = arith.constant 2 : i32
    %mul3A_0 = arith.muli %arg1, %mul3A : i32
    %add3A = arith.addi %mul3A_0, %arg0 : i32
    "tpu.region"() ({
      %run_scoped3A = tpu.sem_alloc : memref<!tpu.dma_semaphore, #tpu.memory_space<semaphore_mem>>
      %dma_start3A = arith.constant 0 : i32
      %dma_start3A_8 = arith.constant 0 : i32
      %dma_start3A_9 = tpu.memref_slice %arg4[%add3A, %dma_start3A, %dma_start3A_8] : memref<32x79x128xi32, #tpu.memory_space<hbm>> -> memref<1x79x128xi32, #tpu.memory_space<hbm>>
      %dma_start3A_10 = tpu.memref_squeeze %dma_start3A_9 : memref<1x79x128xi32, #tpu.memory_space<hbm>> -> memref<79x128xi32, #tpu.memory_space<hbm>>
      %dma_start3A_11 = arith.constant 0 : i32
      %dma_start3A_12 = arith.constant 0 : i32
      %dma_start3A_13 = tpu.memref_slice %arg4[%add3A, %dma_start3A_11, %dma_start3A_12] : memref<32x79x128xi32, #tpu.memory_space<hbm>> -> memref<1x79x128xi32, #tpu.memory_space<hbm>>
      %dma_start3A_14 = tpu.memref_squeeze %dma_start3A_13 : memref<1x79x128xi32, #tpu.memory_space<hbm>> -> memref<79x128xi32, #tpu.memory_space<hbm>>
      tpu.enqueue_dma source(%dma_start3A_14 : memref<79x128xi32, #tpu.memory_space<hbm>>) target(%arg8 : memref<79x128xi32, #tpu.memory_space<vmem>>) target_semaphore(%run_scoped3A : memref<!tpu.dma_semaphore, #tpu.memory_space<semaphore_mem>>)
      %dma_wait3A = arith.constant 0 : i32
      %dma_wait3A_15 = arith.constant 0 : i32
      %dma_wait3A_16 = tpu.memref_slice %arg4[%add3A, %dma_wait3A, %dma_wait3A_15] : memref<32x79x128xi32, #tpu.memory_space<hbm>> -> memref<1x79x128xi32, #tpu.memory_space<hbm>>
      %dma_wait3A_17 = tpu.memref_squeeze %dma_wait3A_16 : memref<1x79x128xi32, #tpu.memory_space<hbm>> -> memref<79x128xi32, #tpu.memory_space<hbm>>
      %dma_wait3A_18 = arith.constant 0 : i32
      %dma_wait3A_19 = arith.constant 0 : i32
      %dma_wait3A_20 = tpu.memref_slice %arg4[%add3A, %dma_wait3A_18, %dma_wait3A_19] : memref<32x79x128xi32, #tpu.memory_space<hbm>> -> memref<1x79x128xi32, #tpu.memory_space<hbm>>
      %dma_wait3A_21 = tpu.memref_squeeze %dma_wait3A_20 : memref<1x79x128xi32, #tpu.memory_space<hbm>> -> memref<79x128xi32, #tpu.memory_space<hbm>>
      tpu.wait_dma2 semaphore(%run_scoped3A : memref<!tpu.dma_semaphore, #tpu.memory_space<semaphore_mem>>) src(%dma_wait3A_21 : memref<79x128xi32, #tpu.memory_space<hbm>>) dst(%arg8 : memref<79x128xi32, #tpu.memory_space<vmem>>)
      tpu.yield
    }) : () -> ()
    "tpu.region"() ({
      %run_scoped3A = tpu.sem_alloc : memref<!tpu.dma_semaphore, #tpu.memory_space<semaphore_mem>>
      %dma_start3A = arith.constant 0 : i32
      %dma_start3A_8 = arith.constant 0 : i32
      %dma_start3A_9 = tpu.memref_slice %arg5[%add3A, %dma_start3A, %dma_start3A_8] : memref<32x79x128xi32, #tpu.memory_space<hbm>> -> memref<1x79x128xi32, #tpu.memory_space<hbm>>
      %dma_start3A_10 = tpu.memref_squeeze %dma_start3A_9 : memref<1x79x128xi32, #tpu.memory_space<hbm>> -> memref<79x128xi32, #tpu.memory_space<hbm>>
      %dma_start3A_11 = arith.constant 0 : i32
      %dma_start3A_12 = arith.constant 0 : i32
      %dma_start3A_13 = tpu.memref_slice %arg5[%add3A, %dma_start3A_11, %dma_start3A_12] : memref<32x79x128xi32, #tpu.memory_space<hbm>> -> memref<1x79x128xi32, #tpu.memory_space<hbm>>
      %dma_start3A_14 = tpu.memref_squeeze %dma_start3A_13 : memref<1x79x128xi32, #tpu.memory_space<hbm>> -> memref<79x128xi32, #tpu.memory_space<hbm>>
      tpu.enqueue_dma source(%dma_start3A_14 : memref<79x128xi32, #tpu.memory_space<hbm>>) target(%arg9 : memref<79x128xi32, #tpu.memory_space<vmem>>) target_semaphore(%run_scoped3A : memref<!tpu.dma_semaphore, #tpu.memory_space<semaphore_mem>>)
      %dma_wait3A = arith.constant 0 : i32
      %dma_wait3A_15 = arith.constant 0 : i32
      %dma_wait3A_16 = tpu.memref_slice %arg5[%add3A, %dma_wait3A, %dma_wait3A_15] : memref<32x79x128xi32, #tpu.memory_space<hbm>> -> memref<1x79x128xi32, #tpu.memory_space<hbm>>
      %dma_wait3A_17 = tpu.memref_squeeze %dma_wait3A_16 : memref<1x79x128xi32, #tpu.memory_space<hbm>> -> memref<79x128xi32, #tpu.memory_space<hbm>>
      %dma_wait3A_18 = arith.constant 0 : i32
      %dma_wait3A_19 = arith.constant 0 : i32
      %dma_wait3A_20 = tpu.memref_slice %arg5[%add3A, %dma_wait3A_18, %dma_wait3A_19] : memref<32x79x128xi32, #tpu.memory_space<hbm>> -> memref<1x79x128xi32, #tpu.memory_space<hbm>>
      %dma_wait3A_21 = tpu.memref_squeeze %dma_wait3A_20 : memref<1x79x128xi32, #tpu.memory_space<hbm>> -> memref<79x128xi32, #tpu.memory_space<hbm>>
      tpu.wait_dma2 semaphore(%run_scoped3A : memref<!tpu.dma_semaphore, #tpu.memory_space<semaphore_mem>>) src(%dma_wait3A_21 : memref<79x128xi32, #tpu.memory_space<hbm>>) dst(%arg9 : memref<79x128xi32, #tpu.memory_space<vmem>>)
      tpu.yield
    }) : () -> ()
    %mul3A_1 = arith.constant 10112 : i32
    %mul3A_2 = arith.muli %add3A, %mul3A_1 : i32
    %scan3A = arith.constant 0 : i32
    %scan3A_3 = arith.constant 0 : i32
    %scan3A_4 = arith.constant 79 : i32
    %scan3A_5 = arith.addi %scan3A_3, %scan3A_4 : i32
    %scan3A_6 = arith.constant 1 : i32
    scf.for %scan3A_8 = %scan3A_3 to %scan3A_5 step %scan3A_6  : i32 {
      %dma_start3A = arith.constant 0 : i32
      %dma_start3A_9 = tpu.memref_slice %arg8[%scan3A_8, %dma_start3A] : memref<79x128xi32, #tpu.memory_space<vmem>> -> memref<1x128xi32, #tpu.memory_space<vmem>>
      %dma_start3A_10 = tpu.memref_squeeze %dma_start3A_9 : memref<1x128xi32, #tpu.memory_space<vmem>> -> memref<128xi32, #tpu.memory_space<vmem>>
      %dma_start3A_11 = arith.constant 0 : i32
      %dma_start3A_12 = arith.constant 0 : i32
      %dma_start3A_13 = tpu.memref_slice %arg2[%dma_start3A_11, %dma_start3A_12] : memref<10240x128xf32, #tpu.memory_space<hbm>> -> memref<10240x128xf32, #tpu.memory_space<hbm>>
      tpu.enqueue_indirect_dma source(%dma_start3A_13 : memref<10240x128xf32, #tpu.memory_space<hbm>>) target(%arg10 : memref<128x128xf32, #tpu.memory_space<vmem>>) offsets(%dma_start3A_10 : memref<128xi32, #tpu.memory_space<vmem>>) semaphore(%arg12 : memref<!tpu.dma_semaphore, #tpu.memory_space<semaphore_mem>>)
      %dma_start3A_14 = arith.constant 0 : i32
      %dma_start3A_15 = tpu.memref_slice %arg9[%scan3A_8, %dma_start3A_14] : memref<79x128xi32, #tpu.memory_space<vmem>> -> memref<1x128xi32, #tpu.memory_space<vmem>>
      %dma_start3A_16 = tpu.memref_squeeze %dma_start3A_15 : memref<1x128xi32, #tpu.memory_space<vmem>> -> memref<128xi32, #tpu.memory_space<vmem>>
      %dma_start3A_17 = arith.constant 0 : i32
      %dma_start3A_18 = arith.constant 0 : i32
      %dma_start3A_19 = tpu.memref_slice %arg3[%dma_start3A_17, %dma_start3A_18] : memref<10240x128xf32, #tpu.memory_space<hbm>> -> memref<10240x128xf32, #tpu.memory_space<hbm>>
      tpu.enqueue_indirect_dma source(%dma_start3A_19 : memref<10240x128xf32, #tpu.memory_space<hbm>>) target(%arg11 : memref<128x128xf32, #tpu.memory_space<vmem>>) offsets(%dma_start3A_16 : memref<128xi32, #tpu.memory_space<vmem>>) semaphore(%arg13 : memref<!tpu.dma_semaphore, #tpu.memory_space<semaphore_mem>>)
      %dma_wait3A = arith.constant 0 : i32
      %dma_wait3A_20 = tpu.memref_slice %arg8[%scan3A_8, %dma_wait3A] : memref<79x128xi32, #tpu.memory_space<vmem>> -> memref<1x128xi32, #tpu.memory_space<vmem>>
      %dma_wait3A_21 = tpu.memref_squeeze %dma_wait3A_20 : memref<1x128xi32, #tpu.memory_space<vmem>> -> memref<128xi32, #tpu.memory_space<vmem>>
      %dma_wait3A_22 = arith.constant 0 : i32
      %dma_wait3A_23 = arith.constant 0 : i32
      %dma_wait3A_24 = tpu.memref_slice %arg2[%dma_wait3A_22, %dma_wait3A_23] : memref<10240x128xf32, #tpu.memory_space<hbm>> -> memref<10240x128xf32, #tpu.memory_space<hbm>>
      tpu.wait_indirect_dma semaphore(%arg12 : memref<!tpu.dma_semaphore, #tpu.memory_space<semaphore_mem>>) src(%dma_wait3A_24 : memref<10240x128xf32, #tpu.memory_space<hbm>>) dst(%arg10 : memref<128x128xf32, #tpu.memory_space<vmem>>)
      %dma_wait3A_25 = arith.constant 0 : i32
      %dma_wait3A_26 = tpu.memref_slice %arg9[%scan3A_8, %dma_wait3A_25] : memref<79x128xi32, #tpu.memory_space<vmem>> -> memref<1x128xi32, #tpu.memory_space<vmem>>
      %dma_wait3A_27 = tpu.memref_squeeze %dma_wait3A_26 : memref<1x128xi32, #tpu.memory_space<vmem>> -> memref<128xi32, #tpu.memory_space<vmem>>
      %dma_wait3A_28 = arith.constant 0 : i32
      %dma_wait3A_29 = arith.constant 0 : i32
      %dma_wait3A_30 = tpu.memref_slice %arg3[%dma_wait3A_28, %dma_wait3A_29] : memref<10240x128xf32, #tpu.memory_space<hbm>> -> memref<10240x128xf32, #tpu.memory_space<hbm>>
      tpu.wait_indirect_dma semaphore(%arg13 : memref<!tpu.dma_semaphore, #tpu.memory_space<semaphore_mem>>) src(%dma_wait3A_30 : memref<10240x128xf32, #tpu.memory_space<hbm>>) dst(%arg11 : memref<128x128xf32, #tpu.memory_space<vmem>>)
      %mul3A_31 = arith.constant 128 : i32
      %mul3A_32 = arith.muli %scan3A_8, %mul3A_31 : i32
      %add3A_33 = arith.addi %mul3A_2, %mul3A_32 : i32
      %mul3A_34 = arith.constant 128 : i32
      %mul3A_35 = arith.muli %scan3A_8, %mul3A_34 : i32
      %add3A_36 = arith.addi %mul3A_2, %mul3A_35 : i32
      %dma_start3A_37 = arith.constant 0 : i32
      %dma_start3A_38 = tpu.memref_slice %arg6[%add3A_33, %dma_start3A_37] : memref<323584x128xf32, #tpu.memory_space<hbm>> -> memref<128x128xf32, #tpu.memory_space<hbm>>
      %dma_start3A_39 = arith.constant 0 : i32
      %dma_start3A_40 = tpu.memref_slice %arg6[%add3A_33, %dma_start3A_39] : memref<323584x128xf32, #tpu.memory_space<hbm>> -> memref<128x128xf32, #tpu.memory_space<hbm>>
      tpu.enqueue_dma source(%arg10 : memref<128x128xf32, #tpu.memory_space<vmem>>) target(%dma_start3A_40 : memref<128x128xf32, #tpu.memory_space<hbm>>) target_semaphore(%arg12 : memref<!tpu.dma_semaphore, #tpu.memory_space<semaphore_mem>>)
      %dma_start3A_41 = arith.constant 0 : i32
      %dma_start3A_42 = tpu.memref_slice %arg7[%add3A_36, %dma_start3A_41] : memref<323584x128xf32, #tpu.memory_space<hbm>> -> memref<128x128xf32, #tpu.memory_space<hbm>>
      %dma_start3A_43 = arith.constant 0 : i32
      %dma_start3A_44 = tpu.memref_slice %arg7[%add3A_36, %dma_start3A_43] : memref<323584x128xf32, #tpu.memory_space<hbm>> -> memref<128x128xf32, #tpu.memory_space<hbm>>
      tpu.enqueue_dma source(%arg11 : memref<128x128xf32, #tpu.memory_space<vmem>>) target(%dma_start3A_44 : memref<128x128xf32, #tpu.memory_space<hbm>>) target_semaphore(%arg13 : memref<!tpu.dma_semaphore, #tpu.memory_space<semaphore_mem>>)
      %dma_wait3A_45 = arith.constant 0 : i32
      %dma_wait3A_46 = tpu.memref_slice %arg6[%add3A_33, %dma_wait3A_45] : memref<323584x128xf32, #tpu.memory_space<hbm>> -> memref<128x128xf32, #tpu.memory_space<hbm>>
      %dma_wait3A_47 = arith.constant 0 : i32
      %dma_wait3A_48 = tpu.memref_slice %arg6[%add3A_33, %dma_wait3A_47] : memref<323584x128xf32, #tpu.memory_space<hbm>> -> memref<128x128xf32, #tpu.memory_space<hbm>>
      tpu.wait_dma2 semaphore(%arg12 : memref<!tpu.dma_semaphore, #tpu.memory_space<semaphore_mem>>) src(%arg10 : memref<128x128xf32, #tpu.memory_space<vmem>>) dst(%dma_wait3A_48 : memref<128x128xf32, #tpu.memory_space<hbm>>)
      %dma_wait3A_49 = arith.constant 0 : i32
      %dma_wait3A_50 = tpu.memref_slice %arg7[%add3A_36, %dma_wait3A_49] : memref<323584x128xf32, #tpu.memory_space<hbm>> -> memref<128x128xf32, #tpu.memory_space<hbm>>
      %dma_wait3A_51 = arith.constant 0 : i32
      %dma_wait3A_52 = tpu.memref_slice %arg7[%add3A_36, %dma_wait3A_51] : memref<323584x128xf32, #tpu.memory_space<hbm>> -> memref<128x128xf32, #tpu.memory_space<hbm>>
      tpu.wait_dma2 semaphore(%arg13 : memref<!tpu.dma_semaphore, #tpu.memory_space<semaphore_mem>>) src(%arg11 : memref<128x128xf32, #tpu.memory_space<vmem>>) dst(%dma_wait3A_52 : memref<128x128xf32, #tpu.memory_space<hbm>>)
    }
    %scan3A_7 = arith.constant 79 : i32
    return
  }
}

#map = affine_map<(d0, d1) -> (0, 0)>
#map1 = affine_map<(d0, d1) -> (0, 0, 0)>
module attributes {stable_mosaic.version = 14 : i64} {
  func.func @k(%arg0: i32, %arg1: i32, %arg2: memref<323584x128xf32, #tpu.memory_space<hbm>>, %arg3: memref<32x79x128xi32, #tpu.memory_space<hbm>>, %arg4: memref<10240x128xf32, #tpu.memory_space<hbm>>, %arg5: memref<2x10240x128xf32, #tpu.memory_space<hbm>>, %arg6: memref<128xi32, #tpu.memory_space<vmem>>, %arg7: memref<128x128xf32, #tpu.memory_space<vmem>>, %arg8: memref<10240x128xf32, #tpu.memory_space<vmem_shared>>, %arg9: memref<!tpu.dma_semaphore, #tpu.memory_space<semaphore_mem>>, %arg10: memref<!tpu.dma_semaphore, #tpu.memory_space<semaphore_mem>>) attributes {dimension_semantics = [#tpu.dimension_semantics<core_parallel>, #tpu.dimension_semantics<subcore_parallel>], iteration_bounds = array<i64: 2, 16>, scalar_prefetch = 0 : i64, scratch_operands = 5 : i64, tpu.core_type = #tpu.core_type<sc_vector_subcore>, window_params = [{transform_indices = #map}, {transform_indices = #map1}, {transform_indices = #map}, {transform_indices = #map1}]} {
    %mul3A = arith.constant 2 : i32
    %mul3A_0 = arith.muli %arg1, %mul3A : i32
    %add3A = arith.addi %mul3A_0, %arg0 : i32
    %eq3A = arith.constant 0 : i32
    %eq3A_1 = arith.cmpi eq, %arg1, %eq3A : i32
    %convert_element_type3A = arith.extui %eq3A_1 : i1 to i32
    %cond3A = arith.constant 0 : i32
    %cond3A_2 = arith.cmpi ne, %convert_element_type3A, %cond3A : i32
    scf.if %cond3A_2 {
      "tpu.region"() ({
        %run_scoped3A = tpu.sem_alloc : memref<!tpu.dma_semaphore, #tpu.memory_space<semaphore_mem>>
        tpu.enqueue_dma source(%arg4 : memref<10240x128xf32, #tpu.memory_space<hbm>>) target(%arg8 : memref<10240x128xf32, #tpu.memory_space<vmem_shared>>) target_semaphore(%run_scoped3A : memref<!tpu.dma_semaphore, #tpu.memory_space<semaphore_mem>>)
        tpu.wait_dma2 semaphore(%run_scoped3A : memref<!tpu.dma_semaphore, #tpu.memory_space<semaphore_mem>>) src(%arg4 : memref<10240x128xf32, #tpu.memory_space<hbm>>) dst(%arg8 : memref<10240x128xf32, #tpu.memory_space<vmem_shared>>)
        tpu.yield
      }) : () -> ()
    } else {
    }
    %barrier3A = arith.constant 0 : index
    tpu.barrier barrier_id(%barrier3A)
    %mul3A_3 = arith.constant 10112 : i32
    %mul3A_4 = arith.muli %add3A, %mul3A_3 : i32
    %scan3A = arith.constant 0 : i32
    %scan3A_5 = arith.constant 0 : i32
    %scan3A_6 = arith.constant 79 : i32
    %scan3A_7 = arith.addi %scan3A_5, %scan3A_6 : i32
    %scan3A_8 = arith.constant 1 : i32
    scf.for %scan3A_16 = %scan3A_5 to %scan3A_7 step %scan3A_8  : i32 {
      %mul3A_17 = arith.constant 128 : i32
      %mul3A_18 = arith.muli %scan3A_16, %mul3A_17 : i32
      %add3A_19 = arith.addi %mul3A_4, %mul3A_18 : i32
      %dma_start3A = arith.constant 0 : i32
      %dma_start3A_20 = tpu.memref_slice %arg2[%add3A_19, %dma_start3A] : memref<323584x128xf32, #tpu.memory_space<hbm>> -> memref<128x128xf32, #tpu.memory_space<hbm>>
      %dma_start3A_21 = arith.constant 0 : i32
      %dma_start3A_22 = tpu.memref_slice %arg2[%add3A_19, %dma_start3A_21] : memref<323584x128xf32, #tpu.memory_space<hbm>> -> memref<128x128xf32, #tpu.memory_space<hbm>>
      tpu.enqueue_dma source(%dma_start3A_22 : memref<128x128xf32, #tpu.memory_space<hbm>>) target(%arg7 : memref<128x128xf32, #tpu.memory_space<vmem>>) target_semaphore(%arg9 : memref<!tpu.dma_semaphore, #tpu.memory_space<semaphore_mem>>)
      %dma_start3A_23 = arith.constant 0 : i32
      %dma_start3A_24 = tpu.memref_slice %arg3[%add3A, %scan3A_16, %dma_start3A_23] : memref<32x79x128xi32, #tpu.memory_space<hbm>> -> memref<1x1x128xi32, #tpu.memory_space<hbm>>
      %dma_start3A_25 = tpu.memref_squeeze %dma_start3A_24 : memref<1x1x128xi32, #tpu.memory_space<hbm>> -> memref<128xi32, #tpu.memory_space<hbm>>
      %dma_start3A_26 = arith.constant 0 : i32
      %dma_start3A_27 = tpu.memref_slice %arg3[%add3A, %scan3A_16, %dma_start3A_26] : memref<32x79x128xi32, #tpu.memory_space<hbm>> -> memref<1x1x128xi32, #tpu.memory_space<hbm>>
      %dma_start3A_28 = tpu.memref_squeeze %dma_start3A_27 : memref<1x1x128xi32, #tpu.memory_space<hbm>> -> memref<128xi32, #tpu.memory_space<hbm>>
      tpu.enqueue_dma source(%dma_start3A_28 : memref<128xi32, #tpu.memory_space<hbm>>) target(%arg6 : memref<128xi32, #tpu.memory_space<vmem>>) target_semaphore(%arg10 : memref<!tpu.dma_semaphore, #tpu.memory_space<semaphore_mem>>)
      %dma_wait3A = arith.constant 0 : i32
      %dma_wait3A_29 = tpu.memref_slice %arg2[%add3A_19, %dma_wait3A] : memref<323584x128xf32, #tpu.memory_space<hbm>> -> memref<128x128xf32, #tpu.memory_space<hbm>>
      %dma_wait3A_30 = arith.constant 0 : i32
      %dma_wait3A_31 = tpu.memref_slice %arg2[%add3A_19, %dma_wait3A_30] : memref<323584x128xf32, #tpu.memory_space<hbm>> -> memref<128x128xf32, #tpu.memory_space<hbm>>
      tpu.wait_dma2 semaphore(%arg9 : memref<!tpu.dma_semaphore, #tpu.memory_space<semaphore_mem>>) src(%dma_wait3A_31 : memref<128x128xf32, #tpu.memory_space<hbm>>) dst(%arg7 : memref<128x128xf32, #tpu.memory_space<vmem>>)
      %dma_wait3A_32 = arith.constant 0 : i32
      %dma_wait3A_33 = tpu.memref_slice %arg3[%add3A, %scan3A_16, %dma_wait3A_32] : memref<32x79x128xi32, #tpu.memory_space<hbm>> -> memref<1x1x128xi32, #tpu.memory_space<hbm>>
      %dma_wait3A_34 = tpu.memref_squeeze %dma_wait3A_33 : memref<1x1x128xi32, #tpu.memory_space<hbm>> -> memref<128xi32, #tpu.memory_space<hbm>>
      %dma_wait3A_35 = arith.constant 0 : i32
      %dma_wait3A_36 = tpu.memref_slice %arg3[%add3A, %scan3A_16, %dma_wait3A_35] : memref<32x79x128xi32, #tpu.memory_space<hbm>> -> memref<1x1x128xi32, #tpu.memory_space<hbm>>
      %dma_wait3A_37 = tpu.memref_squeeze %dma_wait3A_36 : memref<1x1x128xi32, #tpu.memory_space<hbm>> -> memref<128xi32, #tpu.memory_space<hbm>>
      tpu.wait_dma2 semaphore(%arg10 : memref<!tpu.dma_semaphore, #tpu.memory_space<semaphore_mem>>) src(%dma_wait3A_37 : memref<128xi32, #tpu.memory_space<hbm>>) dst(%arg6 : memref<128xi32, #tpu.memory_space<vmem>>)
      "tpu.region"() ({
        %run_scoped3A = tpu.sem_alloc : memref<!tpu.dma_semaphore, #tpu.memory_space<semaphore_mem>>
        %dma_start3A_38 = arith.constant 0 : i32
        %dma_start3A_39 = arith.constant 0 : i32
        %dma_start3A_40 = tpu.memref_slice %arg8[%dma_start3A_38, %dma_start3A_39] : memref<10240x128xf32, #tpu.memory_space<vmem_shared>> -> memref<10240x128xf32, #tpu.memory_space<vmem_shared>>
        tpu.enqueue_indirect_dma source(%arg7 : memref<128x128xf32, #tpu.memory_space<vmem>>) target(%dma_start3A_40 : memref<10240x128xf32, #tpu.memory_space<vmem_shared>>) offsets(%arg6 : memref<128xi32, #tpu.memory_space<vmem>>) semaphore(%run_scoped3A : memref<!tpu.dma_semaphore, #tpu.memory_space<semaphore_mem>>) {add = true}
        %dma_wait3A_41 = arith.constant 0 : i32
        %dma_wait3A_42 = arith.constant 0 : i32
        %dma_wait3A_43 = tpu.memref_slice %arg8[%dma_wait3A_41, %dma_wait3A_42] : memref<10240x128xf32, #tpu.memory_space<vmem_shared>> -> memref<10240x128xf32, #tpu.memory_space<vmem_shared>>
        tpu.wait_indirect_dma semaphore(%run_scoped3A : memref<!tpu.dma_semaphore, #tpu.memory_space<semaphore_mem>>) src(%arg7 : memref<128x128xf32, #tpu.memory_space<vmem>>) dst(%dma_wait3A_43 : memref<10240x128xf32, #tpu.memory_space<vmem_shared>>)
        tpu.yield
      }) : () -> ()
    }
    %scan3A_9 = arith.constant 79 : i32
    %barrier3A_10 = arith.constant 0 : index
    tpu.barrier barrier_id(%barrier3A_10)
    %eq3A_11 = arith.constant 0 : i32
    %eq3A_12 = arith.cmpi eq, %arg1, %eq3A_11 : i32
    %convert_element_type3A_13 = arith.extui %eq3A_12 : i1 to i32
    %cond3A_14 = arith.constant 0 : i32
    %cond3A_15 = arith.cmpi ne, %convert_element_type3A_13, %cond3A_14 : i32
    scf.if %cond3A_15 {
      "tpu.region"() ({
        %run_scoped3A = tpu.sem_alloc : memref<!tpu.dma_semaphore, #tpu.memory_space<semaphore_mem>>
        %dma_start3A = arith.constant 0 : i32
        %dma_start3A_16 = arith.constant 0 : i32
        %dma_start3A_17 = tpu.memref_slice %arg5[%arg0, %dma_start3A, %dma_start3A_16] : memref<2x10240x128xf32, #tpu.memory_space<hbm>> -> memref<1x10240x128xf32, #tpu.memory_space<hbm>>
        %dma_start3A_18 = tpu.memref_squeeze %dma_start3A_17 : memref<1x10240x128xf32, #tpu.memory_space<hbm>> -> memref<10240x128xf32, #tpu.memory_space<hbm>>
        tpu.enqueue_dma source(%arg8 : memref<10240x128xf32, #tpu.memory_space<vmem_shared>>) target(%dma_start3A_18 : memref<10240x128xf32, #tpu.memory_space<hbm>>) target_semaphore(%run_scoped3A : memref<!tpu.dma_semaphore, #tpu.memory_space<semaphore_mem>>)
        %dma_wait3A = arith.constant 0 : i32
        %dma_wait3A_19 = arith.constant 0 : i32
        %dma_wait3A_20 = tpu.memref_slice %arg5[%arg0, %dma_wait3A, %dma_wait3A_19] : memref<2x10240x128xf32, #tpu.memory_space<hbm>> -> memref<1x10240x128xf32, #tpu.memory_space<hbm>>
        %dma_wait3A_21 = tpu.memref_squeeze %dma_wait3A_20 : memref<1x10240x128xf32, #tpu.memory_space<hbm>> -> memref<10240x128xf32, #tpu.memory_space<hbm>>
        tpu.wait_dma2 semaphore(%run_scoped3A : memref<!tpu.dma_semaphore, #tpu.memory_space<semaphore_mem>>) src(%arg8 : memref<10240x128xf32, #tpu.memory_space<vmem_shared>>) dst(%dma_wait3A_21 : memref<10240x128xf32, #tpu.memory_space<hbm>>)
        tpu.yield
      }) : () -> ()
    } else {
    }
    return
  }
}

#map = affine_map<(d0, d1) -> (0, 0)>
#map1 = affine_map<(d0, d1) -> (0, 0, 0)>
module attributes {stable_mosaic.version = 14 : i64} {
  func.func @k(%arg0: i32, %arg1: i32, %arg2: memref<323584x128xf32, #tpu.memory_space<hbm>>, %arg3: memref<32x79x128xi32, #tpu.memory_space<hbm>>, %arg4: memref<10240x128xf32, #tpu.memory_space<hbm>>, %arg5: memref<2x10240x128xf32, #tpu.memory_space<hbm>>, %arg6: memref<128xi32, #tpu.memory_space<vmem>>, %arg7: memref<128x128xf32, #tpu.memory_space<vmem>>, %arg8: memref<10240x128xf32, #tpu.memory_space<vmem_shared>>, %arg9: memref<!tpu.dma_semaphore, #tpu.memory_space<semaphore_mem>>, %arg10: memref<!tpu.dma_semaphore, #tpu.memory_space<semaphore_mem>>) attributes {dimension_semantics = [#tpu.dimension_semantics<core_parallel>, #tpu.dimension_semantics<subcore_parallel>], iteration_bounds = array<i64: 2, 16>, scalar_prefetch = 0 : i64, scratch_operands = 5 : i64, tpu.core_type = #tpu.core_type<sc_vector_subcore>, window_params = [{transform_indices = #map}, {transform_indices = #map1}, {transform_indices = #map}, {transform_indices = #map1}]} {
    %mul3A = arith.constant 2 : i32
    %mul3A_0 = arith.muli %arg1, %mul3A : i32
    %add3A = arith.addi %mul3A_0, %arg0 : i32
    %eq3A = arith.constant 0 : i32
    %eq3A_1 = arith.cmpi eq, %arg1, %eq3A : i32
    %convert_element_type3A = arith.extui %eq3A_1 : i1 to i32
    %cond3A = arith.constant 0 : i32
    %cond3A_2 = arith.cmpi ne, %convert_element_type3A, %cond3A : i32
    scf.if %cond3A_2 {
      "tpu.region"() ({
        %run_scoped3A = tpu.sem_alloc : memref<!tpu.dma_semaphore, #tpu.memory_space<semaphore_mem>>
        tpu.enqueue_dma source(%arg4 : memref<10240x128xf32, #tpu.memory_space<hbm>>) target(%arg8 : memref<10240x128xf32, #tpu.memory_space<vmem_shared>>) target_semaphore(%run_scoped3A : memref<!tpu.dma_semaphore, #tpu.memory_space<semaphore_mem>>)
        tpu.wait_dma2 semaphore(%run_scoped3A : memref<!tpu.dma_semaphore, #tpu.memory_space<semaphore_mem>>) src(%arg4 : memref<10240x128xf32, #tpu.memory_space<hbm>>) dst(%arg8 : memref<10240x128xf32, #tpu.memory_space<vmem_shared>>)
        tpu.yield
      }) : () -> ()
    } else {
    }
    %barrier3A = arith.constant 0 : index
    tpu.barrier barrier_id(%barrier3A)
    %mul3A_3 = arith.constant 10112 : i32
    %mul3A_4 = arith.muli %add3A, %mul3A_3 : i32
    %scan3A = arith.constant 0 : i32
    %scan3A_5 = arith.constant 0 : i32
    %scan3A_6 = arith.constant 79 : i32
    %scan3A_7 = arith.addi %scan3A_5, %scan3A_6 : i32
    %scan3A_8 = arith.constant 1 : i32
    scf.for %scan3A_16 = %scan3A_5 to %scan3A_7 step %scan3A_8  : i32 {
      %mul3A_17 = arith.constant 128 : i32
      %mul3A_18 = arith.muli %scan3A_16, %mul3A_17 : i32
      %add3A_19 = arith.addi %mul3A_4, %mul3A_18 : i32
      %dma_start3A = arith.constant 0 : i32
      %dma_start3A_20 = tpu.memref_slice %arg2[%add3A_19, %dma_start3A] : memref<323584x128xf32, #tpu.memory_space<hbm>> -> memref<128x128xf32, #tpu.memory_space<hbm>>
      %dma_start3A_21 = arith.constant 0 : i32
      %dma_start3A_22 = tpu.memref_slice %arg2[%add3A_19, %dma_start3A_21] : memref<323584x128xf32, #tpu.memory_space<hbm>> -> memref<128x128xf32, #tpu.memory_space<hbm>>
      tpu.enqueue_dma source(%dma_start3A_22 : memref<128x128xf32, #tpu.memory_space<hbm>>) target(%arg7 : memref<128x128xf32, #tpu.memory_space<vmem>>) target_semaphore(%arg9 : memref<!tpu.dma_semaphore, #tpu.memory_space<semaphore_mem>>)
      %dma_start3A_23 = arith.constant 0 : i32
      %dma_start3A_24 = tpu.memref_slice %arg3[%add3A, %scan3A_16, %dma_start3A_23] : memref<32x79x128xi32, #tpu.memory_space<hbm>> -> memref<1x1x128xi32, #tpu.memory_space<hbm>>
      %dma_start3A_25 = tpu.memref_squeeze %dma_start3A_24 : memref<1x1x128xi32, #tpu.memory_space<hbm>> -> memref<128xi32, #tpu.memory_space<hbm>>
      %dma_start3A_26 = arith.constant 0 : i32
      %dma_start3A_27 = tpu.memref_slice %arg3[%add3A, %scan3A_16, %dma_start3A_26] : memref<32x79x128xi32, #tpu.memory_space<hbm>> -> memref<1x1x128xi32, #tpu.memory_space<hbm>>
      %dma_start3A_28 = tpu.memref_squeeze %dma_start3A_27 : memref<1x1x128xi32, #tpu.memory_space<hbm>> -> memref<128xi32, #tpu.memory_space<hbm>>
      tpu.enqueue_dma source(%dma_start3A_28 : memref<128xi32, #tpu.memory_space<hbm>>) target(%arg6 : memref<128xi32, #tpu.memory_space<vmem>>) target_semaphore(%arg10 : memref<!tpu.dma_semaphore, #tpu.memory_space<semaphore_mem>>)
      %dma_wait3A = arith.constant 0 : i32
      %dma_wait3A_29 = tpu.memref_slice %arg2[%add3A_19, %dma_wait3A] : memref<323584x128xf32, #tpu.memory_space<hbm>> -> memref<128x128xf32, #tpu.memory_space<hbm>>
      %dma_wait3A_30 = arith.constant 0 : i32
      %dma_wait3A_31 = tpu.memref_slice %arg2[%add3A_19, %dma_wait3A_30] : memref<323584x128xf32, #tpu.memory_space<hbm>> -> memref<128x128xf32, #tpu.memory_space<hbm>>
      tpu.wait_dma2 semaphore(%arg9 : memref<!tpu.dma_semaphore, #tpu.memory_space<semaphore_mem>>) src(%dma_wait3A_31 : memref<128x128xf32, #tpu.memory_space<hbm>>) dst(%arg7 : memref<128x128xf32, #tpu.memory_space<vmem>>)
      %dma_wait3A_32 = arith.constant 0 : i32
      %dma_wait3A_33 = tpu.memref_slice %arg3[%add3A, %scan3A_16, %dma_wait3A_32] : memref<32x79x128xi32, #tpu.memory_space<hbm>> -> memref<1x1x128xi32, #tpu.memory_space<hbm>>
      %dma_wait3A_34 = tpu.memref_squeeze %dma_wait3A_33 : memref<1x1x128xi32, #tpu.memory_space<hbm>> -> memref<128xi32, #tpu.memory_space<hbm>>
      %dma_wait3A_35 = arith.constant 0 : i32
      %dma_wait3A_36 = tpu.memref_slice %arg3[%add3A, %scan3A_16, %dma_wait3A_35] : memref<32x79x128xi32, #tpu.memory_space<hbm>> -> memref<1x1x128xi32, #tpu.memory_space<hbm>>
      %dma_wait3A_37 = tpu.memref_squeeze %dma_wait3A_36 : memref<1x1x128xi32, #tpu.memory_space<hbm>> -> memref<128xi32, #tpu.memory_space<hbm>>
      tpu.wait_dma2 semaphore(%arg10 : memref<!tpu.dma_semaphore, #tpu.memory_space<semaphore_mem>>) src(%dma_wait3A_37 : memref<128xi32, #tpu.memory_space<hbm>>) dst(%arg6 : memref<128xi32, #tpu.memory_space<vmem>>)
      "tpu.region"() ({
        %run_scoped3A = tpu.sem_alloc : memref<!tpu.dma_semaphore, #tpu.memory_space<semaphore_mem>>
        %dma_start3A_38 = arith.constant 0 : i32
        %dma_start3A_39 = arith.constant 0 : i32
        %dma_start3A_40 = tpu.memref_slice %arg8[%dma_start3A_38, %dma_start3A_39] : memref<10240x128xf32, #tpu.memory_space<vmem_shared>> -> memref<10240x128xf32, #tpu.memory_space<vmem_shared>>
        tpu.enqueue_indirect_dma source(%arg7 : memref<128x128xf32, #tpu.memory_space<vmem>>) target(%dma_start3A_40 : memref<10240x128xf32, #tpu.memory_space<vmem_shared>>) offsets(%arg6 : memref<128xi32, #tpu.memory_space<vmem>>) semaphore(%run_scoped3A : memref<!tpu.dma_semaphore, #tpu.memory_space<semaphore_mem>>) {add = true}
        %dma_wait3A_41 = arith.constant 0 : i32
        %dma_wait3A_42 = arith.constant 0 : i32
        %dma_wait3A_43 = tpu.memref_slice %arg8[%dma_wait3A_41, %dma_wait3A_42] : memref<10240x128xf32, #tpu.memory_space<vmem_shared>> -> memref<10240x128xf32, #tpu.memory_space<vmem_shared>>
        tpu.wait_indirect_dma semaphore(%run_scoped3A : memref<!tpu.dma_semaphore, #tpu.memory_space<semaphore_mem>>) src(%arg7 : memref<128x128xf32, #tpu.memory_space<vmem>>) dst(%dma_wait3A_43 : memref<10240x128xf32, #tpu.memory_space<vmem_shared>>)
        tpu.yield
      }) : () -> ()
    }
    %scan3A_9 = arith.constant 79 : i32
    %barrier3A_10 = arith.constant 0 : index
    tpu.barrier barrier_id(%barrier3A_10)
    %eq3A_11 = arith.constant 0 : i32
    %eq3A_12 = arith.cmpi eq, %arg1, %eq3A_11 : i32
    %convert_element_type3A_13 = arith.extui %eq3A_12 : i1 to i32
    %cond3A_14 = arith.constant 0 : i32
    %cond3A_15 = arith.cmpi ne, %convert_element_type3A_13, %cond3A_14 : i32
    scf.if %cond3A_15 {
      "tpu.region"() ({
        %run_scoped3A = tpu.sem_alloc : memref<!tpu.dma_semaphore, #tpu.memory_space<semaphore_mem>>
        %dma_start3A = arith.constant 0 : i32
        %dma_start3A_16 = arith.constant 0 : i32
        %dma_start3A_17 = tpu.memref_slice %arg5[%arg0, %dma_start3A, %dma_start3A_16] : memref<2x10240x128xf32, #tpu.memory_space<hbm>> -> memref<1x10240x128xf32, #tpu.memory_space<hbm>>
        %dma_start3A_18 = tpu.memref_squeeze %dma_start3A_17 : memref<1x10240x128xf32, #tpu.memory_space<hbm>> -> memref<10240x128xf32, #tpu.memory_space<hbm>>
        tpu.enqueue_dma source(%arg8 : memref<10240x128xf32, #tpu.memory_space<vmem_shared>>) target(%dma_start3A_18 : memref<10240x128xf32, #tpu.memory_space<hbm>>) target_semaphore(%run_scoped3A : memref<!tpu.dma_semaphore, #tpu.memory_space<semaphore_mem>>)
        %dma_wait3A = arith.constant 0 : i32
        %dma_wait3A_19 = arith.constant 0 : i32
        %dma_wait3A_20 = tpu.memref_slice %arg5[%arg0, %dma_wait3A, %dma_wait3A_19] : memref<2x10240x128xf32, #tpu.memory_space<hbm>> -> memref<1x10240x128xf32, #tpu.memory_space<hbm>>
        %dma_wait3A_21 = tpu.memref_squeeze %dma_wait3A_20 : memref<1x10240x128xf32, #tpu.memory_space<hbm>> -> memref<10240x128xf32, #tpu.memory_space<hbm>>
        tpu.wait_dma2 semaphore(%run_scoped3A : memref<!tpu.dma_semaphore, #tpu.memory_space<semaphore_mem>>) src(%arg8 : memref<10240x128xf32, #tpu.memory_space<vmem_shared>>) dst(%dma_wait3A_21 : memref<10240x128xf32, #tpu.memory_space<hbm>>)
        tpu.yield
      }) : () -> ()
    } else {
    }
    return
  }
}

#map = affine_map<(d0, d1) -> (0, 0)>
#map1 = affine_map<(d0, d1) -> (0, 0, 0)>
module attributes {stable_mosaic.version = 14 : i64} {
  func.func @k(%arg0: i32, %arg1: i32, %arg2: memref<10240x128xf32, #tpu.memory_space<hbm>>, %arg3: memref<10240x128xf32, #tpu.memory_space<hbm>>, %arg4: memref<32x79x128xi32, #tpu.memory_space<hbm>>, %arg5: memref<32x79x128xi32, #tpu.memory_space<hbm>>, %arg6: memref<323584x128xf32, #tpu.memory_space<hbm>>, %arg7: memref<323584x128xf32, #tpu.memory_space<hbm>>, %arg8: memref<79x128xi32, #tpu.memory_space<vmem>>, %arg9: memref<79x128xi32, #tpu.memory_space<vmem>>, %arg10: memref<128x128xf32, #tpu.memory_space<vmem>>, %arg11: memref<128x128xf32, #tpu.memory_space<vmem>>, %arg12: memref<!tpu.dma_semaphore, #tpu.memory_space<semaphore_mem>>, %arg13: memref<!tpu.dma_semaphore, #tpu.memory_space<semaphore_mem>>) attributes {dimension_semantics = [#tpu.dimension_semantics<core_parallel>, #tpu.dimension_semantics<subcore_parallel>], iteration_bounds = array<i64: 2, 16>, scalar_prefetch = 0 : i64, scratch_operands = 6 : i64, tpu.core_type = #tpu.core_type<sc_vector_subcore>, window_params = [{transform_indices = #map}, {transform_indices = #map}, {transform_indices = #map1}, {transform_indices = #map1}, {transform_indices = #map}, {transform_indices = #map}]} {
    %mul3A = arith.constant 2 : i32
    %mul3A_0 = arith.muli %arg1, %mul3A : i32
    %add3A = arith.addi %mul3A_0, %arg0 : i32
    "tpu.region"() ({
      %run_scoped3A = tpu.sem_alloc : memref<!tpu.dma_semaphore, #tpu.memory_space<semaphore_mem>>
      %dma_start3A = arith.constant 0 : i32
      %dma_start3A_8 = arith.constant 0 : i32
      %dma_start3A_9 = tpu.memref_slice %arg4[%add3A, %dma_start3A, %dma_start3A_8] : memref<32x79x128xi32, #tpu.memory_space<hbm>> -> memref<1x79x128xi32, #tpu.memory_space<hbm>>
      %dma_start3A_10 = tpu.memref_squeeze %dma_start3A_9 : memref<1x79x128xi32, #tpu.memory_space<hbm>> -> memref<79x128xi32, #tpu.memory_space<hbm>>
      %dma_start3A_11 = arith.constant 0 : i32
      %dma_start3A_12 = arith.constant 0 : i32
      %dma_start3A_13 = tpu.memref_slice %arg4[%add3A, %dma_start3A_11, %dma_start3A_12] : memref<32x79x128xi32, #tpu.memory_space<hbm>> -> memref<1x79x128xi32, #tpu.memory_space<hbm>>
      %dma_start3A_14 = tpu.memref_squeeze %dma_start3A_13 : memref<1x79x128xi32, #tpu.memory_space<hbm>> -> memref<79x128xi32, #tpu.memory_space<hbm>>
      tpu.enqueue_dma source(%dma_start3A_14 : memref<79x128xi32, #tpu.memory_space<hbm>>) target(%arg8 : memref<79x128xi32, #tpu.memory_space<vmem>>) target_semaphore(%run_scoped3A : memref<!tpu.dma_semaphore, #tpu.memory_space<semaphore_mem>>)
      %dma_wait3A = arith.constant 0 : i32
      %dma_wait3A_15 = arith.constant 0 : i32
      %dma_wait3A_16 = tpu.memref_slice %arg4[%add3A, %dma_wait3A, %dma_wait3A_15] : memref<32x79x128xi32, #tpu.memory_space<hbm>> -> memref<1x79x128xi32, #tpu.memory_space<hbm>>
      %dma_wait3A_17 = tpu.memref_squeeze %dma_wait3A_16 : memref<1x79x128xi32, #tpu.memory_space<hbm>> -> memref<79x128xi32, #tpu.memory_space<hbm>>
      %dma_wait3A_18 = arith.constant 0 : i32
      %dma_wait3A_19 = arith.constant 0 : i32
      %dma_wait3A_20 = tpu.memref_slice %arg4[%add3A, %dma_wait3A_18, %dma_wait3A_19] : memref<32x79x128xi32, #tpu.memory_space<hbm>> -> memref<1x79x128xi32, #tpu.memory_space<hbm>>
      %dma_wait3A_21 = tpu.memref_squeeze %dma_wait3A_20 : memref<1x79x128xi32, #tpu.memory_space<hbm>> -> memref<79x128xi32, #tpu.memory_space<hbm>>
      tpu.wait_dma2 semaphore(%run_scoped3A : memref<!tpu.dma_semaphore, #tpu.memory_space<semaphore_mem>>) src(%dma_wait3A_21 : memref<79x128xi32, #tpu.memory_space<hbm>>) dst(%arg8 : memref<79x128xi32, #tpu.memory_space<vmem>>)
      tpu.yield
    }) : () -> ()
    "tpu.region"() ({
      %run_scoped3A = tpu.sem_alloc : memref<!tpu.dma_semaphore, #tpu.memory_space<semaphore_mem>>
      %dma_start3A = arith.constant 0 : i32
      %dma_start3A_8 = arith.constant 0 : i32
      %dma_start3A_9 = tpu.memref_slice %arg5[%add3A, %dma_start3A, %dma_start3A_8] : memref<32x79x128xi32, #tpu.memory_space<hbm>> -> memref<1x79x128xi32, #tpu.memory_space<hbm>>
      %dma_start3A_10 = tpu.memref_squeeze %dma_start3A_9 : memref<1x79x128xi32, #tpu.memory_space<hbm>> -> memref<79x128xi32, #tpu.memory_space<hbm>>
      %dma_start3A_11 = arith.constant 0 : i32
      %dma_start3A_12 = arith.constant 0 : i32
      %dma_start3A_13 = tpu.memref_slice %arg5[%add3A, %dma_start3A_11, %dma_start3A_12] : memref<32x79x128xi32, #tpu.memory_space<hbm>> -> memref<1x79x128xi32, #tpu.memory_space<hbm>>
      %dma_start3A_14 = tpu.memref_squeeze %dma_start3A_13 : memref<1x79x128xi32, #tpu.memory_space<hbm>> -> memref<79x128xi32, #tpu.memory_space<hbm>>
      tpu.enqueue_dma source(%dma_start3A_14 : memref<79x128xi32, #tpu.memory_space<hbm>>) target(%arg9 : memref<79x128xi32, #tpu.memory_space<vmem>>) target_semaphore(%run_scoped3A : memref<!tpu.dma_semaphore, #tpu.memory_space<semaphore_mem>>)
      %dma_wait3A = arith.constant 0 : i32
      %dma_wait3A_15 = arith.constant 0 : i32
      %dma_wait3A_16 = tpu.memref_slice %arg5[%add3A, %dma_wait3A, %dma_wait3A_15] : memref<32x79x128xi32, #tpu.memory_space<hbm>> -> memref<1x79x128xi32, #tpu.memory_space<hbm>>
      %dma_wait3A_17 = tpu.memref_squeeze %dma_wait3A_16 : memref<1x79x128xi32, #tpu.memory_space<hbm>> -> memref<79x128xi32, #tpu.memory_space<hbm>>
      %dma_wait3A_18 = arith.constant 0 : i32
      %dma_wait3A_19 = arith.constant 0 : i32
      %dma_wait3A_20 = tpu.memref_slice %arg5[%add3A, %dma_wait3A_18, %dma_wait3A_19] : memref<32x79x128xi32, #tpu.memory_space<hbm>> -> memref<1x79x128xi32, #tpu.memory_space<hbm>>
      %dma_wait3A_21 = tpu.memref_squeeze %dma_wait3A_20 : memref<1x79x128xi32, #tpu.memory_space<hbm>> -> memref<79x128xi32, #tpu.memory_space<hbm>>
      tpu.wait_dma2 semaphore(%run_scoped3A : memref<!tpu.dma_semaphore, #tpu.memory_space<semaphore_mem>>) src(%dma_wait3A_21 : memref<79x128xi32, #tpu.memory_space<hbm>>) dst(%arg9 : memref<79x128xi32, #tpu.memory_space<vmem>>)
      tpu.yield
    }) : () -> ()
    %mul3A_1 = arith.constant 10112 : i32
    %mul3A_2 = arith.muli %add3A, %mul3A_1 : i32
    %scan3A = arith.constant 0 : i32
    %scan3A_3 = arith.constant 0 : i32
    %scan3A_4 = arith.constant 79 : i32
    %scan3A_5 = arith.addi %scan3A_3, %scan3A_4 : i32
    %scan3A_6 = arith.constant 1 : i32
    scf.for %scan3A_8 = %scan3A_3 to %scan3A_5 step %scan3A_6  : i32 {
      %dma_start3A = arith.constant 0 : i32
      %dma_start3A_9 = tpu.memref_slice %arg8[%scan3A_8, %dma_start3A] : memref<79x128xi32, #tpu.memory_space<vmem>> -> memref<1x128xi32, #tpu.memory_space<vmem>>
      %dma_start3A_10 = tpu.memref_squeeze %dma_start3A_9 : memref<1x128xi32, #tpu.memory_space<vmem>> -> memref<128xi32, #tpu.memory_space<vmem>>
      %dma_start3A_11 = arith.constant 0 : i32
      %dma_start3A_12 = arith.constant 0 : i32
      %dma_start3A_13 = tpu.memref_slice %arg2[%dma_start3A_11, %dma_start3A_12] : memref<10240x128xf32, #tpu.memory_space<hbm>> -> memref<10240x128xf32, #tpu.memory_space<hbm>>
      tpu.enqueue_indirect_dma source(%dma_start3A_13 : memref<10240x128xf32, #tpu.memory_space<hbm>>) target(%arg10 : memref<128x128xf32, #tpu.memory_space<vmem>>) offsets(%dma_start3A_10 : memref<128xi32, #tpu.memory_space<vmem>>) semaphore(%arg12 : memref<!tpu.dma_semaphore, #tpu.memory_space<semaphore_mem>>)
      %dma_start3A_14 = arith.constant 0 : i32
      %dma_start3A_15 = tpu.memref_slice %arg9[%scan3A_8, %dma_start3A_14] : memref<79x128xi32, #tpu.memory_space<vmem>> -> memref<1x128xi32, #tpu.memory_space<vmem>>
      %dma_start3A_16 = tpu.memref_squeeze %dma_start3A_15 : memref<1x128xi32, #tpu.memory_space<vmem>> -> memref<128xi32, #tpu.memory_space<vmem>>
      %dma_start3A_17 = arith.constant 0 : i32
      %dma_start3A_18 = arith.constant 0 : i32
      %dma_start3A_19 = tpu.memref_slice %arg3[%dma_start3A_17, %dma_start3A_18] : memref<10240x128xf32, #tpu.memory_space<hbm>> -> memref<10240x128xf32, #tpu.memory_space<hbm>>
      tpu.enqueue_indirect_dma source(%dma_start3A_19 : memref<10240x128xf32, #tpu.memory_space<hbm>>) target(%arg11 : memref<128x128xf32, #tpu.memory_space<vmem>>) offsets(%dma_start3A_16 : memref<128xi32, #tpu.memory_space<vmem>>) semaphore(%arg13 : memref<!tpu.dma_semaphore, #tpu.memory_space<semaphore_mem>>)
      %dma_wait3A = arith.constant 0 : i32
      %dma_wait3A_20 = tpu.memref_slice %arg8[%scan3A_8, %dma_wait3A] : memref<79x128xi32, #tpu.memory_space<vmem>> -> memref<1x128xi32, #tpu.memory_space<vmem>>
      %dma_wait3A_21 = tpu.memref_squeeze %dma_wait3A_20 : memref<1x128xi32, #tpu.memory_space<vmem>> -> memref<128xi32, #tpu.memory_space<vmem>>
      %dma_wait3A_22 = arith.constant 0 : i32
      %dma_wait3A_23 = arith.constant 0 : i32
      %dma_wait3A_24 = tpu.memref_slice %arg2[%dma_wait3A_22, %dma_wait3A_23] : memref<10240x128xf32, #tpu.memory_space<hbm>> -> memref<10240x128xf32, #tpu.memory_space<hbm>>
      tpu.wait_indirect_dma semaphore(%arg12 : memref<!tpu.dma_semaphore, #tpu.memory_space<semaphore_mem>>) src(%dma_wait3A_24 : memref<10240x128xf32, #tpu.memory_space<hbm>>) dst(%arg10 : memref<128x128xf32, #tpu.memory_space<vmem>>)
      %dma_wait3A_25 = arith.constant 0 : i32
      %dma_wait3A_26 = tpu.memref_slice %arg9[%scan3A_8, %dma_wait3A_25] : memref<79x128xi32, #tpu.memory_space<vmem>> -> memref<1x128xi32, #tpu.memory_space<vmem>>
      %dma_wait3A_27 = tpu.memref_squeeze %dma_wait3A_26 : memref<1x128xi32, #tpu.memory_space<vmem>> -> memref<128xi32, #tpu.memory_space<vmem>>
      %dma_wait3A_28 = arith.constant 0 : i32
      %dma_wait3A_29 = arith.constant 0 : i32
      %dma_wait3A_30 = tpu.memref_slice %arg3[%dma_wait3A_28, %dma_wait3A_29] : memref<10240x128xf32, #tpu.memory_space<hbm>> -> memref<10240x128xf32, #tpu.memory_space<hbm>>
      tpu.wait_indirect_dma semaphore(%arg13 : memref<!tpu.dma_semaphore, #tpu.memory_space<semaphore_mem>>) src(%dma_wait3A_30 : memref<10240x128xf32, #tpu.memory_space<hbm>>) dst(%arg11 : memref<128x128xf32, #tpu.memory_space<vmem>>)
      %mul3A_31 = arith.constant 128 : i32
      %mul3A_32 = arith.muli %scan3A_8, %mul3A_31 : i32
      %add3A_33 = arith.addi %mul3A_2, %mul3A_32 : i32
      %mul3A_34 = arith.constant 128 : i32
      %mul3A_35 = arith.muli %scan3A_8, %mul3A_34 : i32
      %add3A_36 = arith.addi %mul3A_2, %mul3A_35 : i32
      %dma_start3A_37 = arith.constant 0 : i32
      %dma_start3A_38 = tpu.memref_slice %arg6[%add3A_33, %dma_start3A_37] : memref<323584x128xf32, #tpu.memory_space<hbm>> -> memref<128x128xf32, #tpu.memory_space<hbm>>
      %dma_start3A_39 = arith.constant 0 : i32
      %dma_start3A_40 = tpu.memref_slice %arg6[%add3A_33, %dma_start3A_39] : memref<323584x128xf32, #tpu.memory_space<hbm>> -> memref<128x128xf32, #tpu.memory_space<hbm>>
      tpu.enqueue_dma source(%arg10 : memref<128x128xf32, #tpu.memory_space<vmem>>) target(%dma_start3A_40 : memref<128x128xf32, #tpu.memory_space<hbm>>) target_semaphore(%arg12 : memref<!tpu.dma_semaphore, #tpu.memory_space<semaphore_mem>>)
      %dma_start3A_41 = arith.constant 0 : i32
      %dma_start3A_42 = tpu.memref_slice %arg7[%add3A_36, %dma_start3A_41] : memref<323584x128xf32, #tpu.memory_space<hbm>> -> memref<128x128xf32, #tpu.memory_space<hbm>>
      %dma_start3A_43 = arith.constant 0 : i32
      %dma_start3A_44 = tpu.memref_slice %arg7[%add3A_36, %dma_start3A_43] : memref<323584x128xf32, #tpu.memory_space<hbm>> -> memref<128x128xf32, #tpu.memory_space<hbm>>
      tpu.enqueue_dma source(%arg11 : memref<128x128xf32, #tpu.memory_space<vmem>>) target(%dma_start3A_44 : memref<128x128xf32, #tpu.memory_space<hbm>>) target_semaphore(%arg13 : memref<!tpu.dma_semaphore, #tpu.memory_space<semaphore_mem>>)
      %dma_wait3A_45 = arith.constant 0 : i32
      %dma_wait3A_46 = tpu.memref_slice %arg6[%add3A_33, %dma_wait3A_45] : memref<323584x128xf32, #tpu.memory_space<hbm>> -> memref<128x128xf32, #tpu.memory_space<hbm>>
      %dma_wait3A_47 = arith.constant 0 : i32
      %dma_wait3A_48 = tpu.memref_slice %arg6[%add3A_33, %dma_wait3A_47] : memref<323584x128xf32, #tpu.memory_space<hbm>> -> memref<128x128xf32, #tpu.memory_space<hbm>>
      tpu.wait_dma2 semaphore(%arg12 : memref<!tpu.dma_semaphore, #tpu.memory_space<semaphore_mem>>) src(%arg10 : memref<128x128xf32, #tpu.memory_space<vmem>>) dst(%dma_wait3A_48 : memref<128x128xf32, #tpu.memory_space<hbm>>)
      %dma_wait3A_49 = arith.constant 0 : i32
      %dma_wait3A_50 = tpu.memref_slice %arg7[%add3A_36, %dma_wait3A_49] : memref<323584x128xf32, #tpu.memory_space<hbm>> -> memref<128x128xf32, #tpu.memory_space<hbm>>
      %dma_wait3A_51 = arith.constant 0 : i32
      %dma_wait3A_52 = tpu.memref_slice %arg7[%add3A_36, %dma_wait3A_51] : memref<323584x128xf32, #tpu.memory_space<hbm>> -> memref<128x128xf32, #tpu.memory_space<hbm>>
      tpu.wait_dma2 semaphore(%arg13 : memref<!tpu.dma_semaphore, #tpu.memory_space<semaphore_mem>>) src(%arg11 : memref<128x128xf32, #tpu.memory_space<vmem>>) dst(%dma_wait3A_52 : memref<128x128xf32, #tpu.memory_space<hbm>>)
    }
    %scan3A_7 = arith.constant 79 : i32
    return
  }
}

#map = affine_map<(d0, d1) -> (0, 0)>
#map1 = affine_map<(d0, d1) -> (0, 0, 0)>
module attributes {stable_mosaic.version = 14 : i64} {
  func.func @k(%arg0: i32, %arg1: i32, %arg2: memref<323584x128xf32, #tpu.memory_space<hbm>>, %arg3: memref<32x79x128xi32, #tpu.memory_space<hbm>>, %arg4: memref<10240x128xf32, #tpu.memory_space<hbm>>, %arg5: memref<2x10240x128xf32, #tpu.memory_space<hbm>>, %arg6: memref<128xi32, #tpu.memory_space<vmem>>, %arg7: memref<128x128xf32, #tpu.memory_space<vmem>>, %arg8: memref<10240x128xf32, #tpu.memory_space<vmem_shared>>, %arg9: memref<!tpu.dma_semaphore, #tpu.memory_space<semaphore_mem>>, %arg10: memref<!tpu.dma_semaphore, #tpu.memory_space<semaphore_mem>>) attributes {dimension_semantics = [#tpu.dimension_semantics<core_parallel>, #tpu.dimension_semantics<subcore_parallel>], iteration_bounds = array<i64: 2, 16>, scalar_prefetch = 0 : i64, scratch_operands = 5 : i64, tpu.core_type = #tpu.core_type<sc_vector_subcore>, window_params = [{transform_indices = #map}, {transform_indices = #map1}, {transform_indices = #map}, {transform_indices = #map1}]} {
    %mul3A = arith.constant 2 : i32
    %mul3A_0 = arith.muli %arg1, %mul3A : i32
    %add3A = arith.addi %mul3A_0, %arg0 : i32
    %eq3A = arith.constant 0 : i32
    %eq3A_1 = arith.cmpi eq, %arg1, %eq3A : i32
    %convert_element_type3A = arith.extui %eq3A_1 : i1 to i32
    %cond3A = arith.constant 0 : i32
    %cond3A_2 = arith.cmpi ne, %convert_element_type3A, %cond3A : i32
    scf.if %cond3A_2 {
      "tpu.region"() ({
        %run_scoped3A = tpu.sem_alloc : memref<!tpu.dma_semaphore, #tpu.memory_space<semaphore_mem>>
        tpu.enqueue_dma source(%arg4 : memref<10240x128xf32, #tpu.memory_space<hbm>>) target(%arg8 : memref<10240x128xf32, #tpu.memory_space<vmem_shared>>) target_semaphore(%run_scoped3A : memref<!tpu.dma_semaphore, #tpu.memory_space<semaphore_mem>>)
        tpu.wait_dma2 semaphore(%run_scoped3A : memref<!tpu.dma_semaphore, #tpu.memory_space<semaphore_mem>>) src(%arg4 : memref<10240x128xf32, #tpu.memory_space<hbm>>) dst(%arg8 : memref<10240x128xf32, #tpu.memory_space<vmem_shared>>)
        tpu.yield
      }) : () -> ()
    } else {
    }
    %barrier3A = arith.constant 0 : index
    tpu.barrier barrier_id(%barrier3A)
    %mul3A_3 = arith.constant 10112 : i32
    %mul3A_4 = arith.muli %add3A, %mul3A_3 : i32
    %scan3A = arith.constant 0 : i32
    %scan3A_5 = arith.constant 0 : i32
    %scan3A_6 = arith.constant 79 : i32
    %scan3A_7 = arith.addi %scan3A_5, %scan3A_6 : i32
    %scan3A_8 = arith.constant 1 : i32
    scf.for %scan3A_16 = %scan3A_5 to %scan3A_7 step %scan3A_8  : i32 {
      %mul3A_17 = arith.constant 128 : i32
      %mul3A_18 = arith.muli %scan3A_16, %mul3A_17 : i32
      %add3A_19 = arith.addi %mul3A_4, %mul3A_18 : i32
      %dma_start3A = arith.constant 0 : i32
      %dma_start3A_20 = tpu.memref_slice %arg2[%add3A_19, %dma_start3A] : memref<323584x128xf32, #tpu.memory_space<hbm>> -> memref<128x128xf32, #tpu.memory_space<hbm>>
      %dma_start3A_21 = arith.constant 0 : i32
      %dma_start3A_22 = tpu.memref_slice %arg2[%add3A_19, %dma_start3A_21] : memref<323584x128xf32, #tpu.memory_space<hbm>> -> memref<128x128xf32, #tpu.memory_space<hbm>>
      tpu.enqueue_dma source(%dma_start3A_22 : memref<128x128xf32, #tpu.memory_space<hbm>>) target(%arg7 : memref<128x128xf32, #tpu.memory_space<vmem>>) target_semaphore(%arg9 : memref<!tpu.dma_semaphore, #tpu.memory_space<semaphore_mem>>)
      %dma_start3A_23 = arith.constant 0 : i32
      %dma_start3A_24 = tpu.memref_slice %arg3[%add3A, %scan3A_16, %dma_start3A_23] : memref<32x79x128xi32, #tpu.memory_space<hbm>> -> memref<1x1x128xi32, #tpu.memory_space<hbm>>
      %dma_start3A_25 = tpu.memref_squeeze %dma_start3A_24 : memref<1x1x128xi32, #tpu.memory_space<hbm>> -> memref<128xi32, #tpu.memory_space<hbm>>
      %dma_start3A_26 = arith.constant 0 : i32
      %dma_start3A_27 = tpu.memref_slice %arg3[%add3A, %scan3A_16, %dma_start3A_26] : memref<32x79x128xi32, #tpu.memory_space<hbm>> -> memref<1x1x128xi32, #tpu.memory_space<hbm>>
      %dma_start3A_28 = tpu.memref_squeeze %dma_start3A_27 : memref<1x1x128xi32, #tpu.memory_space<hbm>> -> memref<128xi32, #tpu.memory_space<hbm>>
      tpu.enqueue_dma source(%dma_start3A_28 : memref<128xi32, #tpu.memory_space<hbm>>) target(%arg6 : memref<128xi32, #tpu.memory_space<vmem>>) target_semaphore(%arg10 : memref<!tpu.dma_semaphore, #tpu.memory_space<semaphore_mem>>)
      %dma_wait3A = arith.constant 0 : i32
      %dma_wait3A_29 = tpu.memref_slice %arg2[%add3A_19, %dma_wait3A] : memref<323584x128xf32, #tpu.memory_space<hbm>> -> memref<128x128xf32, #tpu.memory_space<hbm>>
      %dma_wait3A_30 = arith.constant 0 : i32
      %dma_wait3A_31 = tpu.memref_slice %arg2[%add3A_19, %dma_wait3A_30] : memref<323584x128xf32, #tpu.memory_space<hbm>> -> memref<128x128xf32, #tpu.memory_space<hbm>>
      tpu.wait_dma2 semaphore(%arg9 : memref<!tpu.dma_semaphore, #tpu.memory_space<semaphore_mem>>) src(%dma_wait3A_31 : memref<128x128xf32, #tpu.memory_space<hbm>>) dst(%arg7 : memref<128x128xf32, #tpu.memory_space<vmem>>)
      %dma_wait3A_32 = arith.constant 0 : i32
      %dma_wait3A_33 = tpu.memref_slice %arg3[%add3A, %scan3A_16, %dma_wait3A_32] : memref<32x79x128xi32, #tpu.memory_space<hbm>> -> memref<1x1x128xi32, #tpu.memory_space<hbm>>
      %dma_wait3A_34 = tpu.memref_squeeze %dma_wait3A_33 : memref<1x1x128xi32, #tpu.memory_space<hbm>> -> memref<128xi32, #tpu.memory_space<hbm>>
      %dma_wait3A_35 = arith.constant 0 : i32
      %dma_wait3A_36 = tpu.memref_slice %arg3[%add3A, %scan3A_16, %dma_wait3A_35] : memref<32x79x128xi32, #tpu.memory_space<hbm>> -> memref<1x1x128xi32, #tpu.memory_space<hbm>>
      %dma_wait3A_37 = tpu.memref_squeeze %dma_wait3A_36 : memref<1x1x128xi32, #tpu.memory_space<hbm>> -> memref<128xi32, #tpu.memory_space<hbm>>
      tpu.wait_dma2 semaphore(%arg10 : memref<!tpu.dma_semaphore, #tpu.memory_space<semaphore_mem>>) src(%dma_wait3A_37 : memref<128xi32, #tpu.memory_space<hbm>>) dst(%arg6 : memref<128xi32, #tpu.memory_space<vmem>>)
      "tpu.region"() ({
        %run_scoped3A = tpu.sem_alloc : memref<!tpu.dma_semaphore, #tpu.memory_space<semaphore_mem>>
        %dma_start3A_38 = arith.constant 0 : i32
        %dma_start3A_39 = arith.constant 0 : i32
        %dma_start3A_40 = tpu.memref_slice %arg8[%dma_start3A_38, %dma_start3A_39] : memref<10240x128xf32, #tpu.memory_space<vmem_shared>> -> memref<10240x128xf32, #tpu.memory_space<vmem_shared>>
        tpu.enqueue_indirect_dma source(%arg7 : memref<128x128xf32, #tpu.memory_space<vmem>>) target(%dma_start3A_40 : memref<10240x128xf32, #tpu.memory_space<vmem_shared>>) offsets(%arg6 : memref<128xi32, #tpu.memory_space<vmem>>) semaphore(%run_scoped3A : memref<!tpu.dma_semaphore, #tpu.memory_space<semaphore_mem>>) {add = true}
        %dma_wait3A_41 = arith.constant 0 : i32
        %dma_wait3A_42 = arith.constant 0 : i32
        %dma_wait3A_43 = tpu.memref_slice %arg8[%dma_wait3A_41, %dma_wait3A_42] : memref<10240x128xf32, #tpu.memory_space<vmem_shared>> -> memref<10240x128xf32, #tpu.memory_space<vmem_shared>>
        tpu.wait_indirect_dma semaphore(%run_scoped3A : memref<!tpu.dma_semaphore, #tpu.memory_space<semaphore_mem>>) src(%arg7 : memref<128x128xf32, #tpu.memory_space<vmem>>) dst(%dma_wait3A_43 : memref<10240x128xf32, #tpu.memory_space<vmem_shared>>)
        tpu.yield
      }) : () -> ()
    }
    %scan3A_9 = arith.constant 79 : i32
    %barrier3A_10 = arith.constant 0 : index
    tpu.barrier barrier_id(%barrier3A_10)
    %eq3A_11 = arith.constant 0 : i32
    %eq3A_12 = arith.cmpi eq, %arg1, %eq3A_11 : i32
    %convert_element_type3A_13 = arith.extui %eq3A_12 : i1 to i32
    %cond3A_14 = arith.constant 0 : i32
    %cond3A_15 = arith.cmpi ne, %convert_element_type3A_13, %cond3A_14 : i32
    scf.if %cond3A_15 {
      "tpu.region"() ({
        %run_scoped3A = tpu.sem_alloc : memref<!tpu.dma_semaphore, #tpu.memory_space<semaphore_mem>>
        %dma_start3A = arith.constant 0 : i32
        %dma_start3A_16 = arith.constant 0 : i32
        %dma_start3A_17 = tpu.memref_slice %arg5[%arg0, %dma_start3A, %dma_start3A_16] : memref<2x10240x128xf32, #tpu.memory_space<hbm>> -> memref<1x10240x128xf32, #tpu.memory_space<hbm>>
        %dma_start3A_18 = tpu.memref_squeeze %dma_start3A_17 : memref<1x10240x128xf32, #tpu.memory_space<hbm>> -> memref<10240x128xf32, #tpu.memory_space<hbm>>
        tpu.enqueue_dma source(%arg8 : memref<10240x128xf32, #tpu.memory_space<vmem_shared>>) target(%dma_start3A_18 : memref<10240x128xf32, #tpu.memory_space<hbm>>) target_semaphore(%run_scoped3A : memref<!tpu.dma_semaphore, #tpu.memory_space<semaphore_mem>>)
        %dma_wait3A = arith.constant 0 : i32
        %dma_wait3A_19 = arith.constant 0 : i32
        %dma_wait3A_20 = tpu.memref_slice %arg5[%arg0, %dma_wait3A, %dma_wait3A_19] : memref<2x10240x128xf32, #tpu.memory_space<hbm>> -> memref<1x10240x128xf32, #tpu.memory_space<hbm>>
        %dma_wait3A_21 = tpu.memref_squeeze %dma_wait3A_20 : memref<1x10240x128xf32, #tpu.memory_space<hbm>> -> memref<10240x128xf32, #tpu.memory_space<hbm>>
        tpu.wait_dma2 semaphore(%run_scoped3A : memref<!tpu.dma_semaphore, #tpu.memory_space<semaphore_mem>>) src(%arg8 : memref<10240x128xf32, #tpu.memory_space<vmem_shared>>) dst(%dma_wait3A_21 : memref<10240x128xf32, #tpu.memory_space<hbm>>)
        tpu.yield
      }) : () -> ()
    } else {
    }
    return
  }
}

#map = affine_map<(d0, d1) -> (0, 0)>
#map1 = affine_map<(d0, d1) -> (0, 0, 0)>
module attributes {stable_mosaic.version = 14 : i64} {
  func.func @k(%arg0: i32, %arg1: i32, %arg2: memref<10240x128xf32, #tpu.memory_space<hbm>>, %arg3: memref<10240x128xf32, #tpu.memory_space<hbm>>, %arg4: memref<32x79x128xi32, #tpu.memory_space<hbm>>, %arg5: memref<32x79x128xi32, #tpu.memory_space<hbm>>, %arg6: memref<323584x128xf32, #tpu.memory_space<hbm>>, %arg7: memref<323584x128xf32, #tpu.memory_space<hbm>>, %arg8: memref<79x128xi32, #tpu.memory_space<vmem>>, %arg9: memref<79x128xi32, #tpu.memory_space<vmem>>, %arg10: memref<128x128xf32, #tpu.memory_space<vmem>>, %arg11: memref<128x128xf32, #tpu.memory_space<vmem>>, %arg12: memref<!tpu.dma_semaphore, #tpu.memory_space<semaphore_mem>>, %arg13: memref<!tpu.dma_semaphore, #tpu.memory_space<semaphore_mem>>) attributes {dimension_semantics = [#tpu.dimension_semantics<core_parallel>, #tpu.dimension_semantics<subcore_parallel>], iteration_bounds = array<i64: 2, 16>, scalar_prefetch = 0 : i64, scratch_operands = 6 : i64, tpu.core_type = #tpu.core_type<sc_vector_subcore>, window_params = [{transform_indices = #map}, {transform_indices = #map}, {transform_indices = #map1}, {transform_indices = #map1}, {transform_indices = #map}, {transform_indices = #map}]} {
    %mul3A = arith.constant 2 : i32
    %mul3A_0 = arith.muli %arg1, %mul3A : i32
    %add3A = arith.addi %mul3A_0, %arg0 : i32
    "tpu.region"() ({
      %run_scoped3A = tpu.sem_alloc : memref<!tpu.dma_semaphore, #tpu.memory_space<semaphore_mem>>
      %dma_start3A = arith.constant 0 : i32
      %dma_start3A_8 = arith.constant 0 : i32
      %dma_start3A_9 = tpu.memref_slice %arg4[%add3A, %dma_start3A, %dma_start3A_8] : memref<32x79x128xi32, #tpu.memory_space<hbm>> -> memref<1x79x128xi32, #tpu.memory_space<hbm>>
      %dma_start3A_10 = tpu.memref_squeeze %dma_start3A_9 : memref<1x79x128xi32, #tpu.memory_space<hbm>> -> memref<79x128xi32, #tpu.memory_space<hbm>>
      %dma_start3A_11 = arith.constant 0 : i32
      %dma_start3A_12 = arith.constant 0 : i32
      %dma_start3A_13 = tpu.memref_slice %arg4[%add3A, %dma_start3A_11, %dma_start3A_12] : memref<32x79x128xi32, #tpu.memory_space<hbm>> -> memref<1x79x128xi32, #tpu.memory_space<hbm>>
      %dma_start3A_14 = tpu.memref_squeeze %dma_start3A_13 : memref<1x79x128xi32, #tpu.memory_space<hbm>> -> memref<79x128xi32, #tpu.memory_space<hbm>>
      tpu.enqueue_dma source(%dma_start3A_14 : memref<79x128xi32, #tpu.memory_space<hbm>>) target(%arg8 : memref<79x128xi32, #tpu.memory_space<vmem>>) target_semaphore(%run_scoped3A : memref<!tpu.dma_semaphore, #tpu.memory_space<semaphore_mem>>)
      %dma_wait3A = arith.constant 0 : i32
      %dma_wait3A_15 = arith.constant 0 : i32
      %dma_wait3A_16 = tpu.memref_slice %arg4[%add3A, %dma_wait3A, %dma_wait3A_15] : memref<32x79x128xi32, #tpu.memory_space<hbm>> -> memref<1x79x128xi32, #tpu.memory_space<hbm>>
      %dma_wait3A_17 = tpu.memref_squeeze %dma_wait3A_16 : memref<1x79x128xi32, #tpu.memory_space<hbm>> -> memref<79x128xi32, #tpu.memory_space<hbm>>
      %dma_wait3A_18 = arith.constant 0 : i32
      %dma_wait3A_19 = arith.constant 0 : i32
      %dma_wait3A_20 = tpu.memref_slice %arg4[%add3A, %dma_wait3A_18, %dma_wait3A_19] : memref<32x79x128xi32, #tpu.memory_space<hbm>> -> memref<1x79x128xi32, #tpu.memory_space<hbm>>
      %dma_wait3A_21 = tpu.memref_squeeze %dma_wait3A_20 : memref<1x79x128xi32, #tpu.memory_space<hbm>> -> memref<79x128xi32, #tpu.memory_space<hbm>>
      tpu.wait_dma2 semaphore(%run_scoped3A : memref<!tpu.dma_semaphore, #tpu.memory_space<semaphore_mem>>) src(%dma_wait3A_21 : memref<79x128xi32, #tpu.memory_space<hbm>>) dst(%arg8 : memref<79x128xi32, #tpu.memory_space<vmem>>)
      tpu.yield
    }) : () -> ()
    "tpu.region"() ({
      %run_scoped3A = tpu.sem_alloc : memref<!tpu.dma_semaphore, #tpu.memory_space<semaphore_mem>>
      %dma_start3A = arith.constant 0 : i32
      %dma_start3A_8 = arith.constant 0 : i32
      %dma_start3A_9 = tpu.memref_slice %arg5[%add3A, %dma_start3A, %dma_start3A_8] : memref<32x79x128xi32, #tpu.memory_space<hbm>> -> memref<1x79x128xi32, #tpu.memory_space<hbm>>
      %dma_start3A_10 = tpu.memref_squeeze %dma_start3A_9 : memref<1x79x128xi32, #tpu.memory_space<hbm>> -> memref<79x128xi32, #tpu.memory_space<hbm>>
      %dma_start3A_11 = arith.constant 0 : i32
      %dma_start3A_12 = arith.constant 0 : i32
      %dma_start3A_13 = tpu.memref_slice %arg5[%add3A, %dma_start3A_11, %dma_start3A_12] : memref<32x79x128xi32, #tpu.memory_space<hbm>> -> memref<1x79x128xi32, #tpu.memory_space<hbm>>
      %dma_start3A_14 = tpu.memref_squeeze %dma_start3A_13 : memref<1x79x128xi32, #tpu.memory_space<hbm>> -> memref<79x128xi32, #tpu.memory_space<hbm>>
      tpu.enqueue_dma source(%dma_start3A_14 : memref<79x128xi32, #tpu.memory_space<hbm>>) target(%arg9 : memref<79x128xi32, #tpu.memory_space<vmem>>) target_semaphore(%run_scoped3A : memref<!tpu.dma_semaphore, #tpu.memory_space<semaphore_mem>>)
      %dma_wait3A = arith.constant 0 : i32
      %dma_wait3A_15 = arith.constant 0 : i32
      %dma_wait3A_16 = tpu.memref_slice %arg5[%add3A, %dma_wait3A, %dma_wait3A_15] : memref<32x79x128xi32, #tpu.memory_space<hbm>> -> memref<1x79x128xi32, #tpu.memory_space<hbm>>
      %dma_wait3A_17 = tpu.memref_squeeze %dma_wait3A_16 : memref<1x79x128xi32, #tpu.memory_space<hbm>> -> memref<79x128xi32, #tpu.memory_space<hbm>>
      %dma_wait3A_18 = arith.constant 0 : i32
      %dma_wait3A_19 = arith.constant 0 : i32
      %dma_wait3A_20 = tpu.memref_slice %arg5[%add3A, %dma_wait3A_18, %dma_wait3A_19] : memref<32x79x128xi32, #tpu.memory_space<hbm>> -> memref<1x79x128xi32, #tpu.memory_space<hbm>>
      %dma_wait3A_21 = tpu.memref_squeeze %dma_wait3A_20 : memref<1x79x128xi32, #tpu.memory_space<hbm>> -> memref<79x128xi32, #tpu.memory_space<hbm>>
      tpu.wait_dma2 semaphore(%run_scoped3A : memref<!tpu.dma_semaphore, #tpu.memory_space<semaphore_mem>>) src(%dma_wait3A_21 : memref<79x128xi32, #tpu.memory_space<hbm>>) dst(%arg9 : memref<79x128xi32, #tpu.memory_space<vmem>>)
      tpu.yield
    }) : () -> ()
    %mul3A_1 = arith.constant 10112 : i32
    %mul3A_2 = arith.muli %add3A, %mul3A_1 : i32
    %scan3A = arith.constant 0 : i32
    %scan3A_3 = arith.constant 0 : i32
    %scan3A_4 = arith.constant 79 : i32
    %scan3A_5 = arith.addi %scan3A_3, %scan3A_4 : i32
    %scan3A_6 = arith.constant 1 : i32
    scf.for %scan3A_8 = %scan3A_3 to %scan3A_5 step %scan3A_6  : i32 {
      %dma_start3A = arith.constant 0 : i32
      %dma_start3A_9 = tpu.memref_slice %arg8[%scan3A_8, %dma_start3A] : memref<79x128xi32, #tpu.memory_space<vmem>> -> memref<1x128xi32, #tpu.memory_space<vmem>>
      %dma_start3A_10 = tpu.memref_squeeze %dma_start3A_9 : memref<1x128xi32, #tpu.memory_space<vmem>> -> memref<128xi32, #tpu.memory_space<vmem>>
      %dma_start3A_11 = arith.constant 0 : i32
      %dma_start3A_12 = arith.constant 0 : i32
      %dma_start3A_13 = tpu.memref_slice %arg2[%dma_start3A_11, %dma_start3A_12] : memref<10240x128xf32, #tpu.memory_space<hbm>> -> memref<10240x128xf32, #tpu.memory_space<hbm>>
      tpu.enqueue_indirect_dma source(%dma_start3A_13 : memref<10240x128xf32, #tpu.memory_space<hbm>>) target(%arg10 : memref<128x128xf32, #tpu.memory_space<vmem>>) offsets(%dma_start3A_10 : memref<128xi32, #tpu.memory_space<vmem>>) semaphore(%arg12 : memref<!tpu.dma_semaphore, #tpu.memory_space<semaphore_mem>>)
      %dma_start3A_14 = arith.constant 0 : i32
      %dma_start3A_15 = tpu.memref_slice %arg9[%scan3A_8, %dma_start3A_14] : memref<79x128xi32, #tpu.memory_space<vmem>> -> memref<1x128xi32, #tpu.memory_space<vmem>>
      %dma_start3A_16 = tpu.memref_squeeze %dma_start3A_15 : memref<1x128xi32, #tpu.memory_space<vmem>> -> memref<128xi32, #tpu.memory_space<vmem>>
      %dma_start3A_17 = arith.constant 0 : i32
      %dma_start3A_18 = arith.constant 0 : i32
      %dma_start3A_19 = tpu.memref_slice %arg3[%dma_start3A_17, %dma_start3A_18] : memref<10240x128xf32, #tpu.memory_space<hbm>> -> memref<10240x128xf32, #tpu.memory_space<hbm>>
      tpu.enqueue_indirect_dma source(%dma_start3A_19 : memref<10240x128xf32, #tpu.memory_space<hbm>>) target(%arg11 : memref<128x128xf32, #tpu.memory_space<vmem>>) offsets(%dma_start3A_16 : memref<128xi32, #tpu.memory_space<vmem>>) semaphore(%arg13 : memref<!tpu.dma_semaphore, #tpu.memory_space<semaphore_mem>>)
      %dma_wait3A = arith.constant 0 : i32
      %dma_wait3A_20 = tpu.memref_slice %arg8[%scan3A_8, %dma_wait3A] : memref<79x128xi32, #tpu.memory_space<vmem>> -> memref<1x128xi32, #tpu.memory_space<vmem>>
      %dma_wait3A_21 = tpu.memref_squeeze %dma_wait3A_20 : memref<1x128xi32, #tpu.memory_space<vmem>> -> memref<128xi32, #tpu.memory_space<vmem>>
      %dma_wait3A_22 = arith.constant 0 : i32
      %dma_wait3A_23 = arith.constant 0 : i32
      %dma_wait3A_24 = tpu.memref_slice %arg2[%dma_wait3A_22, %dma_wait3A_23] : memref<10240x128xf32, #tpu.memory_space<hbm>> -> memref<10240x128xf32, #tpu.memory_space<hbm>>
      tpu.wait_indirect_dma semaphore(%arg12 : memref<!tpu.dma_semaphore, #tpu.memory_space<semaphore_mem>>) src(%dma_wait3A_24 : memref<10240x128xf32, #tpu.memory_space<hbm>>) dst(%arg10 : memref<128x128xf32, #tpu.memory_space<vmem>>)
      %dma_wait3A_25 = arith.constant 0 : i32
      %dma_wait3A_26 = tpu.memref_slice %arg9[%scan3A_8, %dma_wait3A_25] : memref<79x128xi32, #tpu.memory_space<vmem>> -> memref<1x128xi32, #tpu.memory_space<vmem>>
      %dma_wait3A_27 = tpu.memref_squeeze %dma_wait3A_26 : memref<1x128xi32, #tpu.memory_space<vmem>> -> memref<128xi32, #tpu.memory_space<vmem>>
      %dma_wait3A_28 = arith.constant 0 : i32
      %dma_wait3A_29 = arith.constant 0 : i32
      %dma_wait3A_30 = tpu.memref_slice %arg3[%dma_wait3A_28, %dma_wait3A_29] : memref<10240x128xf32, #tpu.memory_space<hbm>> -> memref<10240x128xf32, #tpu.memory_space<hbm>>
      tpu.wait_indirect_dma semaphore(%arg13 : memref<!tpu.dma_semaphore, #tpu.memory_space<semaphore_mem>>) src(%dma_wait3A_30 : memref<10240x128xf32, #tpu.memory_space<hbm>>) dst(%arg11 : memref<128x128xf32, #tpu.memory_space<vmem>>)
      %mul3A_31 = arith.constant 128 : i32
      %mul3A_32 = arith.muli %scan3A_8, %mul3A_31 : i32
      %add3A_33 = arith.addi %mul3A_2, %mul3A_32 : i32
      %mul3A_34 = arith.constant 128 : i32
      %mul3A_35 = arith.muli %scan3A_8, %mul3A_34 : i32
      %add3A_36 = arith.addi %mul3A_2, %mul3A_35 : i32
      %dma_start3A_37 = arith.constant 0 : i32
      %dma_start3A_38 = tpu.memref_slice %arg6[%add3A_33, %dma_start3A_37] : memref<323584x128xf32, #tpu.memory_space<hbm>> -> memref<128x128xf32, #tpu.memory_space<hbm>>
      %dma_start3A_39 = arith.constant 0 : i32
      %dma_start3A_40 = tpu.memref_slice %arg6[%add3A_33, %dma_start3A_39] : memref<323584x128xf32, #tpu.memory_space<hbm>> -> memref<128x128xf32, #tpu.memory_space<hbm>>
      tpu.enqueue_dma source(%arg10 : memref<128x128xf32, #tpu.memory_space<vmem>>) target(%dma_start3A_40 : memref<128x128xf32, #tpu.memory_space<hbm>>) target_semaphore(%arg12 : memref<!tpu.dma_semaphore, #tpu.memory_space<semaphore_mem>>)
      %dma_start3A_41 = arith.constant 0 : i32
      %dma_start3A_42 = tpu.memref_slice %arg7[%add3A_36, %dma_start3A_41] : memref<323584x128xf32, #tpu.memory_space<hbm>> -> memref<128x128xf32, #tpu.memory_space<hbm>>
      %dma_start3A_43 = arith.constant 0 : i32
      %dma_start3A_44 = tpu.memref_slice %arg7[%add3A_36, %dma_start3A_43] : memref<323584x128xf32, #tpu.memory_space<hbm>> -> memref<128x128xf32, #tpu.memory_space<hbm>>
      tpu.enqueue_dma source(%arg11 : memref<128x128xf32, #tpu.memory_space<vmem>>) target(%dma_start3A_44 : memref<128x128xf32, #tpu.memory_space<hbm>>) target_semaphore(%arg13 : memref<!tpu.dma_semaphore, #tpu.memory_space<semaphore_mem>>)
      %dma_wait3A_45 = arith.constant 0 : i32
      %dma_wait3A_46 = tpu.memref_slice %arg6[%add3A_33, %dma_wait3A_45] : memref<323584x128xf32, #tpu.memory_space<hbm>> -> memref<128x128xf32, #tpu.memory_space<hbm>>
      %dma_wait3A_47 = arith.constant 0 : i32
      %dma_wait3A_48 = tpu.memref_slice %arg6[%add3A_33, %dma_wait3A_47] : memref<323584x128xf32, #tpu.memory_space<hbm>> -> memref<128x128xf32, #tpu.memory_space<hbm>>
      tpu.wait_dma2 semaphore(%arg12 : memref<!tpu.dma_semaphore, #tpu.memory_space<semaphore_mem>>) src(%arg10 : memref<128x128xf32, #tpu.memory_space<vmem>>) dst(%dma_wait3A_48 : memref<128x128xf32, #tpu.memory_space<hbm>>)
      %dma_wait3A_49 = arith.constant 0 : i32
      %dma_wait3A_50 = tpu.memref_slice %arg7[%add3A_36, %dma_wait3A_49] : memref<323584x128xf32, #tpu.memory_space<hbm>> -> memref<128x128xf32, #tpu.memory_space<hbm>>
      %dma_wait3A_51 = arith.constant 0 : i32
      %dma_wait3A_52 = tpu.memref_slice %arg7[%add3A_36, %dma_wait3A_51] : memref<323584x128xf32, #tpu.memory_space<hbm>> -> memref<128x128xf32, #tpu.memory_space<hbm>>
      tpu.wait_dma2 semaphore(%arg13 : memref<!tpu.dma_semaphore, #tpu.memory_space<semaphore_mem>>) src(%arg11 : memref<128x128xf32, #tpu.memory_space<vmem>>) dst(%dma_wait3A_52 : memref<128x128xf32, #tpu.memory_space<hbm>>)
    }
    %scan3A_7 = arith.constant 79 : i32
    return
  }
}

#map = affine_map<(d0, d1) -> (0, 0)>
#map1 = affine_map<(d0, d1) -> (0, 0, 0)>
module attributes {stable_mosaic.version = 14 : i64} {
  func.func @k(%arg0: i32, %arg1: i32, %arg2: memref<323584x128xf32, #tpu.memory_space<hbm>>, %arg3: memref<32x79x128xi32, #tpu.memory_space<hbm>>, %arg4: memref<10240x128xf32, #tpu.memory_space<hbm>>, %arg5: memref<2x10240x128xf32, #tpu.memory_space<hbm>>, %arg6: memref<128xi32, #tpu.memory_space<vmem>>, %arg7: memref<128x128xf32, #tpu.memory_space<vmem>>, %arg8: memref<10240x128xf32, #tpu.memory_space<vmem_shared>>, %arg9: memref<!tpu.dma_semaphore, #tpu.memory_space<semaphore_mem>>, %arg10: memref<!tpu.dma_semaphore, #tpu.memory_space<semaphore_mem>>) attributes {dimension_semantics = [#tpu.dimension_semantics<core_parallel>, #tpu.dimension_semantics<subcore_parallel>], iteration_bounds = array<i64: 2, 16>, scalar_prefetch = 0 : i64, scratch_operands = 5 : i64, tpu.core_type = #tpu.core_type<sc_vector_subcore>, window_params = [{transform_indices = #map}, {transform_indices = #map1}, {transform_indices = #map}, {transform_indices = #map1}]} {
    %mul3A = arith.constant 2 : i32
    %mul3A_0 = arith.muli %arg1, %mul3A : i32
    %add3A = arith.addi %mul3A_0, %arg0 : i32
    %eq3A = arith.constant 0 : i32
    %eq3A_1 = arith.cmpi eq, %arg1, %eq3A : i32
    %convert_element_type3A = arith.extui %eq3A_1 : i1 to i32
    %cond3A = arith.constant 0 : i32
    %cond3A_2 = arith.cmpi ne, %convert_element_type3A, %cond3A : i32
    scf.if %cond3A_2 {
      "tpu.region"() ({
        %run_scoped3A = tpu.sem_alloc : memref<!tpu.dma_semaphore, #tpu.memory_space<semaphore_mem>>
        tpu.enqueue_dma source(%arg4 : memref<10240x128xf32, #tpu.memory_space<hbm>>) target(%arg8 : memref<10240x128xf32, #tpu.memory_space<vmem_shared>>) target_semaphore(%run_scoped3A : memref<!tpu.dma_semaphore, #tpu.memory_space<semaphore_mem>>)
        tpu.wait_dma2 semaphore(%run_scoped3A : memref<!tpu.dma_semaphore, #tpu.memory_space<semaphore_mem>>) src(%arg4 : memref<10240x128xf32, #tpu.memory_space<hbm>>) dst(%arg8 : memref<10240x128xf32, #tpu.memory_space<vmem_shared>>)
        tpu.yield
      }) : () -> ()
    } else {
    }
    %barrier3A = arith.constant 0 : index
    tpu.barrier barrier_id(%barrier3A)
    %mul3A_3 = arith.constant 10112 : i32
    %mul3A_4 = arith.muli %add3A, %mul3A_3 : i32
    %scan3A = arith.constant 0 : i32
    %scan3A_5 = arith.constant 0 : i32
    %scan3A_6 = arith.constant 79 : i32
    %scan3A_7 = arith.addi %scan3A_5, %scan3A_6 : i32
    %scan3A_8 = arith.constant 1 : i32
    scf.for %scan3A_16 = %scan3A_5 to %scan3A_7 step %scan3A_8  : i32 {
      %mul3A_17 = arith.constant 128 : i32
      %mul3A_18 = arith.muli %scan3A_16, %mul3A_17 : i32
      %add3A_19 = arith.addi %mul3A_4, %mul3A_18 : i32
      %dma_start3A = arith.constant 0 : i32
      %dma_start3A_20 = tpu.memref_slice %arg2[%add3A_19, %dma_start3A] : memref<323584x128xf32, #tpu.memory_space<hbm>> -> memref<128x128xf32, #tpu.memory_space<hbm>>
      %dma_start3A_21 = arith.constant 0 : i32
      %dma_start3A_22 = tpu.memref_slice %arg2[%add3A_19, %dma_start3A_21] : memref<323584x128xf32, #tpu.memory_space<hbm>> -> memref<128x128xf32, #tpu.memory_space<hbm>>
      tpu.enqueue_dma source(%dma_start3A_22 : memref<128x128xf32, #tpu.memory_space<hbm>>) target(%arg7 : memref<128x128xf32, #tpu.memory_space<vmem>>) target_semaphore(%arg9 : memref<!tpu.dma_semaphore, #tpu.memory_space<semaphore_mem>>)
      %dma_start3A_23 = arith.constant 0 : i32
      %dma_start3A_24 = tpu.memref_slice %arg3[%add3A, %scan3A_16, %dma_start3A_23] : memref<32x79x128xi32, #tpu.memory_space<hbm>> -> memref<1x1x128xi32, #tpu.memory_space<hbm>>
      %dma_start3A_25 = tpu.memref_squeeze %dma_start3A_24 : memref<1x1x128xi32, #tpu.memory_space<hbm>> -> memref<128xi32, #tpu.memory_space<hbm>>
      %dma_start3A_26 = arith.constant 0 : i32
      %dma_start3A_27 = tpu.memref_slice %arg3[%add3A, %scan3A_16, %dma_start3A_26] : memref<32x79x128xi32, #tpu.memory_space<hbm>> -> memref<1x1x128xi32, #tpu.memory_space<hbm>>
      %dma_start3A_28 = tpu.memref_squeeze %dma_start3A_27 : memref<1x1x128xi32, #tpu.memory_space<hbm>> -> memref<128xi32, #tpu.memory_space<hbm>>
      tpu.enqueue_dma source(%dma_start3A_28 : memref<128xi32, #tpu.memory_space<hbm>>) target(%arg6 : memref<128xi32, #tpu.memory_space<vmem>>) target_semaphore(%arg10 : memref<!tpu.dma_semaphore, #tpu.memory_space<semaphore_mem>>)
      %dma_wait3A = arith.constant 0 : i32
      %dma_wait3A_29 = tpu.memref_slice %arg2[%add3A_19, %dma_wait3A] : memref<323584x128xf32, #tpu.memory_space<hbm>> -> memref<128x128xf32, #tpu.memory_space<hbm>>
      %dma_wait3A_30 = arith.constant 0 : i32
      %dma_wait3A_31 = tpu.memref_slice %arg2[%add3A_19, %dma_wait3A_30] : memref<323584x128xf32, #tpu.memory_space<hbm>> -> memref<128x128xf32, #tpu.memory_space<hbm>>
      tpu.wait_dma2 semaphore(%arg9 : memref<!tpu.dma_semaphore, #tpu.memory_space<semaphore_mem>>) src(%dma_wait3A_31 : memref<128x128xf32, #tpu.memory_space<hbm>>) dst(%arg7 : memref<128x128xf32, #tpu.memory_space<vmem>>)
      %dma_wait3A_32 = arith.constant 0 : i32
      %dma_wait3A_33 = tpu.memref_slice %arg3[%add3A, %scan3A_16, %dma_wait3A_32] : memref<32x79x128xi32, #tpu.memory_space<hbm>> -> memref<1x1x128xi32, #tpu.memory_space<hbm>>
      %dma_wait3A_34 = tpu.memref_squeeze %dma_wait3A_33 : memref<1x1x128xi32, #tpu.memory_space<hbm>> -> memref<128xi32, #tpu.memory_space<hbm>>
      %dma_wait3A_35 = arith.constant 0 : i32
      %dma_wait3A_36 = tpu.memref_slice %arg3[%add3A, %scan3A_16, %dma_wait3A_35] : memref<32x79x128xi32, #tpu.memory_space<hbm>> -> memref<1x1x128xi32, #tpu.memory_space<hbm>>
      %dma_wait3A_37 = tpu.memref_squeeze %dma_wait3A_36 : memref<1x1x128xi32, #tpu.memory_space<hbm>> -> memref<128xi32, #tpu.memory_space<hbm>>
      tpu.wait_dma2 semaphore(%arg10 : memref<!tpu.dma_semaphore, #tpu.memory_space<semaphore_mem>>) src(%dma_wait3A_37 : memref<128xi32, #tpu.memory_space<hbm>>) dst(%arg6 : memref<128xi32, #tpu.memory_space<vmem>>)
      "tpu.region"() ({
        %run_scoped3A = tpu.sem_alloc : memref<!tpu.dma_semaphore, #tpu.memory_space<semaphore_mem>>
        %dma_start3A_38 = arith.constant 0 : i32
        %dma_start3A_39 = arith.constant 0 : i32
        %dma_start3A_40 = tpu.memref_slice %arg8[%dma_start3A_38, %dma_start3A_39] : memref<10240x128xf32, #tpu.memory_space<vmem_shared>> -> memref<10240x128xf32, #tpu.memory_space<vmem_shared>>
        tpu.enqueue_indirect_dma source(%arg7 : memref<128x128xf32, #tpu.memory_space<vmem>>) target(%dma_start3A_40 : memref<10240x128xf32, #tpu.memory_space<vmem_shared>>) offsets(%arg6 : memref<128xi32, #tpu.memory_space<vmem>>) semaphore(%run_scoped3A : memref<!tpu.dma_semaphore, #tpu.memory_space<semaphore_mem>>) {add = true}
        %dma_wait3A_41 = arith.constant 0 : i32
        %dma_wait3A_42 = arith.constant 0 : i32
        %dma_wait3A_43 = tpu.memref_slice %arg8[%dma_wait3A_41, %dma_wait3A_42] : memref<10240x128xf32, #tpu.memory_space<vmem_shared>> -> memref<10240x128xf32, #tpu.memory_space<vmem_shared>>
        tpu.wait_indirect_dma semaphore(%run_scoped3A : memref<!tpu.dma_semaphore, #tpu.memory_space<semaphore_mem>>) src(%arg7 : memref<128x128xf32, #tpu.memory_space<vmem>>) dst(%dma_wait3A_43 : memref<10240x128xf32, #tpu.memory_space<vmem_shared>>)
        tpu.yield
      }) : () -> ()
    }
    %scan3A_9 = arith.constant 79 : i32
    %barrier3A_10 = arith.constant 0 : index
    tpu.barrier barrier_id(%barrier3A_10)
    %eq3A_11 = arith.constant 0 : i32
    %eq3A_12 = arith.cmpi eq, %arg1, %eq3A_11 : i32
    %convert_element_type3A_13 = arith.extui %eq3A_12 : i1 to i32
    %cond3A_14 = arith.constant 0 : i32
    %cond3A_15 = arith.cmpi ne, %convert_element_type3A_13, %cond3A_14 : i32
    scf.if %cond3A_15 {
      "tpu.region"() ({
        %run_scoped3A = tpu.sem_alloc : memref<!tpu.dma_semaphore, #tpu.memory_space<semaphore_mem>>
        %dma_start3A = arith.constant 0 : i32
        %dma_start3A_16 = arith.constant 0 : i32
        %dma_start3A_17 = tpu.memref_slice %arg5[%arg0, %dma_start3A, %dma_start3A_16] : memref<2x10240x128xf32, #tpu.memory_space<hbm>> -> memref<1x10240x128xf32, #tpu.memory_space<hbm>>
        %dma_start3A_18 = tpu.memref_squeeze %dma_start3A_17 : memref<1x10240x128xf32, #tpu.memory_space<hbm>> -> memref<10240x128xf32, #tpu.memory_space<hbm>>
        tpu.enqueue_dma source(%arg8 : memref<10240x128xf32, #tpu.memory_space<vmem_shared>>) target(%dma_start3A_18 : memref<10240x128xf32, #tpu.memory_space<hbm>>) target_semaphore(%run_scoped3A : memref<!tpu.dma_semaphore, #tpu.memory_space<semaphore_mem>>)
        %dma_wait3A = arith.constant 0 : i32
        %dma_wait3A_19 = arith.constant 0 : i32
        %dma_wait3A_20 = tpu.memref_slice %arg5[%arg0, %dma_wait3A, %dma_wait3A_19] : memref<2x10240x128xf32, #tpu.memory_space<hbm>> -> memref<1x10240x128xf32, #tpu.memory_space<hbm>>
        %dma_wait3A_21 = tpu.memref_squeeze %dma_wait3A_20 : memref<1x10240x128xf32, #tpu.memory_space<hbm>> -> memref<10240x128xf32, #tpu.memory_space<hbm>>
        tpu.wait_dma2 semaphore(%run_scoped3A : memref<!tpu.dma_semaphore, #tpu.memory_space<semaphore_mem>>) src(%arg8 : memref<10240x128xf32, #tpu.memory_space<vmem_shared>>) dst(%dma_wait3A_21 : memref<10240x128xf32, #tpu.memory_space<hbm>>)
        tpu.yield
      }) : () -> ()
    } else {
    }
    return
  }
}

#map = affine_map<(d0, d1) -> (0, 0)>
#map1 = affine_map<(d0, d1) -> (0, 0, 0)>
module attributes {stable_mosaic.version = 14 : i64} {
  func.func @k(%arg0: i32, %arg1: i32, %arg2: memref<10240x128xf32, #tpu.memory_space<hbm>>, %arg3: memref<10240x128xf32, #tpu.memory_space<hbm>>, %arg4: memref<32x79x128xi32, #tpu.memory_space<hbm>>, %arg5: memref<32x79x128xi32, #tpu.memory_space<hbm>>, %arg6: memref<323584x128xf32, #tpu.memory_space<hbm>>, %arg7: memref<323584x128xf32, #tpu.memory_space<hbm>>, %arg8: memref<79x128xi32, #tpu.memory_space<vmem>>, %arg9: memref<79x128xi32, #tpu.memory_space<vmem>>, %arg10: memref<128x128xf32, #tpu.memory_space<vmem>>, %arg11: memref<128x128xf32, #tpu.memory_space<vmem>>, %arg12: memref<!tpu.dma_semaphore, #tpu.memory_space<semaphore_mem>>, %arg13: memref<!tpu.dma_semaphore, #tpu.memory_space<semaphore_mem>>) attributes {dimension_semantics = [#tpu.dimension_semantics<core_parallel>, #tpu.dimension_semantics<subcore_parallel>], iteration_bounds = array<i64: 2, 16>, scalar_prefetch = 0 : i64, scratch_operands = 6 : i64, tpu.core_type = #tpu.core_type<sc_vector_subcore>, window_params = [{transform_indices = #map}, {transform_indices = #map}, {transform_indices = #map1}, {transform_indices = #map1}, {transform_indices = #map}, {transform_indices = #map}]} {
    %mul3A = arith.constant 2 : i32
    %mul3A_0 = arith.muli %arg1, %mul3A : i32
    %add3A = arith.addi %mul3A_0, %arg0 : i32
    "tpu.region"() ({
      %run_scoped3A = tpu.sem_alloc : memref<!tpu.dma_semaphore, #tpu.memory_space<semaphore_mem>>
      %dma_start3A = arith.constant 0 : i32
      %dma_start3A_8 = arith.constant 0 : i32
      %dma_start3A_9 = tpu.memref_slice %arg4[%add3A, %dma_start3A, %dma_start3A_8] : memref<32x79x128xi32, #tpu.memory_space<hbm>> -> memref<1x79x128xi32, #tpu.memory_space<hbm>>
      %dma_start3A_10 = tpu.memref_squeeze %dma_start3A_9 : memref<1x79x128xi32, #tpu.memory_space<hbm>> -> memref<79x128xi32, #tpu.memory_space<hbm>>
      %dma_start3A_11 = arith.constant 0 : i32
      %dma_start3A_12 = arith.constant 0 : i32
      %dma_start3A_13 = tpu.memref_slice %arg4[%add3A, %dma_start3A_11, %dma_start3A_12] : memref<32x79x128xi32, #tpu.memory_space<hbm>> -> memref<1x79x128xi32, #tpu.memory_space<hbm>>
      %dma_start3A_14 = tpu.memref_squeeze %dma_start3A_13 : memref<1x79x128xi32, #tpu.memory_space<hbm>> -> memref<79x128xi32, #tpu.memory_space<hbm>>
      tpu.enqueue_dma source(%dma_start3A_14 : memref<79x128xi32, #tpu.memory_space<hbm>>) target(%arg8 : memref<79x128xi32, #tpu.memory_space<vmem>>) target_semaphore(%run_scoped3A : memref<!tpu.dma_semaphore, #tpu.memory_space<semaphore_mem>>)
      %dma_wait3A = arith.constant 0 : i32
      %dma_wait3A_15 = arith.constant 0 : i32
      %dma_wait3A_16 = tpu.memref_slice %arg4[%add3A, %dma_wait3A, %dma_wait3A_15] : memref<32x79x128xi32, #tpu.memory_space<hbm>> -> memref<1x79x128xi32, #tpu.memory_space<hbm>>
      %dma_wait3A_17 = tpu.memref_squeeze %dma_wait3A_16 : memref<1x79x128xi32, #tpu.memory_space<hbm>> -> memref<79x128xi32, #tpu.memory_space<hbm>>
      %dma_wait3A_18 = arith.constant 0 : i32
      %dma_wait3A_19 = arith.constant 0 : i32
      %dma_wait3A_20 = tpu.memref_slice %arg4[%add3A, %dma_wait3A_18, %dma_wait3A_19] : memref<32x79x128xi32, #tpu.memory_space<hbm>> -> memref<1x79x128xi32, #tpu.memory_space<hbm>>
      %dma_wait3A_21 = tpu.memref_squeeze %dma_wait3A_20 : memref<1x79x128xi32, #tpu.memory_space<hbm>> -> memref<79x128xi32, #tpu.memory_space<hbm>>
      tpu.wait_dma2 semaphore(%run_scoped3A : memref<!tpu.dma_semaphore, #tpu.memory_space<semaphore_mem>>) src(%dma_wait3A_21 : memref<79x128xi32, #tpu.memory_space<hbm>>) dst(%arg8 : memref<79x128xi32, #tpu.memory_space<vmem>>)
      tpu.yield
    }) : () -> ()
    "tpu.region"() ({
      %run_scoped3A = tpu.sem_alloc : memref<!tpu.dma_semaphore, #tpu.memory_space<semaphore_mem>>
      %dma_start3A = arith.constant 0 : i32
      %dma_start3A_8 = arith.constant 0 : i32
      %dma_start3A_9 = tpu.memref_slice %arg5[%add3A, %dma_start3A, %dma_start3A_8] : memref<32x79x128xi32, #tpu.memory_space<hbm>> -> memref<1x79x128xi32, #tpu.memory_space<hbm>>
      %dma_start3A_10 = tpu.memref_squeeze %dma_start3A_9 : memref<1x79x128xi32, #tpu.memory_space<hbm>> -> memref<79x128xi32, #tpu.memory_space<hbm>>
      %dma_start3A_11 = arith.constant 0 : i32
      %dma_start3A_12 = arith.constant 0 : i32
      %dma_start3A_13 = tpu.memref_slice %arg5[%add3A, %dma_start3A_11, %dma_start3A_12] : memref<32x79x128xi32, #tpu.memory_space<hbm>> -> memref<1x79x128xi32, #tpu.memory_space<hbm>>
      %dma_start3A_14 = tpu.memref_squeeze %dma_start3A_13 : memref<1x79x128xi32, #tpu.memory_space<hbm>> -> memref<79x128xi32, #tpu.memory_space<hbm>>
      tpu.enqueue_dma source(%dma_start3A_14 : memref<79x128xi32, #tpu.memory_space<hbm>>) target(%arg9 : memref<79x128xi32, #tpu.memory_space<vmem>>) target_semaphore(%run_scoped3A : memref<!tpu.dma_semaphore, #tpu.memory_space<semaphore_mem>>)
      %dma_wait3A = arith.constant 0 : i32
      %dma_wait3A_15 = arith.constant 0 : i32
      %dma_wait3A_16 = tpu.memref_slice %arg5[%add3A, %dma_wait3A, %dma_wait3A_15] : memref<32x79x128xi32, #tpu.memory_space<hbm>> -> memref<1x79x128xi32, #tpu.memory_space<hbm>>
      %dma_wait3A_17 = tpu.memref_squeeze %dma_wait3A_16 : memref<1x79x128xi32, #tpu.memory_space<hbm>> -> memref<79x128xi32, #tpu.memory_space<hbm>>
      %dma_wait3A_18 = arith.constant 0 : i32
      %dma_wait3A_19 = arith.constant 0 : i32
      %dma_wait3A_20 = tpu.memref_slice %arg5[%add3A, %dma_wait3A_18, %dma_wait3A_19] : memref<32x79x128xi32, #tpu.memory_space<hbm>> -> memref<1x79x128xi32, #tpu.memory_space<hbm>>
      %dma_wait3A_21 = tpu.memref_squeeze %dma_wait3A_20 : memref<1x79x128xi32, #tpu.memory_space<hbm>> -> memref<79x128xi32, #tpu.memory_space<hbm>>
      tpu.wait_dma2 semaphore(%run_scoped3A : memref<!tpu.dma_semaphore, #tpu.memory_space<semaphore_mem>>) src(%dma_wait3A_21 : memref<79x128xi32, #tpu.memory_space<hbm>>) dst(%arg9 : memref<79x128xi32, #tpu.memory_space<vmem>>)
      tpu.yield
    }) : () -> ()
    %mul3A_1 = arith.constant 10112 : i32
    %mul3A_2 = arith.muli %add3A, %mul3A_1 : i32
    %scan3A = arith.constant 0 : i32
    %scan3A_3 = arith.constant 0 : i32
    %scan3A_4 = arith.constant 79 : i32
    %scan3A_5 = arith.addi %scan3A_3, %scan3A_4 : i32
    %scan3A_6 = arith.constant 1 : i32
    scf.for %scan3A_8 = %scan3A_3 to %scan3A_5 step %scan3A_6  : i32 {
      %dma_start3A = arith.constant 0 : i32
      %dma_start3A_9 = tpu.memref_slice %arg8[%scan3A_8, %dma_start3A] : memref<79x128xi32, #tpu.memory_space<vmem>> -> memref<1x128xi32, #tpu.memory_space<vmem>>
      %dma_start3A_10 = tpu.memref_squeeze %dma_start3A_9 : memref<1x128xi32, #tpu.memory_space<vmem>> -> memref<128xi32, #tpu.memory_space<vmem>>
      %dma_start3A_11 = arith.constant 0 : i32
      %dma_start3A_12 = arith.constant 0 : i32
      %dma_start3A_13 = tpu.memref_slice %arg2[%dma_start3A_11, %dma_start3A_12] : memref<10240x128xf32, #tpu.memory_space<hbm>> -> memref<10240x128xf32, #tpu.memory_space<hbm>>
      tpu.enqueue_indirect_dma source(%dma_start3A_13 : memref<10240x128xf32, #tpu.memory_space<hbm>>) target(%arg10 : memref<128x128xf32, #tpu.memory_space<vmem>>) offsets(%dma_start3A_10 : memref<128xi32, #tpu.memory_space<vmem>>) semaphore(%arg12 : memref<!tpu.dma_semaphore, #tpu.memory_space<semaphore_mem>>)
      %dma_start3A_14 = arith.constant 0 : i32
      %dma_start3A_15 = tpu.memref_slice %arg9[%scan3A_8, %dma_start3A_14] : memref<79x128xi32, #tpu.memory_space<vmem>> -> memref<1x128xi32, #tpu.memory_space<vmem>>
      %dma_start3A_16 = tpu.memref_squeeze %dma_start3A_15 : memref<1x128xi32, #tpu.memory_space<vmem>> -> memref<128xi32, #tpu.memory_space<vmem>>
      %dma_start3A_17 = arith.constant 0 : i32
      %dma_start3A_18 = arith.constant 0 : i32
      %dma_start3A_19 = tpu.memref_slice %arg3[%dma_start3A_17, %dma_start3A_18] : memref<10240x128xf32, #tpu.memory_space<hbm>> -> memref<10240x128xf32, #tpu.memory_space<hbm>>
      tpu.enqueue_indirect_dma source(%dma_start3A_19 : memref<10240x128xf32, #tpu.memory_space<hbm>>) target(%arg11 : memref<128x128xf32, #tpu.memory_space<vmem>>) offsets(%dma_start3A_16 : memref<128xi32, #tpu.memory_space<vmem>>) semaphore(%arg13 : memref<!tpu.dma_semaphore, #tpu.memory_space<semaphore_mem>>)
      %dma_wait3A = arith.constant 0 : i32
      %dma_wait3A_20 = tpu.memref_slice %arg8[%scan3A_8, %dma_wait3A] : memref<79x128xi32, #tpu.memory_space<vmem>> -> memref<1x128xi32, #tpu.memory_space<vmem>>
      %dma_wait3A_21 = tpu.memref_squeeze %dma_wait3A_20 : memref<1x128xi32, #tpu.memory_space<vmem>> -> memref<128xi32, #tpu.memory_space<vmem>>
      %dma_wait3A_22 = arith.constant 0 : i32
      %dma_wait3A_23 = arith.constant 0 : i32
      %dma_wait3A_24 = tpu.memref_slice %arg2[%dma_wait3A_22, %dma_wait3A_23] : memref<10240x128xf32, #tpu.memory_space<hbm>> -> memref<10240x128xf32, #tpu.memory_space<hbm>>
      tpu.wait_indirect_dma semaphore(%arg12 : memref<!tpu.dma_semaphore, #tpu.memory_space<semaphore_mem>>) src(%dma_wait3A_24 : memref<10240x128xf32, #tpu.memory_space<hbm>>) dst(%arg10 : memref<128x128xf32, #tpu.memory_space<vmem>>)
      %dma_wait3A_25 = arith.constant 0 : i32
      %dma_wait3A_26 = tpu.memref_slice %arg9[%scan3A_8, %dma_wait3A_25] : memref<79x128xi32, #tpu.memory_space<vmem>> -> memref<1x128xi32, #tpu.memory_space<vmem>>
      %dma_wait3A_27 = tpu.memref_squeeze %dma_wait3A_26 : memref<1x128xi32, #tpu.memory_space<vmem>> -> memref<128xi32, #tpu.memory_space<vmem>>
      %dma_wait3A_28 = arith.constant 0 : i32
      %dma_wait3A_29 = arith.constant 0 : i32
      %dma_wait3A_30 = tpu.memref_slice %arg3[%dma_wait3A_28, %dma_wait3A_29] : memref<10240x128xf32, #tpu.memory_space<hbm>> -> memref<10240x128xf32, #tpu.memory_space<hbm>>
      tpu.wait_indirect_dma semaphore(%arg13 : memref<!tpu.dma_semaphore, #tpu.memory_space<semaphore_mem>>) src(%dma_wait3A_30 : memref<10240x128xf32, #tpu.memory_space<hbm>>) dst(%arg11 : memref<128x128xf32, #tpu.memory_space<vmem>>)
      %mul3A_31 = arith.constant 128 : i32
      %mul3A_32 = arith.muli %scan3A_8, %mul3A_31 : i32
      %add3A_33 = arith.addi %mul3A_2, %mul3A_32 : i32
      %mul3A_34 = arith.constant 128 : i32
      %mul3A_35 = arith.muli %scan3A_8, %mul3A_34 : i32
      %add3A_36 = arith.addi %mul3A_2, %mul3A_35 : i32
      %dma_start3A_37 = arith.constant 0 : i32
      %dma_start3A_38 = tpu.memref_slice %arg6[%add3A_33, %dma_start3A_37] : memref<323584x128xf32, #tpu.memory_space<hbm>> -> memref<128x128xf32, #tpu.memory_space<hbm>>
      %dma_start3A_39 = arith.constant 0 : i32
      %dma_start3A_40 = tpu.memref_slice %arg6[%add3A_33, %dma_start3A_39] : memref<323584x128xf32, #tpu.memory_space<hbm>> -> memref<128x128xf32, #tpu.memory_space<hbm>>
      tpu.enqueue_dma source(%arg10 : memref<128x128xf32, #tpu.memory_space<vmem>>) target(%dma_start3A_40 : memref<128x128xf32, #tpu.memory_space<hbm>>) target_semaphore(%arg12 : memref<!tpu.dma_semaphore, #tpu.memory_space<semaphore_mem>>)
      %dma_start3A_41 = arith.constant 0 : i32
      %dma_start3A_42 = tpu.memref_slice %arg7[%add3A_36, %dma_start3A_41] : memref<323584x128xf32, #tpu.memory_space<hbm>> -> memref<128x128xf32, #tpu.memory_space<hbm>>
      %dma_start3A_43 = arith.constant 0 : i32
      %dma_start3A_44 = tpu.memref_slice %arg7[%add3A_36, %dma_start3A_43] : memref<323584x128xf32, #tpu.memory_space<hbm>> -> memref<128x128xf32, #tpu.memory_space<hbm>>
      tpu.enqueue_dma source(%arg11 : memref<128x128xf32, #tpu.memory_space<vmem>>) target(%dma_start3A_44 : memref<128x128xf32, #tpu.memory_space<hbm>>) target_semaphore(%arg13 : memref<!tpu.dma_semaphore, #tpu.memory_space<semaphore_mem>>)
      %dma_wait3A_45 = arith.constant 0 : i32
      %dma_wait3A_46 = tpu.memref_slice %arg6[%add3A_33, %dma_wait3A_45] : memref<323584x128xf32, #tpu.memory_space<hbm>> -> memref<128x128xf32, #tpu.memory_space<hbm>>
      %dma_wait3A_47 = arith.constant 0 : i32
      %dma_wait3A_48 = tpu.memref_slice %arg6[%add3A_33, %dma_wait3A_47] : memref<323584x128xf32, #tpu.memory_space<hbm>> -> memref<128x128xf32, #tpu.memory_space<hbm>>
      tpu.wait_dma2 semaphore(%arg12 : memref<!tpu.dma_semaphore, #tpu.memory_space<semaphore_mem>>) src(%arg10 : memref<128x128xf32, #tpu.memory_space<vmem>>) dst(%dma_wait3A_48 : memref<128x128xf32, #tpu.memory_space<hbm>>)
      %dma_wait3A_49 = arith.constant 0 : i32
      %dma_wait3A_50 = tpu.memref_slice %arg7[%add3A_36, %dma_wait3A_49] : memref<323584x128xf32, #tpu.memory_space<hbm>> -> memref<128x128xf32, #tpu.memory_space<hbm>>
      %dma_wait3A_51 = arith.constant 0 : i32
      %dma_wait3A_52 = tpu.memref_slice %arg7[%add3A_36, %dma_wait3A_51] : memref<323584x128xf32, #tpu.memory_space<hbm>> -> memref<128x128xf32, #tpu.memory_space<hbm>>
      tpu.wait_dma2 semaphore(%arg13 : memref<!tpu.dma_semaphore, #tpu.memory_space<semaphore_mem>>) src(%arg11 : memref<128x128xf32, #tpu.memory_space<vmem>>) dst(%dma_wait3A_52 : memref<128x128xf32, #tpu.memory_space<hbm>>)
    }
    %scan3A_7 = arith.constant 79 : i32
    return
  }
}

module attributes {stable_mosaic.version = 14 : i64} {
  func.func @_enc_body(%arg0: i32, %arg1: memref<2048x8xf32, #tpu.memory_space<vmem>>, %arg2: memref<8x128xf32, #tpu.memory_space<vmem>>, %arg3: memref<1x128xf32, #tpu.memory_space<vmem>>, %arg4: memref<128x128xf32, #tpu.memory_space<vmem>>, %arg5: memref<1x128xf32, #tpu.memory_space<vmem>>, %arg6: memref<128x128xf32, #tpu.memory_space<vmem>>, %arg7: memref<1x128xf32, #tpu.memory_space<vmem>>, %arg8: memref<1x128xf32, #tpu.memory_space<vmem>>, %arg9: memref<1x128xf32, #tpu.memory_space<vmem>>, %arg10: memref<2048x128xf32, #tpu.memory_space<vmem>>) attributes {dimension_semantics = [#tpu.dimension_semantics<arbitrary>], iteration_bounds = array<i64: 158>, scalar_prefetch = 0 : i64, scratch_operands = 0 : i64, tpu.core_type = #tpu.core_type<tc>, window_params = [{transform_indices = @transform_0, window_bounds = array<i64: 2048, 8>}, {pipeline_mode = #tpu.pipeline_mode<synchronous>, transform_indices = @transform_1, window_bounds = array<i64: 8, 128>}, {pipeline_mode = #tpu.pipeline_mode<synchronous>, transform_indices = @transform_2, window_bounds = array<i64: 1, 128>}, {pipeline_mode = #tpu.pipeline_mode<synchronous>, transform_indices = @transform_3, window_bounds = array<i64: 128, 128>}, {pipeline_mode = #tpu.pipeline_mode<synchronous>, transform_indices = @transform_4, window_bounds = array<i64: 1, 128>}, {pipeline_mode = #tpu.pipeline_mode<synchronous>, transform_indices = @transform_5, window_bounds = array<i64: 128, 128>}, {pipeline_mode = #tpu.pipeline_mode<synchronous>, transform_indices = @transform_6, window_bounds = array<i64: 1, 128>}, {pipeline_mode = #tpu.pipeline_mode<synchronous>, transform_indices = @transform_7, window_bounds = array<i64: 1, 128>}, {pipeline_mode = #tpu.pipeline_mode<synchronous>, transform_indices = @transform_8, window_bounds = array<i64: 1, 128>}, {transform_indices = @transform_9, window_bounds = array<i64: 2048, 128>}]} {
    %get3A = arith.constant 0 : index
    %get3A_0 = arith.constant 0 : index
    %get3A_1 = vector.load %arg1[%get3A, %get3A_0] : memref<2048x8xf32, #tpu.memory_space<vmem>>, vector<2048x8xf32>
    %get3A_2 = arith.constant 0 : index
    %get3A_3 = arith.constant 0 : index
    %get3A_4 = vector.load %arg2[%get3A_2, %get3A_3] : memref<8x128xf32, #tpu.memory_space<vmem>>, vector<8x128xf32>
    %dot_general3A = arith.constant dense<0.000000e+00> : vector<2048x128xf32>
    %dot_general3A_5 = tpu.matmul %get3A_1, %get3A_4, %dot_general3A {dimension_numbers = #tpu.dot_dimension_numbers<[1], [0], [0], [1], [0, 0, 1, 1], [], []>, transpose_lhs_hint = false} : vector<2048x8xf32>, vector<8x128xf32>, vector<2048x128xf32> -> vector<2048x128xf32>
    %get3A_6 = arith.constant 0 : index
    %get3A_7 = arith.constant 0 : index
    %get3A_8 = vector.load %arg3[%get3A_6, %get3A_7] : memref<1x128xf32, #tpu.memory_space<vmem>>, vector<1x128xf32>
    %add3A = vector.broadcast %get3A_8 : vector<1x128xf32> to vector<2048x128xf32>
    %add3A_9 = arith.addf %dot_general3A_5, %add3A : vector<2048x128xf32>
    %logistic3A = arith.negf %add3A_9 : vector<2048x128xf32>
    %logistic3A_10 = math.exp %logistic3A : vector<2048x128xf32>
    %logistic3A_11 = arith.constant 1.000000e+00 : f32
    %logistic3A_12 = vector.broadcast %logistic3A_11 : f32 to vector<2048x128xf32>
    %logistic3A_13 = arith.addf %logistic3A_12, %logistic3A_10 : vector<2048x128xf32>
    %logistic3A_14 = arith.divf %logistic3A_12, %logistic3A_13 : vector<2048x128xf32>
    %mul3A = arith.mulf %add3A_9, %logistic3A_14 : vector<2048x128xf32>
    %get3A_15 = arith.constant 0 : index
    %get3A_16 = arith.constant 0 : index
    %get3A_17 = vector.load %arg4[%get3A_15, %get3A_16] : memref<128x128xf32, #tpu.memory_space<vmem>>, vector<128x128xf32>
    %dot_general3A_18 = arith.constant dense<0.000000e+00> : vector<2048x128xf32>
    %dot_general3A_19 = tpu.matmul %mul3A, %get3A_17, %dot_general3A_18 {dimension_numbers = #tpu.dot_dimension_numbers<[1], [0], [0], [1], [0, 0, 1, 1], [], []>, transpose_lhs_hint = false} : vector<2048x128xf32>, vector<128x128xf32>, vector<2048x128xf32> -> vector<2048x128xf32>
    %get3A_20 = arith.constant 0 : index
    %get3A_21 = arith.constant 0 : index
    %get3A_22 = vector.load %arg5[%get3A_20, %get3A_21] : memref<1x128xf32, #tpu.memory_space<vmem>>, vector<1x128xf32>
    %add3A_23 = vector.broadcast %get3A_22 : vector<1x128xf32> to vector<2048x128xf32>
    %add3A_24 = arith.addf %dot_general3A_19, %add3A_23 : vector<2048x128xf32>
    %logistic3A_25 = arith.negf %add3A_24 : vector<2048x128xf32>
    %logistic3A_26 = math.exp %logistic3A_25 : vector<2048x128xf32>
    %logistic3A_27 = arith.constant 1.000000e+00 : f32
    %logistic3A_28 = vector.broadcast %logistic3A_27 : f32 to vector<2048x128xf32>
    %logistic3A_29 = arith.addf %logistic3A_28, %logistic3A_26 : vector<2048x128xf32>
    %logistic3A_30 = arith.divf %logistic3A_28, %logistic3A_29 : vector<2048x128xf32>
    %mul3A_31 = arith.mulf %add3A_24, %logistic3A_30 : vector<2048x128xf32>
    %get3A_32 = arith.constant 0 : index
    %get3A_33 = arith.constant 0 : index
    %get3A_34 = vector.load %arg6[%get3A_32, %get3A_33] : memref<128x128xf32, #tpu.memory_space<vmem>>, vector<128x128xf32>
    %dot_general3A_35 = arith.constant dense<0.000000e+00> : vector<2048x128xf32>
    %dot_general3A_36 = tpu.matmul %mul3A_31, %get3A_34, %dot_general3A_35 {dimension_numbers = #tpu.dot_dimension_numbers<[1], [0], [0], [1], [0, 0, 1, 1], [], []>, transpose_lhs_hint = false} : vector<2048x128xf32>, vector<128x128xf32>, vector<2048x128xf32> -> vector<2048x128xf32>
    %get3A_37 = arith.constant 0 : index
    %get3A_38 = arith.constant 0 : index
    %get3A_39 = vector.load %arg7[%get3A_37, %get3A_38] : memref<1x128xf32, #tpu.memory_space<vmem>>, vector<1x128xf32>
    %add3A_40 = vector.broadcast %get3A_39 : vector<1x128xf32> to vector<2048x128xf32>
    %add3A_41 = arith.addf %dot_general3A_36, %add3A_40 : vector<2048x128xf32>
    %get3A_42 = arith.constant 0 : index
    %get3A_43 = arith.constant 0 : index
    %get3A_44 = vector.load %arg8[%get3A_42, %get3A_43] : memref<1x128xf32, #tpu.memory_space<vmem>>, vector<1x128xf32>
    %get3A_45 = arith.constant 0 : index
    %get3A_46 = arith.constant 0 : index
    %get3A_47 = vector.load %arg9[%get3A_45, %get3A_46] : memref<1x128xf32, #tpu.memory_space<vmem>>, vector<1x128xf32>
    %reduce_sum3A = arith.constant dense<0.000000e+00> : vector<2048xf32>
    %reduce_sum3A_48 = vector.multi_reduction <add>, %add3A_41, %reduce_sum3A [1] : vector<2048x128xf32> to vector<2048xf32>
    %broadcast_in_dim3A = vector.shape_cast %reduce_sum3A_48 : vector<2048xf32> to vector<2048x1xf32>
    %div3A = arith.constant 1.280000e+02 : f32
    %div3A_49 = vector.broadcast %div3A : f32 to vector<2048x1xf32>
    %div3A_50 = arith.divf %broadcast_in_dim3A, %div3A_49 : vector<2048x1xf32>
    %sub3A = vector.broadcast %div3A_50 : vector<2048x1xf32> to vector<2048x128xf32>
    %sub3A_51 = arith.subf %add3A_41, %sub3A : vector<2048x128xf32>
    %mul3A_52 = arith.mulf %sub3A_51, %sub3A_51 : vector<2048x128xf32>
    %reduce_sum3A_53 = arith.constant dense<0.000000e+00> : vector<2048xf32>
    %reduce_sum3A_54 = vector.multi_reduction <add>, %mul3A_52, %reduce_sum3A_53 [1] : vector<2048x128xf32> to vector<2048xf32>
    %broadcast_in_dim3A_55 = vector.shape_cast %reduce_sum3A_54 : vector<2048xf32> to vector<2048x1xf32>
    %div3A_56 = arith.constant 1.280000e+02 : f32
    %div3A_57 = vector.broadcast %div3A_56 : f32 to vector<2048x1xf32>
    %div3A_58 = arith.divf %broadcast_in_dim3A_55, %div3A_57 : vector<2048x1xf32>
    %add3A_59 = arith.constant 9.99999974E-6 : f32
    %add3A_60 = vector.broadcast %add3A_59 : f32 to vector<2048x1xf32>
    %add3A_61 = arith.addf %div3A_58, %add3A_60 : vector<2048x1xf32>
    %rsqrt3A = math.rsqrt %add3A_61 : vector<2048x1xf32>
    %mul3A_62 = vector.broadcast %rsqrt3A : vector<2048x1xf32> to vector<2048x128xf32>
    %mul3A_63 = arith.mulf %sub3A_51, %mul3A_62 : vector<2048x128xf32>
    %mul3A_64 = vector.broadcast %get3A_44 : vector<1x128xf32> to vector<2048x128xf32>
    %mul3A_65 = arith.mulf %mul3A_63, %mul3A_64 : vector<2048x128xf32>
    %add3A_66 = vector.broadcast %get3A_47 : vector<1x128xf32> to vector<2048x128xf32>
    %add3A_67 = arith.addf %mul3A_65, %add3A_66 : vector<2048x128xf32>
    %swap3A = arith.constant 0 : index
    %swap3A_68 = arith.constant 0 : index
    %swap3A_69 = vector.load %arg10[%swap3A, %swap3A_68] : memref<2048x128xf32, #tpu.memory_space<vmem>>, vector<2048x128xf32>
    tpu.vector_store %arg10[%swap3A, %swap3A_68], %add3A_67 {strides = array<i32>} : memref<2048x128xf32, #tpu.memory_space<vmem>>, vector<2048x128xf32>,
    return
  }
  func.func @transform_0(%arg0: i32) -> (i32, i32) {
    %c0_i32 = arith.constant 0 : i32
    %c0_i32_0 = arith.constant 0 : i32
    return %arg0, %c0_i32 : i32, i32
  }
  func.func @transform_1(%arg0: i32) -> (i32, i32) {
    %c0_i32 = arith.constant 0 : i32
    %c0_i32_0 = arith.constant 0 : i32
    %c0_i32_1 = arith.constant 0 : i32
    return %c0_i32, %c0_i32_0 : i32, i32
  }
  func.func @transform_2(%arg0: i32) -> (i32, i32) {
    %c0_i32 = arith.constant 0 : i32
    %c0_i32_0 = arith.constant 0 : i32
    %c0_i32_1 = arith.constant 0 : i32
    return %c0_i32, %c0_i32_0 : i32, i32
  }
  func.func @transform_3(%arg0: i32) -> (i32, i32) {
    %c0_i32 = arith.constant 0 : i32
    %c0_i32_0 = arith.constant 0 : i32
    %c0_i32_1 = arith.constant 0 : i32
    return %c0_i32, %c0_i32_0 : i32, i32
  }
  func.func @transform_4(%arg0: i32) -> (i32, i32) {
    %c0_i32 = arith.constant 0 : i32
    %c0_i32_0 = arith.constant 0 : i32
    %c0_i32_1 = arith.constant 0 : i32
    return %c0_i32, %c0_i32_0 : i32, i32
  }
  func.func @transform_5(%arg0: i32) -> (i32, i32) {
    %c0_i32 = arith.constant 0 : i32
    %c0_i32_0 = arith.constant 0 : i32
    %c0_i32_1 = arith.constant 0 : i32
    return %c0_i32, %c0_i32_0 : i32, i32
  }
  func.func @transform_6(%arg0: i32) -> (i32, i32) {
    %c0_i32 = arith.constant 0 : i32
    %c0_i32_0 = arith.constant 0 : i32
    %c0_i32_1 = arith.constant 0 : i32
    return %c0_i32, %c0_i32_0 : i32, i32
  }
  func.func @transform_7(%arg0: i32) -> (i32, i32) {
    %c0_i32 = arith.constant 0 : i32
    %c0_i32_0 = arith.constant 0 : i32
    %c0_i32_1 = arith.constant 0 : i32
    return %c0_i32, %c0_i32_0 : i32, i32
  }
  func.func @transform_8(%arg0: i32) -> (i32, i32) {
    %c0_i32 = arith.constant 0 : i32
    %c0_i32_0 = arith.constant 0 : i32
    %c0_i32_1 = arith.constant 0 : i32
    return %c0_i32, %c0_i32_0 : i32, i32
  }
  func.func @transform_9(%arg0: i32) -> (i32, i32) {
    %c0_i32 = arith.constant 0 : i32
    %c0_i32_0 = arith.constant 0 : i32
    return %arg0, %c0_i32 : i32, i32
  }
}

module attributes {stable_mosaic.version = 14 : i64} {
  func.func @_enc_body(%arg0: i32, %arg1: memref<1024x8xf32, #tpu.memory_space<vmem>>, %arg2: memref<8x128xf32, #tpu.memory_space<vmem>>, %arg3: memref<1x128xf32, #tpu.memory_space<vmem>>, %arg4: memref<128x128xf32, #tpu.memory_space<vmem>>, %arg5: memref<1x128xf32, #tpu.memory_space<vmem>>, %arg6: memref<128x128xf32, #tpu.memory_space<vmem>>, %arg7: memref<1x128xf32, #tpu.memory_space<vmem>>, %arg8: memref<1x128xf32, #tpu.memory_space<vmem>>, %arg9: memref<1x128xf32, #tpu.memory_space<vmem>>, %arg10: memref<1024x128xf32, #tpu.memory_space<vmem>>) attributes {dimension_semantics = [#tpu.dimension_semantics<arbitrary>], iteration_bounds = array<i64: 10>, scalar_prefetch = 0 : i64, scratch_operands = 0 : i64, tpu.core_type = #tpu.core_type<tc>, window_params = [{transform_indices = @transform_0, window_bounds = array<i64: 1024, 8>}, {pipeline_mode = #tpu.pipeline_mode<synchronous>, transform_indices = @transform_1, window_bounds = array<i64: 8, 128>}, {pipeline_mode = #tpu.pipeline_mode<synchronous>, transform_indices = @transform_2, window_bounds = array<i64: 1, 128>}, {pipeline_mode = #tpu.pipeline_mode<synchronous>, transform_indices = @transform_3, window_bounds = array<i64: 128, 128>}, {pipeline_mode = #tpu.pipeline_mode<synchronous>, transform_indices = @transform_4, window_bounds = array<i64: 1, 128>}, {pipeline_mode = #tpu.pipeline_mode<synchronous>, transform_indices = @transform_5, window_bounds = array<i64: 128, 128>}, {pipeline_mode = #tpu.pipeline_mode<synchronous>, transform_indices = @transform_6, window_bounds = array<i64: 1, 128>}, {pipeline_mode = #tpu.pipeline_mode<synchronous>, transform_indices = @transform_7, window_bounds = array<i64: 1, 128>}, {pipeline_mode = #tpu.pipeline_mode<synchronous>, transform_indices = @transform_8, window_bounds = array<i64: 1, 128>}, {transform_indices = @transform_9, window_bounds = array<i64: 1024, 128>}]} {
    %get3A = arith.constant 0 : index
    %get3A_0 = arith.constant 0 : index
    %get3A_1 = vector.load %arg1[%get3A, %get3A_0] : memref<1024x8xf32, #tpu.memory_space<vmem>>, vector<1024x8xf32>
    %get3A_2 = arith.constant 0 : index
    %get3A_3 = arith.constant 0 : index
    %get3A_4 = vector.load %arg2[%get3A_2, %get3A_3] : memref<8x128xf32, #tpu.memory_space<vmem>>, vector<8x128xf32>
    %dot_general3A = arith.constant dense<0.000000e+00> : vector<1024x128xf32>
    %dot_general3A_5 = tpu.matmul %get3A_1, %get3A_4, %dot_general3A {dimension_numbers = #tpu.dot_dimension_numbers<[1], [0], [0], [1], [0, 0, 1, 1], [], []>, transpose_lhs_hint = false} : vector<1024x8xf32>, vector<8x128xf32>, vector<1024x128xf32> -> vector<1024x128xf32>
    %get3A_6 = arith.constant 0 : index
    %get3A_7 = arith.constant 0 : index
    %get3A_8 = vector.load %arg3[%get3A_6, %get3A_7] : memref<1x128xf32, #tpu.memory_space<vmem>>, vector<1x128xf32>
    %add3A = vector.broadcast %get3A_8 : vector<1x128xf32> to vector<1024x128xf32>
    %add3A_9 = arith.addf %dot_general3A_5, %add3A : vector<1024x128xf32>
    %logistic3A = arith.negf %add3A_9 : vector<1024x128xf32>
    %logistic3A_10 = math.exp %logistic3A : vector<1024x128xf32>
    %logistic3A_11 = arith.constant 1.000000e+00 : f32
    %logistic3A_12 = vector.broadcast %logistic3A_11 : f32 to vector<1024x128xf32>
    %logistic3A_13 = arith.addf %logistic3A_12, %logistic3A_10 : vector<1024x128xf32>
    %logistic3A_14 = arith.divf %logistic3A_12, %logistic3A_13 : vector<1024x128xf32>
    %mul3A = arith.mulf %add3A_9, %logistic3A_14 : vector<1024x128xf32>
    %get3A_15 = arith.constant 0 : index
    %get3A_16 = arith.constant 0 : index
    %get3A_17 = vector.load %arg4[%get3A_15, %get3A_16] : memref<128x128xf32, #tpu.memory_space<vmem>>, vector<128x128xf32>
    %dot_general3A_18 = arith.constant dense<0.000000e+00> : vector<1024x128xf32>
    %dot_general3A_19 = tpu.matmul %mul3A, %get3A_17, %dot_general3A_18 {dimension_numbers = #tpu.dot_dimension_numbers<[1], [0], [0], [1], [0, 0, 1, 1], [], []>, transpose_lhs_hint = false} : vector<1024x128xf32>, vector<128x128xf32>, vector<1024x128xf32> -> vector<1024x128xf32>
    %get3A_20 = arith.constant 0 : index
    %get3A_21 = arith.constant 0 : index
    %get3A_22 = vector.load %arg5[%get3A_20, %get3A_21] : memref<1x128xf32, #tpu.memory_space<vmem>>, vector<1x128xf32>
    %add3A_23 = vector.broadcast %get3A_22 : vector<1x128xf32> to vector<1024x128xf32>
    %add3A_24 = arith.addf %dot_general3A_19, %add3A_23 : vector<1024x128xf32>
    %logistic3A_25 = arith.negf %add3A_24 : vector<1024x128xf32>
    %logistic3A_26 = math.exp %logistic3A_25 : vector<1024x128xf32>
    %logistic3A_27 = arith.constant 1.000000e+00 : f32
    %logistic3A_28 = vector.broadcast %logistic3A_27 : f32 to vector<1024x128xf32>
    %logistic3A_29 = arith.addf %logistic3A_28, %logistic3A_26 : vector<1024x128xf32>
    %logistic3A_30 = arith.divf %logistic3A_28, %logistic3A_29 : vector<1024x128xf32>
    %mul3A_31 = arith.mulf %add3A_24, %logistic3A_30 : vector<1024x128xf32>
    %get3A_32 = arith.constant 0 : index
    %get3A_33 = arith.constant 0 : index
    %get3A_34 = vector.load %arg6[%get3A_32, %get3A_33] : memref<128x128xf32, #tpu.memory_space<vmem>>, vector<128x128xf32>
    %dot_general3A_35 = arith.constant dense<0.000000e+00> : vector<1024x128xf32>
    %dot_general3A_36 = tpu.matmul %mul3A_31, %get3A_34, %dot_general3A_35 {dimension_numbers = #tpu.dot_dimension_numbers<[1], [0], [0], [1], [0, 0, 1, 1], [], []>, transpose_lhs_hint = false} : vector<1024x128xf32>, vector<128x128xf32>, vector<1024x128xf32> -> vector<1024x128xf32>
    %get3A_37 = arith.constant 0 : index
    %get3A_38 = arith.constant 0 : index
    %get3A_39 = vector.load %arg7[%get3A_37, %get3A_38] : memref<1x128xf32, #tpu.memory_space<vmem>>, vector<1x128xf32>
    %add3A_40 = vector.broadcast %get3A_39 : vector<1x128xf32> to vector<1024x128xf32>
    %add3A_41 = arith.addf %dot_general3A_36, %add3A_40 : vector<1024x128xf32>
    %get3A_42 = arith.constant 0 : index
    %get3A_43 = arith.constant 0 : index
    %get3A_44 = vector.load %arg8[%get3A_42, %get3A_43] : memref<1x128xf32, #tpu.memory_space<vmem>>, vector<1x128xf32>
    %get3A_45 = arith.constant 0 : index
    %get3A_46 = arith.constant 0 : index
    %get3A_47 = vector.load %arg9[%get3A_45, %get3A_46] : memref<1x128xf32, #tpu.memory_space<vmem>>, vector<1x128xf32>
    %reduce_sum3A = arith.constant dense<0.000000e+00> : vector<1024xf32>
    %reduce_sum3A_48 = vector.multi_reduction <add>, %add3A_41, %reduce_sum3A [1] : vector<1024x128xf32> to vector<1024xf32>
    %broadcast_in_dim3A = vector.shape_cast %reduce_sum3A_48 : vector<1024xf32> to vector<1024x1xf32>
    %div3A = arith.constant 1.280000e+02 : f32
    %div3A_49 = vector.broadcast %div3A : f32 to vector<1024x1xf32>
    %div3A_50 = arith.divf %broadcast_in_dim3A, %div3A_49 : vector<1024x1xf32>
    %sub3A = vector.broadcast %div3A_50 : vector<1024x1xf32> to vector<1024x128xf32>
    %sub3A_51 = arith.subf %add3A_41, %sub3A : vector<1024x128xf32>
    %mul3A_52 = arith.mulf %sub3A_51, %sub3A_51 : vector<1024x128xf32>
    %reduce_sum3A_53 = arith.constant dense<0.000000e+00> : vector<1024xf32>
    %reduce_sum3A_54 = vector.multi_reduction <add>, %mul3A_52, %reduce_sum3A_53 [1] : vector<1024x128xf32> to vector<1024xf32>
    %broadcast_in_dim3A_55 = vector.shape_cast %reduce_sum3A_54 : vector<1024xf32> to vector<1024x1xf32>
    %div3A_56 = arith.constant 1.280000e+02 : f32
    %div3A_57 = vector.broadcast %div3A_56 : f32 to vector<1024x1xf32>
    %div3A_58 = arith.divf %broadcast_in_dim3A_55, %div3A_57 : vector<1024x1xf32>
    %add3A_59 = arith.constant 9.99999974E-6 : f32
    %add3A_60 = vector.broadcast %add3A_59 : f32 to vector<1024x1xf32>
    %add3A_61 = arith.addf %div3A_58, %add3A_60 : vector<1024x1xf32>
    %rsqrt3A = math.rsqrt %add3A_61 : vector<1024x1xf32>
    %mul3A_62 = vector.broadcast %rsqrt3A : vector<1024x1xf32> to vector<1024x128xf32>
    %mul3A_63 = arith.mulf %sub3A_51, %mul3A_62 : vector<1024x128xf32>
    %mul3A_64 = vector.broadcast %get3A_44 : vector<1x128xf32> to vector<1024x128xf32>
    %mul3A_65 = arith.mulf %mul3A_63, %mul3A_64 : vector<1024x128xf32>
    %add3A_66 = vector.broadcast %get3A_47 : vector<1x128xf32> to vector<1024x128xf32>
    %add3A_67 = arith.addf %mul3A_65, %add3A_66 : vector<1024x128xf32>
    %swap3A = arith.constant 0 : index
    %swap3A_68 = arith.constant 0 : index
    %swap3A_69 = vector.load %arg10[%swap3A, %swap3A_68] : memref<1024x128xf32, #tpu.memory_space<vmem>>, vector<1024x128xf32>
    tpu.vector_store %arg10[%swap3A, %swap3A_68], %add3A_67 {strides = array<i32>} : memref<1024x128xf32, #tpu.memory_space<vmem>>, vector<1024x128xf32>,
    return
  }
  func.func @transform_0(%arg0: i32) -> (i32, i32) {
    %c0_i32 = arith.constant 0 : i32
    %c0_i32_0 = arith.constant 0 : i32
    return %arg0, %c0_i32 : i32, i32
  }
  func.func @transform_1(%arg0: i32) -> (i32, i32) {
    %c0_i32 = arith.constant 0 : i32
    %c0_i32_0 = arith.constant 0 : i32
    %c0_i32_1 = arith.constant 0 : i32
    return %c0_i32, %c0_i32_0 : i32, i32
  }
  func.func @transform_2(%arg0: i32) -> (i32, i32) {
    %c0_i32 = arith.constant 0 : i32
    %c0_i32_0 = arith.constant 0 : i32
    %c0_i32_1 = arith.constant 0 : i32
    return %c0_i32, %c0_i32_0 : i32, i32
  }
  func.func @transform_3(%arg0: i32) -> (i32, i32) {
    %c0_i32 = arith.constant 0 : i32
    %c0_i32_0 = arith.constant 0 : i32
    %c0_i32_1 = arith.constant 0 : i32
    return %c0_i32, %c0_i32_0 : i32, i32
  }
  func.func @transform_4(%arg0: i32) -> (i32, i32) {
    %c0_i32 = arith.constant 0 : i32
    %c0_i32_0 = arith.constant 0 : i32
    %c0_i32_1 = arith.constant 0 : i32
    return %c0_i32, %c0_i32_0 : i32, i32
  }
  func.func @transform_5(%arg0: i32) -> (i32, i32) {
    %c0_i32 = arith.constant 0 : i32
    %c0_i32_0 = arith.constant 0 : i32
    %c0_i32_1 = arith.constant 0 : i32
    return %c0_i32, %c0_i32_0 : i32, i32
  }
  func.func @transform_6(%arg0: i32) -> (i32, i32) {
    %c0_i32 = arith.constant 0 : i32
    %c0_i32_0 = arith.constant 0 : i32
    %c0_i32_1 = arith.constant 0 : i32
    return %c0_i32, %c0_i32_0 : i32, i32
  }
  func.func @transform_7(%arg0: i32) -> (i32, i32) {
    %c0_i32 = arith.constant 0 : i32
    %c0_i32_0 = arith.constant 0 : i32
    %c0_i32_1 = arith.constant 0 : i32
    return %c0_i32, %c0_i32_0 : i32, i32
  }
  func.func @transform_8(%arg0: i32) -> (i32, i32) {
    %c0_i32 = arith.constant 0 : i32
    %c0_i32_0 = arith.constant 0 : i32
    %c0_i32_1 = arith.constant 0 : i32
    return %c0_i32, %c0_i32_0 : i32, i32
  }
  func.func @transform_9(%arg0: i32) -> (i32, i32) {
    %c0_i32 = arith.constant 0 : i32
    %c0_i32_0 = arith.constant 0 : i32
    return %arg0, %c0_i32 : i32, i32
  }
}

module attributes {stable_mosaic.version = 14 : i64} {
  func.func @body(%arg0: i32, %arg1: memref<1024x128xf32, #tpu.memory_space<vmem>>, %arg2: memref<1024x128xf32, #tpu.memory_space<vmem>>, %arg3: memref<1024x128xf32, #tpu.memory_space<vmem>>, %arg4: memref<128x128xf32, #tpu.memory_space<vmem>>, %arg5: memref<64x128xf32, #tpu.memory_space<vmem>>, %arg6: memref<1x128xf32, #tpu.memory_space<vmem>>, %arg7: memref<128x128xf32, #tpu.memory_space<vmem>>, %arg8: memref<1x128xf32, #tpu.memory_space<vmem>>, %arg9: memref<128x128xf32, #tpu.memory_space<vmem>>, %arg10: memref<1x128xf32, #tpu.memory_space<vmem>>, %arg11: memref<1x128xf32, #tpu.memory_space<vmem>>, %arg12: memref<1x128xf32, #tpu.memory_space<vmem>>, %arg13: memref<128x128xf32, #tpu.memory_space<vmem>>, %arg14: memref<128x128xf32, #tpu.memory_space<vmem>>, %arg15: memref<1024x128xf32, #tpu.memory_space<vmem>>, %arg16: memref<1024x128xf32, #tpu.memory_space<vmem>>, %arg17: memref<1024x128xf32, #tpu.memory_space<vmem>>) attributes {dimension_semantics = [#tpu.dimension_semantics<arbitrary>], iteration_bounds = array<i64: 10>, scalar_prefetch = 0 : i64, scratch_operands = 0 : i64, tpu.core_type = #tpu.core_type<tc>, window_params = [{transform_indices = @transform_0, window_bounds = array<i64: 1024, 128>}, {transform_indices = @transform_1, window_bounds = array<i64: 1024, 128>}, {transform_indices = @transform_2, window_bounds = array<i64: 1024, 128>}, {pipeline_mode = #tpu.pipeline_mode<synchronous>, transform_indices = @transform_3, window_bounds = array<i64: 128, 128>}, {pipeline_mode = #tpu.pipeline_mode<synchronous>, transform_indices = @transform_4, window_bounds = array<i64: 64, 128>}, {pipeline_mode = #tpu.pipeline_mode<synchronous>, transform_indices = @transform_5, window_bounds = array<i64: 1, 128>}, {pipeline_mode = #tpu.pipeline_mode<synchronous>, transform_indices = @transform_6, window_bounds = array<i64: 128, 128>}, {pipeline_mode = #tpu.pipeline_mode<synchronous>, transform_indices = @transform_7, window_bounds = array<i64: 1, 128>}, {pipeline_mode = #tpu.pipeline_mode<synchronous>, transform_indices = @transform_8, window_bounds = array<i64: 128, 128>}, {pipeline_mode = #tpu.pipeline_mode<synchronous>, transform_indices = @transform_9, window_bounds = array<i64: 1, 128>}, {pipeline_mode = #tpu.pipeline_mode<synchronous>, transform_indices = @transform_10, window_bounds = array<i64: 1, 128>}, {pipeline_mode = #tpu.pipeline_mode<synchronous>, transform_indices = @transform_11, window_bounds = array<i64: 1, 128>}, {pipeline_mode = #tpu.pipeline_mode<synchronous>, transform_indices = @transform_12, window_bounds = array<i64: 128, 128>}, {pipeline_mode = #tpu.pipeline_mode<synchronous>, transform_indices = @transform_13, window_bounds = array<i64: 128, 128>}, {transform_indices = @transform_14, window_bounds = array<i64: 1024, 128>}, {transform_indices = @transform_15, window_bounds = array<i64: 1024, 128>}, {transform_indices = @transform_16, window_bounds = array<i64: 1024, 128>}]} {
    %get3A = arith.constant 0 : index
    %get3A_0 = arith.constant 0 : index
    %get3A_1 = vector.load %arg1[%get3A, %get3A_0] : memref<1024x128xf32, #tpu.memory_space<vmem>>, vector<1024x128xf32>
    %get3A_2 = arith.constant 0 : index
    %get3A_3 = arith.constant 0 : index
    %get3A_4 = vector.load %arg2[%get3A_2, %get3A_3] : memref<1024x128xf32, #tpu.memory_space<vmem>>, vector<1024x128xf32>
    %get3A_5 = arith.constant 0 : index
    %get3A_6 = arith.constant 0 : index
    %get3A_7 = vector.load %arg3[%get3A_5, %get3A_6] : memref<1024x128xf32, #tpu.memory_space<vmem>>, vector<1024x128xf32>
    %add3A = arith.addf %get3A_4, %get3A_7 : vector<1024x128xf32>
    %slice3A = vector.extract_strided_slice %add3A {offsets = [0, 0], sizes = [1024, 64], strides = [1, 1]} : vector<1024x128xf32> to vector<1024x64xf32>
    %slice3A_8 = vector.extract_strided_slice %add3A {offsets = [0, 64], sizes = [1024, 64], strides = [1, 1]} : vector<1024x128xf32> to vector<1024x64xf32>
    %add3A_9 = arith.addf %slice3A, %slice3A_8 : vector<1024x64xf32>
    %mul3A = arith.constant 5.000000e-01 : f32
    %mul3A_10 = vector.broadcast %mul3A : f32 to vector<1024x64xf32>
    %mul3A_11 = arith.mulf %mul3A_10, %add3A_9 : vector<1024x64xf32>
    %get3A_12 = arith.constant 0 : index
    %get3A_13 = arith.constant 0 : index
    %get3A_14 = vector.load %arg4[%get3A_12, %get3A_13] : memref<128x128xf32, #tpu.memory_space<vmem>>, vector<128x128xf32>
    %dot_general3A = arith.constant dense<0.000000e+00> : vector<1024x128xf32>
    %dot_general3A_15 = tpu.matmul %get3A_1, %get3A_14, %dot_general3A {dimension_numbers = #tpu.dot_dimension_numbers<[1], [0], [0], [1], [0, 0, 1, 1], [], []>, transpose_lhs_hint = false} : vector<1024x128xf32>, vector<128x128xf32>, vector<1024x128xf32> -> vector<1024x128xf32>
    %get3A_16 = arith.constant 0 : index
    %get3A_17 = arith.constant 0 : index
    %get3A_18 = vector.load %arg5[%get3A_16, %get3A_17] : memref<64x128xf32, #tpu.memory_space<vmem>>, vector<64x128xf32>
    %dot_general3A_19 = arith.constant dense<0.000000e+00> : vector<1024x128xf32>
    %dot_general3A_20 = tpu.matmul %mul3A_11, %get3A_18, %dot_general3A_19 {dimension_numbers = #tpu.dot_dimension_numbers<[1], [0], [0], [1], [0, 0, 1, 1], [], []>, transpose_lhs_hint = false} : vector<1024x64xf32>, vector<64x128xf32>, vector<1024x128xf32> -> vector<1024x128xf32>
    %add3A_21 = arith.addf %dot_general3A_15, %dot_general3A_20 : vector<1024x128xf32>
    %get3A_22 = arith.constant 0 : index
    %get3A_23 = arith.constant 0 : index
    %get3A_24 = vector.load %arg6[%get3A_22, %get3A_23] : memref<1x128xf32, #tpu.memory_space<vmem>>, vector<1x128xf32>
    %add3A_25 = vector.broadcast %get3A_24 : vector<1x128xf32> to vector<1024x128xf32>
    %add3A_26 = arith.addf %add3A_21, %add3A_25 : vector<1024x128xf32>
    %logistic3A = arith.negf %add3A_26 : vector<1024x128xf32>
    %logistic3A_27 = math.exp %logistic3A : vector<1024x128xf32>
    %logistic3A_28 = arith.constant 1.000000e+00 : f32
    %logistic3A_29 = vector.broadcast %logistic3A_28 : f32 to vector<1024x128xf32>
    %logistic3A_30 = arith.addf %logistic3A_29, %logistic3A_27 : vector<1024x128xf32>
    %logistic3A_31 = arith.divf %logistic3A_29, %logistic3A_30 : vector<1024x128xf32>
    %mul3A_32 = arith.mulf %add3A_26, %logistic3A_31 : vector<1024x128xf32>
    %get3A_33 = arith.constant 0 : index
    %get3A_34 = arith.constant 0 : index
    %get3A_35 = vector.load %arg7[%get3A_33, %get3A_34] : memref<128x128xf32, #tpu.memory_space<vmem>>, vector<128x128xf32>
    %dot_general3A_36 = arith.constant dense<0.000000e+00> : vector<1024x128xf32>
    %dot_general3A_37 = tpu.matmul %mul3A_32, %get3A_35, %dot_general3A_36 {dimension_numbers = #tpu.dot_dimension_numbers<[1], [0], [0], [1], [0, 0, 1, 1], [], []>, transpose_lhs_hint = false} : vector<1024x128xf32>, vector<128x128xf32>, vector<1024x128xf32> -> vector<1024x128xf32>
    %get3A_38 = arith.constant 0 : index
    %get3A_39 = arith.constant 0 : index
    %get3A_40 = vector.load %arg8[%get3A_38, %get3A_39] : memref<1x128xf32, #tpu.memory_space<vmem>>, vector<1x128xf32>
    %add3A_41 = vector.broadcast %get3A_40 : vector<1x128xf32> to vector<1024x128xf32>
    %add3A_42 = arith.addf %dot_general3A_37, %add3A_41 : vector<1024x128xf32>
    %logistic3A_43 = arith.negf %add3A_42 : vector<1024x128xf32>
    %logistic3A_44 = math.exp %logistic3A_43 : vector<1024x128xf32>
    %logistic3A_45 = arith.constant 1.000000e+00 : f32
    %logistic3A_46 = vector.broadcast %logistic3A_45 : f32 to vector<1024x128xf32>
    %logistic3A_47 = arith.addf %logistic3A_46, %logistic3A_44 : vector<1024x128xf32>
    %logistic3A_48 = arith.divf %logistic3A_46, %logistic3A_47 : vector<1024x128xf32>
    %mul3A_49 = arith.mulf %add3A_42, %logistic3A_48 : vector<1024x128xf32>
    %get3A_50 = arith.constant 0 : index
    %get3A_51 = arith.constant 0 : index
    %get3A_52 = vector.load %arg9[%get3A_50, %get3A_51] : memref<128x128xf32, #tpu.memory_space<vmem>>, vector<128x128xf32>
    %dot_general3A_53 = arith.constant dense<0.000000e+00> : vector<1024x128xf32>
    %dot_general3A_54 = tpu.matmul %mul3A_49, %get3A_52, %dot_general3A_53 {dimension_numbers = #tpu.dot_dimension_numbers<[1], [0], [0], [1], [0, 0, 1, 1], [], []>, transpose_lhs_hint = false} : vector<1024x128xf32>, vector<128x128xf32>, vector<1024x128xf32> -> vector<1024x128xf32>
    %get3A_55 = arith.constant 0 : index
    %get3A_56 = arith.constant 0 : index
    %get3A_57 = vector.load %arg10[%get3A_55, %get3A_56] : memref<1x128xf32, #tpu.memory_space<vmem>>, vector<1x128xf32>
    %add3A_58 = vector.broadcast %get3A_57 : vector<1x128xf32> to vector<1024x128xf32>
    %add3A_59 = arith.addf %dot_general3A_54, %add3A_58 : vector<1024x128xf32>
    %get3A_60 = arith.constant 0 : index
    %get3A_61 = arith.constant 0 : index
    %get3A_62 = vector.load %arg11[%get3A_60, %get3A_61] : memref<1x128xf32, #tpu.memory_space<vmem>>, vector<1x128xf32>
    %get3A_63 = arith.constant 0 : index
    %get3A_64 = arith.constant 0 : index
    %get3A_65 = vector.load %arg12[%get3A_63, %get3A_64] : memref<1x128xf32, #tpu.memory_space<vmem>>, vector<1x128xf32>
    %reduce_sum3A = arith.constant dense<0.000000e+00> : vector<1024xf32>
    %reduce_sum3A_66 = vector.multi_reduction <add>, %add3A_59, %reduce_sum3A [1] : vector<1024x128xf32> to vector<1024xf32>
    %broadcast_in_dim3A = vector.shape_cast %reduce_sum3A_66 : vector<1024xf32> to vector<1024x1xf32>
    %div3A = arith.constant 1.280000e+02 : f32
    %div3A_67 = vector.broadcast %div3A : f32 to vector<1024x1xf32>
    %div3A_68 = arith.divf %broadcast_in_dim3A, %div3A_67 : vector<1024x1xf32>
    %sub3A = vector.broadcast %div3A_68 : vector<1024x1xf32> to vector<1024x128xf32>
    %sub3A_69 = arith.subf %add3A_59, %sub3A : vector<1024x128xf32>
    %mul3A_70 = arith.mulf %sub3A_69, %sub3A_69 : vector<1024x128xf32>
    %reduce_sum3A_71 = arith.constant dense<0.000000e+00> : vector<1024xf32>
    %reduce_sum3A_72 = vector.multi_reduction <add>, %mul3A_70, %reduce_sum3A_71 [1] : vector<1024x128xf32> to vector<1024xf32>
    %broadcast_in_dim3A_73 = vector.shape_cast %reduce_sum3A_72 : vector<1024xf32> to vector<1024x1xf32>
    %div3A_74 = arith.constant 1.280000e+02 : f32
    %div3A_75 = vector.broadcast %div3A_74 : f32 to vector<1024x1xf32>
    %div3A_76 = arith.divf %broadcast_in_dim3A_73, %div3A_75 : vector<1024x1xf32>
    %add3A_77 = arith.constant 9.99999974E-6 : f32
    %add3A_78 = vector.broadcast %add3A_77 : f32 to vector<1024x1xf32>
    %add3A_79 = arith.addf %div3A_76, %add3A_78 : vector<1024x1xf32>
    %rsqrt3A = math.rsqrt %add3A_79 : vector<1024x1xf32>
    %mul3A_80 = vector.broadcast %rsqrt3A : vector<1024x1xf32> to vector<1024x128xf32>
    %mul3A_81 = arith.mulf %sub3A_69, %mul3A_80 : vector<1024x128xf32>
    %mul3A_82 = vector.broadcast %get3A_62 : vector<1x128xf32> to vector<1024x128xf32>
    %mul3A_83 = arith.mulf %mul3A_81, %mul3A_82 : vector<1024x128xf32>
    %add3A_84 = vector.broadcast %get3A_65 : vector<1x128xf32> to vector<1024x128xf32>
    %add3A_85 = arith.addf %mul3A_83, %add3A_84 : vector<1024x128xf32>
    %add3A_86 = arith.addf %get3A_1, %add3A_85 : vector<1024x128xf32>
    %swap3A = arith.constant 0 : index
    %swap3A_87 = arith.constant 0 : index
    %swap3A_88 = vector.load %arg15[%swap3A, %swap3A_87] : memref<1024x128xf32, #tpu.memory_space<vmem>>, vector<1024x128xf32>
    tpu.vector_store %arg15[%swap3A, %swap3A_87], %add3A_86 {strides = array<i32>} : memref<1024x128xf32, #tpu.memory_space<vmem>>, vector<1024x128xf32>,
    %get3A_89 = arith.constant 0 : index
    %get3A_90 = arith.constant 0 : index
    %get3A_91 = vector.load %arg13[%get3A_89, %get3A_90] : memref<128x128xf32, #tpu.memory_space<vmem>>, vector<128x128xf32>
    %dot_general3A_92 = arith.constant dense<0.000000e+00> : vector<1024x128xf32>
    %dot_general3A_93 = tpu.matmul %add3A_85, %get3A_91, %dot_general3A_92 {dimension_numbers = #tpu.dot_dimension_numbers<[1], [0], [0], [1], [0, 0, 1, 1], [], []>, transpose_lhs_hint = false} : vector<1024x128xf32>, vector<128x128xf32>, vector<1024x128xf32> -> vector<1024x128xf32>
    %swap3A_94 = arith.constant 0 : index
    %swap3A_95 = arith.constant 0 : index
    %swap3A_96 = vector.load %arg16[%swap3A_94, %swap3A_95] : memref<1024x128xf32, #tpu.memory_space<vmem>>, vector<1024x128xf32>
    tpu.vector_store %arg16[%swap3A_94, %swap3A_95], %dot_general3A_93 {strides = array<i32>} : memref<1024x128xf32, #tpu.memory_space<vmem>>, vector<1024x128xf32>,
    %get3A_97 = arith.constant 0 : index
    %get3A_98 = arith.constant 0 : index
    %get3A_99 = vector.load %arg14[%get3A_97, %get3A_98] : memref<128x128xf32, #tpu.memory_space<vmem>>, vector<128x128xf32>
    %dot_general3A_100 = arith.constant dense<0.000000e+00> : vector<1024x128xf32>
    %dot_general3A_101 = tpu.matmul %add3A_85, %get3A_99, %dot_general3A_100 {dimension_numbers = #tpu.dot_dimension_numbers<[1], [0], [0], [1], [0, 0, 1, 1], [], []>, transpose_lhs_hint = false} : vector<1024x128xf32>, vector<128x128xf32>, vector<1024x128xf32> -> vector<1024x128xf32>
    %swap3A_102 = arith.constant 0 : index
    %swap3A_103 = arith.constant 0 : index
    %swap3A_104 = vector.load %arg17[%swap3A_102, %swap3A_103] : memref<1024x128xf32, #tpu.memory_space<vmem>>, vector<1024x128xf32>
    tpu.vector_store %arg17[%swap3A_102, %swap3A_103], %dot_general3A_101 {strides = array<i32>} : memref<1024x128xf32, #tpu.memory_space<vmem>>, vector<1024x128xf32>,
    return
  }
  func.func @transform_0(%arg0: i32) -> (i32, i32) {
    %c0_i32 = arith.constant 0 : i32
    %c0_i32_0 = arith.constant 0 : i32
    return %arg0, %c0_i32 : i32, i32
  }
  func.func @transform_1(%arg0: i32) -> (i32, i32) {
    %c0_i32 = arith.constant 0 : i32
    %c0_i32_0 = arith.constant 0 : i32
    return %arg0, %c0_i32 : i32, i32
  }
  func.func @transform_2(%arg0: i32) -> (i32, i32) {
    %c0_i32 = arith.constant 0 : i32
    %c0_i32_0 = arith.constant 0 : i32
    return %arg0, %c0_i32 : i32, i32
  }
  func.func @transform_3(%arg0: i32) -> (i32, i32) {
    %c0_i32 = arith.constant 0 : i32
    %c0_i32_0 = arith.constant 0 : i32
    %c0_i32_1 = arith.constant 0 : i32
    return %c0_i32, %c0_i32_0 : i32, i32
  }
  func.func @transform_4(%arg0: i32) -> (i32, i32) {
    %c0_i32 = arith.constant 0 : i32
    %c0_i32_0 = arith.constant 0 : i32
    %c0_i32_1 = arith.constant 0 : i32
    return %c0_i32, %c0_i32_0 : i32, i32
  }
  func.func @transform_5(%arg0: i32) -> (i32, i32) {
    %c0_i32 = arith.constant 0 : i32
    %c0_i32_0 = arith.constant 0 : i32
    %c0_i32_1 = arith.constant 0 : i32
    return %c0_i32, %c0_i32_0 : i32, i32
  }
  func.func @transform_6(%arg0: i32) -> (i32, i32) {
    %c0_i32 = arith.constant 0 : i32
    %c0_i32_0 = arith.constant 0 : i32
    %c0_i32_1 = arith.constant 0 : i32
    return %c0_i32, %c0_i32_0 : i32, i32
  }
  func.func @transform_7(%arg0: i32) -> (i32, i32) {
    %c0_i32 = arith.constant 0 : i32
    %c0_i32_0 = arith.constant 0 : i32
    %c0_i32_1 = arith.constant 0 : i32
    return %c0_i32, %c0_i32_0 : i32, i32
  }
  func.func @transform_8(%arg0: i32) -> (i32, i32) {
    %c0_i32 = arith.constant 0 : i32
    %c0_i32_0 = arith.constant 0 : i32
    %c0_i32_1 = arith.constant 0 : i32
    return %c0_i32, %c0_i32_0 : i32, i32
  }
  func.func @transform_9(%arg0: i32) -> (i32, i32) {
    %c0_i32 = arith.constant 0 : i32
    %c0_i32_0 = arith.constant 0 : i32
    %c0_i32_1 = arith.constant 0 : i32
    return %c0_i32, %c0_i32_0 : i32, i32
  }
  func.func @transform_10(%arg0: i32) -> (i32, i32) {
    %c0_i32 = arith.constant 0 : i32
    %c0_i32_0 = arith.constant 0 : i32
    %c0_i32_1 = arith.constant 0 : i32
    return %c0_i32, %c0_i32_0 : i32, i32
  }
  func.func @transform_11(%arg0: i32) -> (i32, i32) {
    %c0_i32 = arith.constant 0 : i32
    %c0_i32_0 = arith.constant 0 : i32
    %c0_i32_1 = arith.constant 0 : i32
    return %c0_i32, %c0_i32_0 : i32, i32
  }
  func.func @transform_12(%arg0: i32) -> (i32, i32) {
    %c0_i32 = arith.constant 0 : i32
    %c0_i32_0 = arith.constant 0 : i32
    %c0_i32_1 = arith.constant 0 : i32
    return %c0_i32, %c0_i32_0 : i32, i32
  }
  func.func @transform_13(%arg0: i32) -> (i32, i32) {
    %c0_i32 = arith.constant 0 : i32
    %c0_i32_0 = arith.constant 0 : i32
    %c0_i32_1 = arith.constant 0 : i32
    return %c0_i32, %c0_i32_0 : i32, i32
  }
  func.func @transform_14(%arg0: i32) -> (i32, i32) {
    %c0_i32 = arith.constant 0 : i32
    %c0_i32_0 = arith.constant 0 : i32
    return %arg0, %c0_i32 : i32, i32
  }
  func.func @transform_15(%arg0: i32) -> (i32, i32) {
    %c0_i32 = arith.constant 0 : i32
    %c0_i32_0 = arith.constant 0 : i32
    return %arg0, %c0_i32 : i32, i32
  }
  func.func @transform_16(%arg0: i32) -> (i32, i32) {
    %c0_i32 = arith.constant 0 : i32
    %c0_i32_0 = arith.constant 0 : i32
    return %arg0, %c0_i32 : i32, i32
  }
}

module attributes {stable_mosaic.version = 14 : i64} {
  func.func @body(%arg0: i32, %arg1: memref<2048x128xf32, #tpu.memory_space<vmem>>, %arg2: memref<2048x128xf32, #tpu.memory_space<vmem>>, %arg3: memref<2048x128xf32, #tpu.memory_space<vmem>>, %arg4: memref<128x128xf32, #tpu.memory_space<vmem>>, %arg5: memref<1x128xf32, #tpu.memory_space<vmem>>, %arg6: memref<128x128xf32, #tpu.memory_space<vmem>>, %arg7: memref<1x128xf32, #tpu.memory_space<vmem>>, %arg8: memref<128x128xf32, #tpu.memory_space<vmem>>, %arg9: memref<1x128xf32, #tpu.memory_space<vmem>>, %arg10: memref<1x128xf32, #tpu.memory_space<vmem>>, %arg11: memref<1x128xf32, #tpu.memory_space<vmem>>, %arg12: memref<2048x128xf32, #tpu.memory_space<vmem>>) attributes {dimension_semantics = [#tpu.dimension_semantics<arbitrary>], iteration_bounds = array<i64: 158>, scalar_prefetch = 0 : i64, scratch_operands = 0 : i64, tpu.core_type = #tpu.core_type<tc>, window_params = [{transform_indices = @transform_0, window_bounds = array<i64: 2048, 128>}, {transform_indices = @transform_1, window_bounds = array<i64: 2048, 128>}, {transform_indices = @transform_2, window_bounds = array<i64: 2048, 128>}, {pipeline_mode = #tpu.pipeline_mode<synchronous>, transform_indices = @transform_3, window_bounds = array<i64: 128, 128>}, {pipeline_mode = #tpu.pipeline_mode<synchronous>, transform_indices = @transform_4, window_bounds = array<i64: 1, 128>}, {pipeline_mode = #tpu.pipeline_mode<synchronous>, transform_indices = @transform_5, window_bounds = array<i64: 128, 128>}, {pipeline_mode = #tpu.pipeline_mode<synchronous>, transform_indices = @transform_6, window_bounds = array<i64: 1, 128>}, {pipeline_mode = #tpu.pipeline_mode<synchronous>, transform_indices = @transform_7, window_bounds = array<i64: 128, 128>}, {pipeline_mode = #tpu.pipeline_mode<synchronous>, transform_indices = @transform_8, window_bounds = array<i64: 1, 128>}, {pipeline_mode = #tpu.pipeline_mode<synchronous>, transform_indices = @transform_9, window_bounds = array<i64: 1, 128>}, {pipeline_mode = #tpu.pipeline_mode<synchronous>, transform_indices = @transform_10, window_bounds = array<i64: 1, 128>}, {transform_indices = @transform_11, window_bounds = array<i64: 2048, 128>}]} {
    %get3A = arith.constant 0 : index
    %get3A_0 = arith.constant 0 : index
    %get3A_1 = vector.load %arg1[%get3A, %get3A_0] : memref<2048x128xf32, #tpu.memory_space<vmem>>, vector<2048x128xf32>
    %get3A_2 = arith.constant 0 : index
    %get3A_3 = arith.constant 0 : index
    %get3A_4 = vector.load %arg2[%get3A_2, %get3A_3] : memref<2048x128xf32, #tpu.memory_space<vmem>>, vector<2048x128xf32>
    %get3A_5 = arith.constant 0 : index
    %get3A_6 = arith.constant 0 : index
    %get3A_7 = vector.load %arg3[%get3A_5, %get3A_6] : memref<2048x128xf32, #tpu.memory_space<vmem>>, vector<2048x128xf32>
    %add3A = arith.addf %get3A_4, %get3A_7 : vector<2048x128xf32>
    %get3A_8 = arith.constant 0 : index
    %get3A_9 = arith.constant 0 : index
    %get3A_10 = vector.load %arg4[%get3A_8, %get3A_9] : memref<128x128xf32, #tpu.memory_space<vmem>>, vector<128x128xf32>
    %dot_general3A = arith.constant dense<0.000000e+00> : vector<2048x128xf32>
    %dot_general3A_11 = tpu.matmul %get3A_1, %get3A_10, %dot_general3A {dimension_numbers = #tpu.dot_dimension_numbers<[1], [0], [0], [1], [0, 0, 1, 1], [], []>, transpose_lhs_hint = false} : vector<2048x128xf32>, vector<128x128xf32>, vector<2048x128xf32> -> vector<2048x128xf32>
    %add3A_12 = arith.addf %add3A, %dot_general3A_11 : vector<2048x128xf32>
    %get3A_13 = arith.constant 0 : index
    %get3A_14 = arith.constant 0 : index
    %get3A_15 = vector.load %arg5[%get3A_13, %get3A_14] : memref<1x128xf32, #tpu.memory_space<vmem>>, vector<1x128xf32>
    %add3A_16 = vector.broadcast %get3A_15 : vector<1x128xf32> to vector<2048x128xf32>
    %add3A_17 = arith.addf %add3A_12, %add3A_16 : vector<2048x128xf32>
    %logistic3A = arith.negf %add3A_17 : vector<2048x128xf32>
    %logistic3A_18 = math.exp %logistic3A : vector<2048x128xf32>
    %logistic3A_19 = arith.constant 1.000000e+00 : f32
    %logistic3A_20 = vector.broadcast %logistic3A_19 : f32 to vector<2048x128xf32>
    %logistic3A_21 = arith.addf %logistic3A_20, %logistic3A_18 : vector<2048x128xf32>
    %logistic3A_22 = arith.divf %logistic3A_20, %logistic3A_21 : vector<2048x128xf32>
    %mul3A = arith.mulf %add3A_17, %logistic3A_22 : vector<2048x128xf32>
    %get3A_23 = arith.constant 0 : index
    %get3A_24 = arith.constant 0 : index
    %get3A_25 = vector.load %arg6[%get3A_23, %get3A_24] : memref<128x128xf32, #tpu.memory_space<vmem>>, vector<128x128xf32>
    %dot_general3A_26 = arith.constant dense<0.000000e+00> : vector<2048x128xf32>
    %dot_general3A_27 = tpu.matmul %mul3A, %get3A_25, %dot_general3A_26 {dimension_numbers = #tpu.dot_dimension_numbers<[1], [0], [0], [1], [0, 0, 1, 1], [], []>, transpose_lhs_hint = false} : vector<2048x128xf32>, vector<128x128xf32>, vector<2048x128xf32> -> vector<2048x128xf32>
    %get3A_28 = arith.constant 0 : index
    %get3A_29 = arith.constant 0 : index
    %get3A_30 = vector.load %arg7[%get3A_28, %get3A_29] : memref<1x128xf32, #tpu.memory_space<vmem>>, vector<1x128xf32>
    %add3A_31 = vector.broadcast %get3A_30 : vector<1x128xf32> to vector<2048x128xf32>
    %add3A_32 = arith.addf %dot_general3A_27, %add3A_31 : vector<2048x128xf32>
    %logistic3A_33 = arith.negf %add3A_32 : vector<2048x128xf32>
    %logistic3A_34 = math.exp %logistic3A_33 : vector<2048x128xf32>
    %logistic3A_35 = arith.constant 1.000000e+00 : f32
    %logistic3A_36 = vector.broadcast %logistic3A_35 : f32 to vector<2048x128xf32>
    %logistic3A_37 = arith.addf %logistic3A_36, %logistic3A_34 : vector<2048x128xf32>
    %logistic3A_38 = arith.divf %logistic3A_36, %logistic3A_37 : vector<2048x128xf32>
    %mul3A_39 = arith.mulf %add3A_32, %logistic3A_38 : vector<2048x128xf32>
    %get3A_40 = arith.constant 0 : index
    %get3A_41 = arith.constant 0 : index
    %get3A_42 = vector.load %arg8[%get3A_40, %get3A_41] : memref<128x128xf32, #tpu.memory_space<vmem>>, vector<128x128xf32>
    %dot_general3A_43 = arith.constant dense<0.000000e+00> : vector<2048x128xf32>
    %dot_general3A_44 = tpu.matmul %mul3A_39, %get3A_42, %dot_general3A_43 {dimension_numbers = #tpu.dot_dimension_numbers<[1], [0], [0], [1], [0, 0, 1, 1], [], []>, transpose_lhs_hint = false} : vector<2048x128xf32>, vector<128x128xf32>, vector<2048x128xf32> -> vector<2048x128xf32>
    %get3A_45 = arith.constant 0 : index
    %get3A_46 = arith.constant 0 : index
    %get3A_47 = vector.load %arg9[%get3A_45, %get3A_46] : memref<1x128xf32, #tpu.memory_space<vmem>>, vector<1x128xf32>
    %add3A_48 = vector.broadcast %get3A_47 : vector<1x128xf32> to vector<2048x128xf32>
    %add3A_49 = arith.addf %dot_general3A_44, %add3A_48 : vector<2048x128xf32>
    %get3A_50 = arith.constant 0 : index
    %get3A_51 = arith.constant 0 : index
    %get3A_52 = vector.load %arg10[%get3A_50, %get3A_51] : memref<1x128xf32, #tpu.memory_space<vmem>>, vector<1x128xf32>
    %get3A_53 = arith.constant 0 : index
    %get3A_54 = arith.constant 0 : index
    %get3A_55 = vector.load %arg11[%get3A_53, %get3A_54] : memref<1x128xf32, #tpu.memory_space<vmem>>, vector<1x128xf32>
    %reduce_sum3A = arith.constant dense<0.000000e+00> : vector<2048xf32>
    %reduce_sum3A_56 = vector.multi_reduction <add>, %add3A_49, %reduce_sum3A [1] : vector<2048x128xf32> to vector<2048xf32>
    %broadcast_in_dim3A = vector.shape_cast %reduce_sum3A_56 : vector<2048xf32> to vector<2048x1xf32>
    %div3A = arith.constant 1.280000e+02 : f32
    %div3A_57 = vector.broadcast %div3A : f32 to vector<2048x1xf32>
    %div3A_58 = arith.divf %broadcast_in_dim3A, %div3A_57 : vector<2048x1xf32>
    %sub3A = vector.broadcast %div3A_58 : vector<2048x1xf32> to vector<2048x128xf32>
    %sub3A_59 = arith.subf %add3A_49, %sub3A : vector<2048x128xf32>
    %mul3A_60 = arith.mulf %sub3A_59, %sub3A_59 : vector<2048x128xf32>
    %reduce_sum3A_61 = arith.constant dense<0.000000e+00> : vector<2048xf32>
    %reduce_sum3A_62 = vector.multi_reduction <add>, %mul3A_60, %reduce_sum3A_61 [1] : vector<2048x128xf32> to vector<2048xf32>
    %broadcast_in_dim3A_63 = vector.shape_cast %reduce_sum3A_62 : vector<2048xf32> to vector<2048x1xf32>
    %div3A_64 = arith.constant 1.280000e+02 : f32
    %div3A_65 = vector.broadcast %div3A_64 : f32 to vector<2048x1xf32>
    %div3A_66 = arith.divf %broadcast_in_dim3A_63, %div3A_65 : vector<2048x1xf32>
    %add3A_67 = arith.constant 9.99999974E-6 : f32
    %add3A_68 = vector.broadcast %add3A_67 : f32 to vector<2048x1xf32>
    %add3A_69 = arith.addf %div3A_66, %add3A_68 : vector<2048x1xf32>
    %rsqrt3A = math.rsqrt %add3A_69 : vector<2048x1xf32>
    %mul3A_70 = vector.broadcast %rsqrt3A : vector<2048x1xf32> to vector<2048x128xf32>
    %mul3A_71 = arith.mulf %sub3A_59, %mul3A_70 : vector<2048x128xf32>
    %mul3A_72 = vector.broadcast %get3A_52 : vector<1x128xf32> to vector<2048x128xf32>
    %mul3A_73 = arith.mulf %mul3A_71, %mul3A_72 : vector<2048x128xf32>
    %add3A_74 = vector.broadcast %get3A_55 : vector<1x128xf32> to vector<2048x128xf32>
    %add3A_75 = arith.addf %mul3A_73, %add3A_74 : vector<2048x128xf32>
    %add3A_76 = arith.addf %get3A_1, %add3A_75 : vector<2048x128xf32>
    %swap3A = arith.constant 0 : index
    %swap3A_77 = arith.constant 0 : index
    %swap3A_78 = vector.load %arg12[%swap3A, %swap3A_77] : memref<2048x128xf32, #tpu.memory_space<vmem>>, vector<2048x128xf32>
    tpu.vector_store %arg12[%swap3A, %swap3A_77], %add3A_76 {strides = array<i32>} : memref<2048x128xf32, #tpu.memory_space<vmem>>, vector<2048x128xf32>,
    return
  }
  func.func @transform_0(%arg0: i32) -> (i32, i32) {
    %c0_i32 = arith.constant 0 : i32
    %c0_i32_0 = arith.constant 0 : i32
    return %arg0, %c0_i32 : i32, i32
  }
  func.func @transform_1(%arg0: i32) -> (i32, i32) {
    %c0_i32 = arith.constant 0 : i32
    %c0_i32_0 = arith.constant 0 : i32
    return %arg0, %c0_i32 : i32, i32
  }
  func.func @transform_2(%arg0: i32) -> (i32, i32) {
    %c0_i32 = arith.constant 0 : i32
    %c0_i32_0 = arith.constant 0 : i32
    return %arg0, %c0_i32 : i32, i32
  }
  func.func @transform_3(%arg0: i32) -> (i32, i32) {
    %c0_i32 = arith.constant 0 : i32
    %c0_i32_0 = arith.constant 0 : i32
    %c0_i32_1 = arith.constant 0 : i32
    return %c0_i32, %c0_i32_0 : i32, i32
  }
  func.func @transform_4(%arg0: i32) -> (i32, i32) {
    %c0_i32 = arith.constant 0 : i32
    %c0_i32_0 = arith.constant 0 : i32
    %c0_i32_1 = arith.constant 0 : i32
    return %c0_i32, %c0_i32_0 : i32, i32
  }
  func.func @transform_5(%arg0: i32) -> (i32, i32) {
    %c0_i32 = arith.constant 0 : i32
    %c0_i32_0 = arith.constant 0 : i32
    %c0_i32_1 = arith.constant 0 : i32
    return %c0_i32, %c0_i32_0 : i32, i32
  }
  func.func @transform_6(%arg0: i32) -> (i32, i32) {
    %c0_i32 = arith.constant 0 : i32
    %c0_i32_0 = arith.constant 0 : i32
    %c0_i32_1 = arith.constant 0 : i32
    return %c0_i32, %c0_i32_0 : i32, i32
  }
  func.func @transform_7(%arg0: i32) -> (i32, i32) {
    %c0_i32 = arith.constant 0 : i32
    %c0_i32_0 = arith.constant 0 : i32
    %c0_i32_1 = arith.constant 0 : i32
    return %c0_i32, %c0_i32_0 : i32, i32
  }
  func.func @transform_8(%arg0: i32) -> (i32, i32) {
    %c0_i32 = arith.constant 0 : i32
    %c0_i32_0 = arith.constant 0 : i32
    %c0_i32_1 = arith.constant 0 : i32
    return %c0_i32, %c0_i32_0 : i32, i32
  }
  func.func @transform_9(%arg0: i32) -> (i32, i32) {
    %c0_i32 = arith.constant 0 : i32
    %c0_i32_0 = arith.constant 0 : i32
    %c0_i32_1 = arith.constant 0 : i32
    return %c0_i32, %c0_i32_0 : i32, i32
  }
  func.func @transform_10(%arg0: i32) -> (i32, i32) {
    %c0_i32 = arith.constant 0 : i32
    %c0_i32_0 = arith.constant 0 : i32
    %c0_i32_1 = arith.constant 0 : i32
    return %c0_i32, %c0_i32_0 : i32, i32
  }
  func.func @transform_11(%arg0: i32) -> (i32, i32) {
    %c0_i32 = arith.constant 0 : i32
    %c0_i32_0 = arith.constant 0 : i32
    return %arg0, %c0_i32 : i32, i32
  }
}

module attributes {stable_mosaic.version = 14 : i64} {
  func.func @body(%arg0: i32, %arg1: memref<1024x128xf32, #tpu.memory_space<vmem>>, %arg2: memref<1024x128xf32, #tpu.memory_space<vmem>>, %arg3: memref<1024x128xf32, #tpu.memory_space<vmem>>, %arg4: memref<1024x128xf32, #tpu.memory_space<vmem>>, %arg5: memref<128x128xf32, #tpu.memory_space<vmem>>, %arg6: memref<64x128xf32, #tpu.memory_space<vmem>>, %arg7: memref<1x128xf32, #tpu.memory_space<vmem>>, %arg8: memref<128x128xf32, #tpu.memory_space<vmem>>, %arg9: memref<1x128xf32, #tpu.memory_space<vmem>>, %arg10: memref<128x128xf32, #tpu.memory_space<vmem>>, %arg11: memref<1x128xf32, #tpu.memory_space<vmem>>, %arg12: memref<1x128xf32, #tpu.memory_space<vmem>>, %arg13: memref<1x128xf32, #tpu.memory_space<vmem>>, %arg14: memref<128x128xf32, #tpu.memory_space<vmem>>, %arg15: memref<128x128xf32, #tpu.memory_space<vmem>>, %arg16: memref<1024x128xf32, #tpu.memory_space<vmem>>, %arg17: memref<1024x128xf32, #tpu.memory_space<vmem>>, %arg18: memref<1024x128xf32, #tpu.memory_space<vmem>>) attributes {dimension_semantics = [#tpu.dimension_semantics<arbitrary>], iteration_bounds = array<i64: 10>, scalar_prefetch = 0 : i64, scratch_operands = 0 : i64, tpu.core_type = #tpu.core_type<tc>, window_params = [{transform_indices = @transform_0, window_bounds = array<i64: 1024, 128>}, {transform_indices = @transform_1, window_bounds = array<i64: 1024, 128>}, {transform_indices = @transform_2, window_bounds = array<i64: 1024, 128>}, {transform_indices = @transform_3, window_bounds = array<i64: 1024, 128>}, {pipeline_mode = #tpu.pipeline_mode<synchronous>, transform_indices = @transform_4, window_bounds = array<i64: 128, 128>}, {pipeline_mode = #tpu.pipeline_mode<synchronous>, transform_indices = @transform_5, window_bounds = array<i64: 64, 128>}, {pipeline_mode = #tpu.pipeline_mode<synchronous>, transform_indices = @transform_6, window_bounds = array<i64: 1, 128>}, {pipeline_mode = #tpu.pipeline_mode<synchronous>, transform_indices = @transform_7, window_bounds = array<i64: 128, 128>}, {pipeline_mode = #tpu.pipeline_mode<synchronous>, transform_indices = @transform_8, window_bounds = array<i64: 1, 128>}, {pipeline_mode = #tpu.pipeline_mode<synchronous>, transform_indices = @transform_9, window_bounds = array<i64: 128, 128>}, {pipeline_mode = #tpu.pipeline_mode<synchronous>, transform_indices = @transform_10, window_bounds = array<i64: 1, 128>}, {pipeline_mode = #tpu.pipeline_mode<synchronous>, transform_indices = @transform_11, window_bounds = array<i64: 1, 128>}, {pipeline_mode = #tpu.pipeline_mode<synchronous>, transform_indices = @transform_12, window_bounds = array<i64: 1, 128>}, {pipeline_mode = #tpu.pipeline_mode<synchronous>, transform_indices = @transform_13, window_bounds = array<i64: 128, 128>}, {pipeline_mode = #tpu.pipeline_mode<synchronous>, transform_indices = @transform_14, window_bounds = array<i64: 128, 128>}, {transform_indices = @transform_15, window_bounds = array<i64: 1024, 128>}, {transform_indices = @transform_16, window_bounds = array<i64: 1024, 128>}, {transform_indices = @transform_17, window_bounds = array<i64: 1024, 128>}]} {
    %get3A = arith.constant 0 : index
    %get3A_0 = arith.constant 0 : index
    %get3A_1 = vector.load %arg1[%get3A, %get3A_0] : memref<1024x128xf32, #tpu.memory_space<vmem>>, vector<1024x128xf32>
    %get3A_2 = arith.constant 0 : index
    %get3A_3 = arith.constant 0 : index
    %get3A_4 = vector.load %arg2[%get3A_2, %get3A_3] : memref<1024x128xf32, #tpu.memory_space<vmem>>, vector<1024x128xf32>
    %get3A_5 = arith.constant 0 : index
    %get3A_6 = arith.constant 0 : index
    %get3A_7 = vector.load %arg3[%get3A_5, %get3A_6] : memref<1024x128xf32, #tpu.memory_space<vmem>>, vector<1024x128xf32>
    %add3A = arith.addf %get3A_4, %get3A_7 : vector<1024x128xf32>
    %slice3A = vector.extract_strided_slice %add3A {offsets = [0, 0], sizes = [1024, 64], strides = [1, 1]} : vector<1024x128xf32> to vector<1024x64xf32>
    %slice3A_8 = vector.extract_strided_slice %add3A {offsets = [0, 64], sizes = [1024, 64], strides = [1, 1]} : vector<1024x128xf32> to vector<1024x64xf32>
    %add3A_9 = arith.addf %slice3A, %slice3A_8 : vector<1024x64xf32>
    %mul3A = arith.constant 5.000000e-01 : f32
    %mul3A_10 = vector.broadcast %mul3A : f32 to vector<1024x64xf32>
    %mul3A_11 = arith.mulf %mul3A_10, %add3A_9 : vector<1024x64xf32>
    %get3A_12 = arith.constant 0 : index
    %get3A_13 = arith.constant 0 : index
    %get3A_14 = vector.load %arg5[%get3A_12, %get3A_13] : memref<128x128xf32, #tpu.memory_space<vmem>>, vector<128x128xf32>
    %dot_general3A = arith.constant dense<0.000000e+00> : vector<1024x128xf32>
    %dot_general3A_15 = tpu.matmul %get3A_1, %get3A_14, %dot_general3A {dimension_numbers = #tpu.dot_dimension_numbers<[1], [0], [0], [1], [0, 0, 1, 1], [], []>, transpose_lhs_hint = false} : vector<1024x128xf32>, vector<128x128xf32>, vector<1024x128xf32> -> vector<1024x128xf32>
    %get3A_16 = arith.constant 0 : index
    %get3A_17 = arith.constant 0 : index
    %get3A_18 = vector.load %arg6[%get3A_16, %get3A_17] : memref<64x128xf32, #tpu.memory_space<vmem>>, vector<64x128xf32>
    %dot_general3A_19 = arith.constant dense<0.000000e+00> : vector<1024x128xf32>
    %dot_general3A_20 = tpu.matmul %mul3A_11, %get3A_18, %dot_general3A_19 {dimension_numbers = #tpu.dot_dimension_numbers<[1], [0], [0], [1], [0, 0, 1, 1], [], []>, transpose_lhs_hint = false} : vector<1024x64xf32>, vector<64x128xf32>, vector<1024x128xf32> -> vector<1024x128xf32>
    %add3A_21 = arith.addf %dot_general3A_15, %dot_general3A_20 : vector<1024x128xf32>
    %get3A_22 = arith.constant 0 : index
    %get3A_23 = arith.constant 0 : index
    %get3A_24 = vector.load %arg7[%get3A_22, %get3A_23] : memref<1x128xf32, #tpu.memory_space<vmem>>, vector<1x128xf32>
    %add3A_25 = vector.broadcast %get3A_24 : vector<1x128xf32> to vector<1024x128xf32>
    %add3A_26 = arith.addf %add3A_21, %add3A_25 : vector<1024x128xf32>
    %logistic3A = arith.negf %add3A_26 : vector<1024x128xf32>
    %logistic3A_27 = math.exp %logistic3A : vector<1024x128xf32>
    %logistic3A_28 = arith.constant 1.000000e+00 : f32
    %logistic3A_29 = vector.broadcast %logistic3A_28 : f32 to vector<1024x128xf32>
    %logistic3A_30 = arith.addf %logistic3A_29, %logistic3A_27 : vector<1024x128xf32>
    %logistic3A_31 = arith.divf %logistic3A_29, %logistic3A_30 : vector<1024x128xf32>
    %mul3A_32 = arith.mulf %add3A_26, %logistic3A_31 : vector<1024x128xf32>
    %get3A_33 = arith.constant 0 : index
    %get3A_34 = arith.constant 0 : index
    %get3A_35 = vector.load %arg8[%get3A_33, %get3A_34] : memref<128x128xf32, #tpu.memory_space<vmem>>, vector<128x128xf32>
    %dot_general3A_36 = arith.constant dense<0.000000e+00> : vector<1024x128xf32>
    %dot_general3A_37 = tpu.matmul %mul3A_32, %get3A_35, %dot_general3A_36 {dimension_numbers = #tpu.dot_dimension_numbers<[1], [0], [0], [1], [0, 0, 1, 1], [], []>, transpose_lhs_hint = false} : vector<1024x128xf32>, vector<128x128xf32>, vector<1024x128xf32> -> vector<1024x128xf32>
    %get3A_38 = arith.constant 0 : index
    %get3A_39 = arith.constant 0 : index
    %get3A_40 = vector.load %arg9[%get3A_38, %get3A_39] : memref<1x128xf32, #tpu.memory_space<vmem>>, vector<1x128xf32>
    %add3A_41 = vector.broadcast %get3A_40 : vector<1x128xf32> to vector<1024x128xf32>
    %add3A_42 = arith.addf %dot_general3A_37, %add3A_41 : vector<1024x128xf32>
    %logistic3A_43 = arith.negf %add3A_42 : vector<1024x128xf32>
    %logistic3A_44 = math.exp %logistic3A_43 : vector<1024x128xf32>
    %logistic3A_45 = arith.constant 1.000000e+00 : f32
    %logistic3A_46 = vector.broadcast %logistic3A_45 : f32 to vector<1024x128xf32>
    %logistic3A_47 = arith.addf %logistic3A_46, %logistic3A_44 : vector<1024x128xf32>
    %logistic3A_48 = arith.divf %logistic3A_46, %logistic3A_47 : vector<1024x128xf32>
    %mul3A_49 = arith.mulf %add3A_42, %logistic3A_48 : vector<1024x128xf32>
    %get3A_50 = arith.constant 0 : index
    %get3A_51 = arith.constant 0 : index
    %get3A_52 = vector.load %arg10[%get3A_50, %get3A_51] : memref<128x128xf32, #tpu.memory_space<vmem>>, vector<128x128xf32>
    %dot_general3A_53 = arith.constant dense<0.000000e+00> : vector<1024x128xf32>
    %dot_general3A_54 = tpu.matmul %mul3A_49, %get3A_52, %dot_general3A_53 {dimension_numbers = #tpu.dot_dimension_numbers<[1], [0], [0], [1], [0, 0, 1, 1], [], []>, transpose_lhs_hint = false} : vector<1024x128xf32>, vector<128x128xf32>, vector<1024x128xf32> -> vector<1024x128xf32>
    %get3A_55 = arith.constant 0 : index
    %get3A_56 = arith.constant 0 : index
    %get3A_57 = vector.load %arg11[%get3A_55, %get3A_56] : memref<1x128xf32, #tpu.memory_space<vmem>>, vector<1x128xf32>
    %add3A_58 = vector.broadcast %get3A_57 : vector<1x128xf32> to vector<1024x128xf32>
    %add3A_59 = arith.addf %dot_general3A_54, %add3A_58 : vector<1024x128xf32>
    %get3A_60 = arith.constant 0 : index
    %get3A_61 = arith.constant 0 : index
    %get3A_62 = vector.load %arg12[%get3A_60, %get3A_61] : memref<1x128xf32, #tpu.memory_space<vmem>>, vector<1x128xf32>
    %get3A_63 = arith.constant 0 : index
    %get3A_64 = arith.constant 0 : index
    %get3A_65 = vector.load %arg13[%get3A_63, %get3A_64] : memref<1x128xf32, #tpu.memory_space<vmem>>, vector<1x128xf32>
    %reduce_sum3A = arith.constant dense<0.000000e+00> : vector<1024xf32>
    %reduce_sum3A_66 = vector.multi_reduction <add>, %add3A_59, %reduce_sum3A [1] : vector<1024x128xf32> to vector<1024xf32>
    %broadcast_in_dim3A = vector.shape_cast %reduce_sum3A_66 : vector<1024xf32> to vector<1024x1xf32>
    %div3A = arith.constant 1.280000e+02 : f32
    %div3A_67 = vector.broadcast %div3A : f32 to vector<1024x1xf32>
    %div3A_68 = arith.divf %broadcast_in_dim3A, %div3A_67 : vector<1024x1xf32>
    %sub3A = vector.broadcast %div3A_68 : vector<1024x1xf32> to vector<1024x128xf32>
    %sub3A_69 = arith.subf %add3A_59, %sub3A : vector<1024x128xf32>
    %mul3A_70 = arith.mulf %sub3A_69, %sub3A_69 : vector<1024x128xf32>
    %reduce_sum3A_71 = arith.constant dense<0.000000e+00> : vector<1024xf32>
    %reduce_sum3A_72 = vector.multi_reduction <add>, %mul3A_70, %reduce_sum3A_71 [1] : vector<1024x128xf32> to vector<1024xf32>
    %broadcast_in_dim3A_73 = vector.shape_cast %reduce_sum3A_72 : vector<1024xf32> to vector<1024x1xf32>
    %div3A_74 = arith.constant 1.280000e+02 : f32
    %div3A_75 = vector.broadcast %div3A_74 : f32 to vector<1024x1xf32>
    %div3A_76 = arith.divf %broadcast_in_dim3A_73, %div3A_75 : vector<1024x1xf32>
    %add3A_77 = arith.constant 9.99999974E-6 : f32
    %add3A_78 = vector.broadcast %add3A_77 : f32 to vector<1024x1xf32>
    %add3A_79 = arith.addf %div3A_76, %add3A_78 : vector<1024x1xf32>
    %rsqrt3A = math.rsqrt %add3A_79 : vector<1024x1xf32>
    %mul3A_80 = vector.broadcast %rsqrt3A : vector<1024x1xf32> to vector<1024x128xf32>
    %mul3A_81 = arith.mulf %sub3A_69, %mul3A_80 : vector<1024x128xf32>
    %mul3A_82 = vector.broadcast %get3A_62 : vector<1x128xf32> to vector<1024x128xf32>
    %mul3A_83 = arith.mulf %mul3A_81, %mul3A_82 : vector<1024x128xf32>
    %add3A_84 = vector.broadcast %get3A_65 : vector<1x128xf32> to vector<1024x128xf32>
    %add3A_85 = arith.addf %mul3A_83, %add3A_84 : vector<1024x128xf32>
    %add3A_86 = arith.addf %get3A_1, %add3A_85 : vector<1024x128xf32>
    %get3A_87 = arith.constant 0 : index
    %get3A_88 = arith.constant 0 : index
    %get3A_89 = vector.load %arg4[%get3A_87, %get3A_88] : memref<1024x128xf32, #tpu.memory_space<vmem>>, vector<1024x128xf32>
    %add3A_90 = arith.addf %add3A_86, %get3A_89 : vector<1024x128xf32>
    %swap3A = arith.constant 0 : index
    %swap3A_91 = arith.constant 0 : index
    %swap3A_92 = vector.load %arg16[%swap3A, %swap3A_91] : memref<1024x128xf32, #tpu.memory_space<vmem>>, vector<1024x128xf32>
    tpu.vector_store %arg16[%swap3A, %swap3A_91], %add3A_90 {strides = array<i32>} : memref<1024x128xf32, #tpu.memory_space<vmem>>, vector<1024x128xf32>,
    %get3A_93 = arith.constant 0 : index
    %get3A_94 = arith.constant 0 : index
    %get3A_95 = vector.load %arg14[%get3A_93, %get3A_94] : memref<128x128xf32, #tpu.memory_space<vmem>>, vector<128x128xf32>
    %dot_general3A_96 = arith.constant dense<0.000000e+00> : vector<1024x128xf32>
    %dot_general3A_97 = tpu.matmul %add3A_85, %get3A_95, %dot_general3A_96 {dimension_numbers = #tpu.dot_dimension_numbers<[1], [0], [0], [1], [0, 0, 1, 1], [], []>, transpose_lhs_hint = false} : vector<1024x128xf32>, vector<128x128xf32>, vector<1024x128xf32> -> vector<1024x128xf32>
    %swap3A_98 = arith.constant 0 : index
    %swap3A_99 = arith.constant 0 : index
    %swap3A_100 = vector.load %arg17[%swap3A_98, %swap3A_99] : memref<1024x128xf32, #tpu.memory_space<vmem>>, vector<1024x128xf32>
    tpu.vector_store %arg17[%swap3A_98, %swap3A_99], %dot_general3A_97 {strides = array<i32>} : memref<1024x128xf32, #tpu.memory_space<vmem>>, vector<1024x128xf32>,
    %get3A_101 = arith.constant 0 : index
    %get3A_102 = arith.constant 0 : index
    %get3A_103 = vector.load %arg15[%get3A_101, %get3A_102] : memref<128x128xf32, #tpu.memory_space<vmem>>, vector<128x128xf32>
    %dot_general3A_104 = arith.constant dense<0.000000e+00> : vector<1024x128xf32>
    %dot_general3A_105 = tpu.matmul %add3A_85, %get3A_103, %dot_general3A_104 {dimension_numbers = #tpu.dot_dimension_numbers<[1], [0], [0], [1], [0, 0, 1, 1], [], []>, transpose_lhs_hint = false} : vector<1024x128xf32>, vector<128x128xf32>, vector<1024x128xf32> -> vector<1024x128xf32>
    %swap3A_106 = arith.constant 0 : index
    %swap3A_107 = arith.constant 0 : index
    %swap3A_108 = vector.load %arg18[%swap3A_106, %swap3A_107] : memref<1024x128xf32, #tpu.memory_space<vmem>>, vector<1024x128xf32>
    tpu.vector_store %arg18[%swap3A_106, %swap3A_107], %dot_general3A_105 {strides = array<i32>} : memref<1024x128xf32, #tpu.memory_space<vmem>>, vector<1024x128xf32>,
    return
  }
  func.func @transform_0(%arg0: i32) -> (i32, i32) {
    %c0_i32 = arith.constant 0 : i32
    %c0_i32_0 = arith.constant 0 : i32
    return %arg0, %c0_i32 : i32, i32
  }
  func.func @transform_1(%arg0: i32) -> (i32, i32) {
    %c0_i32 = arith.constant 0 : i32
    %c0_i32_0 = arith.constant 0 : i32
    return %arg0, %c0_i32 : i32, i32
  }
  func.func @transform_2(%arg0: i32) -> (i32, i32) {
    %c0_i32 = arith.constant 0 : i32
    %c0_i32_0 = arith.constant 0 : i32
    return %arg0, %c0_i32 : i32, i32
  }
  func.func @transform_3(%arg0: i32) -> (i32, i32) {
    %c0_i32 = arith.constant 0 : i32
    %c0_i32_0 = arith.constant 0 : i32
    return %arg0, %c0_i32 : i32, i32
  }
  func.func @transform_4(%arg0: i32) -> (i32, i32) {
    %c0_i32 = arith.constant 0 : i32
    %c0_i32_0 = arith.constant 0 : i32
    %c0_i32_1 = arith.constant 0 : i32
    return %c0_i32, %c0_i32_0 : i32, i32
  }
  func.func @transform_5(%arg0: i32) -> (i32, i32) {
    %c0_i32 = arith.constant 0 : i32
    %c0_i32_0 = arith.constant 0 : i32
    %c0_i32_1 = arith.constant 0 : i32
    return %c0_i32, %c0_i32_0 : i32, i32
  }
  func.func @transform_6(%arg0: i32) -> (i32, i32) {
    %c0_i32 = arith.constant 0 : i32
    %c0_i32_0 = arith.constant 0 : i32
    %c0_i32_1 = arith.constant 0 : i32
    return %c0_i32, %c0_i32_0 : i32, i32
  }
  func.func @transform_7(%arg0: i32) -> (i32, i32) {
    %c0_i32 = arith.constant 0 : i32
    %c0_i32_0 = arith.constant 0 : i32
    %c0_i32_1 = arith.constant 0 : i32
    return %c0_i32, %c0_i32_0 : i32, i32
  }
  func.func @transform_8(%arg0: i32) -> (i32, i32) {
    %c0_i32 = arith.constant 0 : i32
    %c0_i32_0 = arith.constant 0 : i32
    %c0_i32_1 = arith.constant 0 : i32
    return %c0_i32, %c0_i32_0 : i32, i32
  }
  func.func @transform_9(%arg0: i32) -> (i32, i32) {
    %c0_i32 = arith.constant 0 : i32
    %c0_i32_0 = arith.constant 0 : i32
    %c0_i32_1 = arith.constant 0 : i32
    return %c0_i32, %c0_i32_0 : i32, i32
  }
  func.func @transform_10(%arg0: i32) -> (i32, i32) {
    %c0_i32 = arith.constant 0 : i32
    %c0_i32_0 = arith.constant 0 : i32
    %c0_i32_1 = arith.constant 0 : i32
    return %c0_i32, %c0_i32_0 : i32, i32
  }
  func.func @transform_11(%arg0: i32) -> (i32, i32) {
    %c0_i32 = arith.constant 0 : i32
    %c0_i32_0 = arith.constant 0 : i32
    %c0_i32_1 = arith.constant 0 : i32
    return %c0_i32, %c0_i32_0 : i32, i32
  }
  func.func @transform_12(%arg0: i32) -> (i32, i32) {
    %c0_i32 = arith.constant 0 : i32
    %c0_i32_0 = arith.constant 0 : i32
    %c0_i32_1 = arith.constant 0 : i32
    return %c0_i32, %c0_i32_0 : i32, i32
  }
  func.func @transform_13(%arg0: i32) -> (i32, i32) {
    %c0_i32 = arith.constant 0 : i32
    %c0_i32_0 = arith.constant 0 : i32
    %c0_i32_1 = arith.constant 0 : i32
    return %c0_i32, %c0_i32_0 : i32, i32
  }
  func.func @transform_14(%arg0: i32) -> (i32, i32) {
    %c0_i32 = arith.constant 0 : i32
    %c0_i32_0 = arith.constant 0 : i32
    %c0_i32_1 = arith.constant 0 : i32
    return %c0_i32, %c0_i32_0 : i32, i32
  }
  func.func @transform_15(%arg0: i32) -> (i32, i32) {
    %c0_i32 = arith.constant 0 : i32
    %c0_i32_0 = arith.constant 0 : i32
    return %arg0, %c0_i32 : i32, i32
  }
  func.func @transform_16(%arg0: i32) -> (i32, i32) {
    %c0_i32 = arith.constant 0 : i32
    %c0_i32_0 = arith.constant 0 : i32
    return %arg0, %c0_i32 : i32, i32
  }
  func.func @transform_17(%arg0: i32) -> (i32, i32) {
    %c0_i32 = arith.constant 0 : i32
    %c0_i32_0 = arith.constant 0 : i32
    return %arg0, %c0_i32 : i32, i32
  }
}

module attributes {stable_mosaic.version = 14 : i64} {
  func.func @body(%arg0: i32, %arg1: memref<2048x128xf32, #tpu.memory_space<vmem>>, %arg2: memref<2048x128xf32, #tpu.memory_space<vmem>>, %arg3: memref<2048x128xf32, #tpu.memory_space<vmem>>, %arg4: memref<2048x128xf32, #tpu.memory_space<vmem>>, %arg5: memref<128x128xf32, #tpu.memory_space<vmem>>, %arg6: memref<1x128xf32, #tpu.memory_space<vmem>>, %arg7: memref<128x128xf32, #tpu.memory_space<vmem>>, %arg8: memref<1x128xf32, #tpu.memory_space<vmem>>, %arg9: memref<128x128xf32, #tpu.memory_space<vmem>>, %arg10: memref<1x128xf32, #tpu.memory_space<vmem>>, %arg11: memref<1x128xf32, #tpu.memory_space<vmem>>, %arg12: memref<1x128xf32, #tpu.memory_space<vmem>>, %arg13: memref<2048x128xf32, #tpu.memory_space<vmem>>) attributes {dimension_semantics = [#tpu.dimension_semantics<arbitrary>], iteration_bounds = array<i64: 158>, scalar_prefetch = 0 : i64, scratch_operands = 0 : i64, tpu.core_type = #tpu.core_type<tc>, window_params = [{transform_indices = @transform_0, window_bounds = array<i64: 2048, 128>}, {transform_indices = @transform_1, window_bounds = array<i64: 2048, 128>}, {transform_indices = @transform_2, window_bounds = array<i64: 2048, 128>}, {transform_indices = @transform_3, window_bounds = array<i64: 2048, 128>}, {pipeline_mode = #tpu.pipeline_mode<synchronous>, transform_indices = @transform_4, window_bounds = array<i64: 128, 128>}, {pipeline_mode = #tpu.pipeline_mode<synchronous>, transform_indices = @transform_5, window_bounds = array<i64: 1, 128>}, {pipeline_mode = #tpu.pipeline_mode<synchronous>, transform_indices = @transform_6, window_bounds = array<i64: 128, 128>}, {pipeline_mode = #tpu.pipeline_mode<synchronous>, transform_indices = @transform_7, window_bounds = array<i64: 1, 128>}, {pipeline_mode = #tpu.pipeline_mode<synchronous>, transform_indices = @transform_8, window_bounds = array<i64: 128, 128>}, {pipeline_mode = #tpu.pipeline_mode<synchronous>, transform_indices = @transform_9, window_bounds = array<i64: 1, 128>}, {pipeline_mode = #tpu.pipeline_mode<synchronous>, transform_indices = @transform_10, window_bounds = array<i64: 1, 128>}, {pipeline_mode = #tpu.pipeline_mode<synchronous>, transform_indices = @transform_11, window_bounds = array<i64: 1, 128>}, {transform_indices = @transform_12, window_bounds = array<i64: 2048, 128>}]} {
    %get3A = arith.constant 0 : index
    %get3A_0 = arith.constant 0 : index
    %get3A_1 = vector.load %arg1[%get3A, %get3A_0] : memref<2048x128xf32, #tpu.memory_space<vmem>>, vector<2048x128xf32>
    %get3A_2 = arith.constant 0 : index
    %get3A_3 = arith.constant 0 : index
    %get3A_4 = vector.load %arg2[%get3A_2, %get3A_3] : memref<2048x128xf32, #tpu.memory_space<vmem>>, vector<2048x128xf32>
    %get3A_5 = arith.constant 0 : index
    %get3A_6 = arith.constant 0 : index
    %get3A_7 = vector.load %arg3[%get3A_5, %get3A_6] : memref<2048x128xf32, #tpu.memory_space<vmem>>, vector<2048x128xf32>
    %add3A = arith.addf %get3A_4, %get3A_7 : vector<2048x128xf32>
    %get3A_8 = arith.constant 0 : index
    %get3A_9 = arith.constant 0 : index
    %get3A_10 = vector.load %arg5[%get3A_8, %get3A_9] : memref<128x128xf32, #tpu.memory_space<vmem>>, vector<128x128xf32>
    %dot_general3A = arith.constant dense<0.000000e+00> : vector<2048x128xf32>
    %dot_general3A_11 = tpu.matmul %get3A_1, %get3A_10, %dot_general3A {dimension_numbers = #tpu.dot_dimension_numbers<[1], [0], [0], [1], [0, 0, 1, 1], [], []>, transpose_lhs_hint = false} : vector<2048x128xf32>, vector<128x128xf32>, vector<2048x128xf32> -> vector<2048x128xf32>
    %add3A_12 = arith.addf %add3A, %dot_general3A_11 : vector<2048x128xf32>
    %get3A_13 = arith.constant 0 : index
    %get3A_14 = arith.constant 0 : index
    %get3A_15 = vector.load %arg6[%get3A_13, %get3A_14] : memref<1x128xf32, #tpu.memory_space<vmem>>, vector<1x128xf32>
    %add3A_16 = vector.broadcast %get3A_15 : vector<1x128xf32> to vector<2048x128xf32>
    %add3A_17 = arith.addf %add3A_12, %add3A_16 : vector<2048x128xf32>
    %logistic3A = arith.negf %add3A_17 : vector<2048x128xf32>
    %logistic3A_18 = math.exp %logistic3A : vector<2048x128xf32>
    %logistic3A_19 = arith.constant 1.000000e+00 : f32
    %logistic3A_20 = vector.broadcast %logistic3A_19 : f32 to vector<2048x128xf32>
    %logistic3A_21 = arith.addf %logistic3A_20, %logistic3A_18 : vector<2048x128xf32>
    %logistic3A_22 = arith.divf %logistic3A_20, %logistic3A_21 : vector<2048x128xf32>
    %mul3A = arith.mulf %add3A_17, %logistic3A_22 : vector<2048x128xf32>
    %get3A_23 = arith.constant 0 : index
    %get3A_24 = arith.constant 0 : index
    %get3A_25 = vector.load %arg7[%get3A_23, %get3A_24] : memref<128x128xf32, #tpu.memory_space<vmem>>, vector<128x128xf32>
    %dot_general3A_26 = arith.constant dense<0.000000e+00> : vector<2048x128xf32>
    %dot_general3A_27 = tpu.matmul %mul3A, %get3A_25, %dot_general3A_26 {dimension_numbers = #tpu.dot_dimension_numbers<[1], [0], [0], [1], [0, 0, 1, 1], [], []>, transpose_lhs_hint = false} : vector<2048x128xf32>, vector<128x128xf32>, vector<2048x128xf32> -> vector<2048x128xf32>
    %get3A_28 = arith.constant 0 : index
    %get3A_29 = arith.constant 0 : index
    %get3A_30 = vector.load %arg8[%get3A_28, %get3A_29] : memref<1x128xf32, #tpu.memory_space<vmem>>, vector<1x128xf32>
    %add3A_31 = vector.broadcast %get3A_30 : vector<1x128xf32> to vector<2048x128xf32>
    %add3A_32 = arith.addf %dot_general3A_27, %add3A_31 : vector<2048x128xf32>
    %logistic3A_33 = arith.negf %add3A_32 : vector<2048x128xf32>
    %logistic3A_34 = math.exp %logistic3A_33 : vector<2048x128xf32>
    %logistic3A_35 = arith.constant 1.000000e+00 : f32
    %logistic3A_36 = vector.broadcast %logistic3A_35 : f32 to vector<2048x128xf32>
    %logistic3A_37 = arith.addf %logistic3A_36, %logistic3A_34 : vector<2048x128xf32>
    %logistic3A_38 = arith.divf %logistic3A_36, %logistic3A_37 : vector<2048x128xf32>
    %mul3A_39 = arith.mulf %add3A_32, %logistic3A_38 : vector<2048x128xf32>
    %get3A_40 = arith.constant 0 : index
    %get3A_41 = arith.constant 0 : index
    %get3A_42 = vector.load %arg9[%get3A_40, %get3A_41] : memref<128x128xf32, #tpu.memory_space<vmem>>, vector<128x128xf32>
    %dot_general3A_43 = arith.constant dense<0.000000e+00> : vector<2048x128xf32>
    %dot_general3A_44 = tpu.matmul %mul3A_39, %get3A_42, %dot_general3A_43 {dimension_numbers = #tpu.dot_dimension_numbers<[1], [0], [0], [1], [0, 0, 1, 1], [], []>, transpose_lhs_hint = false} : vector<2048x128xf32>, vector<128x128xf32>, vector<2048x128xf32> -> vector<2048x128xf32>
    %get3A_45 = arith.constant 0 : index
    %get3A_46 = arith.constant 0 : index
    %get3A_47 = vector.load %arg10[%get3A_45, %get3A_46] : memref<1x128xf32, #tpu.memory_space<vmem>>, vector<1x128xf32>
    %add3A_48 = vector.broadcast %get3A_47 : vector<1x128xf32> to vector<2048x128xf32>
    %add3A_49 = arith.addf %dot_general3A_44, %add3A_48 : vector<2048x128xf32>
    %get3A_50 = arith.constant 0 : index
    %get3A_51 = arith.constant 0 : index
    %get3A_52 = vector.load %arg11[%get3A_50, %get3A_51] : memref<1x128xf32, #tpu.memory_space<vmem>>, vector<1x128xf32>
    %get3A_53 = arith.constant 0 : index
    %get3A_54 = arith.constant 0 : index
    %get3A_55 = vector.load %arg12[%get3A_53, %get3A_54] : memref<1x128xf32, #tpu.memory_space<vmem>>, vector<1x128xf32>
    %reduce_sum3A = arith.constant dense<0.000000e+00> : vector<2048xf32>
    %reduce_sum3A_56 = vector.multi_reduction <add>, %add3A_49, %reduce_sum3A [1] : vector<2048x128xf32> to vector<2048xf32>
    %broadcast_in_dim3A = vector.shape_cast %reduce_sum3A_56 : vector<2048xf32> to vector<2048x1xf32>
    %div3A = arith.constant 1.280000e+02 : f32
    %div3A_57 = vector.broadcast %div3A : f32 to vector<2048x1xf32>
    %div3A_58 = arith.divf %broadcast_in_dim3A, %div3A_57 : vector<2048x1xf32>
    %sub3A = vector.broadcast %div3A_58 : vector<2048x1xf32> to vector<2048x128xf32>
    %sub3A_59 = arith.subf %add3A_49, %sub3A : vector<2048x128xf32>
    %mul3A_60 = arith.mulf %sub3A_59, %sub3A_59 : vector<2048x128xf32>
    %reduce_sum3A_61 = arith.constant dense<0.000000e+00> : vector<2048xf32>
    %reduce_sum3A_62 = vector.multi_reduction <add>, %mul3A_60, %reduce_sum3A_61 [1] : vector<2048x128xf32> to vector<2048xf32>
    %broadcast_in_dim3A_63 = vector.shape_cast %reduce_sum3A_62 : vector<2048xf32> to vector<2048x1xf32>
    %div3A_64 = arith.constant 1.280000e+02 : f32
    %div3A_65 = vector.broadcast %div3A_64 : f32 to vector<2048x1xf32>
    %div3A_66 = arith.divf %broadcast_in_dim3A_63, %div3A_65 : vector<2048x1xf32>
    %add3A_67 = arith.constant 9.99999974E-6 : f32
    %add3A_68 = vector.broadcast %add3A_67 : f32 to vector<2048x1xf32>
    %add3A_69 = arith.addf %div3A_66, %add3A_68 : vector<2048x1xf32>
    %rsqrt3A = math.rsqrt %add3A_69 : vector<2048x1xf32>
    %mul3A_70 = vector.broadcast %rsqrt3A : vector<2048x1xf32> to vector<2048x128xf32>
    %mul3A_71 = arith.mulf %sub3A_59, %mul3A_70 : vector<2048x128xf32>
    %mul3A_72 = vector.broadcast %get3A_52 : vector<1x128xf32> to vector<2048x128xf32>
    %mul3A_73 = arith.mulf %mul3A_71, %mul3A_72 : vector<2048x128xf32>
    %add3A_74 = vector.broadcast %get3A_55 : vector<1x128xf32> to vector<2048x128xf32>
    %add3A_75 = arith.addf %mul3A_73, %add3A_74 : vector<2048x128xf32>
    %add3A_76 = arith.addf %get3A_1, %add3A_75 : vector<2048x128xf32>
    %get3A_77 = arith.constant 0 : index
    %get3A_78 = arith.constant 0 : index
    %get3A_79 = vector.load %arg4[%get3A_77, %get3A_78] : memref<2048x128xf32, #tpu.memory_space<vmem>>, vector<2048x128xf32>
    %add3A_80 = arith.addf %add3A_76, %get3A_79 : vector<2048x128xf32>
    %swap3A = arith.constant 0 : index
    %swap3A_81 = arith.constant 0 : index
    %swap3A_82 = vector.load %arg13[%swap3A, %swap3A_81] : memref<2048x128xf32, #tpu.memory_space<vmem>>, vector<2048x128xf32>
    tpu.vector_store %arg13[%swap3A, %swap3A_81], %add3A_80 {strides = array<i32>} : memref<2048x128xf32, #tpu.memory_space<vmem>>, vector<2048x128xf32>,
    return
  }
  func.func @transform_0(%arg0: i32) -> (i32, i32) {
    %c0_i32 = arith.constant 0 : i32
    %c0_i32_0 = arith.constant 0 : i32
    return %arg0, %c0_i32 : i32, i32
  }
  func.func @transform_1(%arg0: i32) -> (i32, i32) {
    %c0_i32 = arith.constant 0 : i32
    %c0_i32_0 = arith.constant 0 : i32
    return %arg0, %c0_i32 : i32, i32
  }
  func.func @transform_2(%arg0: i32) -> (i32, i32) {
    %c0_i32 = arith.constant 0 : i32
    %c0_i32_0 = arith.constant 0 : i32
    return %arg0, %c0_i32 : i32, i32
  }
  func.func @transform_3(%arg0: i32) -> (i32, i32) {
    %c0_i32 = arith.constant 0 : i32
    %c0_i32_0 = arith.constant 0 : i32
    return %arg0, %c0_i32 : i32, i32
  }
  func.func @transform_4(%arg0: i32) -> (i32, i32) {
    %c0_i32 = arith.constant 0 : i32
    %c0_i32_0 = arith.constant 0 : i32
    %c0_i32_1 = arith.constant 0 : i32
    return %c0_i32, %c0_i32_0 : i32, i32
  }
  func.func @transform_5(%arg0: i32) -> (i32, i32) {
    %c0_i32 = arith.constant 0 : i32
    %c0_i32_0 = arith.constant 0 : i32
    %c0_i32_1 = arith.constant 0 : i32
    return %c0_i32, %c0_i32_0 : i32, i32
  }
  func.func @transform_6(%arg0: i32) -> (i32, i32) {
    %c0_i32 = arith.constant 0 : i32
    %c0_i32_0 = arith.constant 0 : i32
    %c0_i32_1 = arith.constant 0 : i32
    return %c0_i32, %c0_i32_0 : i32, i32
  }
  func.func @transform_7(%arg0: i32) -> (i32, i32) {
    %c0_i32 = arith.constant 0 : i32
    %c0_i32_0 = arith.constant 0 : i32
    %c0_i32_1 = arith.constant 0 : i32
    return %c0_i32, %c0_i32_0 : i32, i32
  }
  func.func @transform_8(%arg0: i32) -> (i32, i32) {
    %c0_i32 = arith.constant 0 : i32
    %c0_i32_0 = arith.constant 0 : i32
    %c0_i32_1 = arith.constant 0 : i32
    return %c0_i32, %c0_i32_0 : i32, i32
  }
  func.func @transform_9(%arg0: i32) -> (i32, i32) {
    %c0_i32 = arith.constant 0 : i32
    %c0_i32_0 = arith.constant 0 : i32
    %c0_i32_1 = arith.constant 0 : i32
    return %c0_i32, %c0_i32_0 : i32, i32
  }
  func.func @transform_10(%arg0: i32) -> (i32, i32) {
    %c0_i32 = arith.constant 0 : i32
    %c0_i32_0 = arith.constant 0 : i32
    %c0_i32_1 = arith.constant 0 : i32
    return %c0_i32, %c0_i32_0 : i32, i32
  }
  func.func @transform_11(%arg0: i32) -> (i32, i32) {
    %c0_i32 = arith.constant 0 : i32
    %c0_i32_0 = arith.constant 0 : i32
    %c0_i32_1 = arith.constant 0 : i32
    return %c0_i32, %c0_i32_0 : i32, i32
  }
  func.func @transform_12(%arg0: i32) -> (i32, i32) {
    %c0_i32 = arith.constant 0 : i32
    %c0_i32_0 = arith.constant 0 : i32
    return %arg0, %c0_i32 : i32, i32
  }
}

module attributes {stable_mosaic.version = 14 : i64} {
  func.func @body(%arg0: i32, %arg1: memref<1024x128xf32, #tpu.memory_space<vmem>>, %arg2: memref<1024x128xf32, #tpu.memory_space<vmem>>, %arg3: memref<1024x128xf32, #tpu.memory_space<vmem>>, %arg4: memref<128x128xf32, #tpu.memory_space<vmem>>, %arg5: memref<64x128xf32, #tpu.memory_space<vmem>>, %arg6: memref<1x128xf32, #tpu.memory_space<vmem>>, %arg7: memref<128x128xf32, #tpu.memory_space<vmem>>, %arg8: memref<1x128xf32, #tpu.memory_space<vmem>>, %arg9: memref<128x128xf32, #tpu.memory_space<vmem>>, %arg10: memref<1x128xf32, #tpu.memory_space<vmem>>, %arg11: memref<1x128xf32, #tpu.memory_space<vmem>>, %arg12: memref<1x128xf32, #tpu.memory_space<vmem>>, %arg13: memref<128x128xf32, #tpu.memory_space<vmem>>, %arg14: memref<128x128xf32, #tpu.memory_space<vmem>>, %arg15: memref<1024x128xf32, #tpu.memory_space<vmem>>, %arg16: memref<1024x128xf32, #tpu.memory_space<vmem>>, %arg17: memref<1024x128xf32, #tpu.memory_space<vmem>>) attributes {dimension_semantics = [#tpu.dimension_semantics<arbitrary>], iteration_bounds = array<i64: 10>, scalar_prefetch = 0 : i64, scratch_operands = 0 : i64, tpu.core_type = #tpu.core_type<tc>, window_params = [{transform_indices = @transform_0, window_bounds = array<i64: 1024, 128>}, {transform_indices = @transform_1, window_bounds = array<i64: 1024, 128>}, {transform_indices = @transform_2, window_bounds = array<i64: 1024, 128>}, {pipeline_mode = #tpu.pipeline_mode<synchronous>, transform_indices = @transform_3, window_bounds = array<i64: 128, 128>}, {pipeline_mode = #tpu.pipeline_mode<synchronous>, transform_indices = @transform_4, window_bounds = array<i64: 64, 128>}, {pipeline_mode = #tpu.pipeline_mode<synchronous>, transform_indices = @transform_5, window_bounds = array<i64: 1, 128>}, {pipeline_mode = #tpu.pipeline_mode<synchronous>, transform_indices = @transform_6, window_bounds = array<i64: 128, 128>}, {pipeline_mode = #tpu.pipeline_mode<synchronous>, transform_indices = @transform_7, window_bounds = array<i64: 1, 128>}, {pipeline_mode = #tpu.pipeline_mode<synchronous>, transform_indices = @transform_8, window_bounds = array<i64: 128, 128>}, {pipeline_mode = #tpu.pipeline_mode<synchronous>, transform_indices = @transform_9, window_bounds = array<i64: 1, 128>}, {pipeline_mode = #tpu.pipeline_mode<synchronous>, transform_indices = @transform_10, window_bounds = array<i64: 1, 128>}, {pipeline_mode = #tpu.pipeline_mode<synchronous>, transform_indices = @transform_11, window_bounds = array<i64: 1, 128>}, {pipeline_mode = #tpu.pipeline_mode<synchronous>, transform_indices = @transform_12, window_bounds = array<i64: 128, 128>}, {pipeline_mode = #tpu.pipeline_mode<synchronous>, transform_indices = @transform_13, window_bounds = array<i64: 128, 128>}, {transform_indices = @transform_14, window_bounds = array<i64: 1024, 128>}, {transform_indices = @transform_15, window_bounds = array<i64: 1024, 128>}, {transform_indices = @transform_16, window_bounds = array<i64: 1024, 128>}]} {
    %get3A = arith.constant 0 : index
    %get3A_0 = arith.constant 0 : index
    %get3A_1 = vector.load %arg1[%get3A, %get3A_0] : memref<1024x128xf32, #tpu.memory_space<vmem>>, vector<1024x128xf32>
    %get3A_2 = arith.constant 0 : index
    %get3A_3 = arith.constant 0 : index
    %get3A_4 = vector.load %arg2[%get3A_2, %get3A_3] : memref<1024x128xf32, #tpu.memory_space<vmem>>, vector<1024x128xf32>
    %get3A_5 = arith.constant 0 : index
    %get3A_6 = arith.constant 0 : index
    %get3A_7 = vector.load %arg3[%get3A_5, %get3A_6] : memref<1024x128xf32, #tpu.memory_space<vmem>>, vector<1024x128xf32>
    %add3A = arith.addf %get3A_4, %get3A_7 : vector<1024x128xf32>
    %slice3A = vector.extract_strided_slice %add3A {offsets = [0, 0], sizes = [1024, 64], strides = [1, 1]} : vector<1024x128xf32> to vector<1024x64xf32>
    %slice3A_8 = vector.extract_strided_slice %add3A {offsets = [0, 64], sizes = [1024, 64], strides = [1, 1]} : vector<1024x128xf32> to vector<1024x64xf32>
    %add3A_9 = arith.addf %slice3A, %slice3A_8 : vector<1024x64xf32>
    %mul3A = arith.constant 5.000000e-01 : f32
    %mul3A_10 = vector.broadcast %mul3A : f32 to vector<1024x64xf32>
    %mul3A_11 = arith.mulf %mul3A_10, %add3A_9 : vector<1024x64xf32>
    %get3A_12 = arith.constant 0 : index
    %get3A_13 = arith.constant 0 : index
    %get3A_14 = vector.load %arg4[%get3A_12, %get3A_13] : memref<128x128xf32, #tpu.memory_space<vmem>>, vector<128x128xf32>
    %dot_general3A = arith.constant dense<0.000000e+00> : vector<1024x128xf32>
    %dot_general3A_15 = tpu.matmul %get3A_1, %get3A_14, %dot_general3A {dimension_numbers = #tpu.dot_dimension_numbers<[1], [0], [0], [1], [0, 0, 1, 1], [], []>, transpose_lhs_hint = false} : vector<1024x128xf32>, vector<128x128xf32>, vector<1024x128xf32> -> vector<1024x128xf32>
    %get3A_16 = arith.constant 0 : index
    %get3A_17 = arith.constant 0 : index
    %get3A_18 = vector.load %arg5[%get3A_16, %get3A_17] : memref<64x128xf32, #tpu.memory_space<vmem>>, vector<64x128xf32>
    %dot_general3A_19 = arith.constant dense<0.000000e+00> : vector<1024x128xf32>
    %dot_general3A_20 = tpu.matmul %mul3A_11, %get3A_18, %dot_general3A_19 {dimension_numbers = #tpu.dot_dimension_numbers<[1], [0], [0], [1], [0, 0, 1, 1], [], []>, transpose_lhs_hint = false} : vector<1024x64xf32>, vector<64x128xf32>, vector<1024x128xf32> -> vector<1024x128xf32>
    %add3A_21 = arith.addf %dot_general3A_15, %dot_general3A_20 : vector<1024x128xf32>
    %get3A_22 = arith.constant 0 : index
    %get3A_23 = arith.constant 0 : index
    %get3A_24 = vector.load %arg6[%get3A_22, %get3A_23] : memref<1x128xf32, #tpu.memory_space<vmem>>, vector<1x128xf32>
    %add3A_25 = vector.broadcast %get3A_24 : vector<1x128xf32> to vector<1024x128xf32>
    %add3A_26 = arith.addf %add3A_21, %add3A_25 : vector<1024x128xf32>
    %logistic3A = arith.negf %add3A_26 : vector<1024x128xf32>
    %logistic3A_27 = math.exp %logistic3A : vector<1024x128xf32>
    %logistic3A_28 = arith.constant 1.000000e+00 : f32
    %logistic3A_29 = vector.broadcast %logistic3A_28 : f32 to vector<1024x128xf32>
    %logistic3A_30 = arith.addf %logistic3A_29, %logistic3A_27 : vector<1024x128xf32>
    %logistic3A_31 = arith.divf %logistic3A_29, %logistic3A_30 : vector<1024x128xf32>
    %mul3A_32 = arith.mulf %add3A_26, %logistic3A_31 : vector<1024x128xf32>
    %get3A_33 = arith.constant 0 : index
    %get3A_34 = arith.constant 0 : index
    %get3A_35 = vector.load %arg7[%get3A_33, %get3A_34] : memref<128x128xf32, #tpu.memory_space<vmem>>, vector<128x128xf32>
    %dot_general3A_36 = arith.constant dense<0.000000e+00> : vector<1024x128xf32>
    %dot_general3A_37 = tpu.matmul %mul3A_32, %get3A_35, %dot_general3A_36 {dimension_numbers = #tpu.dot_dimension_numbers<[1], [0], [0], [1], [0, 0, 1, 1], [], []>, transpose_lhs_hint = false} : vector<1024x128xf32>, vector<128x128xf32>, vector<1024x128xf32> -> vector<1024x128xf32>
    %get3A_38 = arith.constant 0 : index
    %get3A_39 = arith.constant 0 : index
    %get3A_40 = vector.load %arg8[%get3A_38, %get3A_39] : memref<1x128xf32, #tpu.memory_space<vmem>>, vector<1x128xf32>
    %add3A_41 = vector.broadcast %get3A_40 : vector<1x128xf32> to vector<1024x128xf32>
    %add3A_42 = arith.addf %dot_general3A_37, %add3A_41 : vector<1024x128xf32>
    %logistic3A_43 = arith.negf %add3A_42 : vector<1024x128xf32>
    %logistic3A_44 = math.exp %logistic3A_43 : vector<1024x128xf32>
    %logistic3A_45 = arith.constant 1.000000e+00 : f32
    %logistic3A_46 = vector.broadcast %logistic3A_45 : f32 to vector<1024x128xf32>
    %logistic3A_47 = arith.addf %logistic3A_46, %logistic3A_44 : vector<1024x128xf32>
    %logistic3A_48 = arith.divf %logistic3A_46, %logistic3A_47 : vector<1024x128xf32>
    %mul3A_49 = arith.mulf %add3A_42, %logistic3A_48 : vector<1024x128xf32>
    %get3A_50 = arith.constant 0 : index
    %get3A_51 = arith.constant 0 : index
    %get3A_52 = vector.load %arg9[%get3A_50, %get3A_51] : memref<128x128xf32, #tpu.memory_space<vmem>>, vector<128x128xf32>
    %dot_general3A_53 = arith.constant dense<0.000000e+00> : vector<1024x128xf32>
    %dot_general3A_54 = tpu.matmul %mul3A_49, %get3A_52, %dot_general3A_53 {dimension_numbers = #tpu.dot_dimension_numbers<[1], [0], [0], [1], [0, 0, 1, 1], [], []>, transpose_lhs_hint = false} : vector<1024x128xf32>, vector<128x128xf32>, vector<1024x128xf32> -> vector<1024x128xf32>
    %get3A_55 = arith.constant 0 : index
    %get3A_56 = arith.constant 0 : index
    %get3A_57 = vector.load %arg10[%get3A_55, %get3A_56] : memref<1x128xf32, #tpu.memory_space<vmem>>, vector<1x128xf32>
    %add3A_58 = vector.broadcast %get3A_57 : vector<1x128xf32> to vector<1024x128xf32>
    %add3A_59 = arith.addf %dot_general3A_54, %add3A_58 : vector<1024x128xf32>
    %get3A_60 = arith.constant 0 : index
    %get3A_61 = arith.constant 0 : index
    %get3A_62 = vector.load %arg11[%get3A_60, %get3A_61] : memref<1x128xf32, #tpu.memory_space<vmem>>, vector<1x128xf32>
    %get3A_63 = arith.constant 0 : index
    %get3A_64 = arith.constant 0 : index
    %get3A_65 = vector.load %arg12[%get3A_63, %get3A_64] : memref<1x128xf32, #tpu.memory_space<vmem>>, vector<1x128xf32>
    %reduce_sum3A = arith.constant dense<0.000000e+00> : vector<1024xf32>
    %reduce_sum3A_66 = vector.multi_reduction <add>, %add3A_59, %reduce_sum3A [1] : vector<1024x128xf32> to vector<1024xf32>
    %broadcast_in_dim3A = vector.shape_cast %reduce_sum3A_66 : vector<1024xf32> to vector<1024x1xf32>
    %div3A = arith.constant 1.280000e+02 : f32
    %div3A_67 = vector.broadcast %div3A : f32 to vector<1024x1xf32>
    %div3A_68 = arith.divf %broadcast_in_dim3A, %div3A_67 : vector<1024x1xf32>
    %sub3A = vector.broadcast %div3A_68 : vector<1024x1xf32> to vector<1024x128xf32>
    %sub3A_69 = arith.subf %add3A_59, %sub3A : vector<1024x128xf32>
    %mul3A_70 = arith.mulf %sub3A_69, %sub3A_69 : vector<1024x128xf32>
    %reduce_sum3A_71 = arith.constant dense<0.000000e+00> : vector<1024xf32>
    %reduce_sum3A_72 = vector.multi_reduction <add>, %mul3A_70, %reduce_sum3A_71 [1] : vector<1024x128xf32> to vector<1024xf32>
    %broadcast_in_dim3A_73 = vector.shape_cast %reduce_sum3A_72 : vector<1024xf32> to vector<1024x1xf32>
    %div3A_74 = arith.constant 1.280000e+02 : f32
    %div3A_75 = vector.broadcast %div3A_74 : f32 to vector<1024x1xf32>
    %div3A_76 = arith.divf %broadcast_in_dim3A_73, %div3A_75 : vector<1024x1xf32>
    %add3A_77 = arith.constant 9.99999974E-6 : f32
    %add3A_78 = vector.broadcast %add3A_77 : f32 to vector<1024x1xf32>
    %add3A_79 = arith.addf %div3A_76, %add3A_78 : vector<1024x1xf32>
    %rsqrt3A = math.rsqrt %add3A_79 : vector<1024x1xf32>
    %mul3A_80 = vector.broadcast %rsqrt3A : vector<1024x1xf32> to vector<1024x128xf32>
    %mul3A_81 = arith.mulf %sub3A_69, %mul3A_80 : vector<1024x128xf32>
    %mul3A_82 = vector.broadcast %get3A_62 : vector<1x128xf32> to vector<1024x128xf32>
    %mul3A_83 = arith.mulf %mul3A_81, %mul3A_82 : vector<1024x128xf32>
    %add3A_84 = vector.broadcast %get3A_65 : vector<1x128xf32> to vector<1024x128xf32>
    %add3A_85 = arith.addf %mul3A_83, %add3A_84 : vector<1024x128xf32>
    %add3A_86 = arith.addf %get3A_1, %add3A_85 : vector<1024x128xf32>
    %swap3A = arith.constant 0 : index
    %swap3A_87 = arith.constant 0 : index
    %swap3A_88 = vector.load %arg15[%swap3A, %swap3A_87] : memref<1024x128xf32, #tpu.memory_space<vmem>>, vector<1024x128xf32>
    tpu.vector_store %arg15[%swap3A, %swap3A_87], %add3A_86 {strides = array<i32>} : memref<1024x128xf32, #tpu.memory_space<vmem>>, vector<1024x128xf32>,
    %get3A_89 = arith.constant 0 : index
    %get3A_90 = arith.constant 0 : index
    %get3A_91 = vector.load %arg13[%get3A_89, %get3A_90] : memref<128x128xf32, #tpu.memory_space<vmem>>, vector<128x128xf32>
    %dot_general3A_92 = arith.constant dense<0.000000e+00> : vector<1024x128xf32>
    %dot_general3A_93 = tpu.matmul %add3A_85, %get3A_91, %dot_general3A_92 {dimension_numbers = #tpu.dot_dimension_numbers<[1], [0], [0], [1], [0, 0, 1, 1], [], []>, transpose_lhs_hint = false} : vector<1024x128xf32>, vector<128x128xf32>, vector<1024x128xf32> -> vector<1024x128xf32>
    %swap3A_94 = arith.constant 0 : index
    %swap3A_95 = arith.constant 0 : index
    %swap3A_96 = vector.load %arg16[%swap3A_94, %swap3A_95] : memref<1024x128xf32, #tpu.memory_space<vmem>>, vector<1024x128xf32>
    tpu.vector_store %arg16[%swap3A_94, %swap3A_95], %dot_general3A_93 {strides = array<i32>} : memref<1024x128xf32, #tpu.memory_space<vmem>>, vector<1024x128xf32>,
    %get3A_97 = arith.constant 0 : index
    %get3A_98 = arith.constant 0 : index
    %get3A_99 = vector.load %arg14[%get3A_97, %get3A_98] : memref<128x128xf32, #tpu.memory_space<vmem>>, vector<128x128xf32>
    %dot_general3A_100 = arith.constant dense<0.000000e+00> : vector<1024x128xf32>
    %dot_general3A_101 = tpu.matmul %add3A_85, %get3A_99, %dot_general3A_100 {dimension_numbers = #tpu.dot_dimension_numbers<[1], [0], [0], [1], [0, 0, 1, 1], [], []>, transpose_lhs_hint = false} : vector<1024x128xf32>, vector<128x128xf32>, vector<1024x128xf32> -> vector<1024x128xf32>
    %swap3A_102 = arith.constant 0 : index
    %swap3A_103 = arith.constant 0 : index
    %swap3A_104 = vector.load %arg17[%swap3A_102, %swap3A_103] : memref<1024x128xf32, #tpu.memory_space<vmem>>, vector<1024x128xf32>
    tpu.vector_store %arg17[%swap3A_102, %swap3A_103], %dot_general3A_101 {strides = array<i32>} : memref<1024x128xf32, #tpu.memory_space<vmem>>, vector<1024x128xf32>,
    return
  }
  func.func @transform_0(%arg0: i32) -> (i32, i32) {
    %c0_i32 = arith.constant 0 : i32
    %c0_i32_0 = arith.constant 0 : i32
    return %arg0, %c0_i32 : i32, i32
  }
  func.func @transform_1(%arg0: i32) -> (i32, i32) {
    %c0_i32 = arith.constant 0 : i32
    %c0_i32_0 = arith.constant 0 : i32
    return %arg0, %c0_i32 : i32, i32
  }
  func.func @transform_2(%arg0: i32) -> (i32, i32) {
    %c0_i32 = arith.constant 0 : i32
    %c0_i32_0 = arith.constant 0 : i32
    return %arg0, %c0_i32 : i32, i32
  }
  func.func @transform_3(%arg0: i32) -> (i32, i32) {
    %c0_i32 = arith.constant 0 : i32
    %c0_i32_0 = arith.constant 0 : i32
    %c0_i32_1 = arith.constant 0 : i32
    return %c0_i32, %c0_i32_0 : i32, i32
  }
  func.func @transform_4(%arg0: i32) -> (i32, i32) {
    %c0_i32 = arith.constant 0 : i32
    %c0_i32_0 = arith.constant 0 : i32
    %c0_i32_1 = arith.constant 0 : i32
    return %c0_i32, %c0_i32_0 : i32, i32
  }
  func.func @transform_5(%arg0: i32) -> (i32, i32) {
    %c0_i32 = arith.constant 0 : i32
    %c0_i32_0 = arith.constant 0 : i32
    %c0_i32_1 = arith.constant 0 : i32
    return %c0_i32, %c0_i32_0 : i32, i32
  }
  func.func @transform_6(%arg0: i32) -> (i32, i32) {
    %c0_i32 = arith.constant 0 : i32
    %c0_i32_0 = arith.constant 0 : i32
    %c0_i32_1 = arith.constant 0 : i32
    return %c0_i32, %c0_i32_0 : i32, i32
  }
  func.func @transform_7(%arg0: i32) -> (i32, i32) {
    %c0_i32 = arith.constant 0 : i32
    %c0_i32_0 = arith.constant 0 : i32
    %c0_i32_1 = arith.constant 0 : i32
    return %c0_i32, %c0_i32_0 : i32, i32
  }
  func.func @transform_8(%arg0: i32) -> (i32, i32) {
    %c0_i32 = arith.constant 0 : i32
    %c0_i32_0 = arith.constant 0 : i32
    %c0_i32_1 = arith.constant 0 : i32
    return %c0_i32, %c0_i32_0 : i32, i32
  }
  func.func @transform_9(%arg0: i32) -> (i32, i32) {
    %c0_i32 = arith.constant 0 : i32
    %c0_i32_0 = arith.constant 0 : i32
    %c0_i32_1 = arith.constant 0 : i32
    return %c0_i32, %c0_i32_0 : i32, i32
  }
  func.func @transform_10(%arg0: i32) -> (i32, i32) {
    %c0_i32 = arith.constant 0 : i32
    %c0_i32_0 = arith.constant 0 : i32
    %c0_i32_1 = arith.constant 0 : i32
    return %c0_i32, %c0_i32_0 : i32, i32
  }
  func.func @transform_11(%arg0: i32) -> (i32, i32) {
    %c0_i32 = arith.constant 0 : i32
    %c0_i32_0 = arith.constant 0 : i32
    %c0_i32_1 = arith.constant 0 : i32
    return %c0_i32, %c0_i32_0 : i32, i32
  }
  func.func @transform_12(%arg0: i32) -> (i32, i32) {
    %c0_i32 = arith.constant 0 : i32
    %c0_i32_0 = arith.constant 0 : i32
    %c0_i32_1 = arith.constant 0 : i32
    return %c0_i32, %c0_i32_0 : i32, i32
  }
  func.func @transform_13(%arg0: i32) -> (i32, i32) {
    %c0_i32 = arith.constant 0 : i32
    %c0_i32_0 = arith.constant 0 : i32
    %c0_i32_1 = arith.constant 0 : i32
    return %c0_i32, %c0_i32_0 : i32, i32
  }
  func.func @transform_14(%arg0: i32) -> (i32, i32) {
    %c0_i32 = arith.constant 0 : i32
    %c0_i32_0 = arith.constant 0 : i32
    return %arg0, %c0_i32 : i32, i32
  }
  func.func @transform_15(%arg0: i32) -> (i32, i32) {
    %c0_i32 = arith.constant 0 : i32
    %c0_i32_0 = arith.constant 0 : i32
    return %arg0, %c0_i32 : i32, i32
  }
  func.func @transform_16(%arg0: i32) -> (i32, i32) {
    %c0_i32 = arith.constant 0 : i32
    %c0_i32_0 = arith.constant 0 : i32
    return %arg0, %c0_i32 : i32, i32
  }
}

module attributes {stable_mosaic.version = 14 : i64} {
  func.func @body(%arg0: i32, %arg1: memref<2048x128xf32, #tpu.memory_space<vmem>>, %arg2: memref<2048x128xf32, #tpu.memory_space<vmem>>, %arg3: memref<2048x128xf32, #tpu.memory_space<vmem>>, %arg4: memref<128x128xf32, #tpu.memory_space<vmem>>, %arg5: memref<1x128xf32, #tpu.memory_space<vmem>>, %arg6: memref<128x128xf32, #tpu.memory_space<vmem>>, %arg7: memref<1x128xf32, #tpu.memory_space<vmem>>, %arg8: memref<128x128xf32, #tpu.memory_space<vmem>>, %arg9: memref<1x128xf32, #tpu.memory_space<vmem>>, %arg10: memref<1x128xf32, #tpu.memory_space<vmem>>, %arg11: memref<1x128xf32, #tpu.memory_space<vmem>>, %arg12: memref<128x128xf32, #tpu.memory_space<vmem>>, %arg13: memref<1x128xf32, #tpu.memory_space<vmem>>, %arg14: memref<128x128xf32, #tpu.memory_space<vmem>>, %arg15: memref<1x128xf32, #tpu.memory_space<vmem>>, %arg16: memref<128x8xf32, #tpu.memory_space<vmem>>, %arg17: memref<1x8xf32, #tpu.memory_space<vmem>>, %arg18: memref<2048x8xf32, #tpu.memory_space<vmem>>) attributes {dimension_semantics = [#tpu.dimension_semantics<arbitrary>], iteration_bounds = array<i64: 158>, scalar_prefetch = 0 : i64, scratch_operands = 0 : i64, tpu.core_type = #tpu.core_type<tc>, window_params = [{transform_indices = @transform_0, window_bounds = array<i64: 2048, 128>}, {transform_indices = @transform_1, window_bounds = array<i64: 2048, 128>}, {transform_indices = @transform_2, window_bounds = array<i64: 2048, 128>}, {pipeline_mode = #tpu.pipeline_mode<synchronous>, transform_indices = @transform_3, window_bounds = array<i64: 128, 128>}, {pipeline_mode = #tpu.pipeline_mode<synchronous>, transform_indices = @transform_4, window_bounds = array<i64: 1, 128>}, {pipeline_mode = #tpu.pipeline_mode<synchronous>, transform_indices = @transform_5, window_bounds = array<i64: 128, 128>}, {pipeline_mode = #tpu.pipeline_mode<synchronous>, transform_indices = @transform_6, window_bounds = array<i64: 1, 128>}, {pipeline_mode = #tpu.pipeline_mode<synchronous>, transform_indices = @transform_7, window_bounds = array<i64: 128, 128>}, {pipeline_mode = #tpu.pipeline_mode<synchronous>, transform_indices = @transform_8, window_bounds = array<i64: 1, 128>}, {pipeline_mode = #tpu.pipeline_mode<synchronous>, transform_indices = @transform_9, window_bounds = array<i64: 1, 128>}, {pipeline_mode = #tpu.pipeline_mode<synchronous>, transform_indices = @transform_10, window_bounds = array<i64: 1, 128>}, {pipeline_mode = #tpu.pipeline_mode<synchronous>, transform_indices = @transform_11, window_bounds = array<i64: 128, 128>}, {pipeline_mode = #tpu.pipeline_mode<synchronous>, transform_indices = @transform_12, window_bounds = array<i64: 1, 128>}, {pipeline_mode = #tpu.pipeline_mode<synchronous>, transform_indices = @transform_13, window_bounds = array<i64: 128, 128>}, {pipeline_mode = #tpu.pipeline_mode<synchronous>, transform_indices = @transform_14, window_bounds = array<i64: 1, 128>}, {pipeline_mode = #tpu.pipeline_mode<synchronous>, transform_indices = @transform_15, window_bounds = array<i64: 128, 8>}, {pipeline_mode = #tpu.pipeline_mode<synchronous>, transform_indices = @transform_16, window_bounds = array<i64: 1, 8>}, {transform_indices = @transform_17, window_bounds = array<i64: 2048, 8>}]} {
    %get3A = arith.constant 0 : index
    %get3A_0 = arith.constant 0 : index
    %get3A_1 = vector.load %arg1[%get3A, %get3A_0] : memref<2048x128xf32, #tpu.memory_space<vmem>>, vector<2048x128xf32>
    %get3A_2 = arith.constant 0 : index
    %get3A_3 = arith.constant 0 : index
    %get3A_4 = vector.load %arg2[%get3A_2, %get3A_3] : memref<2048x128xf32, #tpu.memory_space<vmem>>, vector<2048x128xf32>
    %get3A_5 = arith.constant 0 : index
    %get3A_6 = arith.constant 0 : index
    %get3A_7 = vector.load %arg3[%get3A_5, %get3A_6] : memref<2048x128xf32, #tpu.memory_space<vmem>>, vector<2048x128xf32>
    %add3A = arith.addf %get3A_4, %get3A_7 : vector<2048x128xf32>
    %get3A_8 = arith.constant 0 : index
    %get3A_9 = arith.constant 0 : index
    %get3A_10 = vector.load %arg4[%get3A_8, %get3A_9] : memref<128x128xf32, #tpu.memory_space<vmem>>, vector<128x128xf32>
    %dot_general3A = arith.constant dense<0.000000e+00> : vector<2048x128xf32>
    %dot_general3A_11 = tpu.matmul %get3A_1, %get3A_10, %dot_general3A {dimension_numbers = #tpu.dot_dimension_numbers<[1], [0], [0], [1], [0, 0, 1, 1], [], []>, transpose_lhs_hint = false} : vector<2048x128xf32>, vector<128x128xf32>, vector<2048x128xf32> -> vector<2048x128xf32>
    %add3A_12 = arith.addf %add3A, %dot_general3A_11 : vector<2048x128xf32>
    %get3A_13 = arith.constant 0 : index
    %get3A_14 = arith.constant 0 : index
    %get3A_15 = vector.load %arg5[%get3A_13, %get3A_14] : memref<1x128xf32, #tpu.memory_space<vmem>>, vector<1x128xf32>
    %add3A_16 = vector.broadcast %get3A_15 : vector<1x128xf32> to vector<2048x128xf32>
    %add3A_17 = arith.addf %add3A_12, %add3A_16 : vector<2048x128xf32>
    %logistic3A = arith.negf %add3A_17 : vector<2048x128xf32>
    %logistic3A_18 = math.exp %logistic3A : vector<2048x128xf32>
    %logistic3A_19 = arith.constant 1.000000e+00 : f32
    %logistic3A_20 = vector.broadcast %logistic3A_19 : f32 to vector<2048x128xf32>
    %logistic3A_21 = arith.addf %logistic3A_20, %logistic3A_18 : vector<2048x128xf32>
    %logistic3A_22 = arith.divf %logistic3A_20, %logistic3A_21 : vector<2048x128xf32>
    %mul3A = arith.mulf %add3A_17, %logistic3A_22 : vector<2048x128xf32>
    %get3A_23 = arith.constant 0 : index
    %get3A_24 = arith.constant 0 : index
    %get3A_25 = vector.load %arg6[%get3A_23, %get3A_24] : memref<128x128xf32, #tpu.memory_space<vmem>>, vector<128x128xf32>
    %dot_general3A_26 = arith.constant dense<0.000000e+00> : vector<2048x128xf32>
    %dot_general3A_27 = tpu.matmul %mul3A, %get3A_25, %dot_general3A_26 {dimension_numbers = #tpu.dot_dimension_numbers<[1], [0], [0], [1], [0, 0, 1, 1], [], []>, transpose_lhs_hint = false} : vector<2048x128xf32>, vector<128x128xf32>, vector<2048x128xf32> -> vector<2048x128xf32>
    %get3A_28 = arith.constant 0 : index
    %get3A_29 = arith.constant 0 : index
    %get3A_30 = vector.load %arg7[%get3A_28, %get3A_29] : memref<1x128xf32, #tpu.memory_space<vmem>>, vector<1x128xf32>
    %add3A_31 = vector.broadcast %get3A_30 : vector<1x128xf32> to vector<2048x128xf32>
    %add3A_32 = arith.addf %dot_general3A_27, %add3A_31 : vector<2048x128xf32>
    %logistic3A_33 = arith.negf %add3A_32 : vector<2048x128xf32>
    %logistic3A_34 = math.exp %logistic3A_33 : vector<2048x128xf32>
    %logistic3A_35 = arith.constant 1.000000e+00 : f32
    %logistic3A_36 = vector.broadcast %logistic3A_35 : f32 to vector<2048x128xf32>
    %logistic3A_37 = arith.addf %logistic3A_36, %logistic3A_34 : vector<2048x128xf32>
    %logistic3A_38 = arith.divf %logistic3A_36, %logistic3A_37 : vector<2048x128xf32>
    %mul3A_39 = arith.mulf %add3A_32, %logistic3A_38 : vector<2048x128xf32>
    %get3A_40 = arith.constant 0 : index
    %get3A_41 = arith.constant 0 : index
    %get3A_42 = vector.load %arg8[%get3A_40, %get3A_41] : memref<128x128xf32, #tpu.memory_space<vmem>>, vector<128x128xf32>
    %dot_general3A_43 = arith.constant dense<0.000000e+00> : vector<2048x128xf32>
    %dot_general3A_44 = tpu.matmul %mul3A_39, %get3A_42, %dot_general3A_43 {dimension_numbers = #tpu.dot_dimension_numbers<[1], [0], [0], [1], [0, 0, 1, 1], [], []>, transpose_lhs_hint = false} : vector<2048x128xf32>, vector<128x128xf32>, vector<2048x128xf32> -> vector<2048x128xf32>
    %get3A_45 = arith.constant 0 : index
    %get3A_46 = arith.constant 0 : index
    %get3A_47 = vector.load %arg9[%get3A_45, %get3A_46] : memref<1x128xf32, #tpu.memory_space<vmem>>, vector<1x128xf32>
    %add3A_48 = vector.broadcast %get3A_47 : vector<1x128xf32> to vector<2048x128xf32>
    %add3A_49 = arith.addf %dot_general3A_44, %add3A_48 : vector<2048x128xf32>
    %get3A_50 = arith.constant 0 : index
    %get3A_51 = arith.constant 0 : index
    %get3A_52 = vector.load %arg10[%get3A_50, %get3A_51] : memref<1x128xf32, #tpu.memory_space<vmem>>, vector<1x128xf32>
    %get3A_53 = arith.constant 0 : index
    %get3A_54 = arith.constant 0 : index
    %get3A_55 = vector.load %arg11[%get3A_53, %get3A_54] : memref<1x128xf32, #tpu.memory_space<vmem>>, vector<1x128xf32>
    %reduce_sum3A = arith.constant dense<0.000000e+00> : vector<2048xf32>
    %reduce_sum3A_56 = vector.multi_reduction <add>, %add3A_49, %reduce_sum3A [1] : vector<2048x128xf32> to vector<2048xf32>
    %broadcast_in_dim3A = vector.shape_cast %reduce_sum3A_56 : vector<2048xf32> to vector<2048x1xf32>
    %div3A = arith.constant 1.280000e+02 : f32
    %div3A_57 = vector.broadcast %div3A : f32 to vector<2048x1xf32>
    %div3A_58 = arith.divf %broadcast_in_dim3A, %div3A_57 : vector<2048x1xf32>
    %sub3A = vector.broadcast %div3A_58 : vector<2048x1xf32> to vector<2048x128xf32>
    %sub3A_59 = arith.subf %add3A_49, %sub3A : vector<2048x128xf32>
    %mul3A_60 = arith.mulf %sub3A_59, %sub3A_59 : vector<2048x128xf32>
    %reduce_sum3A_61 = arith.constant dense<0.000000e+00> : vector<2048xf32>
    %reduce_sum3A_62 = vector.multi_reduction <add>, %mul3A_60, %reduce_sum3A_61 [1] : vector<2048x128xf32> to vector<2048xf32>
    %broadcast_in_dim3A_63 = vector.shape_cast %reduce_sum3A_62 : vector<2048xf32> to vector<2048x1xf32>
    %div3A_64 = arith.constant 1.280000e+02 : f32
    %div3A_65 = vector.broadcast %div3A_64 : f32 to vector<2048x1xf32>
    %div3A_66 = arith.divf %broadcast_in_dim3A_63, %div3A_65 : vector<2048x1xf32>
    %add3A_67 = arith.constant 9.99999974E-6 : f32
    %add3A_68 = vector.broadcast %add3A_67 : f32 to vector<2048x1xf32>
    %add3A_69 = arith.addf %div3A_66, %add3A_68 : vector<2048x1xf32>
    %rsqrt3A = math.rsqrt %add3A_69 : vector<2048x1xf32>
    %mul3A_70 = vector.broadcast %rsqrt3A : vector<2048x1xf32> to vector<2048x128xf32>
    %mul3A_71 = arith.mulf %sub3A_59, %mul3A_70 : vector<2048x128xf32>
    %mul3A_72 = vector.broadcast %get3A_52 : vector<1x128xf32> to vector<2048x128xf32>
    %mul3A_73 = arith.mulf %mul3A_71, %mul3A_72 : vector<2048x128xf32>
    %add3A_74 = vector.broadcast %get3A_55 : vector<1x128xf32> to vector<2048x128xf32>
    %add3A_75 = arith.addf %mul3A_73, %add3A_74 : vector<2048x128xf32>
    %add3A_76 = arith.addf %get3A_1, %add3A_75 : vector<2048x128xf32>
    %get3A_77 = arith.constant 0 : index
    %get3A_78 = arith.constant 0 : index
    %get3A_79 = vector.load %arg12[%get3A_77, %get3A_78] : memref<128x128xf32, #tpu.memory_space<vmem>>, vector<128x128xf32>
    %dot_general3A_80 = arith.constant dense<0.000000e+00> : vector<2048x128xf32>
    %dot_general3A_81 = tpu.matmul %add3A_76, %get3A_79, %dot_general3A_80 {dimension_numbers = #tpu.dot_dimension_numbers<[1], [0], [0], [1], [0, 0, 1, 1], [], []>, transpose_lhs_hint = false} : vector<2048x128xf32>, vector<128x128xf32>, vector<2048x128xf32> -> vector<2048x128xf32>
    %get3A_82 = arith.constant 0 : index
    %get3A_83 = arith.constant 0 : index
    %get3A_84 = vector.load %arg13[%get3A_82, %get3A_83] : memref<1x128xf32, #tpu.memory_space<vmem>>, vector<1x128xf32>
    %add3A_85 = vector.broadcast %get3A_84 : vector<1x128xf32> to vector<2048x128xf32>
    %add3A_86 = arith.addf %dot_general3A_81, %add3A_85 : vector<2048x128xf32>
    %logistic3A_87 = arith.negf %add3A_86 : vector<2048x128xf32>
    %logistic3A_88 = math.exp %logistic3A_87 : vector<2048x128xf32>
    %logistic3A_89 = arith.constant 1.000000e+00 : f32
    %logistic3A_90 = vector.broadcast %logistic3A_89 : f32 to vector<2048x128xf32>
    %logistic3A_91 = arith.addf %logistic3A_90, %logistic3A_88 : vector<2048x128xf32>
    %logistic3A_92 = arith.divf %logistic3A_90, %logistic3A_91 : vector<2048x128xf32>
    %mul3A_93 = arith.mulf %add3A_86, %logistic3A_92 : vector<2048x128xf32>
    %get3A_94 = arith.constant 0 : index
    %get3A_95 = arith.constant 0 : index
    %get3A_96 = vector.load %arg14[%get3A_94, %get3A_95] : memref<128x128xf32, #tpu.memory_space<vmem>>, vector<128x128xf32>
    %dot_general3A_97 = arith.constant dense<0.000000e+00> : vector<2048x128xf32>
    %dot_general3A_98 = tpu.matmul %mul3A_93, %get3A_96, %dot_general3A_97 {dimension_numbers = #tpu.dot_dimension_numbers<[1], [0], [0], [1], [0, 0, 1, 1], [], []>, transpose_lhs_hint = false} : vector<2048x128xf32>, vector<128x128xf32>, vector<2048x128xf32> -> vector<2048x128xf32>
    %get3A_99 = arith.constant 0 : index
    %get3A_100 = arith.constant 0 : index
    %get3A_101 = vector.load %arg15[%get3A_99, %get3A_100] : memref<1x128xf32, #tpu.memory_space<vmem>>, vector<1x128xf32>
    %add3A_102 = vector.broadcast %get3A_101 : vector<1x128xf32> to vector<2048x128xf32>
    %add3A_103 = arith.addf %dot_general3A_98, %add3A_102 : vector<2048x128xf32>
    %logistic3A_104 = arith.negf %add3A_103 : vector<2048x128xf32>
    %logistic3A_105 = math.exp %logistic3A_104 : vector<2048x128xf32>
    %logistic3A_106 = arith.constant 1.000000e+00 : f32
    %logistic3A_107 = vector.broadcast %logistic3A_106 : f32 to vector<2048x128xf32>
    %logistic3A_108 = arith.addf %logistic3A_107, %logistic3A_105 : vector<2048x128xf32>
    %logistic3A_109 = arith.divf %logistic3A_107, %logistic3A_108 : vector<2048x128xf32>
    %mul3A_110 = arith.mulf %add3A_103, %logistic3A_109 : vector<2048x128xf32>
    %get3A_111 = arith.constant 0 : index
    %get3A_112 = arith.constant 0 : index
    %get3A_113 = vector.load %arg16[%get3A_111, %get3A_112] : memref<128x8xf32, #tpu.memory_space<vmem>>, vector<128x8xf32>
    %dot_general3A_114 = arith.constant dense<0.000000e+00> : vector<2048x8xf32>
    %dot_general3A_115 = tpu.matmul %mul3A_110, %get3A_113, %dot_general3A_114 {dimension_numbers = #tpu.dot_dimension_numbers<[1], [0], [0], [1], [0, 0, 1, 1], [], []>, transpose_lhs_hint = false} : vector<2048x128xf32>, vector<128x8xf32>, vector<2048x8xf32> -> vector<2048x8xf32>
    %get3A_116 = arith.constant 0 : index
    %get3A_117 = arith.constant 0 : index
    %get3A_118 = vector.load %arg17[%get3A_116, %get3A_117] : memref<1x8xf32, #tpu.memory_space<vmem>>, vector<1x8xf32>
    %add3A_119 = vector.broadcast %get3A_118 : vector<1x8xf32> to vector<2048x8xf32>
    %add3A_120 = arith.addf %dot_general3A_115, %add3A_119 : vector<2048x8xf32>
    %swap3A = arith.constant 0 : index
    %swap3A_121 = arith.constant 0 : index
    %swap3A_122 = vector.load %arg18[%swap3A, %swap3A_121] : memref<2048x8xf32, #tpu.memory_space<vmem>>, vector<2048x8xf32>
    tpu.vector_store %arg18[%swap3A, %swap3A_121], %add3A_120 {strides = array<i32>} : memref<2048x8xf32, #tpu.memory_space<vmem>>, vector<2048x8xf32>,
    return
  }
  func.func @transform_0(%arg0: i32) -> (i32, i32) {
    %c0_i32 = arith.constant 0 : i32
    %c0_i32_0 = arith.constant 0 : i32
    return %arg0, %c0_i32 : i32, i32
  }
  func.func @transform_1(%arg0: i32) -> (i32, i32) {
    %c0_i32 = arith.constant 0 : i32
    %c0_i32_0 = arith.constant 0 : i32
    return %arg0, %c0_i32 : i32, i32
  }
  func.func @transform_2(%arg0: i32) -> (i32, i32) {
    %c0_i32 = arith.constant 0 : i32
    %c0_i32_0 = arith.constant 0 : i32
    return %arg0, %c0_i32 : i32, i32
  }
  func.func @transform_3(%arg0: i32) -> (i32, i32) {
    %c0_i32 = arith.constant 0 : i32
    %c0_i32_0 = arith.constant 0 : i32
    %c0_i32_1 = arith.constant 0 : i32
    return %c0_i32, %c0_i32_0 : i32, i32
  }
  func.func @transform_4(%arg0: i32) -> (i32, i32) {
    %c0_i32 = arith.constant 0 : i32
    %c0_i32_0 = arith.constant 0 : i32
    %c0_i32_1 = arith.constant 0 : i32
    return %c0_i32, %c0_i32_0 : i32, i32
  }
  func.func @transform_5(%arg0: i32) -> (i32, i32) {
    %c0_i32 = arith.constant 0 : i32
    %c0_i32_0 = arith.constant 0 : i32
    %c0_i32_1 = arith.constant 0 : i32
    return %c0_i32, %c0_i32_0 : i32, i32
  }
  func.func @transform_6(%arg0: i32) -> (i32, i32) {
    %c0_i32 = arith.constant 0 : i32
    %c0_i32_0 = arith.constant 0 : i32
    %c0_i32_1 = arith.constant 0 : i32
    return %c0_i32, %c0_i32_0 : i32, i32
  }
  func.func @transform_7(%arg0: i32) -> (i32, i32) {
    %c0_i32 = arith.constant 0 : i32
    %c0_i32_0 = arith.constant 0 : i32
    %c0_i32_1 = arith.constant 0 : i32
    return %c0_i32, %c0_i32_0 : i32, i32
  }
  func.func @transform_8(%arg0: i32) -> (i32, i32) {
    %c0_i32 = arith.constant 0 : i32
    %c0_i32_0 = arith.constant 0 : i32
    %c0_i32_1 = arith.constant 0 : i32
    return %c0_i32, %c0_i32_0 : i32, i32
  }
  func.func @transform_9(%arg0: i32) -> (i32, i32) {
    %c0_i32 = arith.constant 0 : i32
    %c0_i32_0 = arith.constant 0 : i32
    %c0_i32_1 = arith.constant 0 : i32
    return %c0_i32, %c0_i32_0 : i32, i32
  }
  func.func @transform_10(%arg0: i32) -> (i32, i32) {
    %c0_i32 = arith.constant 0 : i32
    %c0_i32_0 = arith.constant 0 : i32
    %c0_i32_1 = arith.constant 0 : i32
    return %c0_i32, %c0_i32_0 : i32, i32
  }
  func.func @transform_11(%arg0: i32) -> (i32, i32) {
    %c0_i32 = arith.constant 0 : i32
    %c0_i32_0 = arith.constant 0 : i32
    %c0_i32_1 = arith.constant 0 : i32
    return %c0_i32, %c0_i32_0 : i32, i32
  }
  func.func @transform_12(%arg0: i32) -> (i32, i32) {
    %c0_i32 = arith.constant 0 : i32
    %c0_i32_0 = arith.constant 0 : i32
    %c0_i32_1 = arith.constant 0 : i32
    return %c0_i32, %c0_i32_0 : i32, i32
  }
  func.func @transform_13(%arg0: i32) -> (i32, i32) {
    %c0_i32 = arith.constant 0 : i32
    %c0_i32_0 = arith.constant 0 : i32
    %c0_i32_1 = arith.constant 0 : i32
    return %c0_i32, %c0_i32_0 : i32, i32
  }
  func.func @transform_14(%arg0: i32) -> (i32, i32) {
    %c0_i32 = arith.constant 0 : i32
    %c0_i32_0 = arith.constant 0 : i32
    %c0_i32_1 = arith.constant 0 : i32
    return %c0_i32, %c0_i32_0 : i32, i32
  }
  func.func @transform_15(%arg0: i32) -> (i32, i32) {
    %c0_i32 = arith.constant 0 : i32
    %c0_i32_0 = arith.constant 0 : i32
    %c0_i32_1 = arith.constant 0 : i32
    return %c0_i32, %c0_i32_0 : i32, i32
  }
  func.func @transform_16(%arg0: i32) -> (i32, i32) {
    %c0_i32 = arith.constant 0 : i32
    %c0_i32_0 = arith.constant 0 : i32
    %c0_i32_1 = arith.constant 0 : i32
    return %c0_i32, %c0_i32_0 : i32, i32
  }
  func.func @transform_17(%arg0: i32) -> (i32, i32) {
    %c0_i32 = arith.constant 0 : i32
    %c0_i32_0 = arith.constant 0 : i32
    return %arg0, %c0_i32 : i32, i32
  }
}

</mosaic_0001>

<sc_bundles>
// kernel: kernel.20.cloned.1.call-start
scs
__scs_entry_jumppad:
0x0: {  	(pc) =	sbr.rel $0x88, $3  }
0x1: {  	(tag) =	ssettag $0x0;
	lr =	simm.s32 $0x1  }
0x2: {  	[smem:$0x3F48] =	sst lr;
	_ =	strace $0xD0000000  }
0x3: {  	_ = 	snop  }
0x4: {  	_ = 	snop  }
0x5: {  	_ = 	snop  }
0x6: {  	_ = 	snop  }
0x7: {  	_ = 	snop  }
__scs_overlays_trampoline_lowered:
0x8: {  	[smem:$0x3F57] =	sst s0  }
0x9: {  	[smem:$0x3F58] =	sst s1  }
0xa: {  	[smem:$0x3F59] =	sst s2  }
0xb: {  	[smem:$0x3F5A] =	sst s3  }
0xc: {  	[smem:$0x3F5B] =	sst s4  }
0xd: {  	[smem:$0x3F5C] =	sst s5  }
0xe: {  	[smem:$0x3F5D] =	sst s6  }
0xf: {  	[smem:$0x3F5E] =	sst s7  }
0x10: {  	[smem:$0x3F5F] =	sst s8  }
0x11: {  	[smem:$0x3F60] =	sst s9;
	s0 =	simm.s32 @!p0 $0x0  }
0x12: {  	s1 =	sld [smem:$0x3F46];
	s0 =	simm.s32 @p0 $0x1  }
0x13: {  	[smem:$0x3F61] =	sst s0;
	s0 =	simm.s32 @!p1 $0x0  }
0x14: {  	s2 =	sld [smem:$0x3F45];
	s0 =	simm.s32 @p1 $0x1  }
0x15: {  	[smem:$0x3F62] =	sst s0;
	s0 =	simm.s32 @!p2 $0x0  }
0x16: {  	s3 =	sld [smem:$0x3FDB];
	s0 =	simm.s32 @p2 $0x1  }
0x17: {  	s4 =	simm.s32 $0x1BF5;
	[smem:$0x3F64] =	sst s0  }
0x18: {  	s0 =	sld [smem:$0x3F47];
	_ =	swait.ge [sflag:s4], $0x0  }
0x19: {  	s7 =	sld [smem:$0x3F48]  }
0x1a: {  	s8 =	sadd.s32 $0xFFFFE003, lr  }
0x1b: {  	s9 =	sadd.s32 $0xFFFFFEF7, lr;
	s5 =	simm.s32 $0xFFFFFFFF;
	p2 =	slt.u32 s8, $0xFFFFF086  }
0x1c: {  	p1 =	slt.u32 s9, $0xF7A;
	s5 =	simm.s32 @!p2 $0x0  }
0x1d: {  	s5 =	simm.s32 @p1 $0x1;
	p0 =	seq.s32 s7, s2  }
0x1e: {  	s7 =	smul.u32 @!p0 $0xF7A, s2;
	p2 =	seq.s32 @!p0 s5, $0x0  }
0x1f: {  	s9 =	smul.u32 $0xF7A, s1;
	s8 =	simm.s32 @!p0 $0x1BF5;
	p2 =	por !p2, p0  }
0x20: {  	[sflag:s8] =	ssyncset.s32 @!p0 $0xFFFFF086;
	s6 =	sadd.s32 @!p0 s3, s7;
	s7 =	simm.s32 @!p0 $0x108  }
0x21: {  	s3 =	sadd.s32 s3, s9;
	s6 =	sadd.s32 @!p0 $0x88, s6;
	s7 =	simm.s32 @p2 $0x1082  }
0x22: {  	[simem:s7], [sflag:s8] =	dma.local @!p0 [hbm:s6], $0xF7A  }
0x23: {  	s9 =	sor.u32 $0xD0000000, s2;
	s6 =	simm.s32 $0x108;
	_ =	swait.ge @!p0 [sflag:s8], $0x0  }
0x24: {  	s3 =	sadd.s32 $0x88, s3;
	s6 =	simm.s32 @!p1 $0x1082;
	[sflag:s4] =	ssyncset.s32 $0xFFFFF086  }
0x25: {  	[simem:s6], [sflag:s4] =	dma.local [hbm:s3], $0xF7A  }
0x26: {  	[smem:$0x3F48] =	sst s1;
	(tag) =	ssettag s2;
	_ =	strace s9  }
0x27: {  	s1 =	sld [smem:$0x3F58]  }
0x28: {  	s2 =	sld [smem:$0x3F59]  }
0x29: {  	s4 =	sld [smem:$0x3F5B]  }
0x2a: {  	p0 =	seq.s32 s5, $0x0;
	s5 =	sld [smem:$0x3F5C]  }
0x2b: {  	s6 =	sld [smem:$0x3F5D]  }
0x2c: {  	s7 =	sld [smem:$0x3F5E]  }
0x2d: {  	s3 =	simm.s32 $0x108;
	s8 =	sld [smem:$0x3F5F]  }
0x2e: {  	s3 =	simm.s32 @!p0 $0x1082;
	s9 =	sld [smem:$0x3F60]  }
0x2f: {  	lr =	sadd.s32 s0, s3;
	s0 =	sld [smem:$0x3F57]  }
0x30: {  	s3 =	sld [smem:$0x3F5A]  }
0x31: {  	[smem:$0x3F63] =	sst s10  }
0x32: {  	s10 =	sld [smem:$0x3F61];
	_ =	sdelay $0x3  }
0x33: {  	p0 =	seq.s32 s10, $0x1;
	s10 =	sld [smem:$0x3F63];
	_ =	sdelay $0x3  }
0x34: {  	[smem:$0x3F63] =	sst s10  }
0x35: {  	s10 =	sld [smem:$0x3F62];
	_ =	sdelay $0x3  }
0x36: {  	p1 =	seq.s32 s10, $0x1;
	s10 =	sld [smem:$0x3F63];
	_ =	sdelay $0x3  }
0x37: {  	[smem:$0x3F63] =	sst s10  }
0x38: {  	s10 =	sld [smem:$0x3F64]  }
0x39: {  	_ = 	snop;
	(pc) =	sbr.ind lr, $3  }
0x3a: {  	_ = 	snop  }
0x3b: {  	_ = 	snop  }
0x3c: {  	p2 =	seq.s32 s10, $0x1;
	s10 =	sld [smem:$0x3F63]  }
0x3d: {  	_ =	shalt  }
0x3e: {  	_ =	shalt  }
0x3f: {  	_ =	shalt  }
0x40: {  	_ =	shalt  }
0x41: {  	_ =	shalt  }
0x42: {  	_ =	shalt  }
0x43: {  	_ =	shalt  }
0x44: {  	_ =	shalt  }
0x45: {  	_ =	shalt  }
0x46: {  	_ =	shalt  }
0x47: {  	_ =	shalt  }
0x48: {  	_ =	shalt  }
0x49: {  	_ =	shalt  }
0x4a: {  	_ =	shalt  }
0x4b: {  	_ =	shalt  }
0x4c: {  	_ =	shalt  }
0x4d: {  	_ =	shalt  }
0x4e: {  	_ =	shalt  }
0x4f: {  	_ =	shalt  }
0x50: {  	_ =	shalt  }
0x51: {  	_ =	shalt  }
0x52: {  	_ =	shalt  }
0x53: {  	_ =	shalt  }
0x54: {  	_ =	shalt  }
0x55: {  	_ =	shalt  }
0x56: {  	_ =	shalt  }
0x57: {  	_ =	shalt  }
0x58: {  	_ =	shalt  }
0x59: {  	_ =	shalt  }
0x5a: {  	_ =	shalt  }
0x5b: {  	_ =	shalt  }
0x5c: {  	_ =	shalt  }
0x5d: {  	_ =	shalt  }
0x5e: {  	_ =	shalt  }
0x5f: {  	_ =	shalt  }
0x60: {  	_ =	shalt  }
0x61: {  	_ =	shalt  }
0x62: {  	_ =	shalt  }
0x63: {  	_ =	shalt  }
0x64: {  	_ =	shalt  }
0x65: {  	_ =	shalt  }
0x66: {  	_ =	shalt  }
0x67: {  	_ =	shalt  }
0x68: {  	_ =	shalt  }
0x69: {  	_ =	shalt  }
0x6a: {  	_ =	shalt  }
0x6b: {  	_ =	shalt  }
0x6c: {  	_ =	shalt  }
0x6d: {  	_ =	shalt  }
0x6e: {  	_ =	shalt  }
0x6f: {  	_ =	shalt  }
0x70: {  	_ =	shalt  }
0x71: {  	_ =	shalt  }
0x72: {  	_ =	shalt  }
0x73: {  	_ =	shalt  }
0x74: {  	_ =	shalt  }
0x75: {  	_ =	shalt  }
0x76: {  	_ =	shalt  }
0x77: {  	_ =	shalt  }
0x78: {  	_ =	shalt  }
0x79: {  	_ =	shalt  }
0x7a: {  	_ =	shalt  }
0x7b: {  	_ =	shalt  }
0x7c: {  	_ =	shalt  }
0x7d: {  	_ =	shalt  }
0x7e: {  	_ =	shalt  }
0x7f: {  	_ =	shalt  }
0x80: {  	_ =	shalt  }
0x81: {  	_ =	shalt  }
0x82: {  	_ =	shalt  }
0x83: {  	_ =	shalt  }
0x84: {  	_ =	shalt  }
0x85: {  	_ =	shalt  }
0x86: {  	_ =	shalt  }
0x87: {  	_ =	shalt  }
.Lfunc_end0:
.L_simem_size_0:
called_computation_lowered:
.L_overlay_start_0:
0x88: {  	s2 =	sld [smem:$0x3FD9]  }
0x89: {  	s3 =	sld [smem:$0x3FFE];
	_ =	sdelay $0x1  }
0x8a: {  	s1 =	srdreg.scid  }
0x8b: {  	s0 =	sand.u32 $0x1, s1  }
0x8c: {  	s17 =	sshll.u32 s0, $0xA;
	s2 =	sadd.s32 s3, s2  }
0x8d: {  	s2 =	sadd.s32 s2, s17  }
0x8e: {  	[smem:$0x3F6F] =	sst s2  }
0x8f: {  	_ = 	snop  }
0x90: {  	s2 =	sld [smem:$0x3FD0];
	(tm) =	ssettm $0x1  }
0x91: {  	s18 =	sld [smem:$0x3FFB];
	_ =	sdelay $0x3  }
0x92: {  	_ =	strace s18  }
0x93: {  	s3 =	sld [smem:$0x3FFC];
	_ =	sdelay $0x3  }
0x94: {  	_ =	strace s3  }
0x95: {  	s3 =	sld [smem:$0x3FFD];
	_ =	sdelay $0x3  }
0x96: {  	_ =	strace s3  }
0x97: {  	_ =	strace $0x8FFFFFFF  }
0x98: {  	s19 =	sld [smem:$0x3FDB];
	_ =	sdelay $0x1  }
0x99: {  	s4 =	simm.s32 $_scs_section_size  }
0x9a: {  	s5 =	simm.s32 $_size__tile_overlayer_lowered;
	s6 =	simm.s32 $_tile_overlayer_lowered  }
0x9b: {  	s22 =	simm.s32 $0x1BFF;
	s21 =	sshll.u32 s6, $0x1;
	s3 =	sadd.s32 s4, s19  }
0x9c: {  	s7 =	simm.s32 $0x0;
	s20 =	sshll.u32 s5, $0x1;
	s5 =	sadd.s32 s21, s3  }
0x9d: {  	[timem:s7], [sflag:s22] =	dma.local [hbm:s5], s20  }
0x9e: {  	_ =	swait.ge [sflag:s22], s20  }
0x9f: {  	s4 =	ssub.s32 $0x0, s20;
	[sflag:s22] =	ssyncset.done $0x0  }
0xa0: {  	[sflag:s22] =	ssyncadd.s32 s4;
	_ =	sdelay $0x1  }
0xa1: {  	s23 =	simm.s32 $0x1B8B  }
0xa2: {  	_ =	swait.ge [sflag:s23], $0x1  }
0xa3: {  	[sflag:s23] =	ssyncset.done $0x0  }
0xa4: {  	s25 =	simm.s32 $0x1B8E;
	s24 =	sld [smem:$0x3FFE];
	[sflag:s23] =	ssyncadd.s32 $0xFFFFFFFF  }
0xa5: {  	s26 =	simm.s32 $execute0_lowered;
	[smem:$0x3FD2] =	sst s25  }
0xa6: {  	s5 =	sshll.u32 s26, $0x1;
	_ =	strace $0x80000046;
	[dreg:$0x1] =	wrdreg $0xFFFFFFFF  }
0xa7: {  	s28 =	simm.s32 $_size_execute0_lowered;
	s3 =	sadd.s32 s3, s5;
	[dreg:$0x0] =	wrdreg $0x0  }
0xa8: {  	s5 =	sshll.u32 s28, $0x1;
	[dreg:$0x2] =	wrdreg s3  }
0xa9: {  	[dreg:$0x3] =	wrdreg s5  }
0xaa: {  	[dreg:$0x4] =	wrdreg $0xC0  }
0xab: {  	_ =	task [dreg:s7], $0x5FFFF  }
0xac: {  	[dreg:$0x1] =	wrdreg $0xFFFFFFFF  }
0xad: {  	[dreg:$0x0] =	wrdreg $0x60  }
0xae: {  	[dreg:$0x2] =	wrdreg s24  }
0xaf: {  	[dreg:$0x3] =	wrdreg s2  }
0xb0: {  	[dreg:$0x4] =	wrdreg $0x40800  }
0xb1: {  	[dreg:$0x5] =	wrdreg $0x9  }
0xb2: {  	_ =	task.clear_ibuf [dreg:s7], $0x6FFFF;
	_ =	strace $0x90000046  }
0xb3: {  	s29 =	simm.s32 $0x9;
	_ =	strace $0x80000048  }
0xb4: {  	_ =	swait.ge [sflag:s29], $0x1  }
0xb5: {  	[sflag:s29] =	ssyncadd.s32 $0xFFFFFFFF  }
0xb6: {  	_ =	strace $0x90000048  }
0xb7: {  	_ =	sfence  }
0xb8: {  	s30 =	sld [smem:$0x0];
	_ =	sdelay $0x2  }
0xb9: {  	s31 =	sshll.u32 s1, $0xD;
	s1 =	sshrl.u32 s1, $0x2  }
0xba: {  	s3 =	sand.u32 $0x4000, s31;
	s1 =	sadd.s32 s1, s30  }
0xbb: {  	s0 =	sor.u32 s3, s0;
	s1 =	sshll.u32 s1, $0x11  }
0xbc: {  	s0 =	sor.u32 s1, s0  }
0xbd: {  	s0 =	sadd.s32 $0x8F2B, s0  }
0xbe: {  	[sflag:s0] =	ssyncadd.remote.s32 $0x1  }
0xbf: {  	_ =	sfence.sel $0xFFFF  }
0xc0: {  	[dreg:$0x0] =	wrdreg $0xFFFFFFFF;
	(pc) =	sbr.abs _section_cstart, $3  }
0xc1: {  	[dreg:$0x1] =	wrdreg $0xFFFFFFFF  }
0xc2: {  	_ =	task.clear_ibuf [dreg:s7], $0x2FFFF;
	_ =	strace $0x9FFFFFFF  }
0xc3: {  	(tm) =	ssettm $0x7FFFFFFF  }
tec
execute0_lowered:
.L_overlay_start_1:
0x0: {  	(tag) =	ssettag $0x1  }
0x1: {  	s0 =	srdreg.scid;
	s5 =	rddreg [dreg:$0x0]  }
0x2: {  	s9 =	stileid.u32;
	s1 =	rddreg [dreg:$0x1]  }
0x3: {  	s2 =	rddreg [dreg:$0x2];
	s3 =	simm.s32 $0x0;
	s12 =	simm.s32 $0x2  }
0x4: {  	s13 =	simm.s32 $0x3;
	s6 =	sand.u32 $0x1, s0;
	s0 =	rddreg [dreg:$0x3]  }
0x5: {  	s14 =	simm.s32 $0x0;
	s4 =	smul.u32 $0x278000, s9;
	[smem:$0x7FF] =	sst s3  }
0x6: {  	s11 =	sshll.u32 s9, $0x1;
	p0 =	sne.s32 s9, $0x0;
	s7 =	smul.u32 $0x13C000, s6  }
0x7: {  	_ =	strace $0x80000047;
	s30 =	smul.u32 $0x28000, s6;
	s10 =	ssub.s32 $0x2, s6  }
0x8: {  	s6 =	sor.u32 s6, s11;
	s9 =	sshrl.u32 @!p0 s2, $0x3;
	s4 =	sadd.s32 s7, s4  }
0x9: {  	s11 =	simm.s32 $0x1;
	s31 =	sshrl.u32 s10, $0x1;
	s4 =	sshrl.u32 s4, $0x3  }
0xa: {  	s7 =	sadd.s32 s30, s5;
	s10 =	ssub.s32 s10, s31;
	s8 =	sadd.s32 s4, s5  }
0xb: {  	s4 =	sadd.s32 $0x1C000, s5;
	s5 =	smul.u32 $0x2800, s6;
	s6 =	sadd.s32 $0x26000, s7  }
0xc: {  	s7 =	smax.u32 s10, $0x1;
	s10 =	simm.s32 $0x80;
	s8 =	sadd.s32 $0x9F8000, s8  }
.LBB2_1:
0xd: {  	s15 =	simm.s32 @!p0 $0x1C03  }
0xe: {  	[spmem:s9], [sflag:s15] =	dma.local @!p0 [hbm:s1], $0x28000  }
0xf: {  	s15 =	simm.s32 @!p0 $0x3  }
0x10: {  	s16 =	sand.u32 $0x3C00, s3;
	_ =	swait.ge @!p0 [sflag:s15], $0x28000  }
0x11: {  	s17 =	sand.u32 $0x380, s3;
	s16 =	sadd.s32 s5, s16;
	[sflag:s15] =	ssyncset.done @!p0 $0x0  }
0x12: {  	s30 =	sor.u32 s17, s16;
	[sflag:s15] =	ssyncadd.s32 @!p0 $0xFFFD8000  }
0x13: {  	s15 =	sshrl.u32 s30, $0x3;
	[bflag:$0x0] =	sbarrier.arrive $0xFFFF  }
0x14: {  	[tilespmem:s10], [sflag:$0x1] =	stream.linear.gather [hbm4b:s8+s3], $0x4000, $0x38;
	[tilespmem:$0x18080] =	vst v63  }
0x15: {  	s15 =	sadd.s32 s4, s15  }
0x16: {  	[tilespmem:s3], [sflag:$0x2] =	stream.linear.gather [hbm4b:s15+s3], $0x80, $0x38;
	[tilespmem:$0x18080] =	vst v63  }
0x17: {  	_ =	swait.ge [sflag:s11], $0x4000  }
0x18: {  	s18 =	simm.s32 $0x80;
	[sflag:s11] =	ssyncset.done $0x0  }
0x19: {  	s31 =	sand.u32 $0x3C00, s18;
	[sflag:s11] =	ssyncadd.s32 $0xFFFFC000  }
0x1a: {  	s18 =	sand.u32 $0x380, s18;
	s16 =	simm.s32 $0x100;
	_ =	swait.ge [sflag:s12], $0x80  }
0x1b: {  	s17 =	sadd.s32 s5, s31;
	s15 =	sadd.s32 $0x800, s8;
	[sflag:s12] =	ssyncset.done $0x0  }
.LBB2_2:
0x1c: {  	s17 =	sor.u32 s18, s17  }
0x1d: {  	[sflag:s12] =	ssyncadd.s32 $0xFFFFFF80;
	s18 =	smov.u32 s16;
	s19 =	sadd.s32 $0x80, s16  }
0x1e: {  	[spmem:s2] =	stream.indirect.scatter.add.f32 [tilespmem:s10], [sflag:$0x3], $0x80, s3, s10, $0xb8;
	[tilespmem:$0x18080] =	vst v63  }
0x1f: {  	p1 =	sne.s32 s16, $0x2700;
	s16 =	sshrl.u32 s17, $0x3;
	_ =	swait.ge [sflag:s13], $0x4000  }
0x20: {  	[sflag:s13] =	ssyncset.done $0x0  }
0x21: {  	[sflag:s13] =	ssyncadd.s32 $0xFFFFC000  }
0x22: {  	[tilespmem:s10], [sflag:$0x1] =	stream.linear.gather [hbm4b:s15+s3], $0x4000, $0x38;
	[tilespmem:$0x18080] =	vst v63  }
0x23: {  	s16 =	sadd.s32 s4, s16  }
0x24: {  	[tilespmem:s3], [sflag:$0x2] =	stream.linear.gather [hbm4b:s16+s3], $0x80, $0x38;
	[tilespmem:$0x18080] =	vst v63  }
.Ltmp0:
0x25: {  	_ =	swait.ge [sflag:s11], $0x4000;
	(pc) =	sbr.rel @p1 .LBB2_2-.Ltmp0, $4  }
0x26: {  	[sflag:s11] =	ssyncset.done $0x0  }
0x27: {  	s15 =	sadd.s32 $0x800, s15;
	[sflag:s11] =	ssyncadd.s32 $0xFFFFC000  }
0x28: {  	s16 =	sand.u32 $0x3C00, s18;
	s18 =	sand.u32 $0x380, s18;
	_ =	swait.ge [sflag:s12], $0x80  }
0x29: {  	s17 =	sadd.s32 s5, s16;
	s16 =	smov.u32 s19;
	[sflag:s12] =	ssyncset.done $0x0  }
0x2a: {  	[sflag:s12] =	ssyncadd.s32 $0xFFFFFF80  }
0x2b: {  	[spmem:s2] =	stream.indirect.scatter.add.f32 [tilespmem:s10], [sflag:$0x3], $0x80, s3, s10, $0xb8;
	[tilespmem:$0x18080] =	vst v63  }
0x2c: {  	_ =	swait.ge [sflag:s13], $0x4000  }
0x2d: {  	s16 =	sor.u32 s18, s17;
	[sflag:s13] =	ssyncset.done $0x0  }
0x2e: {  	s16 =	sshrl.u32 s16, $0x3;
	[sflag:s13] =	ssyncadd.s32 $0xFFFFC000  }
0x2f: {  	[tilespmem:s10], [sflag:$0x1] =	stream.linear.gather [hbm4b:s15+s3], $0x4000, $0x38;
	[tilespmem:$0x18080] =	vst v63  }
0x30: {  	s31 =	sadd.s32 s4, s16  }
0x31: {  	[tilespmem:s3], [sflag:$0x2] =	stream.linear.gather [hbm4b:s31+s3], $0x80, $0x38;
	[tilespmem:$0x18080] =	vst v63  }
0x32: {  	_ =	swait.ge [sflag:s11], $0x4000  }
0x33: {  	[sflag:s11] =	ssyncset.done $0x0  }
0x34: {  	[sflag:s11] =	ssyncadd.s32 $0xFFFFC000  }
0x35: {  	_ =	swait.ge [sflag:s12], $0x80  }
0x36: {  	[sflag:s12] =	ssyncset.done $0x0  }
0x37: {  	[sflag:s12] =	ssyncadd.s32 $0xFFFFFF80  }
0x38: {  	[spmem:s2] =	stream.indirect.scatter.add.f32 [tilespmem:s10], [sflag:$0x3], $0x80, s3, s10, $0xb8;
	[tilespmem:$0x18080] =	vst v63  }
0x39: {  	_ =	swait.ge [sflag:s13], $0x4000  }
0x3a: {  	[sflag:s13] =	ssyncset.done $0x0  }
0x3b: {  	s14 =	sadd.s32 $0x1, s14;
	[sflag:s13] =	ssyncadd.s32 $0xFFFFC000  }
0x3c: {  	p1 =	sne.s32 s14, s7;
	s15 =	simm.s32 @!p0 $0x1C03;
	[bflag:$0x0] =	sbarrier.arrive $0xFFFF  }
0x3d: {  	[hbm:s6], [sflag:s15] =	dma.local @!p0 [spmem:s9], $0x28000  }
.Ltmp1:
0x3e: {  	_ = 	snop;
	(pc) =	sbr.rel @p1 .LBB2_1-.Ltmp1, $4  }
0x3f: {  	s15 =	simm.s32 @!p0 $0x3  }
0x40: {  	_ =	swait.ge @!p0 [sflag:s15], $0x28000  }
0x41: {  	[sflag:s15] =	ssyncset.done @!p0 $0x0  }
0x42: {  	[sflag:s15] =	ssyncadd.s32 @!p0 $0xFFFD8000  }
0x43: {  	_ =	sfence.sel $0x180000  }
0x44: {  	[bflag:$0x0] =	sbarrier.arrive $0xFFFF  }
0x45: {  	_ =	strace $0x90000047  }
0x46: {  	s0 =	sadd.s32 @!p0 $0x100000, s0;
	[bflag:$0x2] =	sbarrier.arrive $0xFFFF  }
0x47: {  	[sflag:s0] =	ssyncadd.tile.s32 @!p0 $0x1;
	_ =	shalt  }
.Lfunc_end2:
_tile_overlayer_lowered:
.L_overlay_start_2:
0x48: {  	(tag) =	ssettag $0x2  }
0x49: {  	s0 =	rddreg [dreg:$0x0];
	s2 =	stileid.u32  }
0x4a: {  	s1 =	rddreg [dreg:$0x1];
	p0 =	sne.s32 s2, $0x0  }
0x4b: {  	s3 =	rddreg [dreg:$0x2];
	[bflag:$0x3] =	sbarrier.arrive $0xFFFF;
	s2 =	simm.s32 @!p0 $0x1C03  }
0x4c: {  	[timem:s3], [sflag:s2] =	dma.local @!p0 [hbm:s0], s1  }
0x4d: {  	s0 =	simm.s32 @!p0 $0x3  }
0x4e: {  	_ =	swait.ge @!p0 [sflag:s0], s1  }
0x4f: {  	s1 =	ssub.s32 @!p0 $0x0, s1;
	[sflag:s0] =	ssyncset.done @!p0 $0x0  }
0x50: {  	[sflag:s0] =	ssyncadd.s32 @!p0 s1  }
0x51: {  	[bflag:$0x3] =	sbarrier.arrive $0xFFFF  }
0x52: {  	_ =	shalt  }

// kernel: kernel.23.cloned.1.call-start
scs
__scs_entry_jumppad:
0x0: {  	(pc) =	sbr.rel $0x88, $3  }
0x1: {  	(tag) =	ssettag $0x0;
	lr =	simm.s32 $0x1  }
0x2: {  	[smem:$0x3F48] =	sst lr;
	_ =	strace $0xD0000000  }
0x3: {  	_ = 	snop  }
0x4: {  	_ = 	snop  }
0x5: {  	_ = 	snop  }
0x6: {  	_ = 	snop  }
0x7: {  	_ = 	snop  }
__scs_overlays_trampoline_lowered:
0x8: {  	[smem:$0x3F57] =	sst s0  }
0x9: {  	[smem:$0x3F58] =	sst s1  }
0xa: {  	[smem:$0x3F59] =	sst s2  }
0xb: {  	[smem:$0x3F5A] =	sst s3  }
0xc: {  	[smem:$0x3F5B] =	sst s4  }
0xd: {  	[smem:$0x3F5C] =	sst s5  }
0xe: {  	[smem:$0x3F5D] =	sst s6  }
0xf: {  	[smem:$0x3F5E] =	sst s7  }
0x10: {  	[smem:$0x3F5F] =	sst s8  }
0x11: {  	[smem:$0x3F60] =	sst s9;
	s0 =	simm.s32 @!p0 $0x0  }
0x12: {  	s1 =	sld [smem:$0x3F46];
	s0 =	simm.s32 @p0 $0x1  }
0x13: {  	[smem:$0x3F61] =	sst s0;
	s0 =	simm.s32 @!p1 $0x0  }
0x14: {  	s2 =	sld [smem:$0x3F45];
	s0 =	simm.s32 @p1 $0x1  }
0x15: {  	[smem:$0x3F62] =	sst s0;
	s0 =	simm.s32 @!p2 $0x0  }
0x16: {  	s3 =	sld [smem:$0x3FDB];
	s0 =	simm.s32 @p2 $0x1  }
0x17: {  	s4 =	simm.s32 $0x1BF5;
	[smem:$0x3F64] =	sst s0  }
0x18: {  	s0 =	sld [smem:$0x3F47];
	_ =	swait.ge [sflag:s4], $0x0  }
0x19: {  	s7 =	sld [smem:$0x3F48]  }
0x1a: {  	s8 =	sadd.s32 $0xFFFFE003, lr  }
0x1b: {  	s9 =	sadd.s32 $0xFFFFFEF7, lr;
	s5 =	simm.s32 $0xFFFFFFFF;
	p2 =	slt.u32 s8, $0xFFFFF086  }
0x1c: {  	p1 =	slt.u32 s9, $0xF7A;
	s5 =	simm.s32 @!p2 $0x0  }
0x1d: {  	s5 =	simm.s32 @p1 $0x1;
	p0 =	seq.s32 s7, s2  }
0x1e: {  	s7 =	smul.u32 @!p0 $0xF7A, s2;
	p2 =	seq.s32 @!p0 s5, $0x0  }
0x1f: {  	s9 =	smul.u32 $0xF7A, s1;
	s8 =	simm.s32 @!p0 $0x1BF5;
	p2 =	por !p2, p0  }
0x20: {  	[sflag:s8] =	ssyncset.s32 @!p0 $0xFFFFF086;
	s6 =	sadd.s32 @!p0 s3, s7;
	s7 =	simm.s32 @!p0 $0x108  }
0x21: {  	s3 =	sadd.s32 s3, s9;
	s6 =	sadd.s32 @!p0 $0x88, s6;
	s7 =	simm.s32 @p2 $0x1082  }
0x22: {  	[simem:s7], [sflag:s8] =	dma.local @!p0 [hbm:s6], $0xF7A  }
0x23: {  	s9 =	sor.u32 $0xD0000000, s2;
	s6 =	simm.s32 $0x108;
	_ =	swait.ge @!p0 [sflag:s8], $0x0  }
0x24: {  	s3 =	sadd.s32 $0x88, s3;
	s6 =	simm.s32 @!p1 $0x1082;
	[sflag:s4] =	ssyncset.s32 $0xFFFFF086  }
0x25: {  	[simem:s6], [sflag:s4] =	dma.local [hbm:s3], $0xF7A  }
0x26: {  	[smem:$0x3F48] =	sst s1;
	(tag) =	ssettag s2;
	_ =	strace s9  }
0x27: {  	s1 =	sld [smem:$0x3F58]  }
0x28: {  	s2 =	sld [smem:$0x3F59]  }
0x29: {  	s4 =	sld [smem:$0x3F5B]  }
0x2a: {  	p0 =	seq.s32 s5, $0x0;
	s5 =	sld [smem:$0x3F5C]  }
0x2b: {  	s6 =	sld [smem:$0x3F5D]  }
0x2c: {  	s7 =	sld [smem:$0x3F5E]  }
0x2d: {  	s3 =	simm.s32 $0x108;
	s8 =	sld [smem:$0x3F5F]  }
0x2e: {  	s3 =	simm.s32 @!p0 $0x1082;
	s9 =	sld [smem:$0x3F60]  }
0x2f: {  	lr =	sadd.s32 s0, s3;
	s0 =	sld [smem:$0x3F57]  }
0x30: {  	s3 =	sld [smem:$0x3F5A]  }
0x31: {  	[smem:$0x3F63] =	sst s10  }
0x32: {  	s10 =	sld [smem:$0x3F61];
	_ =	sdelay $0x3  }
0x33: {  	p0 =	seq.s32 s10, $0x1;
	s10 =	sld [smem:$0x3F63];
	_ =	sdelay $0x3  }
0x34: {  	[smem:$0x3F63] =	sst s10  }
0x35: {  	s10 =	sld [smem:$0x3F62];
	_ =	sdelay $0x3  }
0x36: {  	p1 =	seq.s32 s10, $0x1;
	s10 =	sld [smem:$0x3F63];
	_ =	sdelay $0x3  }
0x37: {  	[smem:$0x3F63] =	sst s10  }
0x38: {  	s10 =	sld [smem:$0x3F64]  }
0x39: {  	_ = 	snop;
	(pc) =	sbr.ind lr, $3  }
0x3a: {  	_ = 	snop  }
0x3b: {  	_ = 	snop  }
0x3c: {  	p2 =	seq.s32 s10, $0x1;
	s10 =	sld [smem:$0x3F63]  }
0x3d: {  	_ =	shalt  }
0x3e: {  	_ =	shalt  }
0x3f: {  	_ =	shalt  }
0x40: {  	_ =	shalt  }
0x41: {  	_ =	shalt  }
0x42: {  	_ =	shalt  }
0x43: {  	_ =	shalt  }
0x44: {  	_ =	shalt  }
0x45: {  	_ =	shalt  }
0x46: {  	_ =	shalt  }
0x47: {  	_ =	shalt  }
0x48: {  	_ =	shalt  }
0x49: {  	_ =	shalt  }
0x4a: {  	_ =	shalt  }
0x4b: {  	_ =	shalt  }
0x4c: {  	_ =	shalt  }
0x4d: {  	_ =	shalt  }
0x4e: {  	_ =	shalt  }
0x4f: {  	_ =	shalt  }
0x50: {  	_ =	shalt  }
0x51: {  	_ =	shalt  }
0x52: {  	_ =	shalt  }
0x53: {  	_ =	shalt  }
0x54: {  	_ =	shalt  }
0x55: {  	_ =	shalt  }
0x56: {  	_ =	shalt  }
0x57: {  	_ =	shalt  }
0x58: {  	_ =	shalt  }
0x59: {  	_ =	shalt  }
0x5a: {  	_ =	shalt  }
0x5b: {  	_ =	shalt  }
0x5c: {  	_ =	shalt  }
0x5d: {  	_ =	shalt  }
0x5e: {  	_ =	shalt  }
0x5f: {  	_ =	shalt  }
0x60: {  	_ =	shalt  }
0x61: {  	_ =	shalt  }
0x62: {  	_ =	shalt  }
0x63: {  	_ =	shalt  }
0x64: {  	_ =	shalt  }
0x65: {  	_ =	shalt  }
0x66: {  	_ =	shalt  }
0x67: {  	_ =	shalt  }
0x68: {  	_ =	shalt  }
0x69: {  	_ =	shalt  }
0x6a: {  	_ =	shalt  }
0x6b: {  	_ =	shalt  }
0x6c: {  	_ =	shalt  }
0x6d: {  	_ =	shalt  }
0x6e: {  	_ =	shalt  }
0x6f: {  	_ =	shalt  }
0x70: {  	_ =	shalt  }
0x71: {  	_ =	shalt  }
0x72: {  	_ =	shalt  }
0x73: {  	_ =	shalt  }
0x74: {  	_ =	shalt  }
0x75: {  	_ =	shalt  }
0x76: {  	_ =	shalt  }
0x77: {  	_ =	shalt  }
0x78: {  	_ =	shalt  }
0x79: {  	_ =	shalt  }
0x7a: {  	_ =	shalt  }
0x7b: {  	_ =	shalt  }
0x7c: {  	_ =	shalt  }
0x7d: {  	_ =	shalt  }
0x7e: {  	_ =	shalt  }
0x7f: {  	_ =	shalt  }
0x80: {  	_ =	shalt  }
0x81: {  	_ =	shalt  }
0x82: {  	_ =	shalt  }
0x83: {  	_ =	shalt  }
0x84: {  	_ =	shalt  }
0x85: {  	_ =	shalt  }
0x86: {  	_ =	shalt  }
0x87: {  	_ =	shalt  }
.Lfunc_end0:
.L_simem_size_0:
called_computation.1_lowered:
.L_overlay_start_0:
0x88: {  	s2 =	sld [smem:$0x3FD9]  }
0x89: {  	s3 =	sld [smem:$0x3FFE];
	_ =	sdelay $0x1  }
0x8a: {  	s1 =	srdreg.scid  }
0x8b: {  	s0 =	sand.u32 $0x1, s1  }
0x8c: {  	s16 =	sshll.u32 s0, $0xA;
	s2 =	sadd.s32 s3, s2  }
0x8d: {  	s2 =	sadd.s32 s2, s16  }
0x8e: {  	[smem:$0x3F6F] =	sst s2  }
0x8f: {  	_ = 	snop  }
0x90: {  	(tm) =	ssettm $0x1  }
0x91: {  	s17 =	sld [smem:$0x3FFB];
	_ =	sdelay $0x3  }
0x92: {  	_ =	strace s17  }
0x93: {  	s2 =	sld [smem:$0x3FFC];
	_ =	sdelay $0x3  }
0x94: {  	_ =	strace s2  }
0x95: {  	s2 =	sld [smem:$0x3FFD];
	_ =	sdelay $0x3  }
0x96: {  	_ =	strace s2  }
0x97: {  	_ =	strace $0x8FFFFFFF  }
0x98: {  	s18 =	sld [smem:$0x3FDB];
	_ =	sdelay $0x1  }
0x99: {  	s19 =	simm.s32 $_scs_section_size  }
0x9a: {  	s4 =	simm.s32 $_size__tile_overlayer_lowered;
	s5 =	simm.s32 $_tile_overlayer_lowered  }
0x9b: {  	s22 =	simm.s32 $0x1BFF;
	s21 =	sshll.u32 s5, $0x1;
	s2 =	sadd.s32 s19, s18  }
0x9c: {  	s6 =	simm.s32 $0x0;
	s20 =	sshll.u32 s4, $0x1;
	s4 =	sadd.s32 s21, s2  }
0x9d: {  	[timem:s6], [sflag:s22] =	dma.local [hbm:s4], s20  }
0x9e: {  	_ =	swait.ge [sflag:s22], s20  }
0x9f: {  	s3 =	ssub.s32 $0x0, s20;
	[sflag:s22] =	ssyncset.done $0x0  }
0xa0: {  	[sflag:s22] =	ssyncadd.s32 s3;
	_ =	sdelay $0x1  }
0xa1: {  	s23 =	simm.s32 $0x1B8B  }
0xa2: {  	_ =	swait.ge [sflag:s23], $0x1  }
0xa3: {  	[sflag:s23] =	ssyncset.done $0x0  }
0xa4: {  	s25 =	simm.s32 $0x1B8E;
	s24 =	sld [smem:$0x3FFE];
	[sflag:s23] =	ssyncadd.s32 $0xFFFFFFFF  }
0xa5: {  	s26 =	simm.s32 $execute0_lowered;
	[smem:$0x3FD2] =	sst s25  }
0xa6: {  	s4 =	sshll.u32 s26, $0x1;
	_ =	strace $0x80000049;
	[dreg:$0x1] =	wrdreg $0xFFFFFFFF  }
0xa7: {  	s28 =	simm.s32 $_size_execute0_lowered;
	s2 =	sadd.s32 s2, s4;
	[dreg:$0x0] =	wrdreg $0x0  }
0xa8: {  	s4 =	sshll.u32 s28, $0x1;
	[dreg:$0x2] =	wrdreg s2  }
0xa9: {  	[dreg:$0x3] =	wrdreg s4  }
0xaa: {  	[dreg:$0x4] =	wrdreg $0xC0  }
0xab: {  	_ =	task [dreg:s6], $0x5FFFF  }
0xac: {  	[dreg:$0x1] =	wrdreg $0xFFFFFFFF  }
0xad: {  	[dreg:$0x0] =	wrdreg $0x60  }
0xae: {  	[dreg:$0x2] =	wrdreg s24  }
0xaf: {  	[dreg:$0x3] =	wrdreg $0x9  }
0xb0: {  	_ =	task.clear_ibuf [dreg:s6], $0x4FFFF;
	_ =	strace $0x90000049  }
0xb1: {  	s29 =	simm.s32 $0x9;
	_ =	strace $0x8000004B  }
0xb2: {  	_ =	swait.ge [sflag:s29], $0x1  }
0xb3: {  	[sflag:s29] =	ssyncadd.s32 $0xFFFFFFFF  }
0xb4: {  	_ =	strace $0x9000004B  }
0xb5: {  	_ =	sfence  }
0xb6: {  	s30 =	sld [smem:$0x0];
	_ =	sdelay $0x2  }
0xb7: {  	s31 =	sshll.u32 s1, $0xD;
	s1 =	sshrl.u32 s1, $0x2  }
0xb8: {  	s3 =	sand.u32 $0x4000, s31;
	s1 =	sadd.s32 s1, s30  }
0xb9: {  	s0 =	sor.u32 s3, s0;
	s1 =	sshll.u32 s1, $0x11  }
0xba: {  	s0 =	sor.u32 s1, s0  }
0xbb: {  	s0 =	sadd.s32 $0x8F2B, s0  }
0xbc: {  	[sflag:s0] =	ssyncadd.remote.s32 $0x1  }
0xbd: {  	_ =	sfence.sel $0xFFFF  }
0xbe: {  	[dreg:$0x0] =	wrdreg $0xFFFFFFFF;
	(pc) =	sbr.abs _section_cstart, $3  }
0xbf: {  	[dreg:$0x1] =	wrdreg $0xFFFFFFFF  }
0xc0: {  	_ =	task.clear_ibuf [dreg:s6], $0x2FFFF;
	_ =	strace $0x9FFFFFFF  }
0xc1: {  	(tm) =	ssettm $0x7FFFFFFF  }
tec
execute0_lowered:
.L_overlay_start_1:
0x0: {  	(tag) =	ssettag $0x1  }
0x1: {  	s1 =	srdreg.scid  }
0x2: {  	s0 =	stileid.u32;
	s5 =	rddreg [dreg:$0x0];
	s2 =	simm.s32 $0x0  }
0x3: {  	s11 =	simm.s32 $0x2800;
	s12 =	simm.s32 $0x80;
	s13 =	simm.s32 $0x5000  }
0x4: {  	s14 =	simm.s32 $0x9000;
	s15 =	simm.s32 $0x1;
	s16 =	simm.s32 $0x2  }
0x5: {  	s17 =	simm.s32 $0x0;
	s6 =	sand.u32 $0x1, s1;
	s1 =	rddreg [dreg:$0x1]  }
0x6: {  	s3 =	sshll.u32 s0, $0x1;
	[smem:$0x7FF] =	sst s2;
	s8 =	smul.u32 $0x4F000, s0  }
0x7: {  	s3 =	sor.u32 s6, s3;
	s9 =	ssub.s32 $0x2, s6;
	s6 =	smul.u32 $0x27800, s6  }
0x8: {  	s4 =	sadd.s32 $0x4E000, s5;
	_ =	strace $0x8000004A;
	s7 =	smul.u32 $0x500, s3  }
0x9: {  	s3 =	sadd.s32 $0x26000, s5;
	s8 =	sadd.s32 s8, s5;
	s31 =	sshrl.u32 s9, $0x1  }
0xa: {  	s9 =	ssub.s32 s9, s31;
	s10 =	sadd.s32 s6, s8;
	s7 =	sadd.s32 s7, s5  }
0xb: {  	s8 =	sadd.s32 $0xD0000, s10;
	s5 =	sadd.s32 $0x76000, s7;
	s6 =	sadd.s32 $0x1C000, s7  }
0xc: {  	s7 =	smax.u32 s9, $0x1;
	s9 =	sadd.s32 $0xEE8000, s10;
	s10 =	simm.s32 $0x3  }
.LBB2_1:
0xd: {  	[tilespmem:s2], [sflag:$0x3] =	stream.linear.gather [hbm4b:s5+s2], $0x2780, $0x38;
	[tilespmem:$0xD000] =	vst v63  }
0xe: {  	_ =	swait.ge [sflag:s10], $0x2780  }
0xf: {  	[sflag:s10] =	ssyncset.done $0x0  }
0x10: {  	[sflag:s10] =	ssyncadd.s32 $0xFFFFD880  }
0x11: {  	[tilespmem:s11], [sflag:$0x3] =	stream.linear.gather [hbm4b:s6+s2], $0x2780, $0x38;
	[tilespmem:$0xD000] =	vst v63  }
0x12: {  	_ =	swait.ge [sflag:s10], $0x2780  }
0x13: {  	[sflag:s10] =	ssyncset.done $0x0  }
0x14: {  	s18 =	simm.s32 $0x0;
	[sflag:s10] =	ssyncadd.s32 $0xFFFFD880  }
0x15: {  	[tilespmem:s13], [sflag:$0x1] =	stream.indirect.gather [hbm4b:s3+s12], $0x80, s18, s12, $0xb8;
	[tilespmem:$0xD000] =	vst v63  }
0x16: {  	s31 =	simm.s32 $0x2800  }
0x17: {  	[tilespmem:s14], [sflag:$0x2] =	stream.indirect.gather [hbm4b:s4+s12], $0x80, s31, s12, $0xb8;
	[tilespmem:$0xD000] =	vst v63  }
0x18: {  	_ =	swait.ge [sflag:s15], $0x4000  }
0x19: {  	[sflag:s15] =	ssyncset.done $0x0  }
0x1a: {  	[sflag:s15] =	ssyncadd.s32 $0xFFFFC000  }
0x1b: {  	_ =	swait.ge [sflag:s16], $0x4000  }
0x1c: {  	[sflag:s16] =	ssyncset.done $0x0  }
0x1d: {  	[sflag:s16] =	ssyncadd.s32 $0xFFFFC000  }
0x1e: {  	[hbm4b:s8+s2] =	stream.linear.scatter [tilespmem:s13], [sflag:$0x1], $0x4000, $0x38;
	[tilespmem:$0xD000] =	vst v63  }
0x1f: {  	_ = 	snop  }
0x20: {  	[hbm4b:s9+s2] =	stream.linear.scatter [tilespmem:s14], [sflag:$0x2], $0x4000, $0x38;
	[tilespmem:$0xD000] =	vst v63  }
0x21: {  	_ =	swait.ge [sflag:s15], $0x4000  }
0x22: {  	[sflag:s15] =	ssyncset.done $0x0  }
0x23: {  	[sflag:s15] =	ssyncadd.s32 $0xFFFFC000  }
0x24: {  	s20 =	simm.s32 $0x200;
	s21 =	simm.s32 $0x400;
	_ =	swait.ge [sflag:s16], $0x4000  }
0x25: {  	s19 =	sadd.s32 $0x800, s9;
	s18 =	sadd.s32 $0x800, s8;
	[sflag:s16] =	ssyncset.done $0x0  }
.LBB2_2:
0x26: {  	s22 =	sshra.s32 s20, $0x2  }
0x27: {  	[sflag:s16] =	ssyncadd.s32 $0xFFFFC000;
	s20 =	smov.u32 s21;
	s23 =	sadd.s32 $0x200, s21  }
0x28: {  	[tilespmem:s13], [sflag:$0x1] =	stream.indirect.gather [hbm4b:s3+s12], $0x80, s22, s12, $0xb8;
	[tilespmem:$0xD000] =	vst v63  }
0x29: {  	p0 =	sne.s32 s21, $0x9C00;
	s21 =	sadd.s32 $0x2800, s22  }
0x2a: {  	[tilespmem:s14], [sflag:$0x2] =	stream.indirect.gather [hbm4b:s4+s12], $0x80, s21, s12, $0xb8;
	[tilespmem:$0xD000] =	vst v63  }
0x2b: {  	_ =	swait.ge [sflag:s15], $0x4000  }
0x2c: {  	[sflag:s15] =	ssyncset.done $0x0  }
0x2d: {  	[sflag:s15] =	ssyncadd.s32 $0xFFFFC000  }
0x2e: {  	_ =	swait.ge [sflag:s16], $0x4000  }
0x2f: {  	[sflag:s16] =	ssyncset.done $0x0  }
0x30: {  	[sflag:s16] =	ssyncadd.s32 $0xFFFFC000  }
0x31: {  	[hbm4b:s18+s2] =	stream.linear.scatter [tilespmem:s13], [sflag:$0x1], $0x4000, $0x38;
	[tilespmem:$0xD000] =	vst v63  }
0x32: {  	_ = 	snop  }
0x33: {  	[hbm4b:s19+s2] =	stream.linear.scatter [tilespmem:s14], [sflag:$0x2], $0x4000, $0x38;
	[tilespmem:$0xD000] =	vst v63  }
.Ltmp0:
0x34: {  	_ =	swait.ge [sflag:s15], $0x4000;
	(pc) =	sbr.rel @p0 .LBB2_2-.Ltmp0, $4  }
0x35: {  	[sflag:s15] =	ssyncset.done $0x0  }
0x36: {  	[sflag:s15] =	ssyncadd.s32 $0xFFFFC000  }
0x37: {  	s21 =	smov.u32 s23;
	_ =	swait.ge [sflag:s16], $0x4000  }
0x38: {  	s18 =	sadd.s32 $0x800, s18;
	s19 =	sadd.s32 $0x800, s19;
	[sflag:s16] =	ssyncset.done $0x0  }
0x39: {  	s20 =	sshra.s32 s20, $0x2;
	[sflag:s16] =	ssyncadd.s32 $0xFFFFC000  }
0x3a: {  	[tilespmem:s13], [sflag:$0x1] =	stream.indirect.gather [hbm4b:s3+s12], $0x80, s20, s12, $0xb8;
	[tilespmem:$0xD000] =	vst v63  }
0x3b: {  	s20 =	sadd.s32 $0x2800, s20  }
0x3c: {  	[tilespmem:s14], [sflag:$0x2] =	stream.indirect.gather [hbm4b:s4+s12], $0x80, s20, s12, $0xb8;
	[tilespmem:$0xD000] =	vst v63  }
0x3d: {  	_ =	swait.ge [sflag:s15], $0x4000  }
0x3e: {  	[sflag:s15] =	ssyncset.done $0x0  }
0x3f: {  	[sflag:s15] =	ssyncadd.s32 $0xFFFFC000  }
0x40: {  	_ =	swait.ge [sflag:s16], $0x4000  }
0x41: {  	[sflag:s16] =	ssyncset.done $0x0  }
0x42: {  	[sflag:s16] =	ssyncadd.s32 $0xFFFFC000  }
0x43: {  	[hbm4b:s18+s2] =	stream.linear.scatter [tilespmem:s13], [sflag:$0x1], $0x4000, $0x38;
	[tilespmem:$0xD000] =	vst v63  }
0x44: {  	s17 =	sadd.s32 $0x1, s17  }
0x45: {  	[hbm4b:s19+s2] =	stream.linear.scatter [tilespmem:s14], [sflag:$0x2], $0x4000, $0x38;
	[tilespmem:$0xD000] =	vst v63  }
0x46: {  	p0 =	sne.s32 s17, s7;
	_ =	swait.ge [sflag:s15], $0x4000  }
.Ltmp1:
0x47: {  	[sflag:s15] =	ssyncset.done $0x0;
	(pc) =	sbr.rel @p0 .LBB2_1-.Ltmp1, $4  }
0x48: {  	[sflag:s15] =	ssyncadd.s32 $0xFFFFC000  }
0x49: {  	_ =	swait.ge [sflag:s16], $0x4000  }
0x4a: {  	[sflag:s16] =	ssyncset.done $0x0  }
0x4b: {  	[sflag:s16] =	ssyncadd.s32 $0xFFFFC000  }
0x4c: {  	_ =	sfence.sel $0x180000  }
0x4d: {  	[bflag:$0x0] =	sbarrier.arrive $0xFFFF  }
0x4e: {  	p0 =	sne.s32 s0, $0x0;
	_ =	strace $0x9000004A  }
0x4f: {  	s0 =	sadd.s32 @!p0 $0x100000, s1;
	[bflag:$0x2] =	sbarrier.arrive $0xFFFF  }
0x50: {  	[sflag:s0] =	ssyncadd.tile.s32 @!p0 $0x1;
	_ =	shalt  }
.Lfunc_end2:
_tile_overlayer_lowered:
.L_overlay_start_2:
0x51: {  	(tag) =	ssettag $0x2  }
0x52: {  	s0 =	rddreg [dreg:$0x0];
	s2 =	stileid.u32  }
0x53: {  	s1 =	rddreg [dreg:$0x1];
	p0 =	sne.s32 s2, $0x0  }
0x54: {  	s3 =	rddreg [dreg:$0x2];
	[bflag:$0x3] =	sbarrier.arrive $0xFFFF;
	s2 =	simm.s32 @!p0 $0x1C03  }
0x55: {  	[timem:s3], [sflag:s2] =	dma.local @!p0 [hbm:s0], s1  }
0x56: {  	s0 =	simm.s32 @!p0 $0x3  }
0x57: {  	_ =	swait.ge @!p0 [sflag:s0], s1  }
0x58: {  	s1 =	ssub.s32 @!p0 $0x0, s1;
	[sflag:s0] =	ssyncset.done @!p0 $0x0  }
0x59: {  	[sflag:s0] =	ssyncadd.s32 @!p0 s1  }
0x5a: {  	[bflag:$0x3] =	sbarrier.arrive $0xFFFF  }
0x5b: {  	_ =	shalt  }

// kernel: kernel.26.cloned.1.call-start
scs
__scs_entry_jumppad:
0x0: {  	(pc) =	sbr.rel $0x88, $3  }
0x1: {  	(tag) =	ssettag $0x0;
	lr =	simm.s32 $0x1  }
0x2: {  	[smem:$0x3F48] =	sst lr;
	_ =	strace $0xD0000000  }
0x3: {  	_ = 	snop  }
0x4: {  	_ = 	snop  }
0x5: {  	_ = 	snop  }
0x6: {  	_ = 	snop  }
0x7: {  	_ = 	snop  }
__scs_overlays_trampoline_lowered:
0x8: {  	[smem:$0x3F57] =	sst s0  }
0x9: {  	[smem:$0x3F58] =	sst s1  }
0xa: {  	[smem:$0x3F59] =	sst s2  }
0xb: {  	[smem:$0x3F5A] =	sst s3  }
0xc: {  	[smem:$0x3F5B] =	sst s4  }
0xd: {  	[smem:$0x3F5C] =	sst s5  }
0xe: {  	[smem:$0x3F5D] =	sst s6  }
0xf: {  	[smem:$0x3F5E] =	sst s7  }
0x10: {  	[smem:$0x3F5F] =	sst s8  }
0x11: {  	[smem:$0x3F60] =	sst s9;
	s0 =	simm.s32 @!p0 $0x0  }
0x12: {  	s1 =	sld [smem:$0x3F46];
	s0 =	simm.s32 @p0 $0x1  }
0x13: {  	[smem:$0x3F61] =	sst s0;
	s0 =	simm.s32 @!p1 $0x0  }
0x14: {  	s2 =	sld [smem:$0x3F45];
	s0 =	simm.s32 @p1 $0x1  }
0x15: {  	[smem:$0x3F62] =	sst s0;
	s0 =	simm.s32 @!p2 $0x0  }
0x16: {  	s3 =	sld [smem:$0x3FDB];
	s0 =	simm.s32 @p2 $0x1  }
0x17: {  	s4 =	simm.s32 $0x1BF5;
	[smem:$0x3F64] =	sst s0  }
0x18: {  	s0 =	sld [smem:$0x3F47];
	_ =	swait.ge [sflag:s4], $0x0  }
0x19: {  	s7 =	sld [smem:$0x3F48]  }
0x1a: {  	s8 =	sadd.s32 $0xFFFFE003, lr  }
0x1b: {  	s9 =	sadd.s32 $0xFFFFFEF7, lr;
	s5 =	simm.s32 $0xFFFFFFFF;
	p2 =	slt.u32 s8, $0xFFFFF086  }
0x1c: {  	p1 =	slt.u32 s9, $0xF7A;
	s5 =	simm.s32 @!p2 $0x0  }
0x1d: {  	s5 =	simm.s32 @p1 $0x1;
	p0 =	seq.s32 s7, s2  }
0x1e: {  	s7 =	smul.u32 @!p0 $0xF7A, s2;
	p2 =	seq.s32 @!p0 s5, $0x0  }
0x1f: {  	s9 =	smul.u32 $0xF7A, s1;
	s8 =	simm.s32 @!p0 $0x1BF5;
	p2 =	por !p2, p0  }
0x20: {  	[sflag:s8] =	ssyncset.s32 @!p0 $0xFFFFF086;
	s6 =	sadd.s32 @!p0 s3, s7;
	s7 =	simm.s32 @!p0 $0x108  }
0x21: {  	s3 =	sadd.s32 s3, s9;
	s6 =	sadd.s32 @!p0 $0x88, s6;
	s7 =	simm.s32 @p2 $0x1082  }
0x22: {  	[simem:s7], [sflag:s8] =	dma.local @!p0 [hbm:s6], $0xF7A  }
0x23: {  	s9 =	sor.u32 $0xD0000000, s2;
	s6 =	simm.s32 $0x108;
	_ =	swait.ge @!p0 [sflag:s8], $0x0  }
0x24: {  	s3 =	sadd.s32 $0x88, s3;
	s6 =	simm.s32 @!p1 $0x1082;
	[sflag:s4] =	ssyncset.s32 $0xFFFFF086  }
0x25: {  	[simem:s6], [sflag:s4] =	dma.local [hbm:s3], $0xF7A  }
0x26: {  	[smem:$0x3F48] =	sst s1;
	(tag) =	ssettag s2;
	_ =	strace s9  }
0x27: {  	s1 =	sld [smem:$0x3F58]  }
0x28: {  	s2 =	sld [smem:$0x3F59]  }
0x29: {  	s4 =	sld [smem:$0x3F5B]  }
0x2a: {  	p0 =	seq.s32 s5, $0x0;
	s5 =	sld [smem:$0x3F5C]  }
0x2b: {  	s6 =	sld [smem:$0x3F5D]  }
0x2c: {  	s7 =	sld [smem:$0x3F5E]  }
0x2d: {  	s3 =	simm.s32 $0x108;
	s8 =	sld [smem:$0x3F5F]  }
0x2e: {  	s3 =	simm.s32 @!p0 $0x1082;
	s9 =	sld [smem:$0x3F60]  }
0x2f: {  	lr =	sadd.s32 s0, s3;
	s0 =	sld [smem:$0x3F57]  }
0x30: {  	s3 =	sld [smem:$0x3F5A]  }
0x31: {  	[smem:$0x3F63] =	sst s10  }
0x32: {  	s10 =	sld [smem:$0x3F61];
	_ =	sdelay $0x3  }
0x33: {  	p0 =	seq.s32 s10, $0x1;
	s10 =	sld [smem:$0x3F63];
	_ =	sdelay $0x3  }
0x34: {  	[smem:$0x3F63] =	sst s10  }
0x35: {  	s10 =	sld [smem:$0x3F62];
	_ =	sdelay $0x3  }
0x36: {  	p1 =	seq.s32 s10, $0x1;
	s10 =	sld [smem:$0x3F63];
	_ =	sdelay $0x3  }
0x37: {  	[smem:$0x3F63] =	sst s10  }
0x38: {  	s10 =	sld [smem:$0x3F64]  }
0x39: {  	_ = 	snop;
	(pc) =	sbr.ind lr, $3  }
0x3a: {  	_ = 	snop  }
0x3b: {  	_ = 	snop  }
0x3c: {  	p2 =	seq.s32 s10, $0x1;
	s10 =	sld [smem:$0x3F63]  }
0x3d: {  	_ =	shalt  }
0x3e: {  	_ =	shalt  }
0x3f: {  	_ =	shalt  }
0x40: {  	_ =	shalt  }
0x41: {  	_ =	shalt  }
0x42: {  	_ =	shalt  }
0x43: {  	_ =	shalt  }
0x44: {  	_ =	shalt  }
0x45: {  	_ =	shalt  }
0x46: {  	_ =	shalt  }
0x47: {  	_ =	shalt  }
0x48: {  	_ =	shalt  }
0x49: {  	_ =	shalt  }
0x4a: {  	_ =	shalt  }
0x4b: {  	_ =	shalt  }
0x4c: {  	_ =	shalt  }
0x4d: {  	_ =	shalt  }
0x4e: {  	_ =	shalt  }
0x4f: {  	_ =	shalt  }
0x50: {  	_ =	shalt  }
0x51: {  	_ =	shalt  }
0x52: {  	_ =	shalt  }
0x53: {  	_ =	shalt  }
0x54: {  	_ =	shalt  }
0x55: {  	_ =	shalt  }
0x56: {  	_ =	shalt  }
0x57: {  	_ =	shalt  }
0x58: {  	_ =	shalt  }
0x59: {  	_ =	shalt  }
0x5a: {  	_ =	shalt  }
0x5b: {  	_ =	shalt  }
0x5c: {  	_ =	shalt  }
0x5d: {  	_ =	shalt  }
0x5e: {  	_ =	shalt  }
0x5f: {  	_ =	shalt  }
0x60: {  	_ =	shalt  }
0x61: {  	_ =	shalt  }
0x62: {  	_ =	shalt  }
0x63: {  	_ =	shalt  }
0x64: {  	_ =	shalt  }
0x65: {  	_ =	shalt  }
0x66: {  	_ =	shalt  }
0x67: {  	_ =	shalt  }
0x68: {  	_ =	shalt  }
0x69: {  	_ =	shalt  }
0x6a: {  	_ =	shalt  }
0x6b: {  	_ =	shalt  }
0x6c: {  	_ =	shalt  }
0x6d: {  	_ =	shalt  }
0x6e: {  	_ =	shalt  }
0x6f: {  	_ =	shalt  }
0x70: {  	_ =	shalt  }
0x71: {  	_ =	shalt  }
0x72: {  	_ =	shalt  }
0x73: {  	_ =	shalt  }
0x74: {  	_ =	shalt  }
0x75: {  	_ =	shalt  }
0x76: {  	_ =	shalt  }
0x77: {  	_ =	shalt  }
0x78: {  	_ =	shalt  }
0x79: {  	_ =	shalt  }
0x7a: {  	_ =	shalt  }
0x7b: {  	_ =	shalt  }
0x7c: {  	_ =	shalt  }
0x7d: {  	_ =	shalt  }
0x7e: {  	_ =	shalt  }
0x7f: {  	_ =	shalt  }
0x80: {  	_ =	shalt  }
0x81: {  	_ =	shalt  }
0x82: {  	_ =	shalt  }
0x83: {  	_ =	shalt  }
0x84: {  	_ =	shalt  }
0x85: {  	_ =	shalt  }
0x86: {  	_ =	shalt  }
0x87: {  	_ =	shalt  }
.Lfunc_end0:
.L_simem_size_0:
called_computation.2_lowered:
.L_overlay_start_0:
0x88: {  	s2 =	sld [smem:$0x3FD9]  }
0x89: {  	s3 =	sld [smem:$0x3FFE];
	_ =	sdelay $0x1  }
0x8a: {  	s1 =	srdreg.scid  }
0x8b: {  	s0 =	sand.u32 $0x1, s1  }
0x8c: {  	s17 =	sshll.u32 s0, $0xA;
	s2 =	sadd.s32 s3, s2  }
0x8d: {  	s2 =	sadd.s32 s2, s17  }
0x8e: {  	[smem:$0x3F6F] =	sst s2  }
0x8f: {  	_ = 	snop  }
0x90: {  	s2 =	sld [smem:$0x3FD0];
	(tm) =	ssettm $0x1  }
0x91: {  	s18 =	sld [smem:$0x3FFB];
	_ =	sdelay $0x3  }
0x92: {  	_ =	strace s18  }
0x93: {  	s3 =	sld [smem:$0x3FFC];
	_ =	sdelay $0x3  }
0x94: {  	_ =	strace s3  }
0x95: {  	s3 =	sld [smem:$0x3FFD];
	_ =	sdelay $0x3  }
0x96: {  	_ =	strace s3  }
0x97: {  	_ =	strace $0x8FFFFFFF  }
0x98: {  	s19 =	sld [smem:$0x3FDB];
	_ =	sdelay $0x1  }
0x99: {  	s4 =	simm.s32 $_scs_section_size  }
0x9a: {  	s5 =	simm.s32 $_size__tile_overlayer_lowered;
	s6 =	simm.s32 $_tile_overlayer_lowered  }
0x9b: {  	s22 =	simm.s32 $0x1BFF;
	s21 =	sshll.u32 s6, $0x1;
	s3 =	sadd.s32 s4, s19  }
0x9c: {  	s7 =	simm.s32 $0x0;
	s20 =	sshll.u32 s5, $0x1;
	s5 =	sadd.s32 s21, s3  }
0x9d: {  	[timem:s7], [sflag:s22] =	dma.local [hbm:s5], s20  }
0x9e: {  	_ =	swait.ge [sflag:s22], s20  }
0x9f: {  	s4 =	ssub.s32 $0x0, s20;
	[sflag:s22] =	ssyncset.done $0x0  }
0xa0: {  	[sflag:s22] =	ssyncadd.s32 s4;
	_ =	sdelay $0x1  }
0xa1: {  	s23 =	simm.s32 $0x1B8B  }
0xa2: {  	_ =	swait.ge [sflag:s23], $0x1  }
0xa3: {  	[sflag:s23] =	ssyncset.done $0x0  }
0xa4: {  	s25 =	simm.s32 $0x1B8E;
	s24 =	sld [smem:$0x3FFE];
	[sflag:s23] =	ssyncadd.s32 $0xFFFFFFFF  }
0xa5: {  	s26 =	simm.s32 $execute0_lowered;
	[smem:$0x3FD2] =	sst s25  }
0xa6: {  	s5 =	sshll.u32 s26, $0x1;
	_ =	strace $0x8000004C;
	[dreg:$0x1] =	wrdreg $0xFFFFFFFF  }
0xa7: {  	s28 =	simm.s32 $_size_execute0_lowered;
	s3 =	sadd.s32 s3, s5;
	[dreg:$0x0] =	wrdreg $0x0  }
0xa8: {  	s5 =	sshll.u32 s28, $0x1;
	[dreg:$0x2] =	wrdreg s3  }
0xa9: {  	[dreg:$0x3] =	wrdreg s5  }
0xaa: {  	[dreg:$0x4] =	wrdreg $0xC0  }
0xab: {  	_ =	task [dreg:s7], $0x5FFFF  }
0xac: {  	[dreg:$0x1] =	wrdreg $0xFFFFFFFF  }
0xad: {  	[dreg:$0x0] =	wrdreg $0x60  }
0xae: {  	[dreg:$0x2] =	wrdreg s24  }
0xaf: {  	[dreg:$0x3] =	wrdreg s2  }
0xb0: {  	[dreg:$0x4] =	wrdreg $0x40800  }
0xb1: {  	[dreg:$0x5] =	wrdreg $0x9  }
0xb2: {  	_ =	task.clear_ibuf [dreg:s7], $0x6FFFF;
	_ =	strace $0x9000004C  }
0xb3: {  	s29 =	simm.s32 $0x9;
	_ =	strace $0x8000004E  }
0xb4: {  	_ =	swait.ge [sflag:s29], $0x1  }
0xb5: {  	[sflag:s29] =	ssyncadd.s32 $0xFFFFFFFF  }
0xb6: {  	_ =	strace $0x9000004E  }
0xb7: {  	_ =	sfence  }
0xb8: {  	s30 =	sld [smem:$0x0];
	_ =	sdelay $0x2  }
0xb9: {  	s31 =	sshll.u32 s1, $0xD;
	s1 =	sshrl.u32 s1, $0x2  }
0xba: {  	s3 =	sand.u32 $0x4000, s31;
	s1 =	sadd.s32 s1, s30  }
0xbb: {  	s0 =	sor.u32 s3, s0;
	s1 =	sshll.u32 s1, $0x11  }
0xbc: {  	s0 =	sor.u32 s1, s0  }
0xbd: {  	s0 =	sadd.s32 $0x8F2B, s0  }
0xbe: {  	[sflag:s0] =	ssyncadd.remote.s32 $0x1  }
0xbf: {  	_ =	sfence.sel $0xFFFF  }
0xc0: {  	[dreg:$0x0] =	wrdreg $0xFFFFFFFF;
	(pc) =	sbr.abs _section_cstart, $3  }
0xc1: {  	[dreg:$0x1] =	wrdreg $0xFFFFFFFF  }
0xc2: {  	_ =	task.clear_ibuf [dreg:s7], $0x2FFFF;
	_ =	strace $0x9FFFFFFF  }
0xc3: {  	(tm) =	ssettm $0x7FFFFFFF  }
tec
execute0_lowered:
.L_overlay_start_1:
0x0: {  	(tag) =	ssettag $0x1  }
0x1: {  	s0 =	srdreg.scid;
	s5 =	rddreg [dreg:$0x0]  }
0x2: {  	s9 =	stileid.u32;
	s1 =	rddreg [dreg:$0x1]  }
0x3: {  	s2 =	rddreg [dreg:$0x2];
	s3 =	simm.s32 $0x0;
	s12 =	simm.s32 $0x2  }
0x4: {  	s13 =	simm.s32 $0x3;
	s6 =	sand.u32 $0x1, s0;
	s0 =	rddreg [dreg:$0x3]  }
0x5: {  	s14 =	simm.s32 $0x0;
	s4 =	smul.u32 $0x278000, s9;
	[smem:$0x7FF] =	sst s3  }
0x6: {  	s11 =	sshll.u32 s9, $0x1;
	p0 =	sne.s32 s9, $0x0;
	s7 =	smul.u32 $0x13C000, s6  }
0x7: {  	_ =	strace $0x8000004D;
	s30 =	smul.u32 $0x28000, s6;
	s10 =	ssub.s32 $0x2, s6  }
0x8: {  	s6 =	sor.u32 s6, s11;
	s9 =	sshrl.u32 @!p0 s2, $0x3;
	s4 =	sadd.s32 s7, s4  }
0x9: {  	s11 =	simm.s32 $0x1;
	s31 =	sshrl.u32 s10, $0x1;
	s4 =	sshrl.u32 s4, $0x3  }
0xa: {  	s7 =	sadd.s32 s30, s5;
	s10 =	ssub.s32 s10, s31;
	s8 =	sadd.s32 s4, s5  }
0xb: {  	s4 =	sadd.s32 $0x1C000, s5;
	s5 =	smul.u32 $0x2800, s6;
	s6 =	sadd.s32 $0x26000, s7  }
0xc: {  	s7 =	smax.u32 s10, $0x1;
	s10 =	simm.s32 $0x80;
	s8 =	sadd.s32 $0x13D8000, s8  }
.LBB2_1:
0xd: {  	s15 =	simm.s32 @!p0 $0x1C03  }
0xe: {  	[spmem:s9], [sflag:s15] =	dma.local @!p0 [hbm:s1], $0x28000  }
0xf: {  	s15 =	simm.s32 @!p0 $0x3  }
0x10: {  	s16 =	sand.u32 $0x3C00, s3;
	_ =	swait.ge @!p0 [sflag:s15], $0x28000  }
0x11: {  	s17 =	sand.u32 $0x380, s3;
	s16 =	sadd.s32 s5, s16;
	[sflag:s15] =	ssyncset.done @!p0 $0x0  }
0x12: {  	s30 =	sor.u32 s17, s16;
	[sflag:s15] =	ssyncadd.s32 @!p0 $0xFFFD8000  }
0x13: {  	s15 =	sshrl.u32 s30, $0x3;
	[bflag:$0x0] =	sbarrier.arrive $0xFFFF  }
0x14: {  	[tilespmem:s10], [sflag:$0x1] =	stream.linear.gather [hbm4b:s8+s3], $0x4000, $0x38;
	[tilespmem:$0x18080] =	vst v63  }
0x15: {  	s15 =	sadd.s32 s4, s15  }
0x16: {  	[tilespmem:s3], [sflag:$0x2] =	stream.linear.gather [hbm4b:s15+s3], $0x80, $0x38;
	[tilespmem:$0x18080] =	vst v63  }
0x17: {  	_ =	swait.ge [sflag:s11], $0x4000  }
0x18: {  	s18 =	simm.s32 $0x80;
	[sflag:s11] =	ssyncset.done $0x0  }
0x19: {  	s31 =	sand.u32 $0x3C00, s18;
	[sflag:s11] =	ssyncadd.s32 $0xFFFFC000  }
0x1a: {  	s18 =	sand.u32 $0x380, s18;
	s16 =	simm.s32 $0x100;
	_ =	swait.ge [sflag:s12], $0x80  }
0x1b: {  	s17 =	sadd.s32 s5, s31;
	s15 =	sadd.s32 $0x800, s8;
	[sflag:s12] =	ssyncset.done $0x0  }
.LBB2_2:
0x1c: {  	s17 =	sor.u32 s18, s17  }
0x1d: {  	[sflag:s12] =	ssyncadd.s32 $0xFFFFFF80;
	s18 =	smov.u32 s16;
	s19 =	sadd.s32 $0x80, s16  }
0x1e: {  	[spmem:s2] =	stream.indirect.scatter.add.f32 [tilespmem:s10], [sflag:$0x3], $0x80, s3, s10, $0xb8;
	[tilespmem:$0x18080] =	vst v63  }
0x1f: {  	p1 =	sne.s32 s16, $0x2700;
	s16 =	sshrl.u32 s17, $0x3;
	_ =	swait.ge [sflag:s13], $0x4000  }
0x20: {  	[sflag:s13] =	ssyncset.done $0x0  }
0x21: {  	[sflag:s13] =	ssyncadd.s32 $0xFFFFC000  }
0x22: {  	[tilespmem:s10], [sflag:$0x1] =	stream.linear.gather [hbm4b:s15+s3], $0x4000, $0x38;
	[tilespmem:$0x18080] =	vst v63  }
0x23: {  	s16 =	sadd.s32 s4, s16  }
0x24: {  	[tilespmem:s3], [sflag:$0x2] =	stream.linear.gather [hbm4b:s16+s3], $0x80, $0x38;
	[tilespmem:$0x18080] =	vst v63  }
.Ltmp0:
0x25: {  	_ =	swait.ge [sflag:s11], $0x4000;
	(pc) =	sbr.rel @p1 .LBB2_2-.Ltmp0, $4  }
0x26: {  	[sflag:s11] =	ssyncset.done $0x0  }
0x27: {  	s15 =	sadd.s32 $0x800, s15;
	[sflag:s11] =	ssyncadd.s32 $0xFFFFC000  }
0x28: {  	s16 =	sand.u32 $0x3C00, s18;
	s18 =	sand.u32 $0x380, s18;
	_ =	swait.ge [sflag:s12], $0x80  }
0x29: {  	s17 =	sadd.s32 s5, s16;
	s16 =	smov.u32 s19;
	[sflag:s12] =	ssyncset.done $0x0  }
0x2a: {  	[sflag:s12] =	ssyncadd.s32 $0xFFFFFF80  }
0x2b: {  	[spmem:s2] =	stream.indirect.scatter.add.f32 [tilespmem:s10], [sflag:$0x3], $0x80, s3, s10, $0xb8;
	[tilespmem:$0x18080] =	vst v63  }
0x2c: {  	_ =	swait.ge [sflag:s13], $0x4000  }
0x2d: {  	s16 =	sor.u32 s18, s17;
	[sflag:s13] =	ssyncset.done $0x0  }
0x2e: {  	s16 =	sshrl.u32 s16, $0x3;
	[sflag:s13] =	ssyncadd.s32 $0xFFFFC000  }
0x2f: {  	[tilespmem:s10], [sflag:$0x1] =	stream.linear.gather [hbm4b:s15+s3], $0x4000, $0x38;
	[tilespmem:$0x18080] =	vst v63  }
0x30: {  	s31 =	sadd.s32 s4, s16  }
0x31: {  	[tilespmem:s3], [sflag:$0x2] =	stream.linear.gather [hbm4b:s31+s3], $0x80, $0x38;
	[tilespmem:$0x18080] =	vst v63  }
0x32: {  	_ =	swait.ge [sflag:s11], $0x4000  }
0x33: {  	[sflag:s11] =	ssyncset.done $0x0  }
0x34: {  	[sflag:s11] =	ssyncadd.s32 $0xFFFFC000  }
0x35: {  	_ =	swait.ge [sflag:s12], $0x80  }
0x36: {  	[sflag:s12] =	ssyncset.done $0x0  }
0x37: {  	[sflag:s12] =	ssyncadd.s32 $0xFFFFFF80  }
0x38: {  	[spmem:s2] =	stream.indirect.scatter.add.f32 [tilespmem:s10], [sflag:$0x3], $0x80, s3, s10, $0xb8;
	[tilespmem:$0x18080] =	vst v63  }
0x39: {  	_ =	swait.ge [sflag:s13], $0x4000  }
0x3a: {  	[sflag:s13] =	ssyncset.done $0x0  }
0x3b: {  	s14 =	sadd.s32 $0x1, s14;
	[sflag:s13] =	ssyncadd.s32 $0xFFFFC000  }
0x3c: {  	p1 =	sne.s32 s14, s7;
	s15 =	simm.s32 @!p0 $0x1C03;
	[bflag:$0x0] =	sbarrier.arrive $0xFFFF  }
0x3d: {  	[hbm:s6], [sflag:s15] =	dma.local @!p0 [spmem:s9], $0x28000  }
.Ltmp1:
0x3e: {  	_ = 	snop;
	(pc) =	sbr.rel @p1 .LBB2_1-.Ltmp1, $4  }
0x3f: {  	s15 =	simm.s32 @!p0 $0x3  }
0x40: {  	_ =	swait.ge @!p0 [sflag:s15], $0x28000  }
0x41: {  	[sflag:s15] =	ssyncset.done @!p0 $0x0  }
0x42: {  	[sflag:s15] =	ssyncadd.s32 @!p0 $0xFFFD8000  }
0x43: {  	_ =	sfence.sel $0x180000  }
0x44: {  	[bflag:$0x0] =	sbarrier.arrive $0xFFFF  }
0x45: {  	_ =	strace $0x9000004D  }
0x46: {  	s0 =	sadd.s32 @!p0 $0x100000, s0;
	[bflag:$0x2] =	sbarrier.arrive $0xFFFF  }
0x47: {  	[sflag:s0] =	ssyncadd.tile.s32 @!p0 $0x1;
	_ =	shalt  }
.Lfunc_end2:
_tile_overlayer_lowered:
.L_overlay_start_2:
0x48: {  	(tag) =	ssettag $0x2  }
0x49: {  	s0 =	rddreg [dreg:$0x0];
	s2 =	stileid.u32  }
0x4a: {  	s1 =	rddreg [dreg:$0x1];
	p0 =	sne.s32 s2, $0x0  }
0x4b: {  	s3 =	rddreg [dreg:$0x2];
	[bflag:$0x3] =	sbarrier.arrive $0xFFFF;
	s2 =	simm.s32 @!p0 $0x1C03  }
0x4c: {  	[timem:s3], [sflag:s2] =	dma.local @!p0 [hbm:s0], s1  }
0x4d: {  	s0 =	simm.s32 @!p0 $0x3  }
0x4e: {  	_ =	swait.ge @!p0 [sflag:s0], s1  }
0x4f: {  	s1 =	ssub.s32 @!p0 $0x0, s1;
	[sflag:s0] =	ssyncset.done @!p0 $0x0  }
0x50: {  	[sflag:s0] =	ssyncadd.s32 @!p0 s1  }
0x51: {  	[bflag:$0x3] =	sbarrier.arrive $0xFFFF  }
0x52: {  	_ =	shalt  }

// kernel: kernel.29.cloned.1.call-start
scs
__scs_entry_jumppad:
0x0: {  	(pc) =	sbr.rel $0x88, $3  }
0x1: {  	(tag) =	ssettag $0x0;
	lr =	simm.s32 $0x1  }
0x2: {  	[smem:$0x3F48] =	sst lr;
	_ =	strace $0xD0000000  }
0x3: {  	_ = 	snop  }
0x4: {  	_ = 	snop  }
0x5: {  	_ = 	snop  }
0x6: {  	_ = 	snop  }
0x7: {  	_ = 	snop  }
__scs_overlays_trampoline_lowered:
0x8: {  	[smem:$0x3F57] =	sst s0  }
0x9: {  	[smem:$0x3F58] =	sst s1  }
0xa: {  	[smem:$0x3F59] =	sst s2  }
0xb: {  	[smem:$0x3F5A] =	sst s3  }
0xc: {  	[smem:$0x3F5B] =	sst s4  }
0xd: {  	[smem:$0x3F5C] =	sst s5  }
0xe: {  	[smem:$0x3F5D] =	sst s6  }
0xf: {  	[smem:$0x3F5E] =	sst s7  }
0x10: {  	[smem:$0x3F5F] =	sst s8  }
0x11: {  	[smem:$0x3F60] =	sst s9;
	s0 =	simm.s32 @!p0 $0x0  }
0x12: {  	s1 =	sld [smem:$0x3F46];
	s0 =	simm.s32 @p0 $0x1  }
0x13: {  	[smem:$0x3F61] =	sst s0;
	s0 =	simm.s32 @!p1 $0x0  }
0x14: {  	s2 =	sld [smem:$0x3F45];
	s0 =	simm.s32 @p1 $0x1  }
0x15: {  	[smem:$0x3F62] =	sst s0;
	s0 =	simm.s32 @!p2 $0x0  }
0x16: {  	s3 =	sld [smem:$0x3FDB];
	s0 =	simm.s32 @p2 $0x1  }
0x17: {  	s4 =	simm.s32 $0x1BF5;
	[smem:$0x3F64] =	sst s0  }
0x18: {  	s0 =	sld [smem:$0x3F47];
	_ =	swait.ge [sflag:s4], $0x0  }
0x19: {  	s7 =	sld [smem:$0x3F48]  }
0x1a: {  	s8 =	sadd.s32 $0xFFFFE003, lr  }
0x1b: {  	s9 =	sadd.s32 $0xFFFFFEF7, lr;
	s5 =	simm.s32 $0xFFFFFFFF;
	p2 =	slt.u32 s8, $0xFFFFF086  }
0x1c: {  	p1 =	slt.u32 s9, $0xF7A;
	s5 =	simm.s32 @!p2 $0x0  }
0x1d: {  	s5 =	simm.s32 @p1 $0x1;
	p0 =	seq.s32 s7, s2  }
0x1e: {  	s7 =	smul.u32 @!p0 $0xF7A, s2;
	p2 =	seq.s32 @!p0 s5, $0x0  }
0x1f: {  	s9 =	smul.u32 $0xF7A, s1;
	s8 =	simm.s32 @!p0 $0x1BF5;
	p2 =	por !p2, p0  }
0x20: {  	[sflag:s8] =	ssyncset.s32 @!p0 $0xFFFFF086;
	s6 =	sadd.s32 @!p0 s3, s7;
	s7 =	simm.s32 @!p0 $0x108  }
0x21: {  	s3 =	sadd.s32 s3, s9;
	s6 =	sadd.s32 @!p0 $0x88, s6;
	s7 =	simm.s32 @p2 $0x1082  }
0x22: {  	[simem:s7], [sflag:s8] =	dma.local @!p0 [hbm:s6], $0xF7A  }
0x23: {  	s9 =	sor.u32 $0xD0000000, s2;
	s6 =	simm.s32 $0x108;
	_ =	swait.ge @!p0 [sflag:s8], $0x0  }
0x24: {  	s3 =	sadd.s32 $0x88, s3;
	s6 =	simm.s32 @!p1 $0x1082;
	[sflag:s4] =	ssyncset.s32 $0xFFFFF086  }
0x25: {  	[simem:s6], [sflag:s4] =	dma.local [hbm:s3], $0xF7A  }
0x26: {  	[smem:$0x3F48] =	sst s1;
	(tag) =	ssettag s2;
	_ =	strace s9  }
0x27: {  	s1 =	sld [smem:$0x3F58]  }
0x28: {  	s2 =	sld [smem:$0x3F59]  }
0x29: {  	s4 =	sld [smem:$0x3F5B]  }
0x2a: {  	p0 =	seq.s32 s5, $0x0;
	s5 =	sld [smem:$0x3F5C]  }
0x2b: {  	s6 =	sld [smem:$0x3F5D]  }
0x2c: {  	s7 =	sld [smem:$0x3F5E]  }
0x2d: {  	s3 =	simm.s32 $0x108;
	s8 =	sld [smem:$0x3F5F]  }
0x2e: {  	s3 =	simm.s32 @!p0 $0x1082;
	s9 =	sld [smem:$0x3F60]  }
0x2f: {  	lr =	sadd.s32 s0, s3;
	s0 =	sld [smem:$0x3F57]  }
0x30: {  	s3 =	sld [smem:$0x3F5A]  }
0x31: {  	[smem:$0x3F63] =	sst s10  }
0x32: {  	s10 =	sld [smem:$0x3F61];
	_ =	sdelay $0x3  }
0x33: {  	p0 =	seq.s32 s10, $0x1;
	s10 =	sld [smem:$0x3F63];
	_ =	sdelay $0x3  }
0x34: {  	[smem:$0x3F63] =	sst s10  }
0x35: {  	s10 =	sld [smem:$0x3F62];
	_ =	sdelay $0x3  }
0x36: {  	p1 =	seq.s32 s10, $0x1;
	s10 =	sld [smem:$0x3F63];
	_ =	sdelay $0x3  }
0x37: {  	[smem:$0x3F63] =	sst s10  }
0x38: {  	s10 =	sld [smem:$0x3F64]  }
0x39: {  	_ = 	snop;
	(pc) =	sbr.ind lr, $3  }
0x3a: {  	_ = 	snop  }
0x3b: {  	_ = 	snop  }
0x3c: {  	p2 =	seq.s32 s10, $0x1;
	s10 =	sld [smem:$0x3F63]  }
0x3d: {  	_ =	shalt  }
0x3e: {  	_ =	shalt  }
0x3f: {  	_ =	shalt  }
0x40: {  	_ =	shalt  }
0x41: {  	_ =	shalt  }
0x42: {  	_ =	shalt  }
0x43: {  	_ =	shalt  }
0x44: {  	_ =	shalt  }
0x45: {  	_ =	shalt  }
0x46: {  	_ =	shalt  }
0x47: {  	_ =	shalt  }
0x48: {  	_ =	shalt  }
0x49: {  	_ =	shalt  }
0x4a: {  	_ =	shalt  }
0x4b: {  	_ =	shalt  }
0x4c: {  	_ =	shalt  }
0x4d: {  	_ =	shalt  }
0x4e: {  	_ =	shalt  }
0x4f: {  	_ =	shalt  }
0x50: {  	_ =	shalt  }
0x51: {  	_ =	shalt  }
0x52: {  	_ =	shalt  }
0x53: {  	_ =	shalt  }
0x54: {  	_ =	shalt  }
0x55: {  	_ =	shalt  }
0x56: {  	_ =	shalt  }
0x57: {  	_ =	shalt  }
0x58: {  	_ =	shalt  }
0x59: {  	_ =	shalt  }
0x5a: {  	_ =	shalt  }
0x5b: {  	_ =	shalt  }
0x5c: {  	_ =	shalt  }
0x5d: {  	_ =	shalt  }
0x5e: {  	_ =	shalt  }
0x5f: {  	_ =	shalt  }
0x60: {  	_ =	shalt  }
0x61: {  	_ =	shalt  }
0x62: {  	_ =	shalt  }
0x63: {  	_ =	shalt  }
0x64: {  	_ =	shalt  }
0x65: {  	_ =	shalt  }
0x66: {  	_ =	shalt  }
0x67: {  	_ =	shalt  }
0x68: {  	_ =	shalt  }
0x69: {  	_ =	shalt  }
0x6a: {  	_ =	shalt  }
0x6b: {  	_ =	shalt  }
0x6c: {  	_ =	shalt  }
0x6d: {  	_ =	shalt  }
0x6e: {  	_ =	shalt  }
0x6f: {  	_ =	shalt  }
0x70: {  	_ =	shalt  }
0x71: {  	_ =	shalt  }
0x72: {  	_ =	shalt  }
0x73: {  	_ =	shalt  }
0x74: {  	_ =	shalt  }
0x75: {  	_ =	shalt  }
0x76: {  	_ =	shalt  }
0x77: {  	_ =	shalt  }
0x78: {  	_ =	shalt  }
0x79: {  	_ =	shalt  }
0x7a: {  	_ =	shalt  }
0x7b: {  	_ =	shalt  }
0x7c: {  	_ =	shalt  }
0x7d: {  	_ =	shalt  }
0x7e: {  	_ =	shalt  }
0x7f: {  	_ =	shalt  }
0x80: {  	_ =	shalt  }
0x81: {  	_ =	shalt  }
0x82: {  	_ =	shalt  }
0x83: {  	_ =	shalt  }
0x84: {  	_ =	shalt  }
0x85: {  	_ =	shalt  }
0x86: {  	_ =	shalt  }
0x87: {  	_ =	shalt  }
.Lfunc_end0:
.L_simem_size_0:
called_computation.3_lowered:
.L_overlay_start_0:
0x88: {  	s2 =	sld [smem:$0x3FD9]  }
0x89: {  	s3 =	sld [smem:$0x3FFE];
	_ =	sdelay $0x1  }
0x8a: {  	s1 =	srdreg.scid  }
0x8b: {  	s0 =	sand.u32 $0x1, s1  }
0x8c: {  	s16 =	sshll.u32 s0, $0xA;
	s2 =	sadd.s32 s3, s2  }
0x8d: {  	s2 =	sadd.s32 s2, s16  }
0x8e: {  	[smem:$0x3F6F] =	sst s2  }
0x8f: {  	_ = 	snop  }
0x90: {  	(tm) =	ssettm $0x1  }
0x91: {  	s17 =	sld [smem:$0x3FFB];
	_ =	sdelay $0x3  }
0x92: {  	_ =	strace s17  }
0x93: {  	s2 =	sld [smem:$0x3FFC];
	_ =	sdelay $0x3  }
0x94: {  	_ =	strace s2  }
0x95: {  	s2 =	sld [smem:$0x3FFD];
	_ =	sdelay $0x3  }
0x96: {  	_ =	strace s2  }
0x97: {  	_ =	strace $0x8FFFFFFF  }
0x98: {  	s18 =	sld [smem:$0x3FDB];
	_ =	sdelay $0x1  }
0x99: {  	s19 =	simm.s32 $_scs_section_size  }
0x9a: {  	s4 =	simm.s32 $_size__tile_overlayer_lowered;
	s5 =	simm.s32 $_tile_overlayer_lowered  }
0x9b: {  	s22 =	simm.s32 $0x1BFF;
	s21 =	sshll.u32 s5, $0x1;
	s2 =	sadd.s32 s19, s18  }
0x9c: {  	s6 =	simm.s32 $0x0;
	s20 =	sshll.u32 s4, $0x1;
	s4 =	sadd.s32 s21, s2  }
0x9d: {  	[timem:s6], [sflag:s22] =	dma.local [hbm:s4], s20  }
0x9e: {  	_ =	swait.ge [sflag:s22], s20  }
0x9f: {  	s3 =	ssub.s32 $0x0, s20;
	[sflag:s22] =	ssyncset.done $0x0  }
0xa0: {  	[sflag:s22] =	ssyncadd.s32 s3;
	_ =	sdelay $0x1  }
0xa1: {  	s23 =	simm.s32 $0x1B8B  }
0xa2: {  	_ =	swait.ge [sflag:s23], $0x1  }
0xa3: {  	[sflag:s23] =	ssyncset.done $0x0  }
0xa4: {  	s25 =	simm.s32 $0x1B8E;
	s24 =	sld [smem:$0x3FFE];
	[sflag:s23] =	ssyncadd.s32 $0xFFFFFFFF  }
0xa5: {  	s26 =	simm.s32 $execute0_lowered;
	[smem:$0x3FD2] =	sst s25  }
0xa6: {  	s4 =	sshll.u32 s26, $0x1;
	_ =	strace $0x8000004F;
	[dreg:$0x1] =	wrdreg $0xFFFFFFFF  }
0xa7: {  	s28 =	simm.s32 $_size_execute0_lowered;
	s2 =	sadd.s32 s2, s4;
	[dreg:$0x0] =	wrdreg $0x0  }
0xa8: {  	s4 =	sshll.u32 s28, $0x1;
	[dreg:$0x2] =	wrdreg s2  }
0xa9: {  	[dreg:$0x3] =	wrdreg s4  }
0xaa: {  	[dreg:$0x4] =	wrdreg $0xC0  }
0xab: {  	_ =	task [dreg:s6], $0x5FFFF  }
0xac: {  	[dreg:$0x1] =	wrdreg $0xFFFFFFFF  }
0xad: {  	[dreg:$0x0] =	wrdreg $0x60  }
0xae: {  	[dreg:$0x2] =	wrdreg s24  }
0xaf: {  	[dreg:$0x3] =	wrdreg $0x9  }
0xb0: {  	_ =	task.clear_ibuf [dreg:s6], $0x4FFFF;
	_ =	strace $0x9000004F  }
0xb1: {  	s29 =	simm.s32 $0x9;
	_ =	strace $0x80000051  }
0xb2: {  	_ =	swait.ge [sflag:s29], $0x1  }
0xb3: {  	[sflag:s29] =	ssyncadd.s32 $0xFFFFFFFF  }
0xb4: {  	_ =	strace $0x90000051  }
0xb5: {  	_ =	sfence  }
0xb6: {  	s30 =	sld [smem:$0x0];
	_ =	sdelay $0x2  }
0xb7: {  	s31 =	sshll.u32 s1, $0xD;
	s1 =	sshrl.u32 s1, $0x2  }
0xb8: {  	s3 =	sand.u32 $0x4000, s31;
	s1 =	sadd.s32 s1, s30  }
0xb9: {  	s0 =	sor.u32 s3, s0;
	s1 =	sshll.u32 s1, $0x11  }
0xba: {  	s0 =	sor.u32 s1, s0  }
0xbb: {  	s0 =	sadd.s32 $0x8F2B, s0  }
0xbc: {  	[sflag:s0] =	ssyncadd.remote.s32 $0x1  }
0xbd: {  	_ =	sfence.sel $0xFFFF  }
0xbe: {  	[dreg:$0x0] =	wrdreg $0xFFFFFFFF;
	(pc) =	sbr.abs _section_cstart, $3  }
0xbf: {  	[dreg:$0x1] =	wrdreg $0xFFFFFFFF  }
0xc0: {  	_ =	task.clear_ibuf [dreg:s6], $0x2FFFF;
	_ =	strace $0x9FFFFFFF  }
0xc1: {  	(tm) =	ssettm $0x7FFFFFFF  }
tec
execute0_lowered:
.L_overlay_start_1:
0x0: {  	(tag) =	ssettag $0x1  }
0x1: {  	s1 =	srdreg.scid  }
0x2: {  	s0 =	stileid.u32;
	s5 =	rddreg [dreg:$0x0];
	s2 =	simm.s32 $0x0  }
0x3: {  	s11 =	simm.s32 $0x2800;
	s12 =	simm.s32 $0x80;
	s13 =	simm.s32 $0x5000  }
0x4: {  	s14 =	simm.s32 $0x9000;
	s15 =	simm.s32 $0x1;
	s16 =	simm.s32 $0x2  }
0x5: {  	s17 =	simm.s32 $0x0;
	s6 =	sand.u32 $0x1, s1;
	s1 =	rddreg [dreg:$0x1]  }
0x6: {  	s3 =	sshll.u32 s0, $0x1;
	[smem:$0x7FF] =	sst s2;
	s8 =	smul.u32 $0x4F000, s0  }
0x7: {  	s3 =	sor.u32 s6, s3;
	s9 =	ssub.s32 $0x2, s6;
	s6 =	smul.u32 $0x27800, s6  }
0x8: {  	s4 =	sadd.s32 $0x4E000, s5;
	_ =	strace $0x80000050;
	s7 =	smul.u32 $0x500, s3  }
0x9: {  	s3 =	sadd.s32 $0x26000, s5;
	s8 =	sadd.s32 s8, s5;
	s31 =	sshrl.u32 s9, $0x1  }
0xa: {  	s9 =	ssub.s32 s9, s31;
	s10 =	sadd.s32 s6, s8;
	s7 =	sadd.s32 s7, s5  }
0xb: {  	s8 =	sadd.s32 $0xA8000, s10;
	s5 =	sadd.s32 $0x76000, s7;
	s6 =	sadd.s32 $0x1C000, s7  }
0xc: {  	s7 =	smax.u32 s9, $0x1;
	s9 =	sadd.s32 $0x18C8000, s10;
	s10 =	simm.s32 $0x3  }
.LBB2_1:
0xd: {  	[tilespmem:s2], [sflag:$0x3] =	stream.linear.gather [hbm4b:s5+s2], $0x2780, $0x38;
	[tilespmem:$0xD000] =	vst v63  }
0xe: {  	_ =	swait.ge [sflag:s10], $0x2780  }
0xf: {  	[sflag:s10] =	ssyncset.done $0x0  }
0x10: {  	[sflag:s10] =	ssyncadd.s32 $0xFFFFD880  }
0x11: {  	[tilespmem:s11], [sflag:$0x3] =	stream.linear.gather [hbm4b:s6+s2], $0x2780, $0x38;
	[tilespmem:$0xD000] =	vst v63  }
0x12: {  	_ =	swait.ge [sflag:s10], $0x2780  }
0x13: {  	[sflag:s10] =	ssyncset.done $0x0  }
0x14: {  	s18 =	simm.s32 $0x0;
	[sflag:s10] =	ssyncadd.s32 $0xFFFFD880  }
0x15: {  	[tilespmem:s13], [sflag:$0x1] =	stream.indirect.gather [hbm4b:s3+s12], $0x80, s18, s12, $0xb8;
	[tilespmem:$0xD000] =	vst v63  }
0x16: {  	s31 =	simm.s32 $0x2800  }
0x17: {  	[tilespmem:s14], [sflag:$0x2] =	stream.indirect.gather [hbm4b:s4+s12], $0x80, s31, s12, $0xb8;
	[tilespmem:$0xD000] =	vst v63  }
0x18: {  	_ =	swait.ge [sflag:s15], $0x4000  }
0x19: {  	[sflag:s15] =	ssyncset.done $0x0  }
0x1a: {  	[sflag:s15] =	ssyncadd.s32 $0xFFFFC000  }
0x1b: {  	_ =	swait.ge [sflag:s16], $0x4000  }
0x1c: {  	[sflag:s16] =	ssyncset.done $0x0  }
0x1d: {  	[sflag:s16] =	ssyncadd.s32 $0xFFFFC000  }
0x1e: {  	[hbm4b:s8+s2] =	stream.linear.scatter [tilespmem:s13], [sflag:$0x1], $0x4000, $0x38;
	[tilespmem:$0xD000] =	vst v63  }
0x1f: {  	_ = 	snop  }
0x20: {  	[hbm4b:s9+s2] =	stream.linear.scatter [tilespmem:s14], [sflag:$0x2], $0x4000, $0x38;
	[tilespmem:$0xD000] =	vst v63  }
0x21: {  	_ =	swait.ge [sflag:s15], $0x4000  }
0x22: {  	[sflag:s15] =	ssyncset.done $0x0  }
0x23: {  	[sflag:s15] =	ssyncadd.s32 $0xFFFFC000  }
0x24: {  	s20 =	simm.s32 $0x200;
	s21 =	simm.s32 $0x400;
	_ =	swait.ge [sflag:s16], $0x4000  }
0x25: {  	s19 =	sadd.s32 $0x800, s9;
	s18 =	sadd.s32 $0x800, s8;
	[sflag:s16] =	ssyncset.done $0x0  }
.LBB2_2:
0x26: {  	s22 =	sshra.s32 s20, $0x2  }
0x27: {  	[sflag:s16] =	ssyncadd.s32 $0xFFFFC000;
	s20 =	smov.u32 s21;
	s23 =	sadd.s32 $0x200, s21  }
0x28: {  	[tilespmem:s13], [sflag:$0x1] =	stream.indirect.gather [hbm4b:s3+s12], $0x80, s22, s12, $0xb8;
	[tilespmem:$0xD000] =	vst v63  }
0x29: {  	p0 =	sne.s32 s21, $0x9C00;
	s21 =	sadd.s32 $0x2800, s22  }
0x2a: {  	[tilespmem:s14], [sflag:$0x2] =	stream.indirect.gather [hbm4b:s4+s12], $0x80, s21, s12, $0xb8;
	[tilespmem:$0xD000] =	vst v63  }
0x2b: {  	_ =	swait.ge [sflag:s15], $0x4000  }
0x2c: {  	[sflag:s15] =	ssyncset.done $0x0  }
0x2d: {  	[sflag:s15] =	ssyncadd.s32 $0xFFFFC000  }
0x2e: {  	_ =	swait.ge [sflag:s16], $0x4000  }
0x2f: {  	[sflag:s16] =	ssyncset.done $0x0  }
0x30: {  	[sflag:s16] =	ssyncadd.s32 $0xFFFFC000  }
0x31: {  	[hbm4b:s18+s2] =	stream.linear.scatter [tilespmem:s13], [sflag:$0x1], $0x4000, $0x38;
	[tilespmem:$0xD000] =	vst v63  }
0x32: {  	_ = 	snop  }
0x33: {  	[hbm4b:s19+s2] =	stream.linear.scatter [tilespmem:s14], [sflag:$0x2], $0x4000, $0x38;
	[tilespmem:$0xD000] =	vst v63  }
.Ltmp0:
0x34: {  	_ =	swait.ge [sflag:s15], $0x4000;
	(pc) =	sbr.rel @p0 .LBB2_2-.Ltmp0, $4  }
0x35: {  	[sflag:s15] =	ssyncset.done $0x0  }
0x36: {  	[sflag:s15] =	ssyncadd.s32 $0xFFFFC000  }
0x37: {  	s21 =	smov.u32 s23;
	_ =	swait.ge [sflag:s16], $0x4000  }
0x38: {  	s18 =	sadd.s32 $0x800, s18;
	s19 =	sadd.s32 $0x800, s19;
	[sflag:s16] =	ssyncset.done $0x0  }
0x39: {  	s20 =	sshra.s32 s20, $0x2;
	[sflag:s16] =	ssyncadd.s32 $0xFFFFC000  }
0x3a: {  	[tilespmem:s13], [sflag:$0x1] =	stream.indirect.gather [hbm4b:s3+s12], $0x80, s20, s12, $0xb8;
	[tilespmem:$0xD000] =	vst v63  }
0x3b: {  	s20 =	sadd.s32 $0x2800, s20  }
0x3c: {  	[tilespmem:s14], [sflag:$0x2] =	stream.indirect.gather [hbm4b:s4+s12], $0x80, s20, s12, $0xb8;
	[tilespmem:$0xD000] =	vst v63  }
0x3d: {  	_ =	swait.ge [sflag:s15], $0x4000  }
0x3e: {  	[sflag:s15] =	ssyncset.done $0x0  }
0x3f: {  	[sflag:s15] =	ssyncadd.s32 $0xFFFFC000  }
0x40: {  	_ =	swait.ge [sflag:s16], $0x4000  }
0x41: {  	[sflag:s16] =	ssyncset.done $0x0  }
0x42: {  	[sflag:s16] =	ssyncadd.s32 $0xFFFFC000  }
0x43: {  	[hbm4b:s18+s2] =	stream.linear.scatter [tilespmem:s13], [sflag:$0x1], $0x4000, $0x38;
	[tilespmem:$0xD000] =	vst v63  }
0x44: {  	s17 =	sadd.s32 $0x1, s17  }
0x45: {  	[hbm4b:s19+s2] =	stream.linear.scatter [tilespmem:s14], [sflag:$0x2], $0x4000, $0x38;
	[tilespmem:$0xD000] =	vst v63  }
0x46: {  	p0 =	sne.s32 s17, s7;
	_ =	swait.ge [sflag:s15], $0x4000  }
.Ltmp1:
0x47: {  	[sflag:s15] =	ssyncset.done $0x0;
	(pc) =	sbr.rel @p0 .LBB2_1-.Ltmp1, $4  }
0x48: {  	[sflag:s15] =	ssyncadd.s32 $0xFFFFC000  }
0x49: {  	_ =	swait.ge [sflag:s16], $0x4000  }
0x4a: {  	[sflag:s16] =	ssyncset.done $0x0  }
0x4b: {  	[sflag:s16] =	ssyncadd.s32 $0xFFFFC000  }
0x4c: {  	_ =	sfence.sel $0x180000  }
0x4d: {  	[bflag:$0x0] =	sbarrier.arrive $0xFFFF  }
0x4e: {  	p0 =	sne.s32 s0, $0x0;
	_ =	strace $0x90000050  }
0x4f: {  	s0 =	sadd.s32 @!p0 $0x100000, s1;
	[bflag:$0x2] =	sbarrier.arrive $0xFFFF  }
0x50: {  	[sflag:s0] =	ssyncadd.tile.s32 @!p0 $0x1;
	_ =	shalt  }
.Lfunc_end2:
_tile_overlayer_lowered:
.L_overlay_start_2:
0x51: {  	(tag) =	ssettag $0x2  }
0x52: {  	s0 =	rddreg [dreg:$0x0];
	s2 =	stileid.u32  }
0x53: {  	s1 =	rddreg [dreg:$0x1];
	p0 =	sne.s32 s2, $0x0  }
0x54: {  	s3 =	rddreg [dreg:$0x2];
	[bflag:$0x3] =	sbarrier.arrive $0xFFFF;
	s2 =	simm.s32 @!p0 $0x1C03  }
0x55: {  	[timem:s3], [sflag:s2] =	dma.local @!p0 [hbm:s0], s1  }
0x56: {  	s0 =	simm.s32 @!p0 $0x3  }
0x57: {  	_ =	swait.ge @!p0 [sflag:s0], s1  }
0x58: {  	s1 =	ssub.s32 @!p0 $0x0, s1;
	[sflag:s0] =	ssyncset.done @!p0 $0x0  }
0x59: {  	[sflag:s0] =	ssyncadd.s32 @!p0 s1  }
0x5a: {  	[bflag:$0x3] =	sbarrier.arrive $0xFFFF  }
0x5b: {  	_ =	shalt  }

// kernel: kernel.32.cloned.1.call-start
scs
__scs_entry_jumppad:
0x0: {  	(pc) =	sbr.rel $0x88, $3  }
0x1: {  	(tag) =	ssettag $0x0;
	lr =	simm.s32 $0x1  }
0x2: {  	[smem:$0x3F48] =	sst lr;
	_ =	strace $0xD0000000  }
0x3: {  	_ = 	snop  }
0x4: {  	_ = 	snop  }
0x5: {  	_ = 	snop  }
0x6: {  	_ = 	snop  }
0x7: {  	_ = 	snop  }
__scs_overlays_trampoline_lowered:
0x8: {  	[smem:$0x3F57] =	sst s0  }
0x9: {  	[smem:$0x3F58] =	sst s1  }
0xa: {  	[smem:$0x3F59] =	sst s2  }
0xb: {  	[smem:$0x3F5A] =	sst s3  }
0xc: {  	[smem:$0x3F5B] =	sst s4  }
0xd: {  	[smem:$0x3F5C] =	sst s5  }
0xe: {  	[smem:$0x3F5D] =	sst s6  }
0xf: {  	[smem:$0x3F5E] =	sst s7  }
0x10: {  	[smem:$0x3F5F] =	sst s8  }
0x11: {  	[smem:$0x3F60] =	sst s9;
	s0 =	simm.s32 @!p0 $0x0  }
0x12: {  	s1 =	sld [smem:$0x3F46];
	s0 =	simm.s32 @p0 $0x1  }
0x13: {  	[smem:$0x3F61] =	sst s0;
	s0 =	simm.s32 @!p1 $0x0  }
0x14: {  	s2 =	sld [smem:$0x3F45];
	s0 =	simm.s32 @p1 $0x1  }
0x15: {  	[smem:$0x3F62] =	sst s0;
	s0 =	simm.s32 @!p2 $0x0  }
0x16: {  	s3 =	sld [smem:$0x3FDB];
	s0 =	simm.s32 @p2 $0x1  }
0x17: {  	s4 =	simm.s32 $0x1BF5;
	[smem:$0x3F64] =	sst s0  }
0x18: {  	s0 =	sld [smem:$0x3F47];
	_ =	swait.ge [sflag:s4], $0x0  }
0x19: {  	s7 =	sld [smem:$0x3F48]  }
0x1a: {  	s8 =	sadd.s32 $0xFFFFE003, lr  }
0x1b: {  	s9 =	sadd.s32 $0xFFFFFEF7, lr;
	s5 =	simm.s32 $0xFFFFFFFF;
	p2 =	slt.u32 s8, $0xFFFFF086  }
0x1c: {  	p1 =	slt.u32 s9, $0xF7A;
	s5 =	simm.s32 @!p2 $0x0  }
0x1d: {  	s5 =	simm.s32 @p1 $0x1;
	p0 =	seq.s32 s7, s2  }
0x1e: {  	s7 =	smul.u32 @!p0 $0xF7A, s2;
	p2 =	seq.s32 @!p0 s5, $0x0  }
0x1f: {  	s9 =	smul.u32 $0xF7A, s1;
	s8 =	simm.s32 @!p0 $0x1BF5;
	p2 =	por !p2, p0  }
0x20: {  	[sflag:s8] =	ssyncset.s32 @!p0 $0xFFFFF086;
	s6 =	sadd.s32 @!p0 s3, s7;
	s7 =	simm.s32 @!p0 $0x108  }
0x21: {  	s3 =	sadd.s32 s3, s9;
	s6 =	sadd.s32 @!p0 $0x88, s6;
	s7 =	simm.s32 @p2 $0x1082  }
0x22: {  	[simem:s7], [sflag:s8] =	dma.local @!p0 [hbm:s6], $0xF7A  }
0x23: {  	s9 =	sor.u32 $0xD0000000, s2;
	s6 =	simm.s32 $0x108;
	_ =	swait.ge @!p0 [sflag:s8], $0x0  }
0x24: {  	s3 =	sadd.s32 $0x88, s3;
	s6 =	simm.s32 @!p1 $0x1082;
	[sflag:s4] =	ssyncset.s32 $0xFFFFF086  }
0x25: {  	[simem:s6], [sflag:s4] =	dma.local [hbm:s3], $0xF7A  }
0x26: {  	[smem:$0x3F48] =	sst s1;
	(tag) =	ssettag s2;
	_ =	strace s9  }
0x27: {  	s1 =	sld [smem:$0x3F58]  }
0x28: {  	s2 =	sld [smem:$0x3F59]  }
0x29: {  	s4 =	sld [smem:$0x3F5B]  }
0x2a: {  	p0 =	seq.s32 s5, $0x0;
	s5 =	sld [smem:$0x3F5C]  }
0x2b: {  	s6 =	sld [smem:$0x3F5D]  }
0x2c: {  	s7 =	sld [smem:$0x3F5E]  }
0x2d: {  	s3 =	simm.s32 $0x108;
	s8 =	sld [smem:$0x3F5F]  }
0x2e: {  	s3 =	simm.s32 @!p0 $0x1082;
	s9 =	sld [smem:$0x3F60]  }
0x2f: {  	lr =	sadd.s32 s0, s3;
	s0 =	sld [smem:$0x3F57]  }
0x30: {  	s3 =	sld [smem:$0x3F5A]  }
0x31: {  	[smem:$0x3F63] =	sst s10  }
0x32: {  	s10 =	sld [smem:$0x3F61];
	_ =	sdelay $0x3  }
0x33: {  	p0 =	seq.s32 s10, $0x1;
	s10 =	sld [smem:$0x3F63];
	_ =	sdelay $0x3  }
0x34: {  	[smem:$0x3F63] =	sst s10  }
0x35: {  	s10 =	sld [smem:$0x3F62];
	_ =	sdelay $0x3  }
0x36: {  	p1 =	seq.s32 s10, $0x1;
	s10 =	sld [smem:$0x3F63];
	_ =	sdelay $0x3  }
0x37: {  	[smem:$0x3F63] =	sst s10  }
0x38: {  	s10 =	sld [smem:$0x3F64]  }
0x39: {  	_ = 	snop;
	(pc) =	sbr.ind lr, $3  }
0x3a: {  	_ = 	snop  }
0x3b: {  	_ = 	snop  }
0x3c: {  	p2 =	seq.s32 s10, $0x1;
	s10 =	sld [smem:$0x3F63]  }
0x3d: {  	_ =	shalt  }
0x3e: {  	_ =	shalt  }
0x3f: {  	_ =	shalt  }
0x40: {  	_ =	shalt  }
0x41: {  	_ =	shalt  }
0x42: {  	_ =	shalt  }
0x43: {  	_ =	shalt  }
0x44: {  	_ =	shalt  }
0x45: {  	_ =	shalt  }
0x46: {  	_ =	shalt  }
0x47: {  	_ =	shalt  }
0x48: {  	_ =	shalt  }
0x49: {  	_ =	shalt  }
0x4a: {  	_ =	shalt  }
0x4b: {  	_ =	shalt  }
0x4c: {  	_ =	shalt  }
0x4d: {  	_ =	shalt  }
0x4e: {  	_ =	shalt  }
0x4f: {  	_ =	shalt  }
0x50: {  	_ =	shalt  }
0x51: {  	_ =	shalt  }
0x52: {  	_ =	shalt  }
0x53: {  	_ =	shalt  }
0x54: {  	_ =	shalt  }
0x55: {  	_ =	shalt  }
0x56: {  	_ =	shalt  }
0x57: {  	_ =	shalt  }
0x58: {  	_ =	shalt  }
0x59: {  	_ =	shalt  }
0x5a: {  	_ =	shalt  }
0x5b: {  	_ =	shalt  }
0x5c: {  	_ =	shalt  }
0x5d: {  	_ =	shalt  }
0x5e: {  	_ =	shalt  }
0x5f: {  	_ =	shalt  }
0x60: {  	_ =	shalt  }
0x61: {  	_ =	shalt  }
0x62: {  	_ =	shalt  }
0x63: {  	_ =	shalt  }
0x64: {  	_ =	shalt  }
0x65: {  	_ =	shalt  }
0x66: {  	_ =	shalt  }
0x67: {  	_ =	shalt  }
0x68: {  	_ =	shalt  }
0x69: {  	_ =	shalt  }
0x6a: {  	_ =	shalt  }
0x6b: {  	_ =	shalt  }
0x6c: {  	_ =	shalt  }
0x6d: {  	_ =	shalt  }
0x6e: {  	_ =	shalt  }
0x6f: {  	_ =	shalt  }
0x70: {  	_ =	shalt  }
0x71: {  	_ =	shalt  }
0x72: {  	_ =	shalt  }
0x73: {  	_ =	shalt  }
0x74: {  	_ =	shalt  }
0x75: {  	_ =	shalt  }
0x76: {  	_ =	shalt  }
0x77: {  	_ =	shalt  }
0x78: {  	_ =	shalt  }
0x79: {  	_ =	shalt  }
0x7a: {  	_ =	shalt  }
0x7b: {  	_ =	shalt  }
0x7c: {  	_ =	shalt  }
0x7d: {  	_ =	shalt  }
0x7e: {  	_ =	shalt  }
0x7f: {  	_ =	shalt  }
0x80: {  	_ =	shalt  }
0x81: {  	_ =	shalt  }
0x82: {  	_ =	shalt  }
0x83: {  	_ =	shalt  }
0x84: {  	_ =	shalt  }
0x85: {  	_ =	shalt  }
0x86: {  	_ =	shalt  }
0x87: {  	_ =	shalt  }
.Lfunc_end0:
.L_simem_size_0:
called_computation.4_lowered:
.L_overlay_start_0:
0x88: {  	s2 =	sld [smem:$0x3FD9]  }
0x89: {  	s3 =	sld [smem:$0x3FFE];
	_ =	sdelay $0x1  }
0x8a: {  	s1 =	srdreg.scid  }
0x8b: {  	s0 =	sand.u32 $0x1, s1  }
0x8c: {  	s17 =	sshll.u32 s0, $0xA;
	s2 =	sadd.s32 s3, s2  }
0x8d: {  	s2 =	sadd.s32 s2, s17  }
0x8e: {  	[smem:$0x3F6F] =	sst s2  }
0x8f: {  	_ = 	snop  }
0x90: {  	s2 =	sld [smem:$0x3FD0];
	(tm) =	ssettm $0x1  }
0x91: {  	s18 =	sld [smem:$0x3FFB];
	_ =	sdelay $0x3  }
0x92: {  	_ =	strace s18  }
0x93: {  	s3 =	sld [smem:$0x3FFC];
	_ =	sdelay $0x3  }
0x94: {  	_ =	strace s3  }
0x95: {  	s3 =	sld [smem:$0x3FFD];
	_ =	sdelay $0x3  }
0x96: {  	_ =	strace s3  }
0x97: {  	_ =	strace $0x8FFFFFFF  }
0x98: {  	s19 =	sld [smem:$0x3FDB];
	_ =	sdelay $0x1  }
0x99: {  	s4 =	simm.s32 $_scs_section_size  }
0x9a: {  	s5 =	simm.s32 $_size__tile_overlayer_lowered;
	s6 =	simm.s32 $_tile_overlayer_lowered  }
0x9b: {  	s22 =	simm.s32 $0x1BFF;
	s21 =	sshll.u32 s6, $0x1;
	s3 =	sadd.s32 s4, s19  }
0x9c: {  	s7 =	simm.s32 $0x0;
	s20 =	sshll.u32 s5, $0x1;
	s5 =	sadd.s32 s21, s3  }
0x9d: {  	[timem:s7], [sflag:s22] =	dma.local [hbm:s5], s20  }
0x9e: {  	_ =	swait.ge [sflag:s22], s20  }
0x9f: {  	s4 =	ssub.s32 $0x0, s20;
	[sflag:s22] =	ssyncset.done $0x0  }
0xa0: {  	[sflag:s22] =	ssyncadd.s32 s4;
	_ =	sdelay $0x1  }
0xa1: {  	s23 =	simm.s32 $0x1B8B  }
0xa2: {  	_ =	swait.ge [sflag:s23], $0x1  }
0xa3: {  	[sflag:s23] =	ssyncset.done $0x0  }
0xa4: {  	s25 =	simm.s32 $0x1B8E;
	s24 =	sld [smem:$0x3FFE];
	[sflag:s23] =	ssyncadd.s32 $0xFFFFFFFF  }
0xa5: {  	s26 =	simm.s32 $execute0_lowered;
	[smem:$0x3FD2] =	sst s25  }
0xa6: {  	s5 =	sshll.u32 s26, $0x1;
	_ =	strace $0x80000052;
	[dreg:$0x1] =	wrdreg $0xFFFFFFFF  }
0xa7: {  	s28 =	simm.s32 $_size_execute0_lowered;
	s3 =	sadd.s32 s3, s5;
	[dreg:$0x0] =	wrdreg $0x0  }
0xa8: {  	s5 =	sshll.u32 s28, $0x1;
	[dreg:$0x2] =	wrdreg s3  }
0xa9: {  	[dreg:$0x3] =	wrdreg s5  }
0xaa: {  	[dreg:$0x4] =	wrdreg $0xC0  }
0xab: {  	_ =	task [dreg:s7], $0x5FFFF  }
0xac: {  	[dreg:$0x1] =	wrdreg $0xFFFFFFFF  }
0xad: {  	[dreg:$0x0] =	wrdreg $0x60  }
0xae: {  	[dreg:$0x2] =	wrdreg s24  }
0xaf: {  	[dreg:$0x3] =	wrdreg s2  }
0xb0: {  	[dreg:$0x4] =	wrdreg $0x40800  }
0xb1: {  	[dreg:$0x5] =	wrdreg $0x9  }
0xb2: {  	_ =	task.clear_ibuf [dreg:s7], $0x6FFFF;
	_ =	strace $0x90000052  }
0xb3: {  	s29 =	simm.s32 $0x9;
	_ =	strace $0x80000054  }
0xb4: {  	_ =	swait.ge [sflag:s29], $0x1  }
0xb5: {  	[sflag:s29] =	ssyncadd.s32 $0xFFFFFFFF  }
0xb6: {  	_ =	strace $0x90000054  }
0xb7: {  	_ =	sfence  }
0xb8: {  	s30 =	sld [smem:$0x0];
	_ =	sdelay $0x2  }
0xb9: {  	s31 =	sshll.u32 s1, $0xD;
	s1 =	sshrl.u32 s1, $0x2  }
0xba: {  	s3 =	sand.u32 $0x4000, s31;
	s1 =	sadd.s32 s1, s30  }
0xbb: {  	s0 =	sor.u32 s3, s0;
	s1 =	sshll.u32 s1, $0x11  }
0xbc: {  	s0 =	sor.u32 s1, s0  }
0xbd: {  	s0 =	sadd.s32 $0x8F2B, s0  }
0xbe: {  	[sflag:s0] =	ssyncadd.remote.s32 $0x1  }
0xbf: {  	_ =	sfence.sel $0xFFFF  }
0xc0: {  	[dreg:$0x0] =	wrdreg $0xFFFFFFFF;
	(pc) =	sbr.abs _section_cstart, $3  }
0xc1: {  	[dreg:$0x1] =	wrdreg $0xFFFFFFFF  }
0xc2: {  	_ =	task.clear_ibuf [dreg:s7], $0x2FFFF;
	_ =	strace $0x9FFFFFFF  }
0xc3: {  	(tm) =	ssettm $0x7FFFFFFF  }
tec
execute0_lowered:
.L_overlay_start_1:
0x0: {  	(tag) =	ssettag $0x1  }
0x1: {  	s0 =	srdreg.scid;
	s5 =	rddreg [dreg:$0x0]  }
0x2: {  	s9 =	stileid.u32;
	s1 =	rddreg [dreg:$0x1]  }
0x3: {  	s2 =	rddreg [dreg:$0x2];
	s3 =	simm.s32 $0x0;
	s12 =	simm.s32 $0x2  }
0x4: {  	s13 =	simm.s32 $0x3;
	s6 =	sand.u32 $0x1, s0;
	s0 =	rddreg [dreg:$0x3]  }
0x5: {  	s14 =	simm.s32 $0x0;
	s4 =	smul.u32 $0x278000, s9;
	[smem:$0x7FF] =	sst s3  }
0x6: {  	s11 =	sshll.u32 s9, $0x1;
	p0 =	sne.s32 s9, $0x0;
	s7 =	smul.u32 $0x13C000, s6  }
0x7: {  	_ =	strace $0x80000053;
	s30 =	smul.u32 $0x28000, s6;
	s10 =	ssub.s32 $0x2, s6  }
0x8: {  	s6 =	sor.u32 s6, s11;
	s9 =	sshrl.u32 @!p0 s2, $0x3;
	s4 =	sadd.s32 s7, s4  }
0x9: {  	s11 =	simm.s32 $0x1;
	s31 =	sshrl.u32 s10, $0x1;
	s4 =	sshrl.u32 s4, $0x3  }
0xa: {  	s7 =	sadd.s32 s30, s5;
	s10 =	ssub.s32 s10, s31;
	s8 =	sadd.s32 s4, s5  }
0xb: {  	s4 =	sadd.s32 $0x1C000, s5;
	s5 =	smul.u32 $0x2800, s6;
	s6 =	sadd.s32 $0x26000, s7  }
0xc: {  	s7 =	smax.u32 s10, $0x1;
	s10 =	simm.s32 $0x80;
	s8 =	sadd.s32 $0x1DB8000, s8  }
.LBB2_1:
0xd: {  	s15 =	simm.s32 @!p0 $0x1C03  }
0xe: {  	[spmem:s9], [sflag:s15] =	dma.local @!p0 [hbm:s1], $0x28000  }
0xf: {  	s15 =	simm.s32 @!p0 $0x3  }
0x10: {  	s16 =	sand.u32 $0x3C00, s3;
	_ =	swait.ge @!p0 [sflag:s15], $0x28000  }
0x11: {  	s17 =	sand.u32 $0x380, s3;
	s16 =	sadd.s32 s5, s16;
	[sflag:s15] =	ssyncset.done @!p0 $0x0  }
0x12: {  	s30 =	sor.u32 s17, s16;
	[sflag:s15] =	ssyncadd.s32 @!p0 $0xFFFD8000  }
0x13: {  	s15 =	sshrl.u32 s30, $0x3;
	[bflag:$0x0] =	sbarrier.arrive $0xFFFF  }
0x14: {  	[tilespmem:s10], [sflag:$0x1] =	stream.linear.gather [hbm4b:s8+s3], $0x4000, $0x38;
	[tilespmem:$0x18080] =	vst v63  }
0x15: {  	s15 =	sadd.s32 s4, s15  }
0x16: {  	[tilespmem:s3], [sflag:$0x2] =	stream.linear.gather [hbm4b:s15+s3], $0x80, $0x38;
	[tilespmem:$0x18080] =	vst v63  }
0x17: {  	_ =	swait.ge [sflag:s11], $0x4000  }
0x18: {  	s18 =	simm.s32 $0x80;
	[sflag:s11] =	ssyncset.done $0x0  }
0x19: {  	s31 =	sand.u32 $0x3C00, s18;
	[sflag:s11] =	ssyncadd.s32 $0xFFFFC000  }
0x1a: {  	s18 =	sand.u32 $0x380, s18;
	s16 =	simm.s32 $0x100;
	_ =	swait.ge [sflag:s12], $0x80  }
0x1b: {  	s17 =	sadd.s32 s5, s31;
	s15 =	sadd.s32 $0x800, s8;
	[sflag:s12] =	ssyncset.done $0x0  }
.LBB2_2:
0x1c: {  	s17 =	sor.u32 s18, s17  }
0x1d: {  	[sflag:s12] =	ssyncadd.s32 $0xFFFFFF80;
	s18 =	smov.u32 s16;
	s19 =	sadd.s32 $0x80, s16  }
0x1e: {  	[spmem:s2] =	stream.indirect.scatter.add.f32 [tilespmem:s10], [sflag:$0x3], $0x80, s3, s10, $0xb8;
	[tilespmem:$0x18080] =	vst v63  }
0x1f: {  	p1 =	sne.s32 s16, $0x2700;
	s16 =	sshrl.u32 s17, $0x3;
	_ =	swait.ge [sflag:s13], $0x4000  }
0x20: {  	[sflag:s13] =	ssyncset.done $0x0  }
0x21: {  	[sflag:s13] =	ssyncadd.s32 $0xFFFFC000  }
0x22: {  	[tilespmem:s10], [sflag:$0x1] =	stream.linear.gather [hbm4b:s15+s3], $0x4000, $0x38;
	[tilespmem:$0x18080] =	vst v63  }
0x23: {  	s16 =	sadd.s32 s4, s16  }
0x24: {  	[tilespmem:s3], [sflag:$0x2] =	stream.linear.gather [hbm4b:s16+s3], $0x80, $0x38;
	[tilespmem:$0x18080] =	vst v63  }
.Ltmp0:
0x25: {  	_ =	swait.ge [sflag:s11], $0x4000;
	(pc) =	sbr.rel @p1 .LBB2_2-.Ltmp0, $4  }
0x26: {  	[sflag:s11] =	ssyncset.done $0x0  }
0x27: {  	s15 =	sadd.s32 $0x800, s15;
	[sflag:s11] =	ssyncadd.s32 $0xFFFFC000  }
0x28: {  	s16 =	sand.u32 $0x3C00, s18;
	s18 =	sand.u32 $0x380, s18;
	_ =	swait.ge [sflag:s12], $0x80  }
0x29: {  	s17 =	sadd.s32 s5, s16;
	s16 =	smov.u32 s19;
	[sflag:s12] =	ssyncset.done $0x0  }
0x2a: {  	[sflag:s12] =	ssyncadd.s32 $0xFFFFFF80  }
0x2b: {  	[spmem:s2] =	stream.indirect.scatter.add.f32 [tilespmem:s10], [sflag:$0x3], $0x80, s3, s10, $0xb8;
	[tilespmem:$0x18080] =	vst v63  }
0x2c: {  	_ =	swait.ge [sflag:s13], $0x4000  }
0x2d: {  	s16 =	sor.u32 s18, s17;
	[sflag:s13] =	ssyncset.done $0x0  }
0x2e: {  	s16 =	sshrl.u32 s16, $0x3;
	[sflag:s13] =	ssyncadd.s32 $0xFFFFC000  }
0x2f: {  	[tilespmem:s10], [sflag:$0x1] =	stream.linear.gather [hbm4b:s15+s3], $0x4000, $0x38;
	[tilespmem:$0x18080] =	vst v63  }
0x30: {  	s31 =	sadd.s32 s4, s16  }
0x31: {  	[tilespmem:s3], [sflag:$0x2] =	stream.linear.gather [hbm4b:s31+s3], $0x80, $0x38;
	[tilespmem:$0x18080] =	vst v63  }
0x32: {  	_ =	swait.ge [sflag:s11], $0x4000  }
0x33: {  	[sflag:s11] =	ssyncset.done $0x0  }
0x34: {  	[sflag:s11] =	ssyncadd.s32 $0xFFFFC000  }
0x35: {  	_ =	swait.ge [sflag:s12], $0x80  }
0x36: {  	[sflag:s12] =	ssyncset.done $0x0  }
0x37: {  	[sflag:s12] =	ssyncadd.s32 $0xFFFFFF80  }
0x38: {  	[spmem:s2] =	stream.indirect.scatter.add.f32 [tilespmem:s10], [sflag:$0x3], $0x80, s3, s10, $0xb8;
	[tilespmem:$0x18080] =	vst v63  }
0x39: {  	_ =	swait.ge [sflag:s13], $0x4000  }
0x3a: {  	[sflag:s13] =	ssyncset.done $0x0  }
0x3b: {  	s14 =	sadd.s32 $0x1, s14;
	[sflag:s13] =	ssyncadd.s32 $0xFFFFC000  }
0x3c: {  	p1 =	sne.s32 s14, s7;
	s15 =	simm.s32 @!p0 $0x1C03;
	[bflag:$0x0] =	sbarrier.arrive $0xFFFF  }
0x3d: {  	[hbm:s6], [sflag:s15] =	dma.local @!p0 [spmem:s9], $0x28000  }
.Ltmp1:
0x3e: {  	_ = 	snop;
	(pc) =	sbr.rel @p1 .LBB2_1-.Ltmp1, $4  }
0x3f: {  	s15 =	simm.s32 @!p0 $0x3  }
0x40: {  	_ =	swait.ge @!p0 [sflag:s15], $0x28000  }
0x41: {  	[sflag:s15] =	ssyncset.done @!p0 $0x0  }
0x42: {  	[sflag:s15] =	ssyncadd.s32 @!p0 $0xFFFD8000  }
0x43: {  	_ =	sfence.sel $0x180000  }
0x44: {  	[bflag:$0x0] =	sbarrier.arrive $0xFFFF  }
0x45: {  	_ =	strace $0x90000053  }
0x46: {  	s0 =	sadd.s32 @!p0 $0x100000, s0;
	[bflag:$0x2] =	sbarrier.arrive $0xFFFF  }
0x47: {  	[sflag:s0] =	ssyncadd.tile.s32 @!p0 $0x1;
	_ =	shalt  }
.Lfunc_end2:
_tile_overlayer_lowered:
.L_overlay_start_2:
0x48: {  	(tag) =	ssettag $0x2  }
0x49: {  	s0 =	rddreg [dreg:$0x0];
	s2 =	stileid.u32  }
0x4a: {  	s1 =	rddreg [dreg:$0x1];
	p0 =	sne.s32 s2, $0x0  }
0x4b: {  	s3 =	rddreg [dreg:$0x2];
	[bflag:$0x3] =	sbarrier.arrive $0xFFFF;
	s2 =	simm.s32 @!p0 $0x1C03  }
0x4c: {  	[timem:s3], [sflag:s2] =	dma.local @!p0 [hbm:s0], s1  }
0x4d: {  	s0 =	simm.s32 @!p0 $0x3  }
0x4e: {  	_ =	swait.ge @!p0 [sflag:s0], s1  }
0x4f: {  	s1 =	ssub.s32 @!p0 $0x0, s1;
	[sflag:s0] =	ssyncset.done @!p0 $0x0  }
0x50: {  	[sflag:s0] =	ssyncadd.s32 @!p0 s1  }
0x51: {  	[bflag:$0x3] =	sbarrier.arrive $0xFFFF  }
0x52: {  	_ =	shalt  }

// kernel: kernel.35.cloned.1.call-start
scs
__scs_entry_jumppad:
0x0: {  	(pc) =	sbr.rel $0x88, $3  }
0x1: {  	(tag) =	ssettag $0x0;
	lr =	simm.s32 $0x1  }
0x2: {  	[smem:$0x3F48] =	sst lr;
	_ =	strace $0xD0000000  }
0x3: {  	_ = 	snop  }
0x4: {  	_ = 	snop  }
0x5: {  	_ = 	snop  }
0x6: {  	_ = 	snop  }
0x7: {  	_ = 	snop  }
__scs_overlays_trampoline_lowered:
0x8: {  	[smem:$0x3F57] =	sst s0  }
0x9: {  	[smem:$0x3F58] =	sst s1  }
0xa: {  	[smem:$0x3F59] =	sst s2  }
0xb: {  	[smem:$0x3F5A] =	sst s3  }
0xc: {  	[smem:$0x3F5B] =	sst s4  }
0xd: {  	[smem:$0x3F5C] =	sst s5  }
0xe: {  	[smem:$0x3F5D] =	sst s6  }
0xf: {  	[smem:$0x3F5E] =	sst s7  }
0x10: {  	[smem:$0x3F5F] =	sst s8  }
0x11: {  	[smem:$0x3F60] =	sst s9;
	s0 =	simm.s32 @!p0 $0x0  }
0x12: {  	s1 =	sld [smem:$0x3F46];
	s0 =	simm.s32 @p0 $0x1  }
0x13: {  	[smem:$0x3F61] =	sst s0;
	s0 =	simm.s32 @!p1 $0x0  }
0x14: {  	s2 =	sld [smem:$0x3F45];
	s0 =	simm.s32 @p1 $0x1  }
0x15: {  	[smem:$0x3F62] =	sst s0;
	s0 =	simm.s32 @!p2 $0x0  }
0x16: {  	s3 =	sld [smem:$0x3FDB];
	s0 =	simm.s32 @p2 $0x1  }
0x17: {  	s4 =	simm.s32 $0x1BF5;
	[smem:$0x3F64] =	sst s0  }
0x18: {  	s0 =	sld [smem:$0x3F47];
	_ =	swait.ge [sflag:s4], $0x0  }
0x19: {  	s7 =	sld [smem:$0x3F48]  }
0x1a: {  	s8 =	sadd.s32 $0xFFFFE003, lr  }
0x1b: {  	s9 =	sadd.s32 $0xFFFFFEF7, lr;
	s5 =	simm.s32 $0xFFFFFFFF;
	p2 =	slt.u32 s8, $0xFFFFF086  }
0x1c: {  	p1 =	slt.u32 s9, $0xF7A;
	s5 =	simm.s32 @!p2 $0x0  }
0x1d: {  	s5 =	simm.s32 @p1 $0x1;
	p0 =	seq.s32 s7, s2  }
0x1e: {  	s7 =	smul.u32 @!p0 $0xF7A, s2;
	p2 =	seq.s32 @!p0 s5, $0x0  }
0x1f: {  	s9 =	smul.u32 $0xF7A, s1;
	s8 =	simm.s32 @!p0 $0x1BF5;
	p2 =	por !p2, p0  }
0x20: {  	[sflag:s8] =	ssyncset.s32 @!p0 $0xFFFFF086;
	s6 =	sadd.s32 @!p0 s3, s7;
	s7 =	simm.s32 @!p0 $0x108  }
0x21: {  	s3 =	sadd.s32 s3, s9;
	s6 =	sadd.s32 @!p0 $0x88, s6;
	s7 =	simm.s32 @p2 $0x1082  }
0x22: {  	[simem:s7], [sflag:s8] =	dma.local @!p0 [hbm:s6], $0xF7A  }
0x23: {  	s9 =	sor.u32 $0xD0000000, s2;
	s6 =	simm.s32 $0x108;
	_ =	swait.ge @!p0 [sflag:s8], $0x0  }
0x24: {  	s3 =	sadd.s32 $0x88, s3;
	s6 =	simm.s32 @!p1 $0x1082;
	[sflag:s4] =	ssyncset.s32 $0xFFFFF086  }
0x25: {  	[simem:s6], [sflag:s4] =	dma.local [hbm:s3], $0xF7A  }
0x26: {  	[smem:$0x3F48] =	sst s1;
	(tag) =	ssettag s2;
	_ =	strace s9  }
0x27: {  	s1 =	sld [smem:$0x3F58]  }
0x28: {  	s2 =	sld [smem:$0x3F59]  }
0x29: {  	s4 =	sld [smem:$0x3F5B]  }
0x2a: {  	p0 =	seq.s32 s5, $0x0;
	s5 =	sld [smem:$0x3F5C]  }
0x2b: {  	s6 =	sld [smem:$0x3F5D]  }
0x2c: {  	s7 =	sld [smem:$0x3F5E]  }
0x2d: {  	s3 =	simm.s32 $0x108;
	s8 =	sld [smem:$0x3F5F]  }
0x2e: {  	s3 =	simm.s32 @!p0 $0x1082;
	s9 =	sld [smem:$0x3F60]  }
0x2f: {  	lr =	sadd.s32 s0, s3;
	s0 =	sld [smem:$0x3F57]  }
0x30: {  	s3 =	sld [smem:$0x3F5A]  }
0x31: {  	[smem:$0x3F63] =	sst s10  }
0x32: {  	s10 =	sld [smem:$0x3F61];
	_ =	sdelay $0x3  }
0x33: {  	p0 =	seq.s32 s10, $0x1;
	s10 =	sld [smem:$0x3F63];
	_ =	sdelay $0x3  }
0x34: {  	[smem:$0x3F63] =	sst s10  }
0x35: {  	s10 =	sld [smem:$0x3F62];
	_ =	sdelay $0x3  }
0x36: {  	p1 =	seq.s32 s10, $0x1;
	s10 =	sld [smem:$0x3F63];
	_ =	sdelay $0x3  }
0x37: {  	[smem:$0x3F63] =	sst s10  }
0x38: {  	s10 =	sld [smem:$0x3F64]  }
0x39: {  	_ = 	snop;
	(pc) =	sbr.ind lr, $3  }
0x3a: {  	_ = 	snop  }
0x3b: {  	_ = 	snop  }
0x3c: {  	p2 =	seq.s32 s10, $0x1;
	s10 =	sld [smem:$0x3F63]  }
0x3d: {  	_ =	shalt  }
0x3e: {  	_ =	shalt  }
0x3f: {  	_ =	shalt  }
0x40: {  	_ =	shalt  }
0x41: {  	_ =	shalt  }
0x42: {  	_ =	shalt  }
0x43: {  	_ =	shalt  }
0x44: {  	_ =	shalt  }
0x45: {  	_ =	shalt  }
0x46: {  	_ =	shalt  }
0x47: {  	_ =	shalt  }
0x48: {  	_ =	shalt  }
0x49: {  	_ =	shalt  }
0x4a: {  	_ =	shalt  }
0x4b: {  	_ =	shalt  }
0x4c: {  	_ =	shalt  }
0x4d: {  	_ =	shalt  }
0x4e: {  	_ =	shalt  }
0x4f: {  	_ =	shalt  }
0x50: {  	_ =	shalt  }
0x51: {  	_ =	shalt  }
0x52: {  	_ =	shalt  }
0x53: {  	_ =	shalt  }
0x54: {  	_ =	shalt  }
0x55: {  	_ =	shalt  }
0x56: {  	_ =	shalt  }
0x57: {  	_ =	shalt  }
0x58: {  	_ =	shalt  }
0x59: {  	_ =	shalt  }
0x5a: {  	_ =	shalt  }
0x5b: {  	_ =	shalt  }
0x5c: {  	_ =	shalt  }
0x5d: {  	_ =	shalt  }
0x5e: {  	_ =	shalt  }
0x5f: {  	_ =	shalt  }
0x60: {  	_ =	shalt  }
0x61: {  	_ =	shalt  }
0x62: {  	_ =	shalt  }
0x63: {  	_ =	shalt  }
0x64: {  	_ =	shalt  }
0x65: {  	_ =	shalt  }
0x66: {  	_ =	shalt  }
0x67: {  	_ =	shalt  }
0x68: {  	_ =	shalt  }
0x69: {  	_ =	shalt  }
0x6a: {  	_ =	shalt  }
0x6b: {  	_ =	shalt  }
0x6c: {  	_ =	shalt  }
0x6d: {  	_ =	shalt  }
0x6e: {  	_ =	shalt  }
0x6f: {  	_ =	shalt  }
0x70: {  	_ =	shalt  }
0x71: {  	_ =	shalt  }
0x72: {  	_ =	shalt  }
0x73: {  	_ =	shalt  }
0x74: {  	_ =	shalt  }
0x75: {  	_ =	shalt  }
0x76: {  	_ =	shalt  }
0x77: {  	_ =	shalt  }
0x78: {  	_ =	shalt  }
0x79: {  	_ =	shalt  }
0x7a: {  	_ =	shalt  }
0x7b: {  	_ =	shalt  }
0x7c: {  	_ =	shalt  }
0x7d: {  	_ =	shalt  }
0x7e: {  	_ =	shalt  }
0x7f: {  	_ =	shalt  }
0x80: {  	_ =	shalt  }
0x81: {  	_ =	shalt  }
0x82: {  	_ =	shalt  }
0x83: {  	_ =	shalt  }
0x84: {  	_ =	shalt  }
0x85: {  	_ =	shalt  }
0x86: {  	_ =	shalt  }
0x87: {  	_ =	shalt  }
.Lfunc_end0:
.L_simem_size_0:
called_computation.5_lowered:
.L_overlay_start_0:
0x88: {  	s2 =	sld [smem:$0x3FD9]  }
0x89: {  	s3 =	sld [smem:$0x3FFE];
	_ =	sdelay $0x1  }
0x8a: {  	s1 =	srdreg.scid  }
0x8b: {  	s0 =	sand.u32 $0x1, s1  }
0x8c: {  	s16 =	sshll.u32 s0, $0xA;
	s2 =	sadd.s32 s3, s2  }
0x8d: {  	s2 =	sadd.s32 s2, s16  }
0x8e: {  	[smem:$0x3F6F] =	sst s2  }
0x8f: {  	_ = 	snop  }
0x90: {  	(tm) =	ssettm $0x1  }
0x91: {  	s17 =	sld [smem:$0x3FFB];
	_ =	sdelay $0x3  }
0x92: {  	_ =	strace s17  }
0x93: {  	s2 =	sld [smem:$0x3FFC];
	_ =	sdelay $0x3  }
0x94: {  	_ =	strace s2  }
0x95: {  	s2 =	sld [smem:$0x3FFD];
	_ =	sdelay $0x3  }
0x96: {  	_ =	strace s2  }
0x97: {  	_ =	strace $0x8FFFFFFF  }
0x98: {  	s18 =	sld [smem:$0x3FDB];
	_ =	sdelay $0x1  }
0x99: {  	s19 =	simm.s32 $_scs_section_size  }
0x9a: {  	s4 =	simm.s32 $_size__tile_overlayer_lowered;
	s5 =	simm.s32 $_tile_overlayer_lowered  }
0x9b: {  	s22 =	simm.s32 $0x1BFF;
	s21 =	sshll.u32 s5, $0x1;
	s2 =	sadd.s32 s19, s18  }
0x9c: {  	s6 =	simm.s32 $0x0;
	s20 =	sshll.u32 s4, $0x1;
	s4 =	sadd.s32 s21, s2  }
0x9d: {  	[timem:s6], [sflag:s22] =	dma.local [hbm:s4], s20  }
0x9e: {  	_ =	swait.ge [sflag:s22], s20  }
0x9f: {  	s3 =	ssub.s32 $0x0, s20;
	[sflag:s22] =	ssyncset.done $0x0  }
0xa0: {  	[sflag:s22] =	ssyncadd.s32 s3;
	_ =	sdelay $0x1  }
0xa1: {  	s23 =	simm.s32 $0x1B8B  }
0xa2: {  	_ =	swait.ge [sflag:s23], $0x1  }
0xa3: {  	[sflag:s23] =	ssyncset.done $0x0  }
0xa4: {  	s25 =	simm.s32 $0x1B8E;
	s24 =	sld [smem:$0x3FFE];
	[sflag:s23] =	ssyncadd.s32 $0xFFFFFFFF  }
0xa5: {  	s26 =	simm.s32 $execute0_lowered;
	[smem:$0x3FD2] =	sst s25  }
0xa6: {  	s4 =	sshll.u32 s26, $0x1;
	_ =	strace $0x80000055;
	[dreg:$0x1] =	wrdreg $0xFFFFFFFF  }
0xa7: {  	s28 =	simm.s32 $_size_execute0_lowered;
	s2 =	sadd.s32 s2, s4;
	[dreg:$0x0] =	wrdreg $0x0  }
0xa8: {  	s4 =	sshll.u32 s28, $0x1;
	[dreg:$0x2] =	wrdreg s2  }
0xa9: {  	[dreg:$0x3] =	wrdreg s4  }
0xaa: {  	[dreg:$0x4] =	wrdreg $0xC0  }
0xab: {  	_ =	task [dreg:s6], $0x5FFFF  }
0xac: {  	[dreg:$0x1] =	wrdreg $0xFFFFFFFF  }
0xad: {  	[dreg:$0x0] =	wrdreg $0x60  }
0xae: {  	[dreg:$0x2] =	wrdreg s24  }
0xaf: {  	[dreg:$0x3] =	wrdreg $0x9  }
0xb0: {  	_ =	task.clear_ibuf [dreg:s6], $0x4FFFF;
	_ =	strace $0x90000055  }
0xb1: {  	s29 =	simm.s32 $0x9;
	_ =	strace $0x80000057  }
0xb2: {  	_ =	swait.ge [sflag:s29], $0x1  }
0xb3: {  	[sflag:s29] =	ssyncadd.s32 $0xFFFFFFFF  }
0xb4: {  	_ =	strace $0x90000057  }
0xb5: {  	_ =	sfence  }
0xb6: {  	s30 =	sld [smem:$0x0];
	_ =	sdelay $0x2  }
0xb7: {  	s31 =	sshll.u32 s1, $0xD;
	s1 =	sshrl.u32 s1, $0x2  }
0xb8: {  	s3 =	sand.u32 $0x4000, s31;
	s1 =	sadd.s32 s1, s30  }
0xb9: {  	s0 =	sor.u32 s3, s0;
	s1 =	sshll.u32 s1, $0x11  }
0xba: {  	s0 =	sor.u32 s1, s0  }
0xbb: {  	s0 =	sadd.s32 $0x8F2B, s0  }
0xbc: {  	[sflag:s0] =	ssyncadd.remote.s32 $0x1  }
0xbd: {  	_ =	sfence.sel $0xFFFF  }
0xbe: {  	[dreg:$0x0] =	wrdreg $0xFFFFFFFF;
	(pc) =	sbr.abs _section_cstart, $3  }
0xbf: {  	[dreg:$0x1] =	wrdreg $0xFFFFFFFF  }
0xc0: {  	_ =	task.clear_ibuf [dreg:s6], $0x2FFFF;
	_ =	strace $0x9FFFFFFF  }
0xc1: {  	(tm) =	ssettm $0x7FFFFFFF  }
tec
execute0_lowered:
.L_overlay_start_1:
0x0: {  	(tag) =	ssettag $0x1  }
0x1: {  	s1 =	srdreg.scid  }
0x2: {  	s0 =	stileid.u32;
	s5 =	rddreg [dreg:$0x0];
	s2 =	simm.s32 $0x0  }
0x3: {  	s11 =	simm.s32 $0x2800;
	s12 =	simm.s32 $0x80;
	s13 =	simm.s32 $0x5000  }
0x4: {  	s14 =	simm.s32 $0x9000;
	s15 =	simm.s32 $0x1;
	s16 =	simm.s32 $0x2  }
0x5: {  	s17 =	simm.s32 $0x0;
	s6 =	sand.u32 $0x1, s1;
	s1 =	rddreg [dreg:$0x1]  }
0x6: {  	s3 =	sshll.u32 s0, $0x1;
	[smem:$0x7FF] =	sst s2;
	s8 =	smul.u32 $0x4F000, s0  }
0x7: {  	s3 =	sor.u32 s6, s3;
	s9 =	ssub.s32 $0x2, s6;
	s6 =	smul.u32 $0x27800, s6  }
0x8: {  	s4 =	sadd.s32 $0x4E000, s5;
	_ =	strace $0x80000056;
	s7 =	smul.u32 $0x500, s3  }
0x9: {  	s3 =	sadd.s32 $0x26000, s5;
	s8 =	sadd.s32 s8, s5;
	s31 =	sshrl.u32 s9, $0x1  }
0xa: {  	s9 =	ssub.s32 s9, s31;
	s10 =	sadd.s32 s6, s8;
	s7 =	sadd.s32 s7, s5  }
0xb: {  	s8 =	sadd.s32 $0xA8000, s10;
	s5 =	sadd.s32 $0x76000, s7;
	s6 =	sadd.s32 $0x1C000, s7  }
0xc: {  	s7 =	smax.u32 s9, $0x1;
	s9 =	sadd.s32 $0xEE8000, s10;
	s10 =	simm.s32 $0x3  }
.LBB2_1:
0xd: {  	[tilespmem:s2], [sflag:$0x3] =	stream.linear.gather [hbm4b:s5+s2], $0x2780, $0x38;
	[tilespmem:$0xD000] =	vst v63  }
0xe: {  	_ =	swait.ge [sflag:s10], $0x2780  }
0xf: {  	[sflag:s10] =	ssyncset.done $0x0  }
0x10: {  	[sflag:s10] =	ssyncadd.s32 $0xFFFFD880  }
0x11: {  	[tilespmem:s11], [sflag:$0x3] =	stream.linear.gather [hbm4b:s6+s2], $0x2780, $0x38;
	[tilespmem:$0xD000] =	vst v63  }
0x12: {  	_ =	swait.ge [sflag:s10], $0x2780  }
0x13: {  	[sflag:s10] =	ssyncset.done $0x0  }
0x14: {  	s18 =	simm.s32 $0x0;
	[sflag:s10] =	ssyncadd.s32 $0xFFFFD880  }
0x15: {  	[tilespmem:s13], [sflag:$0x1] =	stream.indirect.gather [hbm4b:s3+s12], $0x80, s18, s12, $0xb8;
	[tilespmem:$0xD000] =	vst v63  }
0x16: {  	s31 =	simm.s32 $0x2800  }
0x17: {  	[tilespmem:s14], [sflag:$0x2] =	stream.indirect.gather [hbm4b:s4+s12], $0x80, s31, s12, $0xb8;
	[tilespmem:$0xD000] =	vst v63  }
0x18: {  	_ =	swait.ge [sflag:s15], $0x4000  }
0x19: {  	[sflag:s15] =	ssyncset.done $0x0  }
0x1a: {  	[sflag:s15] =	ssyncadd.s32 $0xFFFFC000  }
0x1b: {  	_ =	swait.ge [sflag:s16], $0x4000  }
0x1c: {  	[sflag:s16] =	ssyncset.done $0x0  }
0x1d: {  	[sflag:s16] =	ssyncadd.s32 $0xFFFFC000  }
0x1e: {  	[hbm4b:s8+s2] =	stream.linear.scatter [tilespmem:s13], [sflag:$0x1], $0x4000, $0x38;
	[tilespmem:$0xD000] =	vst v63  }
0x1f: {  	_ = 	snop  }
0x20: {  	[hbm4b:s9+s2] =	stream.linear.scatter [tilespmem:s14], [sflag:$0x2], $0x4000, $0x38;
	[tilespmem:$0xD000] =	vst v63  }
0x21: {  	_ =	swait.ge [sflag:s15], $0x4000  }
0x22: {  	[sflag:s15] =	ssyncset.done $0x0  }
0x23: {  	[sflag:s15] =	ssyncadd.s32 $0xFFFFC000  }
0x24: {  	s20 =	simm.s32 $0x200;
	s21 =	simm.s32 $0x400;
	_ =	swait.ge [sflag:s16], $0x4000  }
0x25: {  	s19 =	sadd.s32 $0x800, s9;
	s18 =	sadd.s32 $0x800, s8;
	[sflag:s16] =	ssyncset.done $0x0  }
.LBB2_2:
0x26: {  	s22 =	sshra.s32 s20, $0x2  }
0x27: {  	[sflag:s16] =	ssyncadd.s32 $0xFFFFC000;
	s20 =	smov.u32 s21;
	s23 =	sadd.s32 $0x200, s21  }
0x28: {  	[tilespmem:s13], [sflag:$0x1] =	stream.indirect.gather [hbm4b:s3+s12], $0x80, s22, s12, $0xb8;
	[tilespmem:$0xD000] =	vst v63  }
0x29: {  	p0 =	sne.s32 s21, $0x9C00;
	s21 =	sadd.s32 $0x2800, s22  }
0x2a: {  	[tilespmem:s14], [sflag:$0x2] =	stream.indirect.gather [hbm4b:s4+s12], $0x80, s21, s12, $0xb8;
	[tilespmem:$0xD000] =	vst v63  }
0x2b: {  	_ =	swait.ge [sflag:s15], $0x4000  }
0x2c: {  	[sflag:s15] =	ssyncset.done $0x0  }
0x2d: {  	[sflag:s15] =	ssyncadd.s32 $0xFFFFC000  }
0x2e: {  	_ =	swait.ge [sflag:s16], $0x4000  }
0x2f: {  	[sflag:s16] =	ssyncset.done $0x0  }
0x30: {  	[sflag:s16] =	ssyncadd.s32 $0xFFFFC000  }
0x31: {  	[hbm4b:s18+s2] =	stream.linear.scatter [tilespmem:s13], [sflag:$0x1], $0x4000, $0x38;
	[tilespmem:$0xD000] =	vst v63  }
0x32: {  	_ = 	snop  }
0x33: {  	[hbm4b:s19+s2] =	stream.linear.scatter [tilespmem:s14], [sflag:$0x2], $0x4000, $0x38;
	[tilespmem:$0xD000] =	vst v63  }
.Ltmp0:
0x34: {  	_ =	swait.ge [sflag:s15], $0x4000;
	(pc) =	sbr.rel @p0 .LBB2_2-.Ltmp0, $4  }
0x35: {  	[sflag:s15] =	ssyncset.done $0x0  }
0x36: {  	[sflag:s15] =	ssyncadd.s32 $0xFFFFC000  }
0x37: {  	s21 =	smov.u32 s23;
	_ =	swait.ge [sflag:s16], $0x4000  }
0x38: {  	s18 =	sadd.s32 $0x800, s18;
	s19 =	sadd.s32 $0x800, s19;
	[sflag:s16] =	ssyncset.done $0x0  }
0x39: {  	s20 =	sshra.s32 s20, $0x2;
	[sflag:s16] =	ssyncadd.s32 $0xFFFFC000  }
0x3a: {  	[tilespmem:s13], [sflag:$0x1] =	stream.indirect.gather [hbm4b:s3+s12], $0x80, s20, s12, $0xb8;
	[tilespmem:$0xD000] =	vst v63  }
0x3b: {  	s20 =	sadd.s32 $0x2800, s20  }
0x3c: {  	[tilespmem:s14], [sflag:$0x2] =	stream.indirect.gather [hbm4b:s4+s12], $0x80, s20, s12, $0xb8;
	[tilespmem:$0xD000] =	vst v63  }
0x3d: {  	_ =	swait.ge [sflag:s15], $0x4000  }
0x3e: {  	[sflag:s15] =	ssyncset.done $0x0  }
0x3f: {  	[sflag:s15] =	ssyncadd.s32 $0xFFFFC000  }
0x40: {  	_ =	swait.ge [sflag:s16], $0x4000  }
0x41: {  	[sflag:s16] =	ssyncset.done $0x0  }
0x42: {  	[sflag:s16] =	ssyncadd.s32 $0xFFFFC000  }
0x43: {  	[hbm4b:s18+s2] =	stream.linear.scatter [tilespmem:s13], [sflag:$0x1], $0x4000, $0x38;
	[tilespmem:$0xD000] =	vst v63  }
0x44: {  	s17 =	sadd.s32 $0x1, s17  }
0x45: {  	[hbm4b:s19+s2] =	stream.linear.scatter [tilespmem:s14], [sflag:$0x2], $0x4000, $0x38;
	[tilespmem:$0xD000] =	vst v63  }
0x46: {  	p0 =	sne.s32 s17, s7;
	_ =	swait.ge [sflag:s15], $0x4000  }
.Ltmp1:
0x47: {  	[sflag:s15] =	ssyncset.done $0x0;
	(pc) =	sbr.rel @p0 .LBB2_1-.Ltmp1, $4  }
0x48: {  	[sflag:s15] =	ssyncadd.s32 $0xFFFFC000  }
0x49: {  	_ =	swait.ge [sflag:s16], $0x4000  }
0x4a: {  	[sflag:s16] =	ssyncset.done $0x0  }
0x4b: {  	[sflag:s16] =	ssyncadd.s32 $0xFFFFC000  }
0x4c: {  	_ =	sfence.sel $0x180000  }
0x4d: {  	[bflag:$0x0] =	sbarrier.arrive $0xFFFF  }
0x4e: {  	p0 =	sne.s32 s0, $0x0;
	_ =	strace $0x90000056  }
0x4f: {  	s0 =	sadd.s32 @!p0 $0x100000, s1;
	[bflag:$0x2] =	sbarrier.arrive $0xFFFF  }
0x50: {  	[sflag:s0] =	ssyncadd.tile.s32 @!p0 $0x1;
	_ =	shalt  }
.Lfunc_end2:
_tile_overlayer_lowered:
.L_overlay_start_2:
0x51: {  	(tag) =	ssettag $0x2  }
0x52: {  	s0 =	rddreg [dreg:$0x0];
	s2 =	stileid.u32  }
0x53: {  	s1 =	rddreg [dreg:$0x1];
	p0 =	sne.s32 s2, $0x0  }
0x54: {  	s3 =	rddreg [dreg:$0x2];
	[bflag:$0x3] =	sbarrier.arrive $0xFFFF;
	s2 =	simm.s32 @!p0 $0x1C03  }
0x55: {  	[timem:s3], [sflag:s2] =	dma.local @!p0 [hbm:s0], s1  }
0x56: {  	s0 =	simm.s32 @!p0 $0x3  }
0x57: {  	_ =	swait.ge @!p0 [sflag:s0], s1  }
0x58: {  	s1 =	ssub.s32 @!p0 $0x0, s1;
	[sflag:s0] =	ssyncset.done @!p0 $0x0  }
0x59: {  	[sflag:s0] =	ssyncadd.s32 @!p0 s1  }
0x5a: {  	[bflag:$0x3] =	sbarrier.arrive $0xFFFF  }
0x5b: {  	_ =	shalt  }

// kernel: kernel.38.cloned.1.call-start
scs
__scs_entry_jumppad:
0x0: {  	(pc) =	sbr.rel $0x88, $3  }
0x1: {  	(tag) =	ssettag $0x0;
	lr =	simm.s32 $0x1  }
0x2: {  	[smem:$0x3F48] =	sst lr;
	_ =	strace $0xD0000000  }
0x3: {  	_ = 	snop  }
0x4: {  	_ = 	snop  }
0x5: {  	_ = 	snop  }
0x6: {  	_ = 	snop  }
0x7: {  	_ = 	snop  }
__scs_overlays_trampoline_lowered:
0x8: {  	[smem:$0x3F57] =	sst s0  }
0x9: {  	[smem:$0x3F58] =	sst s1  }
0xa: {  	[smem:$0x3F59] =	sst s2  }
0xb: {  	[smem:$0x3F5A] =	sst s3  }
0xc: {  	[smem:$0x3F5B] =	sst s4  }
0xd: {  	[smem:$0x3F5C] =	sst s5  }
0xe: {  	[smem:$0x3F5D] =	sst s6  }
0xf: {  	[smem:$0x3F5E] =	sst s7  }
0x10: {  	[smem:$0x3F5F] =	sst s8  }
0x11: {  	[smem:$0x3F60] =	sst s9;
	s0 =	simm.s32 @!p0 $0x0  }
0x12: {  	s1 =	sld [smem:$0x3F46];
	s0 =	simm.s32 @p0 $0x1  }
0x13: {  	[smem:$0x3F61] =	sst s0;
	s0 =	simm.s32 @!p1 $0x0  }
0x14: {  	s2 =	sld [smem:$0x3F45];
	s0 =	simm.s32 @p1 $0x1  }
0x15: {  	[smem:$0x3F62] =	sst s0;
	s0 =	simm.s32 @!p2 $0x0  }
0x16: {  	s3 =	sld [smem:$0x3FDB];
	s0 =	simm.s32 @p2 $0x1  }
0x17: {  	s4 =	simm.s32 $0x1BF5;
	[smem:$0x3F64] =	sst s0  }
0x18: {  	s0 =	sld [smem:$0x3F47];
	_ =	swait.ge [sflag:s4], $0x0  }
0x19: {  	s7 =	sld [smem:$0x3F48]  }
0x1a: {  	s8 =	sadd.s32 $0xFFFFE003, lr  }
0x1b: {  	s9 =	sadd.s32 $0xFFFFFEF7, lr;
	s5 =	simm.s32 $0xFFFFFFFF;
	p2 =	slt.u32 s8, $0xFFFFF086  }
0x1c: {  	p1 =	slt.u32 s9, $0xF7A;
	s5 =	simm.s32 @!p2 $0x0  }
0x1d: {  	s5 =	simm.s32 @p1 $0x1;
	p0 =	seq.s32 s7, s2  }
0x1e: {  	s7 =	smul.u32 @!p0 $0xF7A, s2;
	p2 =	seq.s32 @!p0 s5, $0x0  }
0x1f: {  	s9 =	smul.u32 $0xF7A, s1;
	s8 =	simm.s32 @!p0 $0x1BF5;
	p2 =	por !p2, p0  }
0x20: {  	[sflag:s8] =	ssyncset.s32 @!p0 $0xFFFFF086;
	s6 =	sadd.s32 @!p0 s3, s7;
	s7 =	simm.s32 @!p0 $0x108  }
0x21: {  	s3 =	sadd.s32 s3, s9;
	s6 =	sadd.s32 @!p0 $0x88, s6;
	s7 =	simm.s32 @p2 $0x1082  }
0x22: {  	[simem:s7], [sflag:s8] =	dma.local @!p0 [hbm:s6], $0xF7A  }
0x23: {  	s9 =	sor.u32 $0xD0000000, s2;
	s6 =	simm.s32 $0x108;
	_ =	swait.ge @!p0 [sflag:s8], $0x0  }
0x24: {  	s3 =	sadd.s32 $0x88, s3;
	s6 =	simm.s32 @!p1 $0x1082;
	[sflag:s4] =	ssyncset.s32 $0xFFFFF086  }
0x25: {  	[simem:s6], [sflag:s4] =	dma.local [hbm:s3], $0xF7A  }
0x26: {  	[smem:$0x3F48] =	sst s1;
	(tag) =	ssettag s2;
	_ =	strace s9  }
0x27: {  	s1 =	sld [smem:$0x3F58]  }
0x28: {  	s2 =	sld [smem:$0x3F59]  }
0x29: {  	s4 =	sld [smem:$0x3F5B]  }
0x2a: {  	p0 =	seq.s32 s5, $0x0;
	s5 =	sld [smem:$0x3F5C]  }
0x2b: {  	s6 =	sld [smem:$0x3F5D]  }
0x2c: {  	s7 =	sld [smem:$0x3F5E]  }
0x2d: {  	s3 =	simm.s32 $0x108;
	s8 =	sld [smem:$0x3F5F]  }
0x2e: {  	s3 =	simm.s32 @!p0 $0x1082;
	s9 =	sld [smem:$0x3F60]  }
0x2f: {  	lr =	sadd.s32 s0, s3;
	s0 =	sld [smem:$0x3F57]  }
0x30: {  	s3 =	sld [smem:$0x3F5A]  }
0x31: {  	[smem:$0x3F63] =	sst s10  }
0x32: {  	s10 =	sld [smem:$0x3F61];
	_ =	sdelay $0x3  }
0x33: {  	p0 =	seq.s32 s10, $0x1;
	s10 =	sld [smem:$0x3F63];
	_ =	sdelay $0x3  }
0x34: {  	[smem:$0x3F63] =	sst s10  }
0x35: {  	s10 =	sld [smem:$0x3F62];
	_ =	sdelay $0x3  }
0x36: {  	p1 =	seq.s32 s10, $0x1;
	s10 =	sld [smem:$0x3F63];
	_ =	sdelay $0x3  }
0x37: {  	[smem:$0x3F63] =	sst s10  }
0x38: {  	s10 =	sld [smem:$0x3F64]  }
0x39: {  	_ = 	snop;
	(pc) =	sbr.ind lr, $3  }
0x3a: {  	_ = 	snop  }
0x3b: {  	_ = 	snop  }
0x3c: {  	p2 =	seq.s32 s10, $0x1;
	s10 =	sld [smem:$0x3F63]  }
0x3d: {  	_ =	shalt  }
0x3e: {  	_ =	shalt  }
0x3f: {  	_ =	shalt  }
0x40: {  	_ =	shalt  }
0x41: {  	_ =	shalt  }
0x42: {  	_ =	shalt  }
0x43: {  	_ =	shalt  }
0x44: {  	_ =	shalt  }
0x45: {  	_ =	shalt  }
0x46: {  	_ =	shalt  }
0x47: {  	_ =	shalt  }
0x48: {  	_ =	shalt  }
0x49: {  	_ =	shalt  }
0x4a: {  	_ =	shalt  }
0x4b: {  	_ =	shalt  }
0x4c: {  	_ =	shalt  }
0x4d: {  	_ =	shalt  }
0x4e: {  	_ =	shalt  }
0x4f: {  	_ =	shalt  }
0x50: {  	_ =	shalt  }
0x51: {  	_ =	shalt  }
0x52: {  	_ =	shalt  }
0x53: {  	_ =	shalt  }
0x54: {  	_ =	shalt  }
0x55: {  	_ =	shalt  }
0x56: {  	_ =	shalt  }
0x57: {  	_ =	shalt  }
0x58: {  	_ =	shalt  }
0x59: {  	_ =	shalt  }
0x5a: {  	_ =	shalt  }
0x5b: {  	_ =	shalt  }
0x5c: {  	_ =	shalt  }
0x5d: {  	_ =	shalt  }
0x5e: {  	_ =	shalt  }
0x5f: {  	_ =	shalt  }
0x60: {  	_ =	shalt  }
0x61: {  	_ =	shalt  }
0x62: {  	_ =	shalt  }
0x63: {  	_ =	shalt  }
0x64: {  	_ =	shalt  }
0x65: {  	_ =	shalt  }
0x66: {  	_ =	shalt  }
0x67: {  	_ =	shalt  }
0x68: {  	_ =	shalt  }
0x69: {  	_ =	shalt  }
0x6a: {  	_ =	shalt  }
0x6b: {  	_ =	shalt  }
0x6c: {  	_ =	shalt  }
0x6d: {  	_ =	shalt  }
0x6e: {  	_ =	shalt  }
0x6f: {  	_ =	shalt  }
0x70: {  	_ =	shalt  }
0x71: {  	_ =	shalt  }
0x72: {  	_ =	shalt  }
0x73: {  	_ =	shalt  }
0x74: {  	_ =	shalt  }
0x75: {  	_ =	shalt  }
0x76: {  	_ =	shalt  }
0x77: {  	_ =	shalt  }
0x78: {  	_ =	shalt  }
0x79: {  	_ =	shalt  }
0x7a: {  	_ =	shalt  }
0x7b: {  	_ =	shalt  }
0x7c: {  	_ =	shalt  }
0x7d: {  	_ =	shalt  }
0x7e: {  	_ =	shalt  }
0x7f: {  	_ =	shalt  }
0x80: {  	_ =	shalt  }
0x81: {  	_ =	shalt  }
0x82: {  	_ =	shalt  }
0x83: {  	_ =	shalt  }
0x84: {  	_ =	shalt  }
0x85: {  	_ =	shalt  }
0x86: {  	_ =	shalt  }
0x87: {  	_ =	shalt  }
.Lfunc_end0:
.L_simem_size_0:
called_computation.6_lowered:
.L_overlay_start_0:
0x88: {  	s2 =	sld [smem:$0x3FD9]  }
0x89: {  	s3 =	sld [smem:$0x3FFE];
	_ =	sdelay $0x1  }
0x8a: {  	s1 =	srdreg.scid  }
0x8b: {  	s0 =	sand.u32 $0x1, s1  }
0x8c: {  	s17 =	sshll.u32 s0, $0xA;
	s2 =	sadd.s32 s3, s2  }
0x8d: {  	s2 =	sadd.s32 s2, s17  }
0x8e: {  	[smem:$0x3F6F] =	sst s2  }
0x8f: {  	_ = 	snop  }
0x90: {  	s2 =	sld [smem:$0x3FD0];
	(tm) =	ssettm $0x1  }
0x91: {  	s18 =	sld [smem:$0x3FFB];
	_ =	sdelay $0x3  }
0x92: {  	_ =	strace s18  }
0x93: {  	s3 =	sld [smem:$0x3FFC];
	_ =	sdelay $0x3  }
0x94: {  	_ =	strace s3  }
0x95: {  	s3 =	sld [smem:$0x3FFD];
	_ =	sdelay $0x3  }
0x96: {  	_ =	strace s3  }
0x97: {  	_ =	strace $0x8FFFFFFF  }
0x98: {  	s19 =	sld [smem:$0x3FDB];
	_ =	sdelay $0x1  }
0x99: {  	s4 =	simm.s32 $_scs_section_size  }
0x9a: {  	s5 =	simm.s32 $_size__tile_overlayer_lowered;
	s6 =	simm.s32 $_tile_overlayer_lowered  }
0x9b: {  	s22 =	simm.s32 $0x1BFF;
	s21 =	sshll.u32 s6, $0x1;
	s3 =	sadd.s32 s4, s19  }
0x9c: {  	s7 =	simm.s32 $0x0;
	s20 =	sshll.u32 s5, $0x1;
	s5 =	sadd.s32 s21, s3  }
0x9d: {  	[timem:s7], [sflag:s22] =	dma.local [hbm:s5], s20  }
0x9e: {  	_ =	swait.ge [sflag:s22], s20  }
0x9f: {  	s4 =	ssub.s32 $0x0, s20;
	[sflag:s22] =	ssyncset.done $0x0  }
0xa0: {  	[sflag:s22] =	ssyncadd.s32 s4;
	_ =	sdelay $0x1  }
0xa1: {  	s23 =	simm.s32 $0x1B8B  }
0xa2: {  	_ =	swait.ge [sflag:s23], $0x1  }
0xa3: {  	[sflag:s23] =	ssyncset.done $0x0  }
0xa4: {  	s25 =	simm.s32 $0x1B8E;
	s24 =	sld [smem:$0x3FFE];
	[sflag:s23] =	ssyncadd.s32 $0xFFFFFFFF  }
0xa5: {  	s26 =	simm.s32 $execute0_lowered;
	[smem:$0x3FD2] =	sst s25  }
0xa6: {  	s5 =	sshll.u32 s26, $0x1;
	_ =	strace $0x80000058;
	[dreg:$0x1] =	wrdreg $0xFFFFFFFF  }
0xa7: {  	s28 =	simm.s32 $_size_execute0_lowered;
	s3 =	sadd.s32 s3, s5;
	[dreg:$0x0] =	wrdreg $0x0  }
0xa8: {  	s5 =	sshll.u32 s28, $0x1;
	[dreg:$0x2] =	wrdreg s3  }
0xa9: {  	[dreg:$0x3] =	wrdreg s5  }
0xaa: {  	[dreg:$0x4] =	wrdreg $0xC0  }
0xab: {  	_ =	task [dreg:s7], $0x5FFFF  }
0xac: {  	[dreg:$0x1] =	wrdreg $0xFFFFFFFF  }
0xad: {  	[dreg:$0x0] =	wrdreg $0x60  }
0xae: {  	[dreg:$0x2] =	wrdreg s24  }
0xaf: {  	[dreg:$0x3] =	wrdreg s2  }
0xb0: {  	[dreg:$0x4] =	wrdreg $0x40800  }
0xb1: {  	[dreg:$0x5] =	wrdreg $0x9  }
0xb2: {  	_ =	task.clear_ibuf [dreg:s7], $0x6FFFF;
	_ =	strace $0x90000058  }
0xb3: {  	s29 =	simm.s32 $0x9;
	_ =	strace $0x8000005A  }
0xb4: {  	_ =	swait.ge [sflag:s29], $0x1  }
0xb5: {  	[sflag:s29] =	ssyncadd.s32 $0xFFFFFFFF  }
0xb6: {  	_ =	strace $0x9000005A  }
0xb7: {  	_ =	sfence  }
0xb8: {  	s30 =	sld [smem:$0x0];
	_ =	sdelay $0x2  }
0xb9: {  	s31 =	sshll.u32 s1, $0xD;
	s1 =	sshrl.u32 s1, $0x2  }
0xba: {  	s3 =	sand.u32 $0x4000, s31;
	s1 =	sadd.s32 s1, s30  }
0xbb: {  	s0 =	sor.u32 s3, s0;
	s1 =	sshll.u32 s1, $0x11  }
0xbc: {  	s0 =	sor.u32 s1, s0  }
0xbd: {  	s0 =	sadd.s32 $0x8F2B, s0  }
0xbe: {  	[sflag:s0] =	ssyncadd.remote.s32 $0x1  }
0xbf: {  	_ =	sfence.sel $0xFFFF  }
0xc0: {  	[dreg:$0x0] =	wrdreg $0xFFFFFFFF;
	(pc) =	sbr.abs _section_cstart, $3  }
0xc1: {  	[dreg:$0x1] =	wrdreg $0xFFFFFFFF  }
0xc2: {  	_ =	task.clear_ibuf [dreg:s7], $0x2FFFF;
	_ =	strace $0x9FFFFFFF  }
0xc3: {  	(tm) =	ssettm $0x7FFFFFFF  }
tec
execute0_lowered:
.L_overlay_start_1:
0x0: {  	(tag) =	ssettag $0x1  }
0x1: {  	s0 =	srdreg.scid;
	s5 =	rddreg [dreg:$0x0]  }
0x2: {  	s9 =	stileid.u32;
	s1 =	rddreg [dreg:$0x1]  }
0x3: {  	s2 =	rddreg [dreg:$0x2];
	s3 =	simm.s32 $0x0;
	s12 =	simm.s32 $0x2  }
0x4: {  	s13 =	simm.s32 $0x3;
	s6 =	sand.u32 $0x1, s0;
	s0 =	rddreg [dreg:$0x3]  }
0x5: {  	s14 =	simm.s32 $0x0;
	s4 =	smul.u32 $0x278000, s9;
	[smem:$0x7FF] =	sst s3  }
0x6: {  	s11 =	sshll.u32 s9, $0x1;
	p0 =	sne.s32 s9, $0x0;
	s7 =	smul.u32 $0x13C000, s6  }
0x7: {  	_ =	strace $0x80000059;
	s30 =	smul.u32 $0x28000, s6;
	s10 =	ssub.s32 $0x2, s6  }
0x8: {  	s6 =	sor.u32 s6, s11;
	s9 =	sshrl.u32 @!p0 s2, $0x3;
	s4 =	sadd.s32 s7, s4  }
0x9: {  	s11 =	simm.s32 $0x1;
	s31 =	sshrl.u32 s10, $0x1;
	s4 =	sshrl.u32 s4, $0x3  }
0xa: {  	s7 =	sadd.s32 s30, s5;
	s10 =	ssub.s32 s10, s31;
	s8 =	sadd.s32 s4, s5  }
0xb: {  	s4 =	sadd.s32 $0x1C000, s5;
	s5 =	smul.u32 $0x2800, s6;
	s6 =	sadd.s32 $0x26000, s7  }
0xc: {  	s7 =	smax.u32 s10, $0x1;
	s10 =	simm.s32 $0x80;
	s8 =	sadd.s32 $0x13D8000, s8  }
.LBB2_1:
0xd: {  	s15 =	simm.s32 @!p0 $0x1C03  }
0xe: {  	[spmem:s9], [sflag:s15] =	dma.local @!p0 [hbm:s1], $0x28000  }
0xf: {  	s15 =	simm.s32 @!p0 $0x3  }
0x10: {  	s16 =	sand.u32 $0x3C00, s3;
	_ =	swait.ge @!p0 [sflag:s15], $0x28000  }
0x11: {  	s17 =	sand.u32 $0x380, s3;
	s16 =	sadd.s32 s5, s16;
	[sflag:s15] =	ssyncset.done @!p0 $0x0  }
0x12: {  	s30 =	sor.u32 s17, s16;
	[sflag:s15] =	ssyncadd.s32 @!p0 $0xFFFD8000  }
0x13: {  	s15 =	sshrl.u32 s30, $0x3;
	[bflag:$0x0] =	sbarrier.arrive $0xFFFF  }
0x14: {  	[tilespmem:s10], [sflag:$0x1] =	stream.linear.gather [hbm4b:s8+s3], $0x4000, $0x38;
	[tilespmem:$0x18080] =	vst v63  }
0x15: {  	s15 =	sadd.s32 s4, s15  }
0x16: {  	[tilespmem:s3], [sflag:$0x2] =	stream.linear.gather [hbm4b:s15+s3], $0x80, $0x38;
	[tilespmem:$0x18080] =	vst v63  }
0x17: {  	_ =	swait.ge [sflag:s11], $0x4000  }
0x18: {  	s18 =	simm.s32 $0x80;
	[sflag:s11] =	ssyncset.done $0x0  }
0x19: {  	s31 =	sand.u32 $0x3C00, s18;
	[sflag:s11] =	ssyncadd.s32 $0xFFFFC000  }
0x1a: {  	s18 =	sand.u32 $0x380, s18;
	s16 =	simm.s32 $0x100;
	_ =	swait.ge [sflag:s12], $0x80  }
0x1b: {  	s17 =	sadd.s32 s5, s31;
	s15 =	sadd.s32 $0x800, s8;
	[sflag:s12] =	ssyncset.done $0x0  }
.LBB2_2:
0x1c: {  	s17 =	sor.u32 s18, s17  }
0x1d: {  	[sflag:s12] =	ssyncadd.s32 $0xFFFFFF80;
	s18 =	smov.u32 s16;
	s19 =	sadd.s32 $0x80, s16  }
0x1e: {  	[spmem:s2] =	stream.indirect.scatter.add.f32 [tilespmem:s10], [sflag:$0x3], $0x80, s3, s10, $0xb8;
	[tilespmem:$0x18080] =	vst v63  }
0x1f: {  	p1 =	sne.s32 s16, $0x2700;
	s16 =	sshrl.u32 s17, $0x3;
	_ =	swait.ge [sflag:s13], $0x4000  }
0x20: {  	[sflag:s13] =	ssyncset.done $0x0  }
0x21: {  	[sflag:s13] =	ssyncadd.s32 $0xFFFFC000  }
0x22: {  	[tilespmem:s10], [sflag:$0x1] =	stream.linear.gather [hbm4b:s15+s3], $0x4000, $0x38;
	[tilespmem:$0x18080] =	vst v63  }
0x23: {  	s16 =	sadd.s32 s4, s16  }
0x24: {  	[tilespmem:s3], [sflag:$0x2] =	stream.linear.gather [hbm4b:s16+s3], $0x80, $0x38;
	[tilespmem:$0x18080] =	vst v63  }
.Ltmp0:
0x25: {  	_ =	swait.ge [sflag:s11], $0x4000;
	(pc) =	sbr.rel @p1 .LBB2_2-.Ltmp0, $4  }
0x26: {  	[sflag:s11] =	ssyncset.done $0x0  }
0x27: {  	s15 =	sadd.s32 $0x800, s15;
	[sflag:s11] =	ssyncadd.s32 $0xFFFFC000  }
0x28: {  	s16 =	sand.u32 $0x3C00, s18;
	s18 =	sand.u32 $0x380, s18;
	_ =	swait.ge [sflag:s12], $0x80  }
0x29: {  	s17 =	sadd.s32 s5, s16;
	s16 =	smov.u32 s19;
	[sflag:s12] =	ssyncset.done $0x0  }
0x2a: {  	[sflag:s12] =	ssyncadd.s32 $0xFFFFFF80  }
0x2b: {  	[spmem:s2] =	stream.indirect.scatter.add.f32 [tilespmem:s10], [sflag:$0x3], $0x80, s3, s10, $0xb8;
	[tilespmem:$0x18080] =	vst v63  }
0x2c: {  	_ =	swait.ge [sflag:s13], $0x4000  }
0x2d: {  	s16 =	sor.u32 s18, s17;
	[sflag:s13] =	ssyncset.done $0x0  }
0x2e: {  	s16 =	sshrl.u32 s16, $0x3;
	[sflag:s13] =	ssyncadd.s32 $0xFFFFC000  }
0x2f: {  	[tilespmem:s10], [sflag:$0x1] =	stream.linear.gather [hbm4b:s15+s3], $0x4000, $0x38;
	[tilespmem:$0x18080] =	vst v63  }
0x30: {  	s31 =	sadd.s32 s4, s16  }
0x31: {  	[tilespmem:s3], [sflag:$0x2] =	stream.linear.gather [hbm4b:s31+s3], $0x80, $0x38;
	[tilespmem:$0x18080] =	vst v63  }
0x32: {  	_ =	swait.ge [sflag:s11], $0x4000  }
0x33: {  	[sflag:s11] =	ssyncset.done $0x0  }
0x34: {  	[sflag:s11] =	ssyncadd.s32 $0xFFFFC000  }
0x35: {  	_ =	swait.ge [sflag:s12], $0x80  }
0x36: {  	[sflag:s12] =	ssyncset.done $0x0  }
0x37: {  	[sflag:s12] =	ssyncadd.s32 $0xFFFFFF80  }
0x38: {  	[spmem:s2] =	stream.indirect.scatter.add.f32 [tilespmem:s10], [sflag:$0x3], $0x80, s3, s10, $0xb8;
	[tilespmem:$0x18080] =	vst v63  }
0x39: {  	_ =	swait.ge [sflag:s13], $0x4000  }
0x3a: {  	[sflag:s13] =	ssyncset.done $0x0  }
0x3b: {  	s14 =	sadd.s32 $0x1, s14;
	[sflag:s13] =	ssyncadd.s32 $0xFFFFC000  }
0x3c: {  	p1 =	sne.s32 s14, s7;
	s15 =	simm.s32 @!p0 $0x1C03;
	[bflag:$0x0] =	sbarrier.arrive $0xFFFF  }
0x3d: {  	[hbm:s6], [sflag:s15] =	dma.local @!p0 [spmem:s9], $0x28000  }
.Ltmp1:
0x3e: {  	_ = 	snop;
	(pc) =	sbr.rel @p1 .LBB2_1-.Ltmp1, $4  }
0x3f: {  	s15 =	simm.s32 @!p0 $0x3  }
0x40: {  	_ =	swait.ge @!p0 [sflag:s15], $0x28000  }
0x41: {  	[sflag:s15] =	ssyncset.done @!p0 $0x0  }
0x42: {  	[sflag:s15] =	ssyncadd.s32 @!p0 $0xFFFD8000  }
0x43: {  	_ =	sfence.sel $0x180000  }
0x44: {  	[bflag:$0x0] =	sbarrier.arrive $0xFFFF  }
0x45: {  	_ =	strace $0x90000059  }
0x46: {  	s0 =	sadd.s32 @!p0 $0x100000, s0;
	[bflag:$0x2] =	sbarrier.arrive $0xFFFF  }
0x47: {  	[sflag:s0] =	ssyncadd.tile.s32 @!p0 $0x1;
	_ =	shalt  }
.Lfunc_end2:
_tile_overlayer_lowered:
.L_overlay_start_2:
0x48: {  	(tag) =	ssettag $0x2  }
0x49: {  	s0 =	rddreg [dreg:$0x0];
	s2 =	stileid.u32  }
0x4a: {  	s1 =	rddreg [dreg:$0x1];
	p0 =	sne.s32 s2, $0x0  }
0x4b: {  	s3 =	rddreg [dreg:$0x2];
	[bflag:$0x3] =	sbarrier.arrive $0xFFFF;
	s2 =	simm.s32 @!p0 $0x1C03  }
0x4c: {  	[timem:s3], [sflag:s2] =	dma.local @!p0 [hbm:s0], s1  }
0x4d: {  	s0 =	simm.s32 @!p0 $0x3  }
0x4e: {  	_ =	swait.ge @!p0 [sflag:s0], s1  }
0x4f: {  	s1 =	ssub.s32 @!p0 $0x0, s1;
	[sflag:s0] =	ssyncset.done @!p0 $0x0  }
0x50: {  	[sflag:s0] =	ssyncadd.s32 @!p0 s1  }
0x51: {  	[bflag:$0x3] =	sbarrier.arrive $0xFFFF  }
0x52: {  	_ =	shalt  }

// kernel: kernel.41.cloned.1.call-start
scs
__scs_entry_jumppad:
0x0: {  	(pc) =	sbr.rel $0x88, $3  }
0x1: {  	(tag) =	ssettag $0x0;
	lr =	simm.s32 $0x1  }
0x2: {  	[smem:$0x3F48] =	sst lr;
	_ =	strace $0xD0000000  }
0x3: {  	_ = 	snop  }
0x4: {  	_ = 	snop  }
0x5: {  	_ = 	snop  }
0x6: {  	_ = 	snop  }
0x7: {  	_ = 	snop  }
__scs_overlays_trampoline_lowered:
0x8: {  	[smem:$0x3F57] =	sst s0  }
0x9: {  	[smem:$0x3F58] =	sst s1  }
0xa: {  	[smem:$0x3F59] =	sst s2  }
0xb: {  	[smem:$0x3F5A] =	sst s3  }
0xc: {  	[smem:$0x3F5B] =	sst s4  }
0xd: {  	[smem:$0x3F5C] =	sst s5  }
0xe: {  	[smem:$0x3F5D] =	sst s6  }
0xf: {  	[smem:$0x3F5E] =	sst s7  }
0x10: {  	[smem:$0x3F5F] =	sst s8  }
0x11: {  	[smem:$0x3F60] =	sst s9;
	s0 =	simm.s32 @!p0 $0x0  }
0x12: {  	s1 =	sld [smem:$0x3F46];
	s0 =	simm.s32 @p0 $0x1  }
0x13: {  	[smem:$0x3F61] =	sst s0;
	s0 =	simm.s32 @!p1 $0x0  }
0x14: {  	s2 =	sld [smem:$0x3F45];
	s0 =	simm.s32 @p1 $0x1  }
0x15: {  	[smem:$0x3F62] =	sst s0;
	s0 =	simm.s32 @!p2 $0x0  }
0x16: {  	s3 =	sld [smem:$0x3FDB];
	s0 =	simm.s32 @p2 $0x1  }
0x17: {  	s4 =	simm.s32 $0x1BF5;
	[smem:$0x3F64] =	sst s0  }
0x18: {  	s0 =	sld [smem:$0x3F47];
	_ =	swait.ge [sflag:s4], $0x0  }
0x19: {  	s7 =	sld [smem:$0x3F48]  }
0x1a: {  	s8 =	sadd.s32 $0xFFFFE003, lr  }
0x1b: {  	s9 =	sadd.s32 $0xFFFFFEF7, lr;
	s5 =	simm.s32 $0xFFFFFFFF;
	p2 =	slt.u32 s8, $0xFFFFF086  }
0x1c: {  	p1 =	slt.u32 s9, $0xF7A;
	s5 =	simm.s32 @!p2 $0x0  }
0x1d: {  	s5 =	simm.s32 @p1 $0x1;
	p0 =	seq.s32 s7, s2  }
0x1e: {  	s7 =	smul.u32 @!p0 $0xF7A, s2;
	p2 =	seq.s32 @!p0 s5, $0x0  }
0x1f: {  	s9 =	smul.u32 $0xF7A, s1;
	s8 =	simm.s32 @!p0 $0x1BF5;
	p2 =	por !p2, p0  }
0x20: {  	[sflag:s8] =	ssyncset.s32 @!p0 $0xFFFFF086;
	s6 =	sadd.s32 @!p0 s3, s7;
	s7 =	simm.s32 @!p0 $0x108  }
0x21: {  	s3 =	sadd.s32 s3, s9;
	s6 =	sadd.s32 @!p0 $0x88, s6;
	s7 =	simm.s32 @p2 $0x1082  }
0x22: {  	[simem:s7], [sflag:s8] =	dma.local @!p0 [hbm:s6], $0xF7A  }
0x23: {  	s9 =	sor.u32 $0xD0000000, s2;
	s6 =	simm.s32 $0x108;
	_ =	swait.ge @!p0 [sflag:s8], $0x0  }
0x24: {  	s3 =	sadd.s32 $0x88, s3;
	s6 =	simm.s32 @!p1 $0x1082;
	[sflag:s4] =	ssyncset.s32 $0xFFFFF086  }
0x25: {  	[simem:s6], [sflag:s4] =	dma.local [hbm:s3], $0xF7A  }
0x26: {  	[smem:$0x3F48] =	sst s1;
	(tag) =	ssettag s2;
	_ =	strace s9  }
0x27: {  	s1 =	sld [smem:$0x3F58]  }
0x28: {  	s2 =	sld [smem:$0x3F59]  }
0x29: {  	s4 =	sld [smem:$0x3F5B]  }
0x2a: {  	p0 =	seq.s32 s5, $0x0;
	s5 =	sld [smem:$0x3F5C]  }
0x2b: {  	s6 =	sld [smem:$0x3F5D]  }
0x2c: {  	s7 =	sld [smem:$0x3F5E]  }
0x2d: {  	s3 =	simm.s32 $0x108;
	s8 =	sld [smem:$0x3F5F]  }
0x2e: {  	s3 =	simm.s32 @!p0 $0x1082;
	s9 =	sld [smem:$0x3F60]  }
0x2f: {  	lr =	sadd.s32 s0, s3;
	s0 =	sld [smem:$0x3F57]  }
0x30: {  	s3 =	sld [smem:$0x3F5A]  }
0x31: {  	[smem:$0x3F63] =	sst s10  }
0x32: {  	s10 =	sld [smem:$0x3F61];
	_ =	sdelay $0x3  }
0x33: {  	p0 =	seq.s32 s10, $0x1;
	s10 =	sld [smem:$0x3F63];
	_ =	sdelay $0x3  }
0x34: {  	[smem:$0x3F63] =	sst s10  }
0x35: {  	s10 =	sld [smem:$0x3F62];
	_ =	sdelay $0x3  }
0x36: {  	p1 =	seq.s32 s10, $0x1;
	s10 =	sld [smem:$0x3F63];
	_ =	sdelay $0x3  }
0x37: {  	[smem:$0x3F63] =	sst s10  }
0x38: {  	s10 =	sld [smem:$0x3F64]  }
0x39: {  	_ = 	snop;
	(pc) =	sbr.ind lr, $3  }
0x3a: {  	_ = 	snop  }
0x3b: {  	_ = 	snop  }
0x3c: {  	p2 =	seq.s32 s10, $0x1;
	s10 =	sld [smem:$0x3F63]  }
0x3d: {  	_ =	shalt  }
0x3e: {  	_ =	shalt  }
0x3f: {  	_ =	shalt  }
0x40: {  	_ =	shalt  }
0x41: {  	_ =	shalt  }
0x42: {  	_ =	shalt  }
0x43: {  	_ =	shalt  }
0x44: {  	_ =	shalt  }
0x45: {  	_ =	shalt  }
0x46: {  	_ =	shalt  }
0x47: {  	_ =	shalt  }
0x48: {  	_ =	shalt  }
0x49: {  	_ =	shalt  }
0x4a: {  	_ =	shalt  }
0x4b: {  	_ =	shalt  }
0x4c: {  	_ =	shalt  }
0x4d: {  	_ =	shalt  }
0x4e: {  	_ =	shalt  }
0x4f: {  	_ =	shalt  }
0x50: {  	_ =	shalt  }
0x51: {  	_ =	shalt  }
0x52: {  	_ =	shalt  }
0x53: {  	_ =	shalt  }
0x54: {  	_ =	shalt  }
0x55: {  	_ =	shalt  }
0x56: {  	_ =	shalt  }
0x57: {  	_ =	shalt  }
0x58: {  	_ =	shalt  }
0x59: {  	_ =	shalt  }
0x5a: {  	_ =	shalt  }
0x5b: {  	_ =	shalt  }
0x5c: {  	_ =	shalt  }
0x5d: {  	_ =	shalt  }
0x5e: {  	_ =	shalt  }
0x5f: {  	_ =	shalt  }
0x60: {  	_ =	shalt  }
0x61: {  	_ =	shalt  }
0x62: {  	_ =	shalt  }
0x63: {  	_ =	shalt  }
0x64: {  	_ =	shalt  }
0x65: {  	_ =	shalt  }
0x66: {  	_ =	shalt  }
0x67: {  	_ =	shalt  }
0x68: {  	_ =	shalt  }
0x69: {  	_ =	shalt  }
0x6a: {  	_ =	shalt  }
0x6b: {  	_ =	shalt  }
0x6c: {  	_ =	shalt  }
0x6d: {  	_ =	shalt  }
0x6e: {  	_ =	shalt  }
0x6f: {  	_ =	shalt  }
0x70: {  	_ =	shalt  }
0x71: {  	_ =	shalt  }
0x72: {  	_ =	shalt  }
0x73: {  	_ =	shalt  }
0x74: {  	_ =	shalt  }
0x75: {  	_ =	shalt  }
0x76: {  	_ =	shalt  }
0x77: {  	_ =	shalt  }
0x78: {  	_ =	shalt  }
0x79: {  	_ =	shalt  }
0x7a: {  	_ =	shalt  }
0x7b: {  	_ =	shalt  }
0x7c: {  	_ =	shalt  }
0x7d: {  	_ =	shalt  }
0x7e: {  	_ =	shalt  }
0x7f: {  	_ =	shalt  }
0x80: {  	_ =	shalt  }
0x81: {  	_ =	shalt  }
0x82: {  	_ =	shalt  }
0x83: {  	_ =	shalt  }
0x84: {  	_ =	shalt  }
0x85: {  	_ =	shalt  }
0x86: {  	_ =	shalt  }
0x87: {  	_ =	shalt  }
.Lfunc_end0:
.L_simem_size_0:
called_computation.7_lowered:
.L_overlay_start_0:
0x88: {  	s2 =	sld [smem:$0x3FD9]  }
0x89: {  	s3 =	sld [smem:$0x3FFE];
	_ =	sdelay $0x1  }
0x8a: {  	s1 =	srdreg.scid  }
0x8b: {  	s0 =	sand.u32 $0x1, s1  }
0x8c: {  	s17 =	sshll.u32 s0, $0xA;
	s2 =	sadd.s32 s3, s2  }
0x8d: {  	s2 =	sadd.s32 s2, s17  }
0x8e: {  	[smem:$0x3F6F] =	sst s2  }
0x8f: {  	_ = 	snop  }
0x90: {  	s2 =	sld [smem:$0x3FD0];
	(tm) =	ssettm $0x1  }
0x91: {  	s18 =	sld [smem:$0x3FFB];
	_ =	sdelay $0x3  }
0x92: {  	_ =	strace s18  }
0x93: {  	s3 =	sld [smem:$0x3FFC];
	_ =	sdelay $0x3  }
0x94: {  	_ =	strace s3  }
0x95: {  	s3 =	sld [smem:$0x3FFD];
	_ =	sdelay $0x3  }
0x96: {  	_ =	strace s3  }
0x97: {  	_ =	strace $0x8FFFFFFF  }
0x98: {  	s19 =	sld [smem:$0x3FDB];
	_ =	sdelay $0x1  }
0x99: {  	s4 =	simm.s32 $_scs_section_size  }
0x9a: {  	s5 =	simm.s32 $_size__tile_overlayer_lowered;
	s6 =	simm.s32 $_tile_overlayer_lowered  }
0x9b: {  	s22 =	simm.s32 $0x1BFF;
	s21 =	sshll.u32 s6, $0x1;
	s3 =	sadd.s32 s4, s19  }
0x9c: {  	s7 =	simm.s32 $0x0;
	s20 =	sshll.u32 s5, $0x1;
	s5 =	sadd.s32 s21, s3  }
0x9d: {  	[timem:s7], [sflag:s22] =	dma.local [hbm:s5], s20  }
0x9e: {  	_ =	swait.ge [sflag:s22], s20  }
0x9f: {  	s4 =	ssub.s32 $0x0, s20;
	[sflag:s22] =	ssyncset.done $0x0  }
0xa0: {  	[sflag:s22] =	ssyncadd.s32 s4;
	_ =	sdelay $0x1  }
0xa1: {  	s23 =	simm.s32 $0x1B8B  }
0xa2: {  	_ =	swait.ge [sflag:s23], $0x1  }
0xa3: {  	[sflag:s23] =	ssyncset.done $0x0  }
0xa4: {  	s25 =	simm.s32 $0x1B8E;
	s24 =	sld [smem:$0x3FFE];
	[sflag:s23] =	ssyncadd.s32 $0xFFFFFFFF  }
0xa5: {  	s26 =	simm.s32 $execute0_lowered;
	[smem:$0x3FD2] =	sst s25  }
0xa6: {  	s5 =	sshll.u32 s26, $0x1;
	_ =	strace $0x8000005B;
	[dreg:$0x1] =	wrdreg $0xFFFFFFFF  }
0xa7: {  	s28 =	simm.s32 $_size_execute0_lowered;
	s3 =	sadd.s32 s3, s5;
	[dreg:$0x0] =	wrdreg $0x0  }
0xa8: {  	s5 =	sshll.u32 s28, $0x1;
	[dreg:$0x2] =	wrdreg s3  }
0xa9: {  	[dreg:$0x3] =	wrdreg s5  }
0xaa: {  	[dreg:$0x4] =	wrdreg $0xC0  }
0xab: {  	_ =	task [dreg:s7], $0x5FFFF  }
0xac: {  	[dreg:$0x1] =	wrdreg $0xFFFFFFFF  }
0xad: {  	[dreg:$0x0] =	wrdreg $0x60  }
0xae: {  	[dreg:$0x2] =	wrdreg s2  }
0xaf: {  	[dreg:$0x3] =	wrdreg s24  }
0xb0: {  	[dreg:$0x4] =	wrdreg $0x9  }
0xb1: {  	_ =	task.clear_ibuf [dreg:s7], $0x5FFFF;
	_ =	strace $0x9000005B  }
0xb2: {  	s29 =	simm.s32 $0x9;
	_ =	strace $0x8000005D  }
0xb3: {  	_ =	swait.ge [sflag:s29], $0x1  }
0xb4: {  	[sflag:s29] =	ssyncadd.s32 $0xFFFFFFFF  }
0xb5: {  	_ =	strace $0x9000005D  }
0xb6: {  	_ =	sfence  }
0xb7: {  	s30 =	sld [smem:$0x0];
	_ =	sdelay $0x2  }
0xb8: {  	s31 =	sshll.u32 s1, $0xD;
	s1 =	sshrl.u32 s1, $0x2  }
0xb9: {  	s3 =	sand.u32 $0x4000, s31;
	s1 =	sadd.s32 s1, s30  }
0xba: {  	s0 =	sor.u32 s3, s0;
	s1 =	sshll.u32 s1, $0x11  }
0xbb: {  	s0 =	sor.u32 s1, s0  }
0xbc: {  	s0 =	sadd.s32 $0x8F2B, s0  }
0xbd: {  	[sflag:s0] =	ssyncadd.remote.s32 $0x1  }
0xbe: {  	_ =	sfence.sel $0xFFFF  }
0xbf: {  	[dreg:$0x0] =	wrdreg $0xFFFFFFFF;
	(pc) =	sbr.abs _section_cstart, $3  }
0xc0: {  	[dreg:$0x1] =	wrdreg $0xFFFFFFFF  }
0xc1: {  	_ =	task.clear_ibuf [dreg:s7], $0x2FFFF;
	_ =	strace $0x9FFFFFFF  }
0xc2: {  	(tm) =	ssettm $0x7FFFFFFF  }
0xc3: {  	_ =	shalt  }
tec
execute0_lowered:
.L_overlay_start_1:
0x0: {  	(tag) =	ssettag $0x1  }
0x1: {  	s2 =	rddreg [dreg:$0x0];
	s1 =	srdreg.scid  }
0x2: {  	s0 =	stileid.u32;
	s5 =	rddreg [dreg:$0x1]  }
0x3: {  	s3 =	simm.s32 $0x0;
	s11 =	simm.s32 $0x2800;
	s12 =	simm.s32 $0x80  }
0x4: {  	s13 =	simm.s32 $0x5000;
	s14 =	simm.s32 $0x9000;
	s15 =	simm.s32 $0x1  }
0x5: {  	s16 =	simm.s32 $0x2;
	s17 =	simm.s32 $0x0;
	s6 =	sand.u32 $0x1, s1  }
0x6: {  	s4 =	sshll.u32 s0, $0x1;
	[smem:$0x7FF] =	sst s3;
	s8 =	smul.u32 $0x4F000, s0  }
0x7: {  	s4 =	sor.u32 s6, s4;
	s9 =	ssub.s32 $0x2, s6;
	s6 =	smul.u32 $0x27800, s6  }
0x8: {  	s1 =	rddreg [dreg:$0x2];
	_ =	strace $0x8000005C;
	s7 =	smul.u32 $0x500, s4  }
0x9: {  	s4 =	sadd.s32 $0x26000, s5;
	s8 =	sadd.s32 s8, s5;
	s31 =	sshrl.u32 s9, $0x1  }
0xa: {  	s9 =	ssub.s32 s9, s31;
	s10 =	sadd.s32 s6, s8;
	s7 =	sadd.s32 s7, s5  }
0xb: {  	s8 =	sadd.s32 $0x80000, s10;
	s5 =	sadd.s32 $0x76000, s7;
	s6 =	sadd.s32 $0x1C000, s7  }
0xc: {  	s7 =	smax.u32 s9, $0x1;
	s9 =	sadd.s32 $0x570000, s10;
	s10 =	simm.s32 $0x3  }
.LBB2_1:
0xd: {  	[tilespmem:s3], [sflag:$0x3] =	stream.linear.gather [hbm4b:s5+s3], $0x2780, $0x38;
	[tilespmem:$0xD000] =	vst v63  }
0xe: {  	_ =	swait.ge [sflag:s10], $0x2780  }
0xf: {  	[sflag:s10] =	ssyncset.done $0x0  }
0x10: {  	[sflag:s10] =	ssyncadd.s32 $0xFFFFD880  }
0x11: {  	[tilespmem:s11], [sflag:$0x3] =	stream.linear.gather [hbm4b:s6+s3], $0x2780, $0x38;
	[tilespmem:$0xD000] =	vst v63  }
0x12: {  	_ =	swait.ge [sflag:s10], $0x2780  }
0x13: {  	[sflag:s10] =	ssyncset.done $0x0  }
0x14: {  	s18 =	simm.s32 $0x0;
	[sflag:s10] =	ssyncadd.s32 $0xFFFFD880  }
0x15: {  	[tilespmem:s13], [sflag:$0x1] =	stream.indirect.gather [hbm4b:s2+s12], $0x80, s18, s12, $0xb8;
	[tilespmem:$0xD000] =	vst v63  }
0x16: {  	s31 =	simm.s32 $0x2800  }
0x17: {  	[tilespmem:s14], [sflag:$0x2] =	stream.indirect.gather [hbm4b:s4+s12], $0x80, s31, s12, $0xb8;
	[tilespmem:$0xD000] =	vst v63  }
0x18: {  	_ =	swait.ge [sflag:s15], $0x4000  }
0x19: {  	[sflag:s15] =	ssyncset.done $0x0  }
0x1a: {  	[sflag:s15] =	ssyncadd.s32 $0xFFFFC000  }
0x1b: {  	_ =	swait.ge [sflag:s16], $0x4000  }
0x1c: {  	[sflag:s16] =	ssyncset.done $0x0  }
0x1d: {  	[sflag:s16] =	ssyncadd.s32 $0xFFFFC000  }
0x1e: {  	[hbm4b:s8+s3] =	stream.linear.scatter [tilespmem:s13], [sflag:$0x1], $0x4000, $0x38;
	[tilespmem:$0xD000] =	vst v63  }
0x1f: {  	_ = 	snop  }
0x20: {  	[hbm4b:s9+s3] =	stream.linear.scatter [tilespmem:s14], [sflag:$0x2], $0x4000, $0x38;
	[tilespmem:$0xD000] =	vst v63  }
0x21: {  	_ =	swait.ge [sflag:s15], $0x4000  }
0x22: {  	[sflag:s15] =	ssyncset.done $0x0  }
0x23: {  	[sflag:s15] =	ssyncadd.s32 $0xFFFFC000  }
0x24: {  	s20 =	simm.s32 $0x200;
	s21 =	simm.s32 $0x400;
	_ =	swait.ge [sflag:s16], $0x4000  }
0x25: {  	s19 =	sadd.s32 $0x800, s9;
	s18 =	sadd.s32 $0x800, s8;
	[sflag:s16] =	ssyncset.done $0x0  }
.LBB2_2:
0x26: {  	s22 =	sshra.s32 s20, $0x2  }
0x27: {  	[sflag:s16] =	ssyncadd.s32 $0xFFFFC000;
	s20 =	smov.u32 s21;
	s23 =	sadd.s32 $0x200, s21  }
0x28: {  	[tilespmem:s13], [sflag:$0x1] =	stream.indirect.gather [hbm4b:s2+s12], $0x80, s22, s12, $0xb8;
	[tilespmem:$0xD000] =	vst v63  }
0x29: {  	p0 =	sne.s32 s21, $0x9C00;
	s21 =	sadd.s32 $0x2800, s22  }
0x2a: {  	[tilespmem:s14], [sflag:$0x2] =	stream.indirect.gather [hbm4b:s4+s12], $0x80, s21, s12, $0xb8;
	[tilespmem:$0xD000] =	vst v63  }
0x2b: {  	_ =	swait.ge [sflag:s15], $0x4000  }
0x2c: {  	[sflag:s15] =	ssyncset.done $0x0  }
0x2d: {  	[sflag:s15] =	ssyncadd.s32 $0xFFFFC000  }
0x2e: {  	_ =	swait.ge [sflag:s16], $0x4000  }
0x2f: {  	[sflag:s16] =	ssyncset.done $0x0  }
0x30: {  	[sflag:s16] =	ssyncadd.s32 $0xFFFFC000  }
0x31: {  	[hbm4b:s18+s3] =	stream.linear.scatter [tilespmem:s13], [sflag:$0x1], $0x4000, $0x38;
	[tilespmem:$0xD000] =	vst v63  }
0x32: {  	_ = 	snop  }
0x33: {  	[hbm4b:s19+s3] =	stream.linear.scatter [tilespmem:s14], [sflag:$0x2], $0x4000, $0x38;
	[tilespmem:$0xD000] =	vst v63  }
.Ltmp0:
0x34: {  	_ =	swait.ge [sflag:s15], $0x4000;
	(pc) =	sbr.rel @p0 .LBB2_2-.Ltmp0, $4  }
0x35: {  	[sflag:s15] =	ssyncset.done $0x0  }
0x36: {  	[sflag:s15] =	ssyncadd.s32 $0xFFFFC000  }
0x37: {  	s21 =	smov.u32 s23;
	_ =	swait.ge [sflag:s16], $0x4000  }
0x38: {  	s18 =	sadd.s32 $0x800, s18;
	s19 =	sadd.s32 $0x800, s19;
	[sflag:s16] =	ssyncset.done $0x0  }
0x39: {  	s20 =	sshra.s32 s20, $0x2;
	[sflag:s16] =	ssyncadd.s32 $0xFFFFC000  }
0x3a: {  	[tilespmem:s13], [sflag:$0x1] =	stream.indirect.gather [hbm4b:s2+s12], $0x80, s20, s12, $0xb8;
	[tilespmem:$0xD000] =	vst v63  }
0x3b: {  	s20 =	sadd.s32 $0x2800, s20  }
0x3c: {  	[tilespmem:s14], [sflag:$0x2] =	stream.indirect.gather [hbm4b:s4+s12], $0x80, s20, s12, $0xb8;
	[tilespmem:$0xD000] =	vst v63  }
0x3d: {  	_ =	swait.ge [sflag:s15], $0x4000  }
0x3e: {  	[sflag:s15] =	ssyncset.done $0x0  }
0x3f: {  	[sflag:s15] =	ssyncadd.s32 $0xFFFFC000  }
0x40: {  	_ =	swait.ge [sflag:s16], $0x4000  }
0x41: {  	[sflag:s16] =	ssyncset.done $0x0  }
0x42: {  	[sflag:s16] =	ssyncadd.s32 $0xFFFFC000  }
0x43: {  	[hbm4b:s18+s3] =	stream.linear.scatter [tilespmem:s13], [sflag:$0x1], $0x4000, $0x38;
	[tilespmem:$0xD000] =	vst v63  }
0x44: {  	s17 =	sadd.s32 $0x1, s17  }
0x45: {  	[hbm4b:s19+s3] =	stream.linear.scatter [tilespmem:s14], [sflag:$0x2], $0x4000, $0x38;
	[tilespmem:$0xD000] =	vst v63  }
0x46: {  	p0 =	sne.s32 s17, s7;
	_ =	swait.ge [sflag:s15], $0x4000  }
.Ltmp1:
0x47: {  	[sflag:s15] =	ssyncset.done $0x0;
	(pc) =	sbr.rel @p0 .LBB2_1-.Ltmp1, $4  }
0x48: {  	[sflag:s15] =	ssyncadd.s32 $0xFFFFC000  }
0x49: {  	_ =	swait.ge [sflag:s16], $0x4000  }
0x4a: {  	[sflag:s16] =	ssyncset.done $0x0  }
0x4b: {  	[sflag:s16] =	ssyncadd.s32 $0xFFFFC000  }
0x4c: {  	_ =	sfence.sel $0x180000  }
0x4d: {  	[bflag:$0x0] =	sbarrier.arrive $0xFFFF  }
0x4e: {  	p0 =	sne.s32 s0, $0x0;
	_ =	strace $0x9000005C  }
0x4f: {  	s0 =	sadd.s32 @!p0 $0x100000, s1;
	[bflag:$0x2] =	sbarrier.arrive $0xFFFF  }
0x50: {  	[sflag:s0] =	ssyncadd.tile.s32 @!p0 $0x1;
	_ =	shalt  }
.Lfunc_end2:
_tile_overlayer_lowered:
.L_overlay_start_2:
0x51: {  	(tag) =	ssettag $0x2  }
0x52: {  	s0 =	rddreg [dreg:$0x0];
	s2 =	stileid.u32  }
0x53: {  	s1 =	rddreg [dreg:$0x1];
	p0 =	sne.s32 s2, $0x0  }
0x54: {  	s3 =	rddreg [dreg:$0x2];
	[bflag:$0x3] =	sbarrier.arrive $0xFFFF;
	s2 =	simm.s32 @!p0 $0x1C03  }
0x55: {  	[timem:s3], [sflag:s2] =	dma.local @!p0 [hbm:s0], s1  }
0x56: {  	s0 =	simm.s32 @!p0 $0x3  }
0x57: {  	_ =	swait.ge @!p0 [sflag:s0], s1  }
0x58: {  	s1 =	ssub.s32 @!p0 $0x0, s1;
	[sflag:s0] =	ssyncset.done @!p0 $0x0  }
0x59: {  	[sflag:s0] =	ssyncadd.s32 @!p0 s1  }
0x5a: {  	[bflag:$0x3] =	sbarrier.arrive $0xFFFF  }
0x5b: {  	_ =	shalt  }

</sc_bundles>
